<compile_context>
chip_gen: v7x
topology: tpu7x:2x2x1
jax: 0.10.2.dev20260603
libtpu: 0.0.44.dev20260713+nightly
codegen_flags: <defaults>
</compile_context>

<pallas_src>
import jax
import jax.numpy as jnp
from jax.experimental import pallas as pl
from jax.experimental.pallas import tpu as pltpu

_CLIP = 16
_N = 2048
_NOUT = 64
_ROWS = 2 * _CLIP + 1
_DEPTH = 8


def _rpe_kernel(chunk, n_chunks, e_ref, o_ref, fa_ref, fb_ref, sem):
    e0 = e_ref[0:1, :]
    e32 = e_ref[_ROWS - 1:_ROWS, :]
    lo2 = jnp.concatenate([e0, e0], axis=1)
    hi2 = jnp.concatenate([e32, e32], axis=1)
    fa_ref[0:1016, :] = jnp.broadcast_to(lo2, (1016, 128))
    fa_ref[1032:2048, :] = jnp.broadcast_to(hi2, (1016, 128))
    fb_ref[0:1015, :] = jnp.broadcast_to(lo2, (1015, 128))
    fb_ref[1031:2048, :] = jnp.broadcast_to(hi2, (1017, 128))
    for t in range(16):
        fa_ref[1016 + t:1017 + t, 0:64] = e_ref[2 * t + 1:2 * t + 2, :]
        fa_ref[1016 + t:1017 + t, 64:128] = e_ref[2 * t + 2:2 * t + 3, :]
        fb_ref[1015 + t:1016 + t, 0:64] = e_ref[2 * t:2 * t + 1, :]
        fb_ref[1015 + t:1016 + t, 64:128] = e_ref[2 * t + 1:2 * t + 2, :]

    p_lo = chunk * (_N // 2 // n_chunks)

    def _copy_b(p, s):
        return pltpu.make_async_copy(
            fb_ref.at[pl.ds(1023 - p, 1024), :],
            o_ref.at[2 * (p - p_lo)], sem.at[s])

    def _copy_a(p, s):
        return pltpu.make_async_copy(
            fa_ref.at[pl.ds(1023 - p, 1024), :],
            o_ref.at[2 * (p - p_lo) + 1], sem.at[s])

    n_pairs = _N // 2 // n_chunks

    def body(j, carry):
        for u in range(4):
            p = p_lo + j * 4 + u
            sa, sb = 2 * u, 2 * u + 1

            @pl.when(j > 0)
            def _():
                _copy_b(p - 4, sb).wait()
                _copy_a(p - 4, sa).wait()

            _copy_b(p, sb).start()
            _copy_a(p, sa).start()
        return carry

    jax.lax.fori_loop(0, n_pairs // 4, body, 0)
    for u in range(4):
        p = p_lo + n_pairs - 4 + u
        _copy_b(p, 2 * u + 1).wait()
        _copy_a(p, 2 * u).wait()


def kernel(encoding_matrix, num_keys, offset):
    del num_keys, offset
    import functools
    n_chunks = 4
    rows = _N // n_chunks
    chunks = []
    for c in range(n_chunks):
        out = pl.pallas_call(
            functools.partial(_rpe_kernel, c, n_chunks),
            in_specs=[pl.BlockSpec(memory_space=pltpu.MemorySpace.VMEM)],
            out_specs=pl.BlockSpec(memory_space=pltpu.MemorySpace.HBM),
            out_shape=jax.ShapeDtypeStruct((rows, _N // 2, 2 * _NOUT),
                                           jnp.float32),
            scratch_shapes=[
                pltpu.VMEM((_N, 2 * _NOUT), jnp.float32),
                pltpu.VMEM((_N, 2 * _NOUT), jnp.float32),
                pltpu.SemaphoreType.DMA((_DEPTH,)),
            ],
        )(encoding_matrix)
        chunks.append(out.reshape(rows, _N, _NOUT))
    return jnp.concatenate(chunks, axis=0)

# --- scband reference (transcript-rebuilt; emitter-appended) ---
"""Pipeline reference for scband-relative-positional-encoding-23338852286564 (READ-ONLY COPY).

The authoritative reference and input builder live on the scoring server;
editing this copy changes nothing except your own understanding.
"""

import jax, jax.numpy as jnp
import numpy as np

CLIPPING = 16
N_OUT = 64


def setup_inputs(seed: int = 0) -> dict:
    key = jax.random.key(seed)
    rows = 2 * CLIPPING + 1
    # xavier_uniform_ on (rows, n_out)
    limit = float(np.sqrt(6.0 / (rows + N_OUT)))
    encoding_matrix = jax.random.uniform(
        key, (rows, N_OUT), minval=-limit, maxval=limit, dtype=jnp.float32
    )
    return {"encoding_matrix": encoding_matrix, "num_keys": 2048, "offset": 0}


def reference(encoding_matrix, num_keys, offset):
    n = 2048
    residual = (jnp.asarray(num_keys, dtype=jnp.int32) - n)
    # indices: each row is [0, 1, ..., num_keys-1]
    indices = (jnp.arange(0, n, dtype=jnp.int32) + residual).reshape(1, n)
    indices = jnp.tile(indices, (1, n)).reshape(n, n)
    # fused_index_matrix
    indices = indices - offset
    indices = jnp.clip(indices - indices.T, -CLIPPING, CLIPPING) + CLIPPING
    # gather rows of the relative-position embedding table -> (T_q, T_k, n_out)
    return jnp.take(encoding_matrix, indices, axis=0)

if __name__ == "__main__":
    import jax
    _d = setup_inputs()
    print(jax.jit(kernel)(*tuple(_d.values())))

</pallas_src>

<mosaic_0001>
module attributes {stable_mosaic.version = 14 : i64} {
  func.func @_rpe_kernel(%arg0: memref<33x64xf32, #tpu.memory_space<vmem>>, %arg1: memref<512x1024x128xf32, #tpu.memory_space<hbm>>, %arg2: memref<2048x128xf32, #tpu.memory_space<vmem>>, %arg3: memref<2048x128xf32, #tpu.memory_space<vmem>>, %arg4: memref<8x!tpu.dma_semaphore, #tpu.memory_space<semaphore_mem>>) attributes {dimension_semantics = [], scalar_prefetch = 0 : i64, scratch_operands = 3 : i64, tpu.core_type = #tpu.core_type<tc>} {
    %get3A = arith.constant 0 : index
    %get3A_0 = arith.constant 0 : index
    %get3A_1 = vector.load %arg0[%get3A, %get3A_0] : memref<33x64xf32, #tpu.memory_space<vmem>>, vector<1x64xf32>
    %get3A_2 = arith.constant 32 : index
    %get3A_3 = arith.constant 0 : index
    %get3A_4 = vector.load %arg0[%get3A_2, %get3A_3] : memref<33x64xf32, #tpu.memory_space<vmem>>, vector<1x64xf32>
    %concatenate3A = tpu.concatenate %get3A_1, %get3A_1 in 1 : vector<1x64xf32>, vector<1x64xf32> -> vector<1x128xf32>
    %concatenate3A_5 = tpu.concatenate %get3A_4, %get3A_4 in 1 : vector<1x64xf32>, vector<1x64xf32> -> vector<1x128xf32>
    %broadcast_in_dim3A = vector.shape_cast %concatenate3A : vector<1x128xf32> to vector<1x128xf32>
    %broadcast_in_dim3A_6 = vector.broadcast %broadcast_in_dim3A : vector<1x128xf32> to vector<1016x128xf32>
    %swap3A = arith.constant 0 : index
    %swap3A_7 = arith.constant 0 : index
    %swap3A_8 = vector.load %arg2[%swap3A, %swap3A_7] : memref<2048x128xf32, #tpu.memory_space<vmem>>, vector<1016x128xf32>
    tpu.vector_store %arg2[%swap3A, %swap3A_7], %broadcast_in_dim3A_6 {strides = array<i32>} : memref<2048x128xf32, #tpu.memory_space<vmem>>, vector<1016x128xf32>,
    %broadcast_in_dim3A_9 = vector.shape_cast %concatenate3A_5 : vector<1x128xf32> to vector<1x128xf32>
    %broadcast_in_dim3A_10 = vector.broadcast %broadcast_in_dim3A_9 : vector<1x128xf32> to vector<1016x128xf32>
    %swap3A_11 = arith.constant 1032 : index
    %swap3A_12 = arith.constant 0 : index
    %swap3A_13 = vector.load %arg2[%swap3A_11, %swap3A_12] : memref<2048x128xf32, #tpu.memory_space<vmem>>, vector<1016x128xf32>
    tpu.vector_store %arg2[%swap3A_11, %swap3A_12], %broadcast_in_dim3A_10 {strides = array<i32>} : memref<2048x128xf32, #tpu.memory_space<vmem>>, vector<1016x128xf32>,
    %broadcast_in_dim3A_14 = vector.shape_cast %concatenate3A : vector<1x128xf32> to vector<1x128xf32>
    %broadcast_in_dim3A_15 = vector.broadcast %broadcast_in_dim3A_14 : vector<1x128xf32> to vector<1015x128xf32>
    %swap3A_16 = arith.constant 0 : index
    %swap3A_17 = arith.constant 0 : index
    %swap3A_18 = vector.load %arg3[%swap3A_16, %swap3A_17] : memref<2048x128xf32, #tpu.memory_space<vmem>>, vector<1015x128xf32>
    tpu.vector_store %arg3[%swap3A_16, %swap3A_17], %broadcast_in_dim3A_15 {strides = array<i32>} : memref<2048x128xf32, #tpu.memory_space<vmem>>, vector<1015x128xf32>,
    %broadcast_in_dim3A_19 = vector.shape_cast %concatenate3A_5 : vector<1x128xf32> to vector<1x128xf32>
    %broadcast_in_dim3A_20 = vector.broadcast %broadcast_in_dim3A_19 : vector<1x128xf32> to vector<1017x128xf32>
    %swap3A_21 = arith.constant 1031 : index
    %swap3A_22 = arith.constant 0 : index
    %swap3A_23 = vector.load %arg3[%swap3A_21, %swap3A_22] : memref<2048x128xf32, #tpu.memory_space<vmem>>, vector<1017x128xf32>
    tpu.vector_store %arg3[%swap3A_21, %swap3A_22], %broadcast_in_dim3A_20 {strides = array<i32>} : memref<2048x128xf32, #tpu.memory_space<vmem>>, vector<1017x128xf32>,
    %get3A_24 = arith.constant 1 : index
    %get3A_25 = arith.constant 0 : index
    %get3A_26 = vector.load %arg0[%get3A_24, %get3A_25] : memref<33x64xf32, #tpu.memory_space<vmem>>, vector<1x64xf32>
    %swap3A_27 = arith.constant 1016 : index
    %swap3A_28 = arith.constant 0 : index
    %swap3A_29 = vector.load %arg2[%swap3A_27, %swap3A_28] : memref<2048x128xf32, #tpu.memory_space<vmem>>, vector<1x64xf32>
    tpu.vector_store %arg2[%swap3A_27, %swap3A_28], %get3A_26 {strides = array<i32>} : memref<2048x128xf32, #tpu.memory_space<vmem>>, vector<1x64xf32>,
    %get3A_30 = arith.constant 2 : index
    %get3A_31 = arith.constant 0 : index
    %get3A_32 = vector.load %arg0[%get3A_30, %get3A_31] : memref<33x64xf32, #tpu.memory_space<vmem>>, vector<1x64xf32>
    %swap3A_33 = arith.constant 1016 : index
    %swap3A_34 = arith.constant 64 : index
    %swap3A_35 = vector.load %arg2[%swap3A_33, %swap3A_34] : memref<2048x128xf32, #tpu.memory_space<vmem>>, vector<1x64xf32>
    tpu.vector_store %arg2[%swap3A_33, %swap3A_34], %get3A_32 {strides = array<i32>} : memref<2048x128xf32, #tpu.memory_space<vmem>>, vector<1x64xf32>,
    %get3A_36 = arith.constant 0 : index
    %get3A_37 = arith.constant 0 : index
    %get3A_38 = vector.load %arg0[%get3A_36, %get3A_37] : memref<33x64xf32, #tpu.memory_space<vmem>>, vector<1x64xf32>
    %swap3A_39 = arith.constant 1015 : index
    %swap3A_40 = arith.constant 0 : index
    %swap3A_41 = vector.load %arg3[%swap3A_39, %swap3A_40] : memref<2048x128xf32, #tpu.memory_space<vmem>>, vector<1x64xf32>
    tpu.vector_store %arg3[%swap3A_39, %swap3A_40], %get3A_38 {strides = array<i32>} : memref<2048x128xf32, #tpu.memory_space<vmem>>, vector<1x64xf32>,
    %get3A_42 = arith.constant 1 : index
    %get3A_43 = arith.constant 0 : index
    %get3A_44 = vector.load %arg0[%get3A_42, %get3A_43] : memref<33x64xf32, #tpu.memory_space<vmem>>, vector<1x64xf32>
    %swap3A_45 = arith.constant 1015 : index
    %swap3A_46 = arith.constant 64 : index
    %swap3A_47 = vector.load %arg3[%swap3A_45, %swap3A_46] : memref<2048x128xf32, #tpu.memory_space<vmem>>, vector<1x64xf32>
    tpu.vector_store %arg3[%swap3A_45, %swap3A_46], %get3A_44 {strides = array<i32>} : memref<2048x128xf32, #tpu.memory_space<vmem>>, vector<1x64xf32>,
    %get3A_48 = arith.constant 3 : index
    %get3A_49 = arith.constant 0 : index
    %get3A_50 = vector.load %arg0[%get3A_48, %get3A_49] : memref<33x64xf32, #tpu.memory_space<vmem>>, vector<1x64xf32>
    %swap3A_51 = arith.constant 1017 : index
    %swap3A_52 = arith.constant 0 : index
    %swap3A_53 = vector.load %arg2[%swap3A_51, %swap3A_52] : memref<2048x128xf32, #tpu.memory_space<vmem>>, vector<1x64xf32>
    tpu.vector_store %arg2[%swap3A_51, %swap3A_52], %get3A_50 {strides = array<i32>} : memref<2048x128xf32, #tpu.memory_space<vmem>>, vector<1x64xf32>,
    %get3A_54 = arith.constant 4 : index
    %get3A_55 = arith.constant 0 : index
    %get3A_56 = vector.load %arg0[%get3A_54, %get3A_55] : memref<33x64xf32, #tpu.memory_space<vmem>>, vector<1x64xf32>
    %swap3A_57 = arith.constant 1017 : index
    %swap3A_58 = arith.constant 64 : index
    %swap3A_59 = vector.load %arg2[%swap3A_57, %swap3A_58] : memref<2048x128xf32, #tpu.memory_space<vmem>>, vector<1x64xf32>
    tpu.vector_store %arg2[%swap3A_57, %swap3A_58], %get3A_56 {strides = array<i32>} : memref<2048x128xf32, #tpu.memory_space<vmem>>, vector<1x64xf32>,
    %get3A_60 = arith.constant 2 : index
    %get3A_61 = arith.constant 0 : index
    %get3A_62 = vector.load %arg0[%get3A_60, %get3A_61] : memref<33x64xf32, #tpu.memory_space<vmem>>, vector<1x64xf32>
    %swap3A_63 = arith.constant 1016 : index
    %swap3A_64 = arith.constant 0 : index
    %swap3A_65 = vector.load %arg3[%swap3A_63, %swap3A_64] : memref<2048x128xf32, #tpu.memory_space<vmem>>, vector<1x64xf32>
    tpu.vector_store %arg3[%swap3A_63, %swap3A_64], %get3A_62 {strides = array<i32>} : memref<2048x128xf32, #tpu.memory_space<vmem>>, vector<1x64xf32>,
    %get3A_66 = arith.constant 3 : index
    %get3A_67 = arith.constant 0 : index
    %get3A_68 = vector.load %arg0[%get3A_66, %get3A_67] : memref<33x64xf32, #tpu.memory_space<vmem>>, vector<1x64xf32>
    %swap3A_69 = arith.constant 1016 : index
    %swap3A_70 = arith.constant 64 : index
    %swap3A_71 = vector.load %arg3[%swap3A_69, %swap3A_70] : memref<2048x128xf32, #tpu.memory_space<vmem>>, vector<1x64xf32>
    tpu.vector_store %arg3[%swap3A_69, %swap3A_70], %get3A_68 {strides = array<i32>} : memref<2048x128xf32, #tpu.memory_space<vmem>>, vector<1x64xf32>,
    %get3A_72 = arith.constant 5 : index
    %get3A_73 = arith.constant 0 : index
    %get3A_74 = vector.load %arg0[%get3A_72, %get3A_73] : memref<33x64xf32, #tpu.memory_space<vmem>>, vector<1x64xf32>
    %swap3A_75 = arith.constant 1018 : index
    %swap3A_76 = arith.constant 0 : index
    %swap3A_77 = vector.load %arg2[%swap3A_75, %swap3A_76] : memref<2048x128xf32, #tpu.memory_space<vmem>>, vector<1x64xf32>
    tpu.vector_store %arg2[%swap3A_75, %swap3A_76], %get3A_74 {strides = array<i32>} : memref<2048x128xf32, #tpu.memory_space<vmem>>, vector<1x64xf32>,
    %get3A_78 = arith.constant 6 : index
    %get3A_79 = arith.constant 0 : index
    %get3A_80 = vector.load %arg0[%get3A_78, %get3A_79] : memref<33x64xf32, #tpu.memory_space<vmem>>, vector<1x64xf32>
    %swap3A_81 = arith.constant 1018 : index
    %swap3A_82 = arith.constant 64 : index
    %swap3A_83 = vector.load %arg2[%swap3A_81, %swap3A_82] : memref<2048x128xf32, #tpu.memory_space<vmem>>, vector<1x64xf32>
    tpu.vector_store %arg2[%swap3A_81, %swap3A_82], %get3A_80 {strides = array<i32>} : memref<2048x128xf32, #tpu.memory_space<vmem>>, vector<1x64xf32>,
    %get3A_84 = arith.constant 4 : index
    %get3A_85 = arith.constant 0 : index
    %get3A_86 = vector.load %arg0[%get3A_84, %get3A_85] : memref<33x64xf32, #tpu.memory_space<vmem>>, vector<1x64xf32>
    %swap3A_87 = arith.constant 1017 : index
    %swap3A_88 = arith.constant 0 : index
    %swap3A_89 = vector.load %arg3[%swap3A_87, %swap3A_88] : memref<2048x128xf32, #tpu.memory_space<vmem>>, vector<1x64xf32>
    tpu.vector_store %arg3[%swap3A_87, %swap3A_88], %get3A_86 {strides = array<i32>} : memref<2048x128xf32, #tpu.memory_space<vmem>>, vector<1x64xf32>,
    %get3A_90 = arith.constant 5 : index
    %get3A_91 = arith.constant 0 : index
    %get3A_92 = vector.load %arg0[%get3A_90, %get3A_91] : memref<33x64xf32, #tpu.memory_space<vmem>>, vector<1x64xf32>
    %swap3A_93 = arith.constant 1017 : index
    %swap3A_94 = arith.constant 64 : index
    %swap3A_95 = vector.load %arg3[%swap3A_93, %swap3A_94] : memref<2048x128xf32, #tpu.memory_space<vmem>>, vector<1x64xf32>
    tpu.vector_store %arg3[%swap3A_93, %swap3A_94], %get3A_92 {strides = array<i32>} : memref<2048x128xf32, #tpu.memory_space<vmem>>, vector<1x64xf32>,
    %get3A_96 = arith.constant 7 : index
    %get3A_97 = arith.constant 0 : index
    %get3A_98 = vector.load %arg0[%get3A_96, %get3A_97] : memref<33x64xf32, #tpu.memory_space<vmem>>, vector<1x64xf32>
    %swap3A_99 = arith.constant 1019 : index
    %swap3A_100 = arith.constant 0 : index
    %swap3A_101 = vector.load %arg2[%swap3A_99, %swap3A_100] : memref<2048x128xf32, #tpu.memory_space<vmem>>, vector<1x64xf32>
    tpu.vector_store %arg2[%swap3A_99, %swap3A_100], %get3A_98 {strides = array<i32>} : memref<2048x128xf32, #tpu.memory_space<vmem>>, vector<1x64xf32>,
    %get3A_102 = arith.constant 8 : index
    %get3A_103 = arith.constant 0 : index
    %get3A_104 = vector.load %arg0[%get3A_102, %get3A_103] : memref<33x64xf32, #tpu.memory_space<vmem>>, vector<1x64xf32>
    %swap3A_105 = arith.constant 1019 : index
    %swap3A_106 = arith.constant 64 : index
    %swap3A_107 = vector.load %arg2[%swap3A_105, %swap3A_106] : memref<2048x128xf32, #tpu.memory_space<vmem>>, vector<1x64xf32>
    tpu.vector_store %arg2[%swap3A_105, %swap3A_106], %get3A_104 {strides = array<i32>} : memref<2048x128xf32, #tpu.memory_space<vmem>>, vector<1x64xf32>,
    %get3A_108 = arith.constant 6 : index
    %get3A_109 = arith.constant 0 : index
    %get3A_110 = vector.load %arg0[%get3A_108, %get3A_109] : memref<33x64xf32, #tpu.memory_space<vmem>>, vector<1x64xf32>
    %swap3A_111 = arith.constant 1018 : index
    %swap3A_112 = arith.constant 0 : index
    %swap3A_113 = vector.load %arg3[%swap3A_111, %swap3A_112] : memref<2048x128xf32, #tpu.memory_space<vmem>>, vector<1x64xf32>
    tpu.vector_store %arg3[%swap3A_111, %swap3A_112], %get3A_110 {strides = array<i32>} : memref<2048x128xf32, #tpu.memory_space<vmem>>, vector<1x64xf32>,
    %get3A_114 = arith.constant 7 : index
    %get3A_115 = arith.constant 0 : index
    %get3A_116 = vector.load %arg0[%get3A_114, %get3A_115] : memref<33x64xf32, #tpu.memory_space<vmem>>, vector<1x64xf32>
    %swap3A_117 = arith.constant 1018 : index
    %swap3A_118 = arith.constant 64 : index
    %swap3A_119 = vector.load %arg3[%swap3A_117, %swap3A_118] : memref<2048x128xf32, #tpu.memory_space<vmem>>, vector<1x64xf32>
    tpu.vector_store %arg3[%swap3A_117, %swap3A_118], %get3A_116 {strides = array<i32>} : memref<2048x128xf32, #tpu.memory_space<vmem>>, vector<1x64xf32>,
    %get3A_120 = arith.constant 9 : index
    %get3A_121 = arith.constant 0 : index
    %get3A_122 = vector.load %arg0[%get3A_120, %get3A_121] : memref<33x64xf32, #tpu.memory_space<vmem>>, vector<1x64xf32>
    %swap3A_123 = arith.constant 1020 : index
    %swap3A_124 = arith.constant 0 : index
    %swap3A_125 = vector.load %arg2[%swap3A_123, %swap3A_124] : memref<2048x128xf32, #tpu.memory_space<vmem>>, vector<1x64xf32>
    tpu.vector_store %arg2[%swap3A_123, %swap3A_124], %get3A_122 {strides = array<i32>} : memref<2048x128xf32, #tpu.memory_space<vmem>>, vector<1x64xf32>,
    %get3A_126 = arith.constant 10 : index
    %get3A_127 = arith.constant 0 : index
    %get3A_128 = vector.load %arg0[%get3A_126, %get3A_127] : memref<33x64xf32, #tpu.memory_space<vmem>>, vector<1x64xf32>
    %swap3A_129 = arith.constant 1020 : index
    %swap3A_130 = arith.constant 64 : index
    %swap3A_131 = vector.load %arg2[%swap3A_129, %swap3A_130] : memref<2048x128xf32, #tpu.memory_space<vmem>>, vector<1x64xf32>
    tpu.vector_store %arg2[%swap3A_129, %swap3A_130], %get3A_128 {strides = array<i32>} : memref<2048x128xf32, #tpu.memory_space<vmem>>, vector<1x64xf32>,
    %get3A_132 = arith.constant 8 : index
    %get3A_133 = arith.constant 0 : index
    %get3A_134 = vector.load %arg0[%get3A_132, %get3A_133] : memref<33x64xf32, #tpu.memory_space<vmem>>, vector<1x64xf32>
    %swap3A_135 = arith.constant 1019 : index
    %swap3A_136 = arith.constant 0 : index
    %swap3A_137 = vector.load %arg3[%swap3A_135, %swap3A_136] : memref<2048x128xf32, #tpu.memory_space<vmem>>, vector<1x64xf32>
    tpu.vector_store %arg3[%swap3A_135, %swap3A_136], %get3A_134 {strides = array<i32>} : memref<2048x128xf32, #tpu.memory_space<vmem>>, vector<1x64xf32>,
    %get3A_138 = arith.constant 9 : index
    %get3A_139 = arith.constant 0 : index
    %get3A_140 = vector.load %arg0[%get3A_138, %get3A_139] : memref<33x64xf32, #tpu.memory_space<vmem>>, vector<1x64xf32>
    %swap3A_141 = arith.constant 1019 : index
    %swap3A_142 = arith.constant 64 : index
    %swap3A_143 = vector.load %arg3[%swap3A_141, %swap3A_142] : memref<2048x128xf32, #tpu.memory_space<vmem>>, vector<1x64xf32>
    tpu.vector_store %arg3[%swap3A_141, %swap3A_142], %get3A_140 {strides = array<i32>} : memref<2048x128xf32, #tpu.memory_space<vmem>>, vector<1x64xf32>,
    %get3A_144 = arith.constant 11 : index
    %get3A_145 = arith.constant 0 : index
    %get3A_146 = vector.load %arg0[%get3A_144, %get3A_145] : memref<33x64xf32, #tpu.memory_space<vmem>>, vector<1x64xf32>
    %swap3A_147 = arith.constant 1021 : index
    %swap3A_148 = arith.constant 0 : index
    %swap3A_149 = vector.load %arg2[%swap3A_147, %swap3A_148] : memref<2048x128xf32, #tpu.memory_space<vmem>>, vector<1x64xf32>
    tpu.vector_store %arg2[%swap3A_147, %swap3A_148], %get3A_146 {strides = array<i32>} : memref<2048x128xf32, #tpu.memory_space<vmem>>, vector<1x64xf32>,
    %get3A_150 = arith.constant 12 : index
    %get3A_151 = arith.constant 0 : index
    %get3A_152 = vector.load %arg0[%get3A_150, %get3A_151] : memref<33x64xf32, #tpu.memory_space<vmem>>, vector<1x64xf32>
    %swap3A_153 = arith.constant 1021 : index
    %swap3A_154 = arith.constant 64 : index
    %swap3A_155 = vector.load %arg2[%swap3A_153, %swap3A_154] : memref<2048x128xf32, #tpu.memory_space<vmem>>, vector<1x64xf32>
    tpu.vector_store %arg2[%swap3A_153, %swap3A_154], %get3A_152 {strides = array<i32>} : memref<2048x128xf32, #tpu.memory_space<vmem>>, vector<1x64xf32>,
    %get3A_156 = arith.constant 10 : index
    %get3A_157 = arith.constant 0 : index
    %get3A_158 = vector.load %arg0[%get3A_156, %get3A_157] : memref<33x64xf32, #tpu.memory_space<vmem>>, vector<1x64xf32>
    %swap3A_159 = arith.constant 1020 : index
    %swap3A_160 = arith.constant 0 : index
    %swap3A_161 = vector.load %arg3[%swap3A_159, %swap3A_160] : memref<2048x128xf32, #tpu.memory_space<vmem>>, vector<1x64xf32>
    tpu.vector_store %arg3[%swap3A_159, %swap3A_160], %get3A_158 {strides = array<i32>} : memref<2048x128xf32, #tpu.memory_space<vmem>>, vector<1x64xf32>,
    %get3A_162 = arith.constant 11 : index
    %get3A_163 = arith.constant 0 : index
    %get3A_164 = vector.load %arg0[%get3A_162, %get3A_163] : memref<33x64xf32, #tpu.memory_space<vmem>>, vector<1x64xf32>
    %swap3A_165 = arith.constant 1020 : index
    %swap3A_166 = arith.constant 64 : index
    %swap3A_167 = vector.load %arg3[%swap3A_165, %swap3A_166] : memref<2048x128xf32, #tpu.memory_space<vmem>>, vector<1x64xf32>
    tpu.vector_store %arg3[%swap3A_165, %swap3A_166], %get3A_164 {strides = array<i32>} : memref<2048x128xf32, #tpu.memory_space<vmem>>, vector<1x64xf32>,
    %get3A_168 = arith.constant 13 : index
    %get3A_169 = arith.constant 0 : index
    %get3A_170 = vector.load %arg0[%get3A_168, %get3A_169] : memref<33x64xf32, #tpu.memory_space<vmem>>, vector<1x64xf32>
    %swap3A_171 = arith.constant 1022 : index
    %swap3A_172 = arith.constant 0 : index
    %swap3A_173 = vector.load %arg2[%swap3A_171, %swap3A_172] : memref<2048x128xf32, #tpu.memory_space<vmem>>, vector<1x64xf32>
    tpu.vector_store %arg2[%swap3A_171, %swap3A_172], %get3A_170 {strides = array<i32>} : memref<2048x128xf32, #tpu.memory_space<vmem>>, vector<1x64xf32>,
    %get3A_174 = arith.constant 14 : index
    %get3A_175 = arith.constant 0 : index
    %get3A_176 = vector.load %arg0[%get3A_174, %get3A_175] : memref<33x64xf32, #tpu.memory_space<vmem>>, vector<1x64xf32>
    %swap3A_177 = arith.constant 1022 : index
    %swap3A_178 = arith.constant 64 : index
    %swap3A_179 = vector.load %arg2[%swap3A_177, %swap3A_178] : memref<2048x128xf32, #tpu.memory_space<vmem>>, vector<1x64xf32>
    tpu.vector_store %arg2[%swap3A_177, %swap3A_178], %get3A_176 {strides = array<i32>} : memref<2048x128xf32, #tpu.memory_space<vmem>>, vector<1x64xf32>,
    %get3A_180 = arith.constant 12 : index
    %get3A_181 = arith.constant 0 : index
    %get3A_182 = vector.load %arg0[%get3A_180, %get3A_181] : memref<33x64xf32, #tpu.memory_space<vmem>>, vector<1x64xf32>
    %swap3A_183 = arith.constant 1021 : index
    %swap3A_184 = arith.constant 0 : index
    %swap3A_185 = vector.load %arg3[%swap3A_183, %swap3A_184] : memref<2048x128xf32, #tpu.memory_space<vmem>>, vector<1x64xf32>
    tpu.vector_store %arg3[%swap3A_183, %swap3A_184], %get3A_182 {strides = array<i32>} : memref<2048x128xf32, #tpu.memory_space<vmem>>, vector<1x64xf32>,
    %get3A_186 = arith.constant 13 : index
    %get3A_187 = arith.constant 0 : index
    %get3A_188 = vector.load %arg0[%get3A_186, %get3A_187] : memref<33x64xf32, #tpu.memory_space<vmem>>, vector<1x64xf32>
    %swap3A_189 = arith.constant 1021 : index
    %swap3A_190 = arith.constant 64 : index
    %swap3A_191 = vector.load %arg3[%swap3A_189, %swap3A_190] : memref<2048x128xf32, #tpu.memory_space<vmem>>, vector<1x64xf32>
    tpu.vector_store %arg3[%swap3A_189, %swap3A_190], %get3A_188 {strides = array<i32>} : memref<2048x128xf32, #tpu.memory_space<vmem>>, vector<1x64xf32>,
    %get3A_192 = arith.constant 15 : index
    %get3A_193 = arith.constant 0 : index
    %get3A_194 = vector.load %arg0[%get3A_192, %get3A_193] : memref<33x64xf32, #tpu.memory_space<vmem>>, vector<1x64xf32>
    %swap3A_195 = arith.constant 1023 : index
    %swap3A_196 = arith.constant 0 : index
    %swap3A_197 = vector.load %arg2[%swap3A_195, %swap3A_196] : memref<2048x128xf32, #tpu.memory_space<vmem>>, vector<1x64xf32>
    tpu.vector_store %arg2[%swap3A_195, %swap3A_196], %get3A_194 {strides = array<i32>} : memref<2048x128xf32, #tpu.memory_space<vmem>>, vector<1x64xf32>,
    %get3A_198 = arith.constant 16 : index
    %get3A_199 = arith.constant 0 : index
    %get3A_200 = vector.load %arg0[%get3A_198, %get3A_199] : memref<33x64xf32, #tpu.memory_space<vmem>>, vector<1x64xf32>
    %swap3A_201 = arith.constant 1023 : index
    %swap3A_202 = arith.constant 64 : index
    %swap3A_203 = vector.load %arg2[%swap3A_201, %swap3A_202] : memref<2048x128xf32, #tpu.memory_space<vmem>>, vector<1x64xf32>
    tpu.vector_store %arg2[%swap3A_201, %swap3A_202], %get3A_200 {strides = array<i32>} : memref<2048x128xf32, #tpu.memory_space<vmem>>, vector<1x64xf32>,
    %get3A_204 = arith.constant 14 : index
    %get3A_205 = arith.constant 0 : index
    %get3A_206 = vector.load %arg0[%get3A_204, %get3A_205] : memref<33x64xf32, #tpu.memory_space<vmem>>, vector<1x64xf32>
    %swap3A_207 = arith.constant 1022 : index
    %swap3A_208 = arith.constant 0 : index
    %swap3A_209 = vector.load %arg3[%swap3A_207, %swap3A_208] : memref<2048x128xf32, #tpu.memory_space<vmem>>, vector<1x64xf32>
    tpu.vector_store %arg3[%swap3A_207, %swap3A_208], %get3A_206 {strides = array<i32>} : memref<2048x128xf32, #tpu.memory_space<vmem>>, vector<1x64xf32>,
    %get3A_210 = arith.constant 15 : index
    %get3A_211 = arith.constant 0 : index
    %get3A_212 = vector.load %arg0[%get3A_210, %get3A_211] : memref<33x64xf32, #tpu.memory_space<vmem>>, vector<1x64xf32>
    %swap3A_213 = arith.constant 1022 : index
    %swap3A_214 = arith.constant 64 : index
    %swap3A_215 = vector.load %arg3[%swap3A_213, %swap3A_214] : memref<2048x128xf32, #tpu.memory_space<vmem>>, vector<1x64xf32>
    tpu.vector_store %arg3[%swap3A_213, %swap3A_214], %get3A_212 {strides = array<i32>} : memref<2048x128xf32, #tpu.memory_space<vmem>>, vector<1x64xf32>,
    %get3A_216 = arith.constant 17 : index
    %get3A_217 = arith.constant 0 : index
    %get3A_218 = vector.load %arg0[%get3A_216, %get3A_217] : memref<33x64xf32, #tpu.memory_space<vmem>>, vector<1x64xf32>
    %swap3A_219 = arith.constant 1024 : index
    %swap3A_220 = arith.constant 0 : index
    %swap3A_221 = vector.load %arg2[%swap3A_219, %swap3A_220] : memref<2048x128xf32, #tpu.memory_space<vmem>>, vector<1x64xf32>
    tpu.vector_store %arg2[%swap3A_219, %swap3A_220], %get3A_218 {strides = array<i32>} : memref<2048x128xf32, #tpu.memory_space<vmem>>, vector<1x64xf32>,
    %get3A_222 = arith.constant 18 : index
    %get3A_223 = arith.constant 0 : index
    %get3A_224 = vector.load %arg0[%get3A_222, %get3A_223] : memref<33x64xf32, #tpu.memory_space<vmem>>, vector<1x64xf32>
    %swap3A_225 = arith.constant 1024 : index
    %swap3A_226 = arith.constant 64 : index
    %swap3A_227 = vector.load %arg2[%swap3A_225, %swap3A_226] : memref<2048x128xf32, #tpu.memory_space<vmem>>, vector<1x64xf32>
    tpu.vector_store %arg2[%swap3A_225, %swap3A_226], %get3A_224 {strides = array<i32>} : memref<2048x128xf32, #tpu.memory_space<vmem>>, vector<1x64xf32>,
    %get3A_228 = arith.constant 16 : index
    %get3A_229 = arith.constant 0 : index
    %get3A_230 = vector.load %arg0[%get3A_228, %get3A_229] : memref<33x64xf32, #tpu.memory_space<vmem>>, vector<1x64xf32>
    %swap3A_231 = arith.constant 1023 : index
    %swap3A_232 = arith.constant 0 : index
    %swap3A_233 = vector.load %arg3[%swap3A_231, %swap3A_232] : memref<2048x128xf32, #tpu.memory_space<vmem>>, vector<1x64xf32>
    tpu.vector_store %arg3[%swap3A_231, %swap3A_232], %get3A_230 {strides = array<i32>} : memref<2048x128xf32, #tpu.memory_space<vmem>>, vector<1x64xf32>,
    %get3A_234 = arith.constant 17 : index
    %get3A_235 = arith.constant 0 : index
    %get3A_236 = vector.load %arg0[%get3A_234, %get3A_235] : memref<33x64xf32, #tpu.memory_space<vmem>>, vector<1x64xf32>
    %swap3A_237 = arith.constant 1023 : index
    %swap3A_238 = arith.constant 64 : index
    %swap3A_239 = vector.load %arg3[%swap3A_237, %swap3A_238] : memref<2048x128xf32, #tpu.memory_space<vmem>>, vector<1x64xf32>
    tpu.vector_store %arg3[%swap3A_237, %swap3A_238], %get3A_236 {strides = array<i32>} : memref<2048x128xf32, #tpu.memory_space<vmem>>, vector<1x64xf32>,
    %get3A_240 = arith.constant 19 : index
    %get3A_241 = arith.constant 0 : index
    %get3A_242 = vector.load %arg0[%get3A_240, %get3A_241] : memref<33x64xf32, #tpu.memory_space<vmem>>, vector<1x64xf32>
    %swap3A_243 = arith.constant 1025 : index
    %swap3A_244 = arith.constant 0 : index
    %swap3A_245 = vector.load %arg2[%swap3A_243, %swap3A_244] : memref<2048x128xf32, #tpu.memory_space<vmem>>, vector<1x64xf32>
    tpu.vector_store %arg2[%swap3A_243, %swap3A_244], %get3A_242 {strides = array<i32>} : memref<2048x128xf32, #tpu.memory_space<vmem>>, vector<1x64xf32>,
    %get3A_246 = arith.constant 20 : index
    %get3A_247 = arith.constant 0 : index
    %get3A_248 = vector.load %arg0[%get3A_246, %get3A_247] : memref<33x64xf32, #tpu.memory_space<vmem>>, vector<1x64xf32>
    %swap3A_249 = arith.constant 1025 : index
    %swap3A_250 = arith.constant 64 : index
    %swap3A_251 = vector.load %arg2[%swap3A_249, %swap3A_250] : memref<2048x128xf32, #tpu.memory_space<vmem>>, vector<1x64xf32>
    tpu.vector_store %arg2[%swap3A_249, %swap3A_250], %get3A_248 {strides = array<i32>} : memref<2048x128xf32, #tpu.memory_space<vmem>>, vector<1x64xf32>,
    %get3A_252 = arith.constant 18 : index
    %get3A_253 = arith.constant 0 : index
    %get3A_254 = vector.load %arg0[%get3A_252, %get3A_253] : memref<33x64xf32, #tpu.memory_space<vmem>>, vector<1x64xf32>
    %swap3A_255 = arith.constant 1024 : index
    %swap3A_256 = arith.constant 0 : index
    %swap3A_257 = vector.load %arg3[%swap3A_255, %swap3A_256] : memref<2048x128xf32, #tpu.memory_space<vmem>>, vector<1x64xf32>
    tpu.vector_store %arg3[%swap3A_255, %swap3A_256], %get3A_254 {strides = array<i32>} : memref<2048x128xf32, #tpu.memory_space<vmem>>, vector<1x64xf32>,
    %get3A_258 = arith.constant 19 : index
    %get3A_259 = arith.constant 0 : index
    %get3A_260 = vector.load %arg0[%get3A_258, %get3A_259] : memref<33x64xf32, #tpu.memory_space<vmem>>, vector<1x64xf32>
    %swap3A_261 = arith.constant 1024 : index
    %swap3A_262 = arith.constant 64 : index
    %swap3A_263 = vector.load %arg3[%swap3A_261, %swap3A_262] : memref<2048x128xf32, #tpu.memory_space<vmem>>, vector<1x64xf32>
    tpu.vector_store %arg3[%swap3A_261, %swap3A_262], %get3A_260 {strides = array<i32>} : memref<2048x128xf32, #tpu.memory_space<vmem>>, vector<1x64xf32>,
    %get3A_264 = arith.constant 21 : index
    %get3A_265 = arith.constant 0 : index
    %get3A_266 = vector.load %arg0[%get3A_264, %get3A_265] : memref<33x64xf32, #tpu.memory_space<vmem>>, vector<1x64xf32>
    %swap3A_267 = arith.constant 1026 : index
    %swap3A_268 = arith.constant 0 : index
    %swap3A_269 = vector.load %arg2[%swap3A_267, %swap3A_268] : memref<2048x128xf32, #tpu.memory_space<vmem>>, vector<1x64xf32>
    tpu.vector_store %arg2[%swap3A_267, %swap3A_268], %get3A_266 {strides = array<i32>} : memref<2048x128xf32, #tpu.memory_space<vmem>>, vector<1x64xf32>,
    %get3A_270 = arith.constant 22 : index
    %get3A_271 = arith.constant 0 : index
    %get3A_272 = vector.load %arg0[%get3A_270, %get3A_271] : memref<33x64xf32, #tpu.memory_space<vmem>>, vector<1x64xf32>
    %swap3A_273 = arith.constant 1026 : index
    %swap3A_274 = arith.constant 64 : index
    %swap3A_275 = vector.load %arg2[%swap3A_273, %swap3A_274] : memref<2048x128xf32, #tpu.memory_space<vmem>>, vector<1x64xf32>
    tpu.vector_store %arg2[%swap3A_273, %swap3A_274], %get3A_272 {strides = array<i32>} : memref<2048x128xf32, #tpu.memory_space<vmem>>, vector<1x64xf32>,
    %get3A_276 = arith.constant 20 : index
    %get3A_277 = arith.constant 0 : index
    %get3A_278 = vector.load %arg0[%get3A_276, %get3A_277] : memref<33x64xf32, #tpu.memory_space<vmem>>, vector<1x64xf32>
    %swap3A_279 = arith.constant 1025 : index
    %swap3A_280 = arith.constant 0 : index
    %swap3A_281 = vector.load %arg3[%swap3A_279, %swap3A_280] : memref<2048x128xf32, #tpu.memory_space<vmem>>, vector<1x64xf32>
    tpu.vector_store %arg3[%swap3A_279, %swap3A_280], %get3A_278 {strides = array<i32>} : memref<2048x128xf32, #tpu.memory_space<vmem>>, vector<1x64xf32>,
    %get3A_282 = arith.constant 21 : index
    %get3A_283 = arith.constant 0 : index
    %get3A_284 = vector.load %arg0[%get3A_282, %get3A_283] : memref<33x64xf32, #tpu.memory_space<vmem>>, vector<1x64xf32>
    %swap3A_285 = arith.constant 1025 : index
    %swap3A_286 = arith.constant 64 : index
    %swap3A_287 = vector.load %arg3[%swap3A_285, %swap3A_286] : memref<2048x128xf32, #tpu.memory_space<vmem>>, vector<1x64xf32>
    tpu.vector_store %arg3[%swap3A_285, %swap3A_286], %get3A_284 {strides = array<i32>} : memref<2048x128xf32, #tpu.memory_space<vmem>>, vector<1x64xf32>,
    %get3A_288 = arith.constant 23 : index
    %get3A_289 = arith.constant 0 : index
    %get3A_290 = vector.load %arg0[%get3A_288, %get3A_289] : memref<33x64xf32, #tpu.memory_space<vmem>>, vector<1x64xf32>
    %swap3A_291 = arith.constant 1027 : index
    %swap3A_292 = arith.constant 0 : index
    %swap3A_293 = vector.load %arg2[%swap3A_291, %swap3A_292] : memref<2048x128xf32, #tpu.memory_space<vmem>>, vector<1x64xf32>
    tpu.vector_store %arg2[%swap3A_291, %swap3A_292], %get3A_290 {strides = array<i32>} : memref<2048x128xf32, #tpu.memory_space<vmem>>, vector<1x64xf32>,
    %get3A_294 = arith.constant 24 : index
    %get3A_295 = arith.constant 0 : index
    %get3A_296 = vector.load %arg0[%get3A_294, %get3A_295] : memref<33x64xf32, #tpu.memory_space<vmem>>, vector<1x64xf32>
    %swap3A_297 = arith.constant 1027 : index
    %swap3A_298 = arith.constant 64 : index
    %swap3A_299 = vector.load %arg2[%swap3A_297, %swap3A_298] : memref<2048x128xf32, #tpu.memory_space<vmem>>, vector<1x64xf32>
    tpu.vector_store %arg2[%swap3A_297, %swap3A_298], %get3A_296 {strides = array<i32>} : memref<2048x128xf32, #tpu.memory_space<vmem>>, vector<1x64xf32>,
    %get3A_300 = arith.constant 22 : index
    %get3A_301 = arith.constant 0 : index
    %get3A_302 = vector.load %arg0[%get3A_300, %get3A_301] : memref<33x64xf32, #tpu.memory_space<vmem>>, vector<1x64xf32>
    %swap3A_303 = arith.constant 1026 : index
    %swap3A_304 = arith.constant 0 : index
    %swap3A_305 = vector.load %arg3[%swap3A_303, %swap3A_304] : memref<2048x128xf32, #tpu.memory_space<vmem>>, vector<1x64xf32>
    tpu.vector_store %arg3[%swap3A_303, %swap3A_304], %get3A_302 {strides = array<i32>} : memref<2048x128xf32, #tpu.memory_space<vmem>>, vector<1x64xf32>,
    %get3A_306 = arith.constant 23 : index
    %get3A_307 = arith.constant 0 : index
    %get3A_308 = vector.load %arg0[%get3A_306, %get3A_307] : memref<33x64xf32, #tpu.memory_space<vmem>>, vector<1x64xf32>
    %swap3A_309 = arith.constant 1026 : index
    %swap3A_310 = arith.constant 64 : index
    %swap3A_311 = vector.load %arg3[%swap3A_309, %swap3A_310] : memref<2048x128xf32, #tpu.memory_space<vmem>>, vector<1x64xf32>
    tpu.vector_store %arg3[%swap3A_309, %swap3A_310], %get3A_308 {strides = array<i32>} : memref<2048x128xf32, #tpu.memory_space<vmem>>, vector<1x64xf32>,
    %get3A_312 = arith.constant 25 : index
    %get3A_313 = arith.constant 0 : index
    %get3A_314 = vector.load %arg0[%get3A_312, %get3A_313] : memref<33x64xf32, #tpu.memory_space<vmem>>, vector<1x64xf32>
    %swap3A_315 = arith.constant 1028 : index
    %swap3A_316 = arith.constant 0 : index
    %swap3A_317 = vector.load %arg2[%swap3A_315, %swap3A_316] : memref<2048x128xf32, #tpu.memory_space<vmem>>, vector<1x64xf32>
    tpu.vector_store %arg2[%swap3A_315, %swap3A_316], %get3A_314 {strides = array<i32>} : memref<2048x128xf32, #tpu.memory_space<vmem>>, vector<1x64xf32>,
    %get3A_318 = arith.constant 26 : index
    %get3A_319 = arith.constant 0 : index
    %get3A_320 = vector.load %arg0[%get3A_318, %get3A_319] : memref<33x64xf32, #tpu.memory_space<vmem>>, vector<1x64xf32>
    %swap3A_321 = arith.constant 1028 : index
    %swap3A_322 = arith.constant 64 : index
    %swap3A_323 = vector.load %arg2[%swap3A_321, %swap3A_322] : memref<2048x128xf32, #tpu.memory_space<vmem>>, vector<1x64xf32>
    tpu.vector_store %arg2[%swap3A_321, %swap3A_322], %get3A_320 {strides = array<i32>} : memref<2048x128xf32, #tpu.memory_space<vmem>>, vector<1x64xf32>,
    %get3A_324 = arith.constant 24 : index
    %get3A_325 = arith.constant 0 : index
    %get3A_326 = vector.load %arg0[%get3A_324, %get3A_325] : memref<33x64xf32, #tpu.memory_space<vmem>>, vector<1x64xf32>
    %swap3A_327 = arith.constant 1027 : index
    %swap3A_328 = arith.constant 0 : index
    %swap3A_329 = vector.load %arg3[%swap3A_327, %swap3A_328] : memref<2048x128xf32, #tpu.memory_space<vmem>>, vector<1x64xf32>
    tpu.vector_store %arg3[%swap3A_327, %swap3A_328], %get3A_326 {strides = array<i32>} : memref<2048x128xf32, #tpu.memory_space<vmem>>, vector<1x64xf32>,
    %get3A_330 = arith.constant 25 : index
    %get3A_331 = arith.constant 0 : index
    %get3A_332 = vector.load %arg0[%get3A_330, %get3A_331] : memref<33x64xf32, #tpu.memory_space<vmem>>, vector<1x64xf32>
    %swap3A_333 = arith.constant 1027 : index
    %swap3A_334 = arith.constant 64 : index
    %swap3A_335 = vector.load %arg3[%swap3A_333, %swap3A_334] : memref<2048x128xf32, #tpu.memory_space<vmem>>, vector<1x64xf32>
    tpu.vector_store %arg3[%swap3A_333, %swap3A_334], %get3A_332 {strides = array<i32>} : memref<2048x128xf32, #tpu.memory_space<vmem>>, vector<1x64xf32>,
    %get3A_336 = arith.constant 27 : index
    %get3A_337 = arith.constant 0 : index
    %get3A_338 = vector.load %arg0[%get3A_336, %get3A_337] : memref<33x64xf32, #tpu.memory_space<vmem>>, vector<1x64xf32>
    %swap3A_339 = arith.constant 1029 : index
    %swap3A_340 = arith.constant 0 : index
    %swap3A_341 = vector.load %arg2[%swap3A_339, %swap3A_340] : memref<2048x128xf32, #tpu.memory_space<vmem>>, vector<1x64xf32>
    tpu.vector_store %arg2[%swap3A_339, %swap3A_340], %get3A_338 {strides = array<i32>} : memref<2048x128xf32, #tpu.memory_space<vmem>>, vector<1x64xf32>,
    %get3A_342 = arith.constant 28 : index
    %get3A_343 = arith.constant 0 : index
    %get3A_344 = vector.load %arg0[%get3A_342, %get3A_343] : memref<33x64xf32, #tpu.memory_space<vmem>>, vector<1x64xf32>
    %swap3A_345 = arith.constant 1029 : index
    %swap3A_346 = arith.constant 64 : index
    %swap3A_347 = vector.load %arg2[%swap3A_345, %swap3A_346] : memref<2048x128xf32, #tpu.memory_space<vmem>>, vector<1x64xf32>
    tpu.vector_store %arg2[%swap3A_345, %swap3A_346], %get3A_344 {strides = array<i32>} : memref<2048x128xf32, #tpu.memory_space<vmem>>, vector<1x64xf32>,
    %get3A_348 = arith.constant 26 : index
    %get3A_349 = arith.constant 0 : index
    %get3A_350 = vector.load %arg0[%get3A_348, %get3A_349] : memref<33x64xf32, #tpu.memory_space<vmem>>, vector<1x64xf32>
    %swap3A_351 = arith.constant 1028 : index
    %swap3A_352 = arith.constant 0 : index
    %swap3A_353 = vector.load %arg3[%swap3A_351, %swap3A_352] : memref<2048x128xf32, #tpu.memory_space<vmem>>, vector<1x64xf32>
    tpu.vector_store %arg3[%swap3A_351, %swap3A_352], %get3A_350 {strides = array<i32>} : memref<2048x128xf32, #tpu.memory_space<vmem>>, vector<1x64xf32>,
    %get3A_354 = arith.constant 27 : index
    %get3A_355 = arith.constant 0 : index
    %get3A_356 = vector.load %arg0[%get3A_354, %get3A_355] : memref<33x64xf32, #tpu.memory_space<vmem>>, vector<1x64xf32>
    %swap3A_357 = arith.constant 1028 : index
    %swap3A_358 = arith.constant 64 : index
    %swap3A_359 = vector.load %arg3[%swap3A_357, %swap3A_358] : memref<2048x128xf32, #tpu.memory_space<vmem>>, vector<1x64xf32>
    tpu.vector_store %arg3[%swap3A_357, %swap3A_358], %get3A_356 {strides = array<i32>} : memref<2048x128xf32, #tpu.memory_space<vmem>>, vector<1x64xf32>,
    %get3A_360 = arith.constant 29 : index
    %get3A_361 = arith.constant 0 : index
    %get3A_362 = vector.load %arg0[%get3A_360, %get3A_361] : memref<33x64xf32, #tpu.memory_space<vmem>>, vector<1x64xf32>
    %swap3A_363 = arith.constant 1030 : index
    %swap3A_364 = arith.constant 0 : index
    %swap3A_365 = vector.load %arg2[%swap3A_363, %swap3A_364] : memref<2048x128xf32, #tpu.memory_space<vmem>>, vector<1x64xf32>
    tpu.vector_store %arg2[%swap3A_363, %swap3A_364], %get3A_362 {strides = array<i32>} : memref<2048x128xf32, #tpu.memory_space<vmem>>, vector<1x64xf32>,
    %get3A_366 = arith.constant 30 : index
    %get3A_367 = arith.constant 0 : index
    %get3A_368 = vector.load %arg0[%get3A_366, %get3A_367] : memref<33x64xf32, #tpu.memory_space<vmem>>, vector<1x64xf32>
    %swap3A_369 = arith.constant 1030 : index
    %swap3A_370 = arith.constant 64 : index
    %swap3A_371 = vector.load %arg2[%swap3A_369, %swap3A_370] : memref<2048x128xf32, #tpu.memory_space<vmem>>, vector<1x64xf32>
    tpu.vector_store %arg2[%swap3A_369, %swap3A_370], %get3A_368 {strides = array<i32>} : memref<2048x128xf32, #tpu.memory_space<vmem>>, vector<1x64xf32>,
    %get3A_372 = arith.constant 28 : index
    %get3A_373 = arith.constant 0 : index
    %get3A_374 = vector.load %arg0[%get3A_372, %get3A_373] : memref<33x64xf32, #tpu.memory_space<vmem>>, vector<1x64xf32>
    %swap3A_375 = arith.constant 1029 : index
    %swap3A_376 = arith.constant 0 : index
    %swap3A_377 = vector.load %arg3[%swap3A_375, %swap3A_376] : memref<2048x128xf32, #tpu.memory_space<vmem>>, vector<1x64xf32>
    tpu.vector_store %arg3[%swap3A_375, %swap3A_376], %get3A_374 {strides = array<i32>} : memref<2048x128xf32, #tpu.memory_space<vmem>>, vector<1x64xf32>,
    %get3A_378 = arith.constant 29 : index
    %get3A_379 = arith.constant 0 : index
    %get3A_380 = vector.load %arg0[%get3A_378, %get3A_379] : memref<33x64xf32, #tpu.memory_space<vmem>>, vector<1x64xf32>
    %swap3A_381 = arith.constant 1029 : index
    %swap3A_382 = arith.constant 64 : index
    %swap3A_383 = vector.load %arg3[%swap3A_381, %swap3A_382] : memref<2048x128xf32, #tpu.memory_space<vmem>>, vector<1x64xf32>
    tpu.vector_store %arg3[%swap3A_381, %swap3A_382], %get3A_380 {strides = array<i32>} : memref<2048x128xf32, #tpu.memory_space<vmem>>, vector<1x64xf32>,
    %get3A_384 = arith.constant 31 : index
    %get3A_385 = arith.constant 0 : index
    %get3A_386 = vector.load %arg0[%get3A_384, %get3A_385] : memref<33x64xf32, #tpu.memory_space<vmem>>, vector<1x64xf32>
    %swap3A_387 = arith.constant 1031 : index
    %swap3A_388 = arith.constant 0 : index
    %swap3A_389 = vector.load %arg2[%swap3A_387, %swap3A_388] : memref<2048x128xf32, #tpu.memory_space<vmem>>, vector<1x64xf32>
    tpu.vector_store %arg2[%swap3A_387, %swap3A_388], %get3A_386 {strides = array<i32>} : memref<2048x128xf32, #tpu.memory_space<vmem>>, vector<1x64xf32>,
    %get3A_390 = arith.constant 32 : index
    %get3A_391 = arith.constant 0 : index
    %get3A_392 = vector.load %arg0[%get3A_390, %get3A_391] : memref<33x64xf32, #tpu.memory_space<vmem>>, vector<1x64xf32>
    %swap3A_393 = arith.constant 1031 : index
    %swap3A_394 = arith.constant 64 : index
    %swap3A_395 = vector.load %arg2[%swap3A_393, %swap3A_394] : memref<2048x128xf32, #tpu.memory_space<vmem>>, vector<1x64xf32>
    tpu.vector_store %arg2[%swap3A_393, %swap3A_394], %get3A_392 {strides = array<i32>} : memref<2048x128xf32, #tpu.memory_space<vmem>>, vector<1x64xf32>,
    %get3A_396 = arith.constant 30 : index
    %get3A_397 = arith.constant 0 : index
    %get3A_398 = vector.load %arg0[%get3A_396, %get3A_397] : memref<33x64xf32, #tpu.memory_space<vmem>>, vector<1x64xf32>
    %swap3A_399 = arith.constant 1030 : index
    %swap3A_400 = arith.constant 0 : index
    %swap3A_401 = vector.load %arg3[%swap3A_399, %swap3A_400] : memref<2048x128xf32, #tpu.memory_space<vmem>>, vector<1x64xf32>
    tpu.vector_store %arg3[%swap3A_399, %swap3A_400], %get3A_398 {strides = array<i32>} : memref<2048x128xf32, #tpu.memory_space<vmem>>, vector<1x64xf32>,
    %get3A_402 = arith.constant 31 : index
    %get3A_403 = arith.constant 0 : index
    %get3A_404 = vector.load %arg0[%get3A_402, %get3A_403] : memref<33x64xf32, #tpu.memory_space<vmem>>, vector<1x64xf32>
    %swap3A_405 = arith.constant 1030 : index
    %swap3A_406 = arith.constant 64 : index
    %swap3A_407 = vector.load %arg3[%swap3A_405, %swap3A_406] : memref<2048x128xf32, #tpu.memory_space<vmem>>, vector<1x64xf32>
    tpu.vector_store %arg3[%swap3A_405, %swap3A_406], %get3A_404 {strides = array<i32>} : memref<2048x128xf32, #tpu.memory_space<vmem>>, vector<1x64xf32>,
    %scan3A = arith.constant 0 : i32
    %scan3A_408 = arith.constant 64 : i32
    %scan3A_409 = arith.addi %scan3A, %scan3A_408 : i32
    %scan3A_410 = arith.constant 1 : i32
    scf.for %scan3A_499 = %scan3A to %scan3A_409 step %scan3A_410  : i32 {
      %mul3A = arith.constant 4 : i32
      %mul3A_500 = arith.muli %scan3A_499, %mul3A : i32
      %add3A = arith.constant 512 : i32
      %add3A_501 = arith.addi %add3A, %mul3A_500 : i32
      %add3A_502 = arith.constant 0 : i32
      %add3A_503 = arith.addi %add3A_501, %add3A_502 : i32
      %gt3A = arith.constant 0 : i32
      %gt3A_504 = arith.cmpi sgt, %scan3A_499, %gt3A : i32
      %convert_element_type3A = arith.extui %gt3A_504 : i1 to i32
      %cond3A = arith.constant 0 : i32
      %cond3A_505 = arith.cmpi ne, %convert_element_type3A, %cond3A : i32
      scf.if %cond3A_505 {
        %sub3A_665 = arith.constant 4 : i32
        %sub3A_666 = arith.subi %add3A_503, %sub3A_665 : i32
        %sub3A_667 = arith.constant 1023 : i32
        %sub3A_668 = arith.subi %sub3A_667, %sub3A_666 : i32
        %sub3A_669 = arith.constant 512 : i32
        %sub3A_670 = arith.subi %sub3A_666, %sub3A_669 : i32
        %mul3A_671 = arith.constant 2 : i32
        %mul3A_672 = arith.muli %mul3A_671, %sub3A_670 : i32
        %dma_wait3A_673 = arith.constant 1 : i32
        %dma_wait3A_674 = tpu.memref_slice %arg4[%dma_wait3A_673] : memref<8x!tpu.dma_semaphore, #tpu.memory_space<semaphore_mem>> -> memref<1x!tpu.dma_semaphore, #tpu.memory_space<semaphore_mem>>
        %dma_wait3A_675 = tpu.memref_squeeze %dma_wait3A_674 : memref<1x!tpu.dma_semaphore, #tpu.memory_space<semaphore_mem>> -> memref<!tpu.dma_semaphore, #tpu.memory_space<semaphore_mem>>
        %dma_wait3A_676 = arith.constant 0 : i32
        %dma_wait3A_677 = arith.constant 0 : i32
        %dma_wait3A_678 = tpu.memref_slice %arg1[%mul3A_672, %dma_wait3A_676, %dma_wait3A_677] : memref<512x1024x128xf32, #tpu.memory_space<hbm>> -> memref<1x1024x128xf32, #tpu.memory_space<hbm>>
        %dma_wait3A_679 = tpu.memref_squeeze %dma_wait3A_678 : memref<1x1024x128xf32, #tpu.memory_space<hbm>> -> memref<1024x128xf32, #tpu.memory_space<hbm>>
        %dma_wait3A_680 = arith.constant 0 : i32
        %dma_wait3A_681 = tpu.memref_slice %arg3[%sub3A_668, %dma_wait3A_680] : memref<2048x128xf32, #tpu.memory_space<vmem>> -> memref<1024x128xf32, #tpu.memory_space<vmem>>
        tpu.wait_dma2 semaphore(%dma_wait3A_675 : memref<!tpu.dma_semaphore, #tpu.memory_space<semaphore_mem>>) src(%dma_wait3A_681 : memref<1024x128xf32, #tpu.memory_space<vmem>>) dst(%dma_wait3A_679 : memref<1024x128xf32, #tpu.memory_space<hbm>>)
        %sub3A_682 = arith.constant 4 : i32
        %sub3A_683 = arith.subi %add3A_503, %sub3A_682 : i32
        %sub3A_684 = arith.constant 1023 : i32
        %sub3A_685 = arith.subi %sub3A_684, %sub3A_683 : i32
        %sub3A_686 = arith.constant 512 : i32
        %sub3A_687 = arith.subi %sub3A_683, %sub3A_686 : i32
        %mul3A_688 = arith.constant 2 : i32
        %mul3A_689 = arith.muli %mul3A_688, %sub3A_687 : i32
        %add3A_690 = arith.constant 1 : i32
        %add3A_691 = arith.addi %mul3A_689, %add3A_690 : i32
        %dma_wait3A_692 = arith.constant 0 : i32
        %dma_wait3A_693 = tpu.memref_slice %arg4[%dma_wait3A_692] : memref<8x!tpu.dma_semaphore, #tpu.memory_space<semaphore_mem>> -> memref<1x!tpu.dma_semaphore, #tpu.memory_space<semaphore_mem>>
        %dma_wait3A_694 = tpu.memref_squeeze %dma_wait3A_693 : memref<1x!tpu.dma_semaphore, #tpu.memory_space<semaphore_mem>> -> memref<!tpu.dma_semaphore, #tpu.memory_space<semaphore_mem>>
        %dma_wait3A_695 = arith.constant 0 : i32
        %dma_wait3A_696 = arith.constant 0 : i32
        %dma_wait3A_697 = tpu.memref_slice %arg1[%add3A_691, %dma_wait3A_695, %dma_wait3A_696] : memref<512x1024x128xf32, #tpu.memory_space<hbm>> -> memref<1x1024x128xf32, #tpu.memory_space<hbm>>
        %dma_wait3A_698 = tpu.memref_squeeze %dma_wait3A_697 : memref<1x1024x128xf32, #tpu.memory_space<hbm>> -> memref<1024x128xf32, #tpu.memory_space<hbm>>
        %dma_wait3A_699 = arith.constant 0 : i32
        %dma_wait3A_700 = tpu.memref_slice %arg2[%sub3A_685, %dma_wait3A_699] : memref<2048x128xf32, #tpu.memory_space<vmem>> -> memref<1024x128xf32, #tpu.memory_space<vmem>>
        tpu.wait_dma2 semaphore(%dma_wait3A_694 : memref<!tpu.dma_semaphore, #tpu.memory_space<semaphore_mem>>) src(%dma_wait3A_700 : memref<1024x128xf32, #tpu.memory_space<vmem>>) dst(%dma_wait3A_698 : memref<1024x128xf32, #tpu.memory_space<hbm>>)
      } else {
      }
      %sub3A = arith.constant 1023 : i32
      %sub3A_506 = arith.subi %sub3A, %add3A_503 : i32
      %sub3A_507 = arith.constant 512 : i32
      %sub3A_508 = arith.subi %add3A_503, %sub3A_507 : i32
      %mul3A_509 = arith.constant 2 : i32
      %mul3A_510 = arith.muli %mul3A_509, %sub3A_508 : i32
      %dma_start3A = arith.constant 1 : i32
      %dma_start3A_511 = tpu.memref_slice %arg4[%dma_start3A] : memref<8x!tpu.dma_semaphore, #tpu.memory_space<semaphore_mem>> -> memref<1x!tpu.dma_semaphore, #tpu.memory_space<semaphore_mem>>
      %dma_start3A_512 = tpu.memref_squeeze %dma_start3A_511 : memref<1x!tpu.dma_semaphore, #tpu.memory_space<semaphore_mem>> -> memref<!tpu.dma_semaphore, #tpu.memory_space<semaphore_mem>>
      %dma_start3A_513 = arith.constant 0 : i32
      %dma_start3A_514 = arith.constant 0 : i32
      %dma_start3A_515 = tpu.memref_slice %arg1[%mul3A_510, %dma_start3A_513, %dma_start3A_514] : memref<512x1024x128xf32, #tpu.memory_space<hbm>> -> memref<1x1024x128xf32, #tpu.memory_space<hbm>>
      %dma_start3A_516 = tpu.memref_squeeze %dma_start3A_515 : memref<1x1024x128xf32, #tpu.memory_space<hbm>> -> memref<1024x128xf32, #tpu.memory_space<hbm>>
      %dma_start3A_517 = arith.constant 0 : i32
      %dma_start3A_518 = tpu.memref_slice %arg3[%sub3A_506, %dma_start3A_517] : memref<2048x128xf32, #tpu.memory_space<vmem>> -> memref<1024x128xf32, #tpu.memory_space<vmem>>
      tpu.enqueue_dma source(%dma_start3A_518 : memref<1024x128xf32, #tpu.memory_space<vmem>>) target(%dma_start3A_516 : memref<1024x128xf32, #tpu.memory_space<hbm>>) target_semaphore(%dma_start3A_512 : memref<!tpu.dma_semaphore, #tpu.memory_space<semaphore_mem>>)
      %sub3A_519 = arith.constant 1023 : i32
      %sub3A_520 = arith.subi %sub3A_519, %add3A_503 : i32
      %sub3A_521 = arith.constant 512 : i32
      %sub3A_522 = arith.subi %add3A_503, %sub3A_521 : i32
      %mul3A_523 = arith.constant 2 : i32
      %mul3A_524 = arith.muli %mul3A_523, %sub3A_522 : i32
      %add3A_525 = arith.constant 1 : i32
      %add3A_526 = arith.addi %mul3A_524, %add3A_525 : i32
      %dma_start3A_527 = arith.constant 0 : i32
      %dma_start3A_528 = tpu.memref_slice %arg4[%dma_start3A_527] : memref<8x!tpu.dma_semaphore, #tpu.memory_space<semaphore_mem>> -> memref<1x!tpu.dma_semaphore, #tpu.memory_space<semaphore_mem>>
      %dma_start3A_529 = tpu.memref_squeeze %dma_start3A_528 : memref<1x!tpu.dma_semaphore, #tpu.memory_space<semaphore_mem>> -> memref<!tpu.dma_semaphore, #tpu.memory_space<semaphore_mem>>
      %dma_start3A_530 = arith.constant 0 : i32
      %dma_start3A_531 = arith.constant 0 : i32
      %dma_start3A_532 = tpu.memref_slice %arg1[%add3A_526, %dma_start3A_530, %dma_start3A_531] : memref<512x1024x128xf32, #tpu.memory_space<hbm>> -> memref<1x1024x128xf32, #tpu.memory_space<hbm>>
      %dma_start3A_533 = tpu.memref_squeeze %dma_start3A_532 : memref<1x1024x128xf32, #tpu.memory_space<hbm>> -> memref<1024x128xf32, #tpu.memory_space<hbm>>
      %dma_start3A_534 = arith.constant 0 : i32
      %dma_start3A_535 = tpu.memref_slice %arg2[%sub3A_520, %dma_start3A_534] : memref<2048x128xf32, #tpu.memory_space<vmem>> -> memref<1024x128xf32, #tpu.memory_space<vmem>>
      tpu.enqueue_dma source(%dma_start3A_535 : memref<1024x128xf32, #tpu.memory_space<vmem>>) target(%dma_start3A_533 : memref<1024x128xf32, #tpu.memory_space<hbm>>) target_semaphore(%dma_start3A_529 : memref<!tpu.dma_semaphore, #tpu.memory_space<semaphore_mem>>)
      %mul3A_536 = arith.constant 4 : i32
      %mul3A_537 = arith.muli %scan3A_499, %mul3A_536 : i32
      %add3A_538 = arith.constant 512 : i32
      %add3A_539 = arith.addi %add3A_538, %mul3A_537 : i32
      %add3A_540 = arith.constant 1 : i32
      %add3A_541 = arith.addi %add3A_539, %add3A_540 : i32
      %gt3A_542 = arith.constant 0 : i32
      %gt3A_543 = arith.cmpi sgt, %scan3A_499, %gt3A_542 : i32
      %convert_element_type3A_544 = arith.extui %gt3A_543 : i1 to i32
      %cond3A_545 = arith.constant 0 : i32
      %cond3A_546 = arith.cmpi ne, %convert_element_type3A_544, %cond3A_545 : i32
      scf.if %cond3A_546 {
        %sub3A_665 = arith.constant 4 : i32
        %sub3A_666 = arith.subi %add3A_541, %sub3A_665 : i32
        %sub3A_667 = arith.constant 1023 : i32
        %sub3A_668 = arith.subi %sub3A_667, %sub3A_666 : i32
        %sub3A_669 = arith.constant 512 : i32
        %sub3A_670 = arith.subi %sub3A_666, %sub3A_669 : i32
        %mul3A_671 = arith.constant 2 : i32
        %mul3A_672 = arith.muli %mul3A_671, %sub3A_670 : i32
        %dma_wait3A_673 = arith.constant 3 : i32
        %dma_wait3A_674 = tpu.memref_slice %arg4[%dma_wait3A_673] : memref<8x!tpu.dma_semaphore, #tpu.memory_space<semaphore_mem>> -> memref<1x!tpu.dma_semaphore, #tpu.memory_space<semaphore_mem>>
        %dma_wait3A_675 = tpu.memref_squeeze %dma_wait3A_674 : memref<1x!tpu.dma_semaphore, #tpu.memory_space<semaphore_mem>> -> memref<!tpu.dma_semaphore, #tpu.memory_space<semaphore_mem>>
        %dma_wait3A_676 = arith.constant 0 : i32
        %dma_wait3A_677 = arith.constant 0 : i32
        %dma_wait3A_678 = tpu.memref_slice %arg1[%mul3A_672, %dma_wait3A_676, %dma_wait3A_677] : memref<512x1024x128xf32, #tpu.memory_space<hbm>> -> memref<1x1024x128xf32, #tpu.memory_space<hbm>>
        %dma_wait3A_679 = tpu.memref_squeeze %dma_wait3A_678 : memref<1x1024x128xf32, #tpu.memory_space<hbm>> -> memref<1024x128xf32, #tpu.memory_space<hbm>>
        %dma_wait3A_680 = arith.constant 0 : i32
        %dma_wait3A_681 = tpu.memref_slice %arg3[%sub3A_668, %dma_wait3A_680] : memref<2048x128xf32, #tpu.memory_space<vmem>> -> memref<1024x128xf32, #tpu.memory_space<vmem>>
        tpu.wait_dma2 semaphore(%dma_wait3A_675 : memref<!tpu.dma_semaphore, #tpu.memory_space<semaphore_mem>>) src(%dma_wait3A_681 : memref<1024x128xf32, #tpu.memory_space<vmem>>) dst(%dma_wait3A_679 : memref<1024x128xf32, #tpu.memory_space<hbm>>)
        %sub3A_682 = arith.constant 4 : i32
        %sub3A_683 = arith.subi %add3A_541, %sub3A_682 : i32
        %sub3A_684 = arith.constant 1023 : i32
        %sub3A_685 = arith.subi %sub3A_684, %sub3A_683 : i32
        %sub3A_686 = arith.constant 512 : i32
        %sub3A_687 = arith.subi %sub3A_683, %sub3A_686 : i32
        %mul3A_688 = arith.constant 2 : i32
        %mul3A_689 = arith.muli %mul3A_688, %sub3A_687 : i32
        %add3A_690 = arith.constant 1 : i32
        %add3A_691 = arith.addi %mul3A_689, %add3A_690 : i32
        %dma_wait3A_692 = arith.constant 2 : i32
        %dma_wait3A_693 = tpu.memref_slice %arg4[%dma_wait3A_692] : memref<8x!tpu.dma_semaphore, #tpu.memory_space<semaphore_mem>> -> memref<1x!tpu.dma_semaphore, #tpu.memory_space<semaphore_mem>>
        %dma_wait3A_694 = tpu.memref_squeeze %dma_wait3A_693 : memref<1x!tpu.dma_semaphore, #tpu.memory_space<semaphore_mem>> -> memref<!tpu.dma_semaphore, #tpu.memory_space<semaphore_mem>>
        %dma_wait3A_695 = arith.constant 0 : i32
        %dma_wait3A_696 = arith.constant 0 : i32
        %dma_wait3A_697 = tpu.memref_slice %arg1[%add3A_691, %dma_wait3A_695, %dma_wait3A_696] : memref<512x1024x128xf32, #tpu.memory_space<hbm>> -> memref<1x1024x128xf32, #tpu.memory_space<hbm>>
        %dma_wait3A_698 = tpu.memref_squeeze %dma_wait3A_697 : memref<1x1024x128xf32, #tpu.memory_space<hbm>> -> memref<1024x128xf32, #tpu.memory_space<hbm>>
        %dma_wait3A_699 = arith.constant 0 : i32
        %dma_wait3A_700 = tpu.memref_slice %arg2[%sub3A_685, %dma_wait3A_699] : memref<2048x128xf32, #tpu.memory_space<vmem>> -> memref<1024x128xf32, #tpu.memory_space<vmem>>
        tpu.wait_dma2 semaphore(%dma_wait3A_694 : memref<!tpu.dma_semaphore, #tpu.memory_space<semaphore_mem>>) src(%dma_wait3A_700 : memref<1024x128xf32, #tpu.memory_space<vmem>>) dst(%dma_wait3A_698 : memref<1024x128xf32, #tpu.memory_space<hbm>>)
      } else {
      }
      %sub3A_547 = arith.constant 1023 : i32
      %sub3A_548 = arith.subi %sub3A_547, %add3A_541 : i32
      %sub3A_549 = arith.constant 512 : i32
      %sub3A_550 = arith.subi %add3A_541, %sub3A_549 : i32
      %mul3A_551 = arith.constant 2 : i32
      %mul3A_552 = arith.muli %mul3A_551, %sub3A_550 : i32
      %dma_start3A_553 = arith.constant 3 : i32
      %dma_start3A_554 = tpu.memref_slice %arg4[%dma_start3A_553] : memref<8x!tpu.dma_semaphore, #tpu.memory_space<semaphore_mem>> -> memref<1x!tpu.dma_semaphore, #tpu.memory_space<semaphore_mem>>
      %dma_start3A_555 = tpu.memref_squeeze %dma_start3A_554 : memref<1x!tpu.dma_semaphore, #tpu.memory_space<semaphore_mem>> -> memref<!tpu.dma_semaphore, #tpu.memory_space<semaphore_mem>>
      %dma_start3A_556 = arith.constant 0 : i32
      %dma_start3A_557 = arith.constant 0 : i32
      %dma_start3A_558 = tpu.memref_slice %arg1[%mul3A_552, %dma_start3A_556, %dma_start3A_557] : memref<512x1024x128xf32, #tpu.memory_space<hbm>> -> memref<1x1024x128xf32, #tpu.memory_space<hbm>>
      %dma_start3A_559 = tpu.memref_squeeze %dma_start3A_558 : memref<1x1024x128xf32, #tpu.memory_space<hbm>> -> memref<1024x128xf32, #tpu.memory_space<hbm>>
      %dma_start3A_560 = arith.constant 0 : i32
      %dma_start3A_561 = tpu.memref_slice %arg3[%sub3A_548, %dma_start3A_560] : memref<2048x128xf32, #tpu.memory_space<vmem>> -> memref<1024x128xf32, #tpu.memory_space<vmem>>
      tpu.enqueue_dma source(%dma_start3A_561 : memref<1024x128xf32, #tpu.memory_space<vmem>>) target(%dma_start3A_559 : memref<1024x128xf32, #tpu.memory_space<hbm>>) target_semaphore(%dma_start3A_555 : memref<!tpu.dma_semaphore, #tpu.memory_space<semaphore_mem>>)
      %sub3A_562 = arith.constant 1023 : i32
      %sub3A_563 = arith.subi %sub3A_562, %add3A_541 : i32
      %sub3A_564 = arith.constant 512 : i32
      %sub3A_565 = arith.subi %add3A_541, %sub3A_564 : i32
      %mul3A_566 = arith.constant 2 : i32
      %mul3A_567 = arith.muli %mul3A_566, %sub3A_565 : i32
      %add3A_568 = arith.constant 1 : i32
      %add3A_569 = arith.addi %mul3A_567, %add3A_568 : i32
      %dma_start3A_570 = arith.constant 2 : i32
      %dma_start3A_571 = tpu.memref_slice %arg4[%dma_start3A_570] : memref<8x!tpu.dma_semaphore, #tpu.memory_space<semaphore_mem>> -> memref<1x!tpu.dma_semaphore, #tpu.memory_space<semaphore_mem>>
      %dma_start3A_572 = tpu.memref_squeeze %dma_start3A_571 : memref<1x!tpu.dma_semaphore, #tpu.memory_space<semaphore_mem>> -> memref<!tpu.dma_semaphore, #tpu.memory_space<semaphore_mem>>
      %dma_start3A_573 = arith.constant 0 : i32
      %dma_start3A_574 = arith.constant 0 : i32
      %dma_start3A_575 = tpu.memref_slice %arg1[%add3A_569, %dma_start3A_573, %dma_start3A_574] : memref<512x1024x128xf32, #tpu.memory_space<hbm>> -> memref<1x1024x128xf32, #tpu.memory_space<hbm>>
      %dma_start3A_576 = tpu.memref_squeeze %dma_start3A_575 : memref<1x1024x128xf32, #tpu.memory_space<hbm>> -> memref<1024x128xf32, #tpu.memory_space<hbm>>
      %dma_start3A_577 = arith.constant 0 : i32
      %dma_start3A_578 = tpu.memref_slice %arg2[%sub3A_563, %dma_start3A_577] : memref<2048x128xf32, #tpu.memory_space<vmem>> -> memref<1024x128xf32, #tpu.memory_space<vmem>>
      tpu.enqueue_dma source(%dma_start3A_578 : memref<1024x128xf32, #tpu.memory_space<vmem>>) target(%dma_start3A_576 : memref<1024x128xf32, #tpu.memory_space<hbm>>) target_semaphore(%dma_start3A_572 : memref<!tpu.dma_semaphore, #tpu.memory_space<semaphore_mem>>)
      %mul3A_579 = arith.constant 4 : i32
      %mul3A_580 = arith.muli %scan3A_499, %mul3A_579 : i32
      %add3A_581 = arith.constant 512 : i32
      %add3A_582 = arith.addi %add3A_581, %mul3A_580 : i32
      %add3A_583 = arith.constant 2 : i32
      %add3A_584 = arith.addi %add3A_582, %add3A_583 : i32
      %gt3A_585 = arith.constant 0 : i32
      %gt3A_586 = arith.cmpi sgt, %scan3A_499, %gt3A_585 : i32
      %convert_element_type3A_587 = arith.extui %gt3A_586 : i1 to i32
      %cond3A_588 = arith.constant 0 : i32
      %cond3A_589 = arith.cmpi ne, %convert_element_type3A_587, %cond3A_588 : i32
      scf.if %cond3A_589 {
        %sub3A_665 = arith.constant 4 : i32
        %sub3A_666 = arith.subi %add3A_584, %sub3A_665 : i32
        %sub3A_667 = arith.constant 1023 : i32
        %sub3A_668 = arith.subi %sub3A_667, %sub3A_666 : i32
        %sub3A_669 = arith.constant 512 : i32
        %sub3A_670 = arith.subi %sub3A_666, %sub3A_669 : i32
        %mul3A_671 = arith.constant 2 : i32
        %mul3A_672 = arith.muli %mul3A_671, %sub3A_670 : i32
        %dma_wait3A_673 = arith.constant 5 : i32
        %dma_wait3A_674 = tpu.memref_slice %arg4[%dma_wait3A_673] : memref<8x!tpu.dma_semaphore, #tpu.memory_space<semaphore_mem>> -> memref<1x!tpu.dma_semaphore, #tpu.memory_space<semaphore_mem>>
        %dma_wait3A_675 = tpu.memref_squeeze %dma_wait3A_674 : memref<1x!tpu.dma_semaphore, #tpu.memory_space<semaphore_mem>> -> memref<!tpu.dma_semaphore, #tpu.memory_space<semaphore_mem>>
        %dma_wait3A_676 = arith.constant 0 : i32
        %dma_wait3A_677 = arith.constant 0 : i32
        %dma_wait3A_678 = tpu.memref_slice %arg1[%mul3A_672, %dma_wait3A_676, %dma_wait3A_677] : memref<512x1024x128xf32, #tpu.memory_space<hbm>> -> memref<1x1024x128xf32, #tpu.memory_space<hbm>>
        %dma_wait3A_679 = tpu.memref_squeeze %dma_wait3A_678 : memref<1x1024x128xf32, #tpu.memory_space<hbm>> -> memref<1024x128xf32, #tpu.memory_space<hbm>>
        %dma_wait3A_680 = arith.constant 0 : i32
        %dma_wait3A_681 = tpu.memref_slice %arg3[%sub3A_668, %dma_wait3A_680] : memref<2048x128xf32, #tpu.memory_space<vmem>> -> memref<1024x128xf32, #tpu.memory_space<vmem>>
        tpu.wait_dma2 semaphore(%dma_wait3A_675 : memref<!tpu.dma_semaphore, #tpu.memory_space<semaphore_mem>>) src(%dma_wait3A_681 : memref<1024x128xf32, #tpu.memory_space<vmem>>) dst(%dma_wait3A_679 : memref<1024x128xf32, #tpu.memory_space<hbm>>)
        %sub3A_682 = arith.constant 4 : i32
        %sub3A_683 = arith.subi %add3A_584, %sub3A_682 : i32
        %sub3A_684 = arith.constant 1023 : i32
        %sub3A_685 = arith.subi %sub3A_684, %sub3A_683 : i32
        %sub3A_686 = arith.constant 512 : i32
        %sub3A_687 = arith.subi %sub3A_683, %sub3A_686 : i32
        %mul3A_688 = arith.constant 2 : i32
        %mul3A_689 = arith.muli %mul3A_688, %sub3A_687 : i32
        %add3A_690 = arith.constant 1 : i32
        %add3A_691 = arith.addi %mul3A_689, %add3A_690 : i32
        %dma_wait3A_692 = arith.constant 4 : i32
        %dma_wait3A_693 = tpu.memref_slice %arg4[%dma_wait3A_692] : memref<8x!tpu.dma_semaphore, #tpu.memory_space<semaphore_mem>> -> memref<1x!tpu.dma_semaphore, #tpu.memory_space<semaphore_mem>>
        %dma_wait3A_694 = tpu.memref_squeeze %dma_wait3A_693 : memref<1x!tpu.dma_semaphore, #tpu.memory_space<semaphore_mem>> -> memref<!tpu.dma_semaphore, #tpu.memory_space<semaphore_mem>>
        %dma_wait3A_695 = arith.constant 0 : i32
        %dma_wait3A_696 = arith.constant 0 : i32
        %dma_wait3A_697 = tpu.memref_slice %arg1[%add3A_691, %dma_wait3A_695, %dma_wait3A_696] : memref<512x1024x128xf32, #tpu.memory_space<hbm>> -> memref<1x1024x128xf32, #tpu.memory_space<hbm>>
        %dma_wait3A_698 = tpu.memref_squeeze %dma_wait3A_697 : memref<1x1024x128xf32, #tpu.memory_space<hbm>> -> memref<1024x128xf32, #tpu.memory_space<hbm>>
        %dma_wait3A_699 = arith.constant 0 : i32
        %dma_wait3A_700 = tpu.memref_slice %arg2[%sub3A_685, %dma_wait3A_699] : memref<2048x128xf32, #tpu.memory_space<vmem>> -> memref<1024x128xf32, #tpu.memory_space<vmem>>
        tpu.wait_dma2 semaphore(%dma_wait3A_694 : memref<!tpu.dma_semaphore, #tpu.memory_space<semaphore_mem>>) src(%dma_wait3A_700 : memref<1024x128xf32, #tpu.memory_space<vmem>>) dst(%dma_wait3A_698 : memref<1024x128xf32, #tpu.memory_space<hbm>>)
      } else {
      }
      %sub3A_590 = arith.constant 1023 : i32
      %sub3A_591 = arith.subi %sub3A_590, %add3A_584 : i32
      %sub3A_592 = arith.constant 512 : i32
      %sub3A_593 = arith.subi %add3A_584, %sub3A_592 : i32
      %mul3A_594 = arith.constant 2 : i32
      %mul3A_595 = arith.muli %mul3A_594, %sub3A_593 : i32
      %dma_start3A_596 = arith.constant 5 : i32
      %dma_start3A_597 = tpu.memref_slice %arg4[%dma_start3A_596] : memref<8x!tpu.dma_semaphore, #tpu.memory_space<semaphore_mem>> -> memref<1x!tpu.dma_semaphore, #tpu.memory_space<semaphore_mem>>
      %dma_start3A_598 = tpu.memref_squeeze %dma_start3A_597 : memref<1x!tpu.dma_semaphore, #tpu.memory_space<semaphore_mem>> -> memref<!tpu.dma_semaphore, #tpu.memory_space<semaphore_mem>>
      %dma_start3A_599 = arith.constant 0 : i32
      %dma_start3A_600 = arith.constant 0 : i32
      %dma_start3A_601 = tpu.memref_slice %arg1[%mul3A_595, %dma_start3A_599, %dma_start3A_600] : memref<512x1024x128xf32, #tpu.memory_space<hbm>> -> memref<1x1024x128xf32, #tpu.memory_space<hbm>>
      %dma_start3A_602 = tpu.memref_squeeze %dma_start3A_601 : memref<1x1024x128xf32, #tpu.memory_space<hbm>> -> memref<1024x128xf32, #tpu.memory_space<hbm>>
      %dma_start3A_603 = arith.constant 0 : i32
      %dma_start3A_604 = tpu.memref_slice %arg3[%sub3A_591, %dma_start3A_603] : memref<2048x128xf32, #tpu.memory_space<vmem>> -> memref<1024x128xf32, #tpu.memory_space<vmem>>
      tpu.enqueue_dma source(%dma_start3A_604 : memref<1024x128xf32, #tpu.memory_space<vmem>>) target(%dma_start3A_602 : memref<1024x128xf32, #tpu.memory_space<hbm>>) target_semaphore(%dma_start3A_598 : memref<!tpu.dma_semaphore, #tpu.memory_space<semaphore_mem>>)
      %sub3A_605 = arith.constant 1023 : i32
      %sub3A_606 = arith.subi %sub3A_605, %add3A_584 : i32
      %sub3A_607 = arith.constant 512 : i32
      %sub3A_608 = arith.subi %add3A_584, %sub3A_607 : i32
      %mul3A_609 = arith.constant 2 : i32
      %mul3A_610 = arith.muli %mul3A_609, %sub3A_608 : i32
      %add3A_611 = arith.constant 1 : i32
      %add3A_612 = arith.addi %mul3A_610, %add3A_611 : i32
      %dma_start3A_613 = arith.constant 4 : i32
      %dma_start3A_614 = tpu.memref_slice %arg4[%dma_start3A_613] : memref<8x!tpu.dma_semaphore, #tpu.memory_space<semaphore_mem>> -> memref<1x!tpu.dma_semaphore, #tpu.memory_space<semaphore_mem>>
      %dma_start3A_615 = tpu.memref_squeeze %dma_start3A_614 : memref<1x!tpu.dma_semaphore, #tpu.memory_space<semaphore_mem>> -> memref<!tpu.dma_semaphore, #tpu.memory_space<semaphore_mem>>
      %dma_start3A_616 = arith.constant 0 : i32
      %dma_start3A_617 = arith.constant 0 : i32
      %dma_start3A_618 = tpu.memref_slice %arg1[%add3A_612, %dma_start3A_616, %dma_start3A_617] : memref<512x1024x128xf32, #tpu.memory_space<hbm>> -> memref<1x1024x128xf32, #tpu.memory_space<hbm>>
      %dma_start3A_619 = tpu.memref_squeeze %dma_start3A_618 : memref<1x1024x128xf32, #tpu.memory_space<hbm>> -> memref<1024x128xf32, #tpu.memory_space<hbm>>
      %dma_start3A_620 = arith.constant 0 : i32
      %dma_start3A_621 = tpu.memref_slice %arg2[%sub3A_606, %dma_start3A_620] : memref<2048x128xf32, #tpu.memory_space<vmem>> -> memref<1024x128xf32, #tpu.memory_space<vmem>>
      tpu.enqueue_dma source(%dma_start3A_621 : memref<1024x128xf32, #tpu.memory_space<vmem>>) target(%dma_start3A_619 : memref<1024x128xf32, #tpu.memory_space<hbm>>) target_semaphore(%dma_start3A_615 : memref<!tpu.dma_semaphore, #tpu.memory_space<semaphore_mem>>)
      %mul3A_622 = arith.constant 4 : i32
      %mul3A_623 = arith.muli %scan3A_499, %mul3A_622 : i32
      %add3A_624 = arith.constant 512 : i32
      %add3A_625 = arith.addi %add3A_624, %mul3A_623 : i32
      %add3A_626 = arith.constant 3 : i32
      %add3A_627 = arith.addi %add3A_625, %add3A_626 : i32
      %gt3A_628 = arith.constant 0 : i32
      %gt3A_629 = arith.cmpi sgt, %scan3A_499, %gt3A_628 : i32
      %convert_element_type3A_630 = arith.extui %gt3A_629 : i1 to i32
      %cond3A_631 = arith.constant 0 : i32
      %cond3A_632 = arith.cmpi ne, %convert_element_type3A_630, %cond3A_631 : i32
      scf.if %cond3A_632 {
        %sub3A_665 = arith.constant 4 : i32
        %sub3A_666 = arith.subi %add3A_627, %sub3A_665 : i32
        %sub3A_667 = arith.constant 1023 : i32
        %sub3A_668 = arith.subi %sub3A_667, %sub3A_666 : i32
        %sub3A_669 = arith.constant 512 : i32
        %sub3A_670 = arith.subi %sub3A_666, %sub3A_669 : i32
        %mul3A_671 = arith.constant 2 : i32
        %mul3A_672 = arith.muli %mul3A_671, %sub3A_670 : i32
        %dma_wait3A_673 = arith.constant 7 : i32
        %dma_wait3A_674 = tpu.memref_slice %arg4[%dma_wait3A_673] : memref<8x!tpu.dma_semaphore, #tpu.memory_space<semaphore_mem>> -> memref<1x!tpu.dma_semaphore, #tpu.memory_space<semaphore_mem>>
        %dma_wait3A_675 = tpu.memref_squeeze %dma_wait3A_674 : memref<1x!tpu.dma_semaphore, #tpu.memory_space<semaphore_mem>> -> memref<!tpu.dma_semaphore, #tpu.memory_space<semaphore_mem>>
        %dma_wait3A_676 = arith.constant 0 : i32
        %dma_wait3A_677 = arith.constant 0 : i32
        %dma_wait3A_678 = tpu.memref_slice %arg1[%mul3A_672, %dma_wait3A_676, %dma_wait3A_677] : memref<512x1024x128xf32, #tpu.memory_space<hbm>> -> memref<1x1024x128xf32, #tpu.memory_space<hbm>>
        %dma_wait3A_679 = tpu.memref_squeeze %dma_wait3A_678 : memref<1x1024x128xf32, #tpu.memory_space<hbm>> -> memref<1024x128xf32, #tpu.memory_space<hbm>>
        %dma_wait3A_680 = arith.constant 0 : i32
        %dma_wait3A_681 = tpu.memref_slice %arg3[%sub3A_668, %dma_wait3A_680] : memref<2048x128xf32, #tpu.memory_space<vmem>> -> memref<1024x128xf32, #tpu.memory_space<vmem>>
        tpu.wait_dma2 semaphore(%dma_wait3A_675 : memref<!tpu.dma_semaphore, #tpu.memory_space<semaphore_mem>>) src(%dma_wait3A_681 : memref<1024x128xf32, #tpu.memory_space<vmem>>) dst(%dma_wait3A_679 : memref<1024x128xf32, #tpu.memory_space<hbm>>)
        %sub3A_682 = arith.constant 4 : i32
        %sub3A_683 = arith.subi %add3A_627, %sub3A_682 : i32
        %sub3A_684 = arith.constant 1023 : i32
        %sub3A_685 = arith.subi %sub3A_684, %sub3A_683 : i32
        %sub3A_686 = arith.constant 512 : i32
        %sub3A_687 = arith.subi %sub3A_683, %sub3A_686 : i32
        %mul3A_688 = arith.constant 2 : i32
        %mul3A_689 = arith.muli %mul3A_688, %sub3A_687 : i32
        %add3A_690 = arith.constant 1 : i32
        %add3A_691 = arith.addi %mul3A_689, %add3A_690 : i32
        %dma_wait3A_692 = arith.constant 6 : i32
        %dma_wait3A_693 = tpu.memref_slice %arg4[%dma_wait3A_692] : memref<8x!tpu.dma_semaphore, #tpu.memory_space<semaphore_mem>> -> memref<1x!tpu.dma_semaphore, #tpu.memory_space<semaphore_mem>>
        %dma_wait3A_694 = tpu.memref_squeeze %dma_wait3A_693 : memref<1x!tpu.dma_semaphore, #tpu.memory_space<semaphore_mem>> -> memref<!tpu.dma_semaphore, #tpu.memory_space<semaphore_mem>>
        %dma_wait3A_695 = arith.constant 0 : i32
        %dma_wait3A_696 = arith.constant 0 : i32
        %dma_wait3A_697 = tpu.memref_slice %arg1[%add3A_691, %dma_wait3A_695, %dma_wait3A_696] : memref<512x1024x128xf32, #tpu.memory_space<hbm>> -> memref<1x1024x128xf32, #tpu.memory_space<hbm>>
        %dma_wait3A_698 = tpu.memref_squeeze %dma_wait3A_697 : memref<1x1024x128xf32, #tpu.memory_space<hbm>> -> memref<1024x128xf32, #tpu.memory_space<hbm>>
        %dma_wait3A_699 = arith.constant 0 : i32
        %dma_wait3A_700 = tpu.memref_slice %arg2[%sub3A_685, %dma_wait3A_699] : memref<2048x128xf32, #tpu.memory_space<vmem>> -> memref<1024x128xf32, #tpu.memory_space<vmem>>
        tpu.wait_dma2 semaphore(%dma_wait3A_694 : memref<!tpu.dma_semaphore, #tpu.memory_space<semaphore_mem>>) src(%dma_wait3A_700 : memref<1024x128xf32, #tpu.memory_space<vmem>>) dst(%dma_wait3A_698 : memref<1024x128xf32, #tpu.memory_space<hbm>>)
      } else {
      }
      %sub3A_633 = arith.constant 1023 : i32
      %sub3A_634 = arith.subi %sub3A_633, %add3A_627 : i32
      %sub3A_635 = arith.constant 512 : i32
      %sub3A_636 = arith.subi %add3A_627, %sub3A_635 : i32
      %mul3A_637 = arith.constant 2 : i32
      %mul3A_638 = arith.muli %mul3A_637, %sub3A_636 : i32
      %dma_start3A_639 = arith.constant 7 : i32
      %dma_start3A_640 = tpu.memref_slice %arg4[%dma_start3A_639] : memref<8x!tpu.dma_semaphore, #tpu.memory_space<semaphore_mem>> -> memref<1x!tpu.dma_semaphore, #tpu.memory_space<semaphore_mem>>
      %dma_start3A_641 = tpu.memref_squeeze %dma_start3A_640 : memref<1x!tpu.dma_semaphore, #tpu.memory_space<semaphore_mem>> -> memref<!tpu.dma_semaphore, #tpu.memory_space<semaphore_mem>>
      %dma_start3A_642 = arith.constant 0 : i32
      %dma_start3A_643 = arith.constant 0 : i32
      %dma_start3A_644 = tpu.memref_slice %arg1[%mul3A_638, %dma_start3A_642, %dma_start3A_643] : memref<512x1024x128xf32, #tpu.memory_space<hbm>> -> memref<1x1024x128xf32, #tpu.memory_space<hbm>>
      %dma_start3A_645 = tpu.memref_squeeze %dma_start3A_644 : memref<1x1024x128xf32, #tpu.memory_space<hbm>> -> memref<1024x128xf32, #tpu.memory_space<hbm>>
      %dma_start3A_646 = arith.constant 0 : i32
      %dma_start3A_647 = tpu.memref_slice %arg3[%sub3A_634, %dma_start3A_646] : memref<2048x128xf32, #tpu.memory_space<vmem>> -> memref<1024x128xf32, #tpu.memory_space<vmem>>
      tpu.enqueue_dma source(%dma_start3A_647 : memref<1024x128xf32, #tpu.memory_space<vmem>>) target(%dma_start3A_645 : memref<1024x128xf32, #tpu.memory_space<hbm>>) target_semaphore(%dma_start3A_641 : memref<!tpu.dma_semaphore, #tpu.memory_space<semaphore_mem>>)
      %sub3A_648 = arith.constant 1023 : i32
      %sub3A_649 = arith.subi %sub3A_648, %add3A_627 : i32
      %sub3A_650 = arith.constant 512 : i32
      %sub3A_651 = arith.subi %add3A_627, %sub3A_650 : i32
      %mul3A_652 = arith.constant 2 : i32
      %mul3A_653 = arith.muli %mul3A_652, %sub3A_651 : i32
      %add3A_654 = arith.constant 1 : i32
      %add3A_655 = arith.addi %mul3A_653, %add3A_654 : i32
      %dma_start3A_656 = arith.constant 6 : i32
      %dma_start3A_657 = tpu.memref_slice %arg4[%dma_start3A_656] : memref<8x!tpu.dma_semaphore, #tpu.memory_space<semaphore_mem>> -> memref<1x!tpu.dma_semaphore, #tpu.memory_space<semaphore_mem>>
      %dma_start3A_658 = tpu.memref_squeeze %dma_start3A_657 : memref<1x!tpu.dma_semaphore, #tpu.memory_space<semaphore_mem>> -> memref<!tpu.dma_semaphore, #tpu.memory_space<semaphore_mem>>
      %dma_start3A_659 = arith.constant 0 : i32
      %dma_start3A_660 = arith.constant 0 : i32
      %dma_start3A_661 = tpu.memref_slice %arg1[%add3A_655, %dma_start3A_659, %dma_start3A_660] : memref<512x1024x128xf32, #tpu.memory_space<hbm>> -> memref<1x1024x128xf32, #tpu.memory_space<hbm>>
      %dma_start3A_662 = tpu.memref_squeeze %dma_start3A_661 : memref<1x1024x128xf32, #tpu.memory_space<hbm>> -> memref<1024x128xf32, #tpu.memory_space<hbm>>
      %dma_start3A_663 = arith.constant 0 : i32
      %dma_start3A_664 = tpu.memref_slice %arg2[%sub3A_649, %dma_start3A_663] : memref<2048x128xf32, #tpu.memory_space<vmem>> -> memref<1024x128xf32, #tpu.memory_space<vmem>>
      tpu.enqueue_dma source(%dma_start3A_664 : memref<1024x128xf32, #tpu.memory_space<vmem>>) target(%dma_start3A_662 : memref<1024x128xf32, #tpu.memory_space<hbm>>) target_semaphore(%dma_start3A_658 : memref<!tpu.dma_semaphore, #tpu.memory_space<semaphore_mem>>)
    }
    %scan3A_411 = arith.constant 64 : i32
    %dma_wait3A = arith.constant 504 : i32
    %dma_wait3A_412 = arith.constant 1 : i32
    %dma_wait3A_413 = tpu.memref_slice %arg4[%dma_wait3A_412] : memref<8x!tpu.dma_semaphore, #tpu.memory_space<semaphore_mem>> -> memref<1x!tpu.dma_semaphore, #tpu.memory_space<semaphore_mem>>
    %dma_wait3A_414 = tpu.memref_squeeze %dma_wait3A_413 : memref<1x!tpu.dma_semaphore, #tpu.memory_space<semaphore_mem>> -> memref<!tpu.dma_semaphore, #tpu.memory_space<semaphore_mem>>
    %dma_wait3A_415 = arith.constant 0 : i32
    %dma_wait3A_416 = arith.constant 0 : i32
    %dma_wait3A_417 = tpu.memref_slice %arg1[%dma_wait3A, %dma_wait3A_415, %dma_wait3A_416] : memref<512x1024x128xf32, #tpu.memory_space<hbm>> -> memref<1x1024x128xf32, #tpu.memory_space<hbm>>
    %dma_wait3A_418 = tpu.memref_squeeze %dma_wait3A_417 : memref<1x1024x128xf32, #tpu.memory_space<hbm>> -> memref<1024x128xf32, #tpu.memory_space<hbm>>
    %dma_wait3A_419 = arith.constant 259 : i32
    %dma_wait3A_420 = arith.constant 0 : i32
    %dma_wait3A_421 = tpu.memref_slice %arg3[%dma_wait3A_419, %dma_wait3A_420] : memref<2048x128xf32, #tpu.memory_space<vmem>> -> memref<1024x128xf32, #tpu.memory_space<vmem>>
    tpu.wait_dma2 semaphore(%dma_wait3A_414 : memref<!tpu.dma_semaphore, #tpu.memory_space<semaphore_mem>>) src(%dma_wait3A_421 : memref<1024x128xf32, #tpu.memory_space<vmem>>) dst(%dma_wait3A_418 : memref<1024x128xf32, #tpu.memory_space<hbm>>)
    %dma_wait3A_422 = arith.constant 505 : i32
    %dma_wait3A_423 = arith.constant 0 : i32
    %dma_wait3A_424 = tpu.memref_slice %arg4[%dma_wait3A_423] : memref<8x!tpu.dma_semaphore, #tpu.memory_space<semaphore_mem>> -> memref<1x!tpu.dma_semaphore, #tpu.memory_space<semaphore_mem>>
    %dma_wait3A_425 = tpu.memref_squeeze %dma_wait3A_424 : memref<1x!tpu.dma_semaphore, #tpu.memory_space<semaphore_mem>> -> memref<!tpu.dma_semaphore, #tpu.memory_space<semaphore_mem>>
    %dma_wait3A_426 = arith.constant 0 : i32
    %dma_wait3A_427 = arith.constant 0 : i32
    %dma_wait3A_428 = tpu.memref_slice %arg1[%dma_wait3A_422, %dma_wait3A_426, %dma_wait3A_427] : memref<512x1024x128xf32, #tpu.memory_space<hbm>> -> memref<1x1024x128xf32, #tpu.memory_space<hbm>>
    %dma_wait3A_429 = tpu.memref_squeeze %dma_wait3A_428 : memref<1x1024x128xf32, #tpu.memory_space<hbm>> -> memref<1024x128xf32, #tpu.memory_space<hbm>>
    %dma_wait3A_430 = arith.constant 259 : i32
    %dma_wait3A_431 = arith.constant 0 : i32
    %dma_wait3A_432 = tpu.memref_slice %arg2[%dma_wait3A_430, %dma_wait3A_431] : memref<2048x128xf32, #tpu.memory_space<vmem>> -> memref<1024x128xf32, #tpu.memory_space<vmem>>
    tpu.wait_dma2 semaphore(%dma_wait3A_425 : memref<!tpu.dma_semaphore, #tpu.memory_space<semaphore_mem>>) src(%dma_wait3A_432 : memref<1024x128xf32, #tpu.memory_space<vmem>>) dst(%dma_wait3A_429 : memref<1024x128xf32, #tpu.memory_space<hbm>>)
    %dma_wait3A_433 = arith.constant 506 : i32
    %dma_wait3A_434 = arith.constant 3 : i32
    %dma_wait3A_435 = tpu.memref_slice %arg4[%dma_wait3A_434] : memref<8x!tpu.dma_semaphore, #tpu.memory_space<semaphore_mem>> -> memref<1x!tpu.dma_semaphore, #tpu.memory_space<semaphore_mem>>
    %dma_wait3A_436 = tpu.memref_squeeze %dma_wait3A_435 : memref<1x!tpu.dma_semaphore, #tpu.memory_space<semaphore_mem>> -> memref<!tpu.dma_semaphore, #tpu.memory_space<semaphore_mem>>
    %dma_wait3A_437 = arith.constant 0 : i32
    %dma_wait3A_438 = arith.constant 0 : i32
    %dma_wait3A_439 = tpu.memref_slice %arg1[%dma_wait3A_433, %dma_wait3A_437, %dma_wait3A_438] : memref<512x1024x128xf32, #tpu.memory_space<hbm>> -> memref<1x1024x128xf32, #tpu.memory_space<hbm>>
    %dma_wait3A_440 = tpu.memref_squeeze %dma_wait3A_439 : memref<1x1024x128xf32, #tpu.memory_space<hbm>> -> memref<1024x128xf32, #tpu.memory_space<hbm>>
    %dma_wait3A_441 = arith.constant 258 : i32
    %dma_wait3A_442 = arith.constant 0 : i32
    %dma_wait3A_443 = tpu.memref_slice %arg3[%dma_wait3A_441, %dma_wait3A_442] : memref<2048x128xf32, #tpu.memory_space<vmem>> -> memref<1024x128xf32, #tpu.memory_space<vmem>>
    tpu.wait_dma2 semaphore(%dma_wait3A_436 : memref<!tpu.dma_semaphore, #tpu.memory_space<semaphore_mem>>) src(%dma_wait3A_443 : memref<1024x128xf32, #tpu.memory_space<vmem>>) dst(%dma_wait3A_440 : memref<1024x128xf32, #tpu.memory_space<hbm>>)
    %dma_wait3A_444 = arith.constant 507 : i32
    %dma_wait3A_445 = arith.constant 2 : i32
    %dma_wait3A_446 = tpu.memref_slice %arg4[%dma_wait3A_445] : memref<8x!tpu.dma_semaphore, #tpu.memory_space<semaphore_mem>> -> memref<1x!tpu.dma_semaphore, #tpu.memory_space<semaphore_mem>>
    %dma_wait3A_447 = tpu.memref_squeeze %dma_wait3A_446 : memref<1x!tpu.dma_semaphore, #tpu.memory_space<semaphore_mem>> -> memref<!tpu.dma_semaphore, #tpu.memory_space<semaphore_mem>>
    %dma_wait3A_448 = arith.constant 0 : i32
    %dma_wait3A_449 = arith.constant 0 : i32
    %dma_wait3A_450 = tpu.memref_slice %arg1[%dma_wait3A_444, %dma_wait3A_448, %dma_wait3A_449] : memref<512x1024x128xf32, #tpu.memory_space<hbm>> -> memref<1x1024x128xf32, #tpu.memory_space<hbm>>
    %dma_wait3A_451 = tpu.memref_squeeze %dma_wait3A_450 : memref<1x1024x128xf32, #tpu.memory_space<hbm>> -> memref<1024x128xf32, #tpu.memory_space<hbm>>
    %dma_wait3A_452 = arith.constant 258 : i32
    %dma_wait3A_453 = arith.constant 0 : i32
    %dma_wait3A_454 = tpu.memref_slice %arg2[%dma_wait3A_452, %dma_wait3A_453] : memref<2048x128xf32, #tpu.memory_space<vmem>> -> memref<1024x128xf32, #tpu.memory_space<vmem>>
    tpu.wait_dma2 semaphore(%dma_wait3A_447 : memref<!tpu.dma_semaphore, #tpu.memory_space<semaphore_mem>>) src(%dma_wait3A_454 : memref<1024x128xf32, #tpu.memory_space<vmem>>) dst(%dma_wait3A_451 : memref<1024x128xf32, #tpu.memory_space<hbm>>)
    %dma_wait3A_455 = arith.constant 508 : i32
    %dma_wait3A_456 = arith.constant 5 : i32
    %dma_wait3A_457 = tpu.memref_slice %arg4[%dma_wait3A_456] : memref<8x!tpu.dma_semaphore, #tpu.memory_space<semaphore_mem>> -> memref<1x!tpu.dma_semaphore, #tpu.memory_space<semaphore_mem>>
    %dma_wait3A_458 = tpu.memref_squeeze %dma_wait3A_457 : memref<1x!tpu.dma_semaphore, #tpu.memory_space<semaphore_mem>> -> memref<!tpu.dma_semaphore, #tpu.memory_space<semaphore_mem>>
    %dma_wait3A_459 = arith.constant 0 : i32
    %dma_wait3A_460 = arith.constant 0 : i32
    %dma_wait3A_461 = tpu.memref_slice %arg1[%dma_wait3A_455, %dma_wait3A_459, %dma_wait3A_460] : memref<512x1024x128xf32, #tpu.memory_space<hbm>> -> memref<1x1024x128xf32, #tpu.memory_space<hbm>>
    %dma_wait3A_462 = tpu.memref_squeeze %dma_wait3A_461 : memref<1x1024x128xf32, #tpu.memory_space<hbm>> -> memref<1024x128xf32, #tpu.memory_space<hbm>>
    %dma_wait3A_463 = arith.constant 257 : i32
    %dma_wait3A_464 = arith.constant 0 : i32
    %dma_wait3A_465 = tpu.memref_slice %arg3[%dma_wait3A_463, %dma_wait3A_464] : memref<2048x128xf32, #tpu.memory_space<vmem>> -> memref<1024x128xf32, #tpu.memory_space<vmem>>
    tpu.wait_dma2 semaphore(%dma_wait3A_458 : memref<!tpu.dma_semaphore, #tpu.memory_space<semaphore_mem>>) src(%dma_wait3A_465 : memref<1024x128xf32, #tpu.memory_space<vmem>>) dst(%dma_wait3A_462 : memref<1024x128xf32, #tpu.memory_space<hbm>>)
    %dma_wait3A_466 = arith.constant 509 : i32
    %dma_wait3A_467 = arith.constant 4 : i32
    %dma_wait3A_468 = tpu.memref_slice %arg4[%dma_wait3A_467] : memref<8x!tpu.dma_semaphore, #tpu.memory_space<semaphore_mem>> -> memref<1x!tpu.dma_semaphore, #tpu.memory_space<semaphore_mem>>
    %dma_wait3A_469 = tpu.memref_squeeze %dma_wait3A_468 : memref<1x!tpu.dma_semaphore, #tpu.memory_space<semaphore_mem>> -> memref<!tpu.dma_semaphore, #tpu.memory_space<semaphore_mem>>
    %dma_wait3A_470 = arith.constant 0 : i32
    %dma_wait3A_471 = arith.constant 0 : i32
    %dma_wait3A_472 = tpu.memref_slice %arg1[%dma_wait3A_466, %dma_wait3A_470, %dma_wait3A_471] : memref<512x1024x128xf32, #tpu.memory_space<hbm>> -> memref<1x1024x128xf32, #tpu.memory_space<hbm>>
    %dma_wait3A_473 = tpu.memref_squeeze %dma_wait3A_472 : memref<1x1024x128xf32, #tpu.memory_space<hbm>> -> memref<1024x128xf32, #tpu.memory_space<hbm>>
    %dma_wait3A_474 = arith.constant 257 : i32
    %dma_wait3A_475 = arith.constant 0 : i32
    %dma_wait3A_476 = tpu.memref_slice %arg2[%dma_wait3A_474, %dma_wait3A_475] : memref<2048x128xf32, #tpu.memory_space<vmem>> -> memref<1024x128xf32, #tpu.memory_space<vmem>>
    tpu.wait_dma2 semaphore(%dma_wait3A_469 : memref<!tpu.dma_semaphore, #tpu.memory_space<semaphore_mem>>) src(%dma_wait3A_476 : memref<1024x128xf32, #tpu.memory_space<vmem>>) dst(%dma_wait3A_473 : memref<1024x128xf32, #tpu.memory_space<hbm>>)
    %dma_wait3A_477 = arith.constant 510 : i32
    %dma_wait3A_478 = arith.constant 7 : i32
    %dma_wait3A_479 = tpu.memref_slice %arg4[%dma_wait3A_478] : memref<8x!tpu.dma_semaphore, #tpu.memory_space<semaphore_mem>> -> memref<1x!tpu.dma_semaphore, #tpu.memory_space<semaphore_mem>>
    %dma_wait3A_480 = tpu.memref_squeeze %dma_wait3A_479 : memref<1x!tpu.dma_semaphore, #tpu.memory_space<semaphore_mem>> -> memref<!tpu.dma_semaphore, #tpu.memory_space<semaphore_mem>>
    %dma_wait3A_481 = arith.constant 0 : i32
    %dma_wait3A_482 = arith.constant 0 : i32
    %dma_wait3A_483 = tpu.memref_slice %arg1[%dma_wait3A_477, %dma_wait3A_481, %dma_wait3A_482] : memref<512x1024x128xf32, #tpu.memory_space<hbm>> -> memref<1x1024x128xf32, #tpu.memory_space<hbm>>
    %dma_wait3A_484 = tpu.memref_squeeze %dma_wait3A_483 : memref<1x1024x128xf32, #tpu.memory_space<hbm>> -> memref<1024x128xf32, #tpu.memory_space<hbm>>
    %dma_wait3A_485 = arith.constant 256 : i32
    %dma_wait3A_486 = arith.constant 0 : i32
    %dma_wait3A_487 = tpu.memref_slice %arg3[%dma_wait3A_485, %dma_wait3A_486] : memref<2048x128xf32, #tpu.memory_space<vmem>> -> memref<1024x128xf32, #tpu.memory_space<vmem>>
    tpu.wait_dma2 semaphore(%dma_wait3A_480 : memref<!tpu.dma_semaphore, #tpu.memory_space<semaphore_mem>>) src(%dma_wait3A_487 : memref<1024x128xf32, #tpu.memory_space<vmem>>) dst(%dma_wait3A_484 : memref<1024x128xf32, #tpu.memory_space<hbm>>)
    %dma_wait3A_488 = arith.constant 511 : i32
    %dma_wait3A_489 = arith.constant 6 : i32
    %dma_wait3A_490 = tpu.memref_slice %arg4[%dma_wait3A_489] : memref<8x!tpu.dma_semaphore, #tpu.memory_space<semaphore_mem>> -> memref<1x!tpu.dma_semaphore, #tpu.memory_space<semaphore_mem>>
    %dma_wait3A_491 = tpu.memref_squeeze %dma_wait3A_490 : memref<1x!tpu.dma_semaphore, #tpu.memory_space<semaphore_mem>> -> memref<!tpu.dma_semaphore, #tpu.memory_space<semaphore_mem>>
    %dma_wait3A_492 = arith.constant 0 : i32
    %dma_wait3A_493 = arith.constant 0 : i32
    %dma_wait3A_494 = tpu.memref_slice %arg1[%dma_wait3A_488, %dma_wait3A_492, %dma_wait3A_493] : memref<512x1024x128xf32, #tpu.memory_space<hbm>> -> memref<1x1024x128xf32, #tpu.memory_space<hbm>>
    %dma_wait3A_495 = tpu.memref_squeeze %dma_wait3A_494 : memref<1x1024x128xf32, #tpu.memory_space<hbm>> -> memref<1024x128xf32, #tpu.memory_space<hbm>>
    %dma_wait3A_496 = arith.constant 256 : i32
    %dma_wait3A_497 = arith.constant 0 : i32
    %dma_wait3A_498 = tpu.memref_slice %arg2[%dma_wait3A_496, %dma_wait3A_497] : memref<2048x128xf32, #tpu.memory_space<vmem>> -> memref<1024x128xf32, #tpu.memory_space<vmem>>
    tpu.wait_dma2 semaphore(%dma_wait3A_491 : memref<!tpu.dma_semaphore, #tpu.memory_space<semaphore_mem>>) src(%dma_wait3A_498 : memref<1024x128xf32, #tpu.memory_space<vmem>>) dst(%dma_wait3A_495 : memref<1024x128xf32, #tpu.memory_space<hbm>>)
    return
  }
}

module attributes {stable_mosaic.version = 14 : i64} {
  func.func @_rpe_kernel(%arg0: memref<33x64xf32, #tpu.memory_space<vmem>>, %arg1: memref<512x1024x128xf32, #tpu.memory_space<hbm>>, %arg2: memref<2048x128xf32, #tpu.memory_space<vmem>>, %arg3: memref<2048x128xf32, #tpu.memory_space<vmem>>, %arg4: memref<8x!tpu.dma_semaphore, #tpu.memory_space<semaphore_mem>>) attributes {dimension_semantics = [], scalar_prefetch = 0 : i64, scratch_operands = 3 : i64, tpu.core_type = #tpu.core_type<tc>} {
    %get3A = arith.constant 0 : index
    %get3A_0 = arith.constant 0 : index
    %get3A_1 = vector.load %arg0[%get3A, %get3A_0] : memref<33x64xf32, #tpu.memory_space<vmem>>, vector<1x64xf32>
    %get3A_2 = arith.constant 32 : index
    %get3A_3 = arith.constant 0 : index
    %get3A_4 = vector.load %arg0[%get3A_2, %get3A_3] : memref<33x64xf32, #tpu.memory_space<vmem>>, vector<1x64xf32>
    %concatenate3A = tpu.concatenate %get3A_1, %get3A_1 in 1 : vector<1x64xf32>, vector<1x64xf32> -> vector<1x128xf32>
    %concatenate3A_5 = tpu.concatenate %get3A_4, %get3A_4 in 1 : vector<1x64xf32>, vector<1x64xf32> -> vector<1x128xf32>
    %broadcast_in_dim3A = vector.shape_cast %concatenate3A : vector<1x128xf32> to vector<1x128xf32>
    %broadcast_in_dim3A_6 = vector.broadcast %broadcast_in_dim3A : vector<1x128xf32> to vector<1016x128xf32>
    %swap3A = arith.constant 0 : index
    %swap3A_7 = arith.constant 0 : index
    %swap3A_8 = vector.load %arg2[%swap3A, %swap3A_7] : memref<2048x128xf32, #tpu.memory_space<vmem>>, vector<1016x128xf32>
    tpu.vector_store %arg2[%swap3A, %swap3A_7], %broadcast_in_dim3A_6 {strides = array<i32>} : memref<2048x128xf32, #tpu.memory_space<vmem>>, vector<1016x128xf32>,
    %broadcast_in_dim3A_9 = vector.shape_cast %concatenate3A_5 : vector<1x128xf32> to vector<1x128xf32>
    %broadcast_in_dim3A_10 = vector.broadcast %broadcast_in_dim3A_9 : vector<1x128xf32> to vector<1016x128xf32>
    %swap3A_11 = arith.constant 1032 : index
    %swap3A_12 = arith.constant 0 : index
    %swap3A_13 = vector.load %arg2[%swap3A_11, %swap3A_12] : memref<2048x128xf32, #tpu.memory_space<vmem>>, vector<1016x128xf32>
    tpu.vector_store %arg2[%swap3A_11, %swap3A_12], %broadcast_in_dim3A_10 {strides = array<i32>} : memref<2048x128xf32, #tpu.memory_space<vmem>>, vector<1016x128xf32>,
    %broadcast_in_dim3A_14 = vector.shape_cast %concatenate3A : vector<1x128xf32> to vector<1x128xf32>
    %broadcast_in_dim3A_15 = vector.broadcast %broadcast_in_dim3A_14 : vector<1x128xf32> to vector<1015x128xf32>
    %swap3A_16 = arith.constant 0 : index
    %swap3A_17 = arith.constant 0 : index
    %swap3A_18 = vector.load %arg3[%swap3A_16, %swap3A_17] : memref<2048x128xf32, #tpu.memory_space<vmem>>, vector<1015x128xf32>
    tpu.vector_store %arg3[%swap3A_16, %swap3A_17], %broadcast_in_dim3A_15 {strides = array<i32>} : memref<2048x128xf32, #tpu.memory_space<vmem>>, vector<1015x128xf32>,
    %broadcast_in_dim3A_19 = vector.shape_cast %concatenate3A_5 : vector<1x128xf32> to vector<1x128xf32>
    %broadcast_in_dim3A_20 = vector.broadcast %broadcast_in_dim3A_19 : vector<1x128xf32> to vector<1017x128xf32>
    %swap3A_21 = arith.constant 1031 : index
    %swap3A_22 = arith.constant 0 : index
    %swap3A_23 = vector.load %arg3[%swap3A_21, %swap3A_22] : memref<2048x128xf32, #tpu.memory_space<vmem>>, vector<1017x128xf32>
    tpu.vector_store %arg3[%swap3A_21, %swap3A_22], %broadcast_in_dim3A_20 {strides = array<i32>} : memref<2048x128xf32, #tpu.memory_space<vmem>>, vector<1017x128xf32>,
    %get3A_24 = arith.constant 1 : index
    %get3A_25 = arith.constant 0 : index
    %get3A_26 = vector.load %arg0[%get3A_24, %get3A_25] : memref<33x64xf32, #tpu.memory_space<vmem>>, vector<1x64xf32>
    %swap3A_27 = arith.constant 1016 : index
    %swap3A_28 = arith.constant 0 : index
    %swap3A_29 = vector.load %arg2[%swap3A_27, %swap3A_28] : memref<2048x128xf32, #tpu.memory_space<vmem>>, vector<1x64xf32>
    tpu.vector_store %arg2[%swap3A_27, %swap3A_28], %get3A_26 {strides = array<i32>} : memref<2048x128xf32, #tpu.memory_space<vmem>>, vector<1x64xf32>,
    %get3A_30 = arith.constant 2 : index
    %get3A_31 = arith.constant 0 : index
    %get3A_32 = vector.load %arg0[%get3A_30, %get3A_31] : memref<33x64xf32, #tpu.memory_space<vmem>>, vector<1x64xf32>
    %swap3A_33 = arith.constant 1016 : index
    %swap3A_34 = arith.constant 64 : index
    %swap3A_35 = vector.load %arg2[%swap3A_33, %swap3A_34] : memref<2048x128xf32, #tpu.memory_space<vmem>>, vector<1x64xf32>
    tpu.vector_store %arg2[%swap3A_33, %swap3A_34], %get3A_32 {strides = array<i32>} : memref<2048x128xf32, #tpu.memory_space<vmem>>, vector<1x64xf32>,
    %get3A_36 = arith.constant 0 : index
    %get3A_37 = arith.constant 0 : index
    %get3A_38 = vector.load %arg0[%get3A_36, %get3A_37] : memref<33x64xf32, #tpu.memory_space<vmem>>, vector<1x64xf32>
    %swap3A_39 = arith.constant 1015 : index
    %swap3A_40 = arith.constant 0 : index
    %swap3A_41 = vector.load %arg3[%swap3A_39, %swap3A_40] : memref<2048x128xf32, #tpu.memory_space<vmem>>, vector<1x64xf32>
    tpu.vector_store %arg3[%swap3A_39, %swap3A_40], %get3A_38 {strides = array<i32>} : memref<2048x128xf32, #tpu.memory_space<vmem>>, vector<1x64xf32>,
    %get3A_42 = arith.constant 1 : index
    %get3A_43 = arith.constant 0 : index
    %get3A_44 = vector.load %arg0[%get3A_42, %get3A_43] : memref<33x64xf32, #tpu.memory_space<vmem>>, vector<1x64xf32>
    %swap3A_45 = arith.constant 1015 : index
    %swap3A_46 = arith.constant 64 : index
    %swap3A_47 = vector.load %arg3[%swap3A_45, %swap3A_46] : memref<2048x128xf32, #tpu.memory_space<vmem>>, vector<1x64xf32>
    tpu.vector_store %arg3[%swap3A_45, %swap3A_46], %get3A_44 {strides = array<i32>} : memref<2048x128xf32, #tpu.memory_space<vmem>>, vector<1x64xf32>,
    %get3A_48 = arith.constant 3 : index
    %get3A_49 = arith.constant 0 : index
    %get3A_50 = vector.load %arg0[%get3A_48, %get3A_49] : memref<33x64xf32, #tpu.memory_space<vmem>>, vector<1x64xf32>
    %swap3A_51 = arith.constant 1017 : index
    %swap3A_52 = arith.constant 0 : index
    %swap3A_53 = vector.load %arg2[%swap3A_51, %swap3A_52] : memref<2048x128xf32, #tpu.memory_space<vmem>>, vector<1x64xf32>
    tpu.vector_store %arg2[%swap3A_51, %swap3A_52], %get3A_50 {strides = array<i32>} : memref<2048x128xf32, #tpu.memory_space<vmem>>, vector<1x64xf32>,
    %get3A_54 = arith.constant 4 : index
    %get3A_55 = arith.constant 0 : index
    %get3A_56 = vector.load %arg0[%get3A_54, %get3A_55] : memref<33x64xf32, #tpu.memory_space<vmem>>, vector<1x64xf32>
    %swap3A_57 = arith.constant 1017 : index
    %swap3A_58 = arith.constant 64 : index
    %swap3A_59 = vector.load %arg2[%swap3A_57, %swap3A_58] : memref<2048x128xf32, #tpu.memory_space<vmem>>, vector<1x64xf32>
    tpu.vector_store %arg2[%swap3A_57, %swap3A_58], %get3A_56 {strides = array<i32>} : memref<2048x128xf32, #tpu.memory_space<vmem>>, vector<1x64xf32>,
    %get3A_60 = arith.constant 2 : index
    %get3A_61 = arith.constant 0 : index
    %get3A_62 = vector.load %arg0[%get3A_60, %get3A_61] : memref<33x64xf32, #tpu.memory_space<vmem>>, vector<1x64xf32>
    %swap3A_63 = arith.constant 1016 : index
    %swap3A_64 = arith.constant 0 : index
    %swap3A_65 = vector.load %arg3[%swap3A_63, %swap3A_64] : memref<2048x128xf32, #tpu.memory_space<vmem>>, vector<1x64xf32>
    tpu.vector_store %arg3[%swap3A_63, %swap3A_64], %get3A_62 {strides = array<i32>} : memref<2048x128xf32, #tpu.memory_space<vmem>>, vector<1x64xf32>,
    %get3A_66 = arith.constant 3 : index
    %get3A_67 = arith.constant 0 : index
    %get3A_68 = vector.load %arg0[%get3A_66, %get3A_67] : memref<33x64xf32, #tpu.memory_space<vmem>>, vector<1x64xf32>
    %swap3A_69 = arith.constant 1016 : index
    %swap3A_70 = arith.constant 64 : index
    %swap3A_71 = vector.load %arg3[%swap3A_69, %swap3A_70] : memref<2048x128xf32, #tpu.memory_space<vmem>>, vector<1x64xf32>
    tpu.vector_store %arg3[%swap3A_69, %swap3A_70], %get3A_68 {strides = array<i32>} : memref<2048x128xf32, #tpu.memory_space<vmem>>, vector<1x64xf32>,
    %get3A_72 = arith.constant 5 : index
    %get3A_73 = arith.constant 0 : index
    %get3A_74 = vector.load %arg0[%get3A_72, %get3A_73] : memref<33x64xf32, #tpu.memory_space<vmem>>, vector<1x64xf32>
    %swap3A_75 = arith.constant 1018 : index
    %swap3A_76 = arith.constant 0 : index
    %swap3A_77 = vector.load %arg2[%swap3A_75, %swap3A_76] : memref<2048x128xf32, #tpu.memory_space<vmem>>, vector<1x64xf32>
    tpu.vector_store %arg2[%swap3A_75, %swap3A_76], %get3A_74 {strides = array<i32>} : memref<2048x128xf32, #tpu.memory_space<vmem>>, vector<1x64xf32>,
    %get3A_78 = arith.constant 6 : index
    %get3A_79 = arith.constant 0 : index
    %get3A_80 = vector.load %arg0[%get3A_78, %get3A_79] : memref<33x64xf32, #tpu.memory_space<vmem>>, vector<1x64xf32>
    %swap3A_81 = arith.constant 1018 : index
    %swap3A_82 = arith.constant 64 : index
    %swap3A_83 = vector.load %arg2[%swap3A_81, %swap3A_82] : memref<2048x128xf32, #tpu.memory_space<vmem>>, vector<1x64xf32>
    tpu.vector_store %arg2[%swap3A_81, %swap3A_82], %get3A_80 {strides = array<i32>} : memref<2048x128xf32, #tpu.memory_space<vmem>>, vector<1x64xf32>,
    %get3A_84 = arith.constant 4 : index
    %get3A_85 = arith.constant 0 : index
    %get3A_86 = vector.load %arg0[%get3A_84, %get3A_85] : memref<33x64xf32, #tpu.memory_space<vmem>>, vector<1x64xf32>
    %swap3A_87 = arith.constant 1017 : index
    %swap3A_88 = arith.constant 0 : index
    %swap3A_89 = vector.load %arg3[%swap3A_87, %swap3A_88] : memref<2048x128xf32, #tpu.memory_space<vmem>>, vector<1x64xf32>
    tpu.vector_store %arg3[%swap3A_87, %swap3A_88], %get3A_86 {strides = array<i32>} : memref<2048x128xf32, #tpu.memory_space<vmem>>, vector<1x64xf32>,
    %get3A_90 = arith.constant 5 : index
    %get3A_91 = arith.constant 0 : index
    %get3A_92 = vector.load %arg0[%get3A_90, %get3A_91] : memref<33x64xf32, #tpu.memory_space<vmem>>, vector<1x64xf32>
    %swap3A_93 = arith.constant 1017 : index
    %swap3A_94 = arith.constant 64 : index
    %swap3A_95 = vector.load %arg3[%swap3A_93, %swap3A_94] : memref<2048x128xf32, #tpu.memory_space<vmem>>, vector<1x64xf32>
    tpu.vector_store %arg3[%swap3A_93, %swap3A_94], %get3A_92 {strides = array<i32>} : memref<2048x128xf32, #tpu.memory_space<vmem>>, vector<1x64xf32>,
    %get3A_96 = arith.constant 7 : index
    %get3A_97 = arith.constant 0 : index
    %get3A_98 = vector.load %arg0[%get3A_96, %get3A_97] : memref<33x64xf32, #tpu.memory_space<vmem>>, vector<1x64xf32>
    %swap3A_99 = arith.constant 1019 : index
    %swap3A_100 = arith.constant 0 : index
    %swap3A_101 = vector.load %arg2[%swap3A_99, %swap3A_100] : memref<2048x128xf32, #tpu.memory_space<vmem>>, vector<1x64xf32>
    tpu.vector_store %arg2[%swap3A_99, %swap3A_100], %get3A_98 {strides = array<i32>} : memref<2048x128xf32, #tpu.memory_space<vmem>>, vector<1x64xf32>,
    %get3A_102 = arith.constant 8 : index
    %get3A_103 = arith.constant 0 : index
    %get3A_104 = vector.load %arg0[%get3A_102, %get3A_103] : memref<33x64xf32, #tpu.memory_space<vmem>>, vector<1x64xf32>
    %swap3A_105 = arith.constant 1019 : index
    %swap3A_106 = arith.constant 64 : index
    %swap3A_107 = vector.load %arg2[%swap3A_105, %swap3A_106] : memref<2048x128xf32, #tpu.memory_space<vmem>>, vector<1x64xf32>
    tpu.vector_store %arg2[%swap3A_105, %swap3A_106], %get3A_104 {strides = array<i32>} : memref<2048x128xf32, #tpu.memory_space<vmem>>, vector<1x64xf32>,
    %get3A_108 = arith.constant 6 : index
    %get3A_109 = arith.constant 0 : index
    %get3A_110 = vector.load %arg0[%get3A_108, %get3A_109] : memref<33x64xf32, #tpu.memory_space<vmem>>, vector<1x64xf32>
    %swap3A_111 = arith.constant 1018 : index
    %swap3A_112 = arith.constant 0 : index
    %swap3A_113 = vector.load %arg3[%swap3A_111, %swap3A_112] : memref<2048x128xf32, #tpu.memory_space<vmem>>, vector<1x64xf32>
    tpu.vector_store %arg3[%swap3A_111, %swap3A_112], %get3A_110 {strides = array<i32>} : memref<2048x128xf32, #tpu.memory_space<vmem>>, vector<1x64xf32>,
    %get3A_114 = arith.constant 7 : index
    %get3A_115 = arith.constant 0 : index
    %get3A_116 = vector.load %arg0[%get3A_114, %get3A_115] : memref<33x64xf32, #tpu.memory_space<vmem>>, vector<1x64xf32>
    %swap3A_117 = arith.constant 1018 : index
    %swap3A_118 = arith.constant 64 : index
    %swap3A_119 = vector.load %arg3[%swap3A_117, %swap3A_118] : memref<2048x128xf32, #tpu.memory_space<vmem>>, vector<1x64xf32>
    tpu.vector_store %arg3[%swap3A_117, %swap3A_118], %get3A_116 {strides = array<i32>} : memref<2048x128xf32, #tpu.memory_space<vmem>>, vector<1x64xf32>,
    %get3A_120 = arith.constant 9 : index
    %get3A_121 = arith.constant 0 : index
    %get3A_122 = vector.load %arg0[%get3A_120, %get3A_121] : memref<33x64xf32, #tpu.memory_space<vmem>>, vector<1x64xf32>
    %swap3A_123 = arith.constant 1020 : index
    %swap3A_124 = arith.constant 0 : index
    %swap3A_125 = vector.load %arg2[%swap3A_123, %swap3A_124] : memref<2048x128xf32, #tpu.memory_space<vmem>>, vector<1x64xf32>
    tpu.vector_store %arg2[%swap3A_123, %swap3A_124], %get3A_122 {strides = array<i32>} : memref<2048x128xf32, #tpu.memory_space<vmem>>, vector<1x64xf32>,
    %get3A_126 = arith.constant 10 : index
    %get3A_127 = arith.constant 0 : index
    %get3A_128 = vector.load %arg0[%get3A_126, %get3A_127] : memref<33x64xf32, #tpu.memory_space<vmem>>, vector<1x64xf32>
    %swap3A_129 = arith.constant 1020 : index
    %swap3A_130 = arith.constant 64 : index
    %swap3A_131 = vector.load %arg2[%swap3A_129, %swap3A_130] : memref<2048x128xf32, #tpu.memory_space<vmem>>, vector<1x64xf32>
    tpu.vector_store %arg2[%swap3A_129, %swap3A_130], %get3A_128 {strides = array<i32>} : memref<2048x128xf32, #tpu.memory_space<vmem>>, vector<1x64xf32>,
    %get3A_132 = arith.constant 8 : index
    %get3A_133 = arith.constant 0 : index
    %get3A_134 = vector.load %arg0[%get3A_132, %get3A_133] : memref<33x64xf32, #tpu.memory_space<vmem>>, vector<1x64xf32>
    %swap3A_135 = arith.constant 1019 : index
    %swap3A_136 = arith.constant 0 : index
    %swap3A_137 = vector.load %arg3[%swap3A_135, %swap3A_136] : memref<2048x128xf32, #tpu.memory_space<vmem>>, vector<1x64xf32>
    tpu.vector_store %arg3[%swap3A_135, %swap3A_136], %get3A_134 {strides = array<i32>} : memref<2048x128xf32, #tpu.memory_space<vmem>>, vector<1x64xf32>,
    %get3A_138 = arith.constant 9 : index
    %get3A_139 = arith.constant 0 : index
    %get3A_140 = vector.load %arg0[%get3A_138, %get3A_139] : memref<33x64xf32, #tpu.memory_space<vmem>>, vector<1x64xf32>
    %swap3A_141 = arith.constant 1019 : index
    %swap3A_142 = arith.constant 64 : index
    %swap3A_143 = vector.load %arg3[%swap3A_141, %swap3A_142] : memref<2048x128xf32, #tpu.memory_space<vmem>>, vector<1x64xf32>
    tpu.vector_store %arg3[%swap3A_141, %swap3A_142], %get3A_140 {strides = array<i32>} : memref<2048x128xf32, #tpu.memory_space<vmem>>, vector<1x64xf32>,
    %get3A_144 = arith.constant 11 : index
    %get3A_145 = arith.constant 0 : index
    %get3A_146 = vector.load %arg0[%get3A_144, %get3A_145] : memref<33x64xf32, #tpu.memory_space<vmem>>, vector<1x64xf32>
    %swap3A_147 = arith.constant 1021 : index
    %swap3A_148 = arith.constant 0 : index
    %swap3A_149 = vector.load %arg2[%swap3A_147, %swap3A_148] : memref<2048x128xf32, #tpu.memory_space<vmem>>, vector<1x64xf32>
    tpu.vector_store %arg2[%swap3A_147, %swap3A_148], %get3A_146 {strides = array<i32>} : memref<2048x128xf32, #tpu.memory_space<vmem>>, vector<1x64xf32>,
    %get3A_150 = arith.constant 12 : index
    %get3A_151 = arith.constant 0 : index
    %get3A_152 = vector.load %arg0[%get3A_150, %get3A_151] : memref<33x64xf32, #tpu.memory_space<vmem>>, vector<1x64xf32>
    %swap3A_153 = arith.constant 1021 : index
    %swap3A_154 = arith.constant 64 : index
    %swap3A_155 = vector.load %arg2[%swap3A_153, %swap3A_154] : memref<2048x128xf32, #tpu.memory_space<vmem>>, vector<1x64xf32>
    tpu.vector_store %arg2[%swap3A_153, %swap3A_154], %get3A_152 {strides = array<i32>} : memref<2048x128xf32, #tpu.memory_space<vmem>>, vector<1x64xf32>,
    %get3A_156 = arith.constant 10 : index
    %get3A_157 = arith.constant 0 : index
    %get3A_158 = vector.load %arg0[%get3A_156, %get3A_157] : memref<33x64xf32, #tpu.memory_space<vmem>>, vector<1x64xf32>
    %swap3A_159 = arith.constant 1020 : index
    %swap3A_160 = arith.constant 0 : index
    %swap3A_161 = vector.load %arg3[%swap3A_159, %swap3A_160] : memref<2048x128xf32, #tpu.memory_space<vmem>>, vector<1x64xf32>
    tpu.vector_store %arg3[%swap3A_159, %swap3A_160], %get3A_158 {strides = array<i32>} : memref<2048x128xf32, #tpu.memory_space<vmem>>, vector<1x64xf32>,
    %get3A_162 = arith.constant 11 : index
    %get3A_163 = arith.constant 0 : index
    %get3A_164 = vector.load %arg0[%get3A_162, %get3A_163] : memref<33x64xf32, #tpu.memory_space<vmem>>, vector<1x64xf32>
    %swap3A_165 = arith.constant 1020 : index
    %swap3A_166 = arith.constant 64 : index
    %swap3A_167 = vector.load %arg3[%swap3A_165, %swap3A_166] : memref<2048x128xf32, #tpu.memory_space<vmem>>, vector<1x64xf32>
    tpu.vector_store %arg3[%swap3A_165, %swap3A_166], %get3A_164 {strides = array<i32>} : memref<2048x128xf32, #tpu.memory_space<vmem>>, vector<1x64xf32>,
    %get3A_168 = arith.constant 13 : index
    %get3A_169 = arith.constant 0 : index
    %get3A_170 = vector.load %arg0[%get3A_168, %get3A_169] : memref<33x64xf32, #tpu.memory_space<vmem>>, vector<1x64xf32>
    %swap3A_171 = arith.constant 1022 : index
    %swap3A_172 = arith.constant 0 : index
    %swap3A_173 = vector.load %arg2[%swap3A_171, %swap3A_172] : memref<2048x128xf32, #tpu.memory_space<vmem>>, vector<1x64xf32>
    tpu.vector_store %arg2[%swap3A_171, %swap3A_172], %get3A_170 {strides = array<i32>} : memref<2048x128xf32, #tpu.memory_space<vmem>>, vector<1x64xf32>,
    %get3A_174 = arith.constant 14 : index
    %get3A_175 = arith.constant 0 : index
    %get3A_176 = vector.load %arg0[%get3A_174, %get3A_175] : memref<33x64xf32, #tpu.memory_space<vmem>>, vector<1x64xf32>
    %swap3A_177 = arith.constant 1022 : index
    %swap3A_178 = arith.constant 64 : index
    %swap3A_179 = vector.load %arg2[%swap3A_177, %swap3A_178] : memref<2048x128xf32, #tpu.memory_space<vmem>>, vector<1x64xf32>
    tpu.vector_store %arg2[%swap3A_177, %swap3A_178], %get3A_176 {strides = array<i32>} : memref<2048x128xf32, #tpu.memory_space<vmem>>, vector<1x64xf32>,
    %get3A_180 = arith.constant 12 : index
    %get3A_181 = arith.constant 0 : index
    %get3A_182 = vector.load %arg0[%get3A_180, %get3A_181] : memref<33x64xf32, #tpu.memory_space<vmem>>, vector<1x64xf32>
    %swap3A_183 = arith.constant 1021 : index
    %swap3A_184 = arith.constant 0 : index
    %swap3A_185 = vector.load %arg3[%swap3A_183, %swap3A_184] : memref<2048x128xf32, #tpu.memory_space<vmem>>, vector<1x64xf32>
    tpu.vector_store %arg3[%swap3A_183, %swap3A_184], %get3A_182 {strides = array<i32>} : memref<2048x128xf32, #tpu.memory_space<vmem>>, vector<1x64xf32>,
    %get3A_186 = arith.constant 13 : index
    %get3A_187 = arith.constant 0 : index
    %get3A_188 = vector.load %arg0[%get3A_186, %get3A_187] : memref<33x64xf32, #tpu.memory_space<vmem>>, vector<1x64xf32>
    %swap3A_189 = arith.constant 1021 : index
    %swap3A_190 = arith.constant 64 : index
    %swap3A_191 = vector.load %arg3[%swap3A_189, %swap3A_190] : memref<2048x128xf32, #tpu.memory_space<vmem>>, vector<1x64xf32>
    tpu.vector_store %arg3[%swap3A_189, %swap3A_190], %get3A_188 {strides = array<i32>} : memref<2048x128xf32, #tpu.memory_space<vmem>>, vector<1x64xf32>,
    %get3A_192 = arith.constant 15 : index
    %get3A_193 = arith.constant 0 : index
    %get3A_194 = vector.load %arg0[%get3A_192, %get3A_193] : memref<33x64xf32, #tpu.memory_space<vmem>>, vector<1x64xf32>
    %swap3A_195 = arith.constant 1023 : index
    %swap3A_196 = arith.constant 0 : index
    %swap3A_197 = vector.load %arg2[%swap3A_195, %swap3A_196] : memref<2048x128xf32, #tpu.memory_space<vmem>>, vector<1x64xf32>
    tpu.vector_store %arg2[%swap3A_195, %swap3A_196], %get3A_194 {strides = array<i32>} : memref<2048x128xf32, #tpu.memory_space<vmem>>, vector<1x64xf32>,
    %get3A_198 = arith.constant 16 : index
    %get3A_199 = arith.constant 0 : index
    %get3A_200 = vector.load %arg0[%get3A_198, %get3A_199] : memref<33x64xf32, #tpu.memory_space<vmem>>, vector<1x64xf32>
    %swap3A_201 = arith.constant 1023 : index
    %swap3A_202 = arith.constant 64 : index
    %swap3A_203 = vector.load %arg2[%swap3A_201, %swap3A_202] : memref<2048x128xf32, #tpu.memory_space<vmem>>, vector<1x64xf32>
    tpu.vector_store %arg2[%swap3A_201, %swap3A_202], %get3A_200 {strides = array<i32>} : memref<2048x128xf32, #tpu.memory_space<vmem>>, vector<1x64xf32>,
    %get3A_204 = arith.constant 14 : index
    %get3A_205 = arith.constant 0 : index
    %get3A_206 = vector.load %arg0[%get3A_204, %get3A_205] : memref<33x64xf32, #tpu.memory_space<vmem>>, vector<1x64xf32>
    %swap3A_207 = arith.constant 1022 : index
    %swap3A_208 = arith.constant 0 : index
    %swap3A_209 = vector.load %arg3[%swap3A_207, %swap3A_208] : memref<2048x128xf32, #tpu.memory_space<vmem>>, vector<1x64xf32>
    tpu.vector_store %arg3[%swap3A_207, %swap3A_208], %get3A_206 {strides = array<i32>} : memref<2048x128xf32, #tpu.memory_space<vmem>>, vector<1x64xf32>,
    %get3A_210 = arith.constant 15 : index
    %get3A_211 = arith.constant 0 : index
    %get3A_212 = vector.load %arg0[%get3A_210, %get3A_211] : memref<33x64xf32, #tpu.memory_space<vmem>>, vector<1x64xf32>
    %swap3A_213 = arith.constant 1022 : index
    %swap3A_214 = arith.constant 64 : index
    %swap3A_215 = vector.load %arg3[%swap3A_213, %swap3A_214] : memref<2048x128xf32, #tpu.memory_space<vmem>>, vector<1x64xf32>
    tpu.vector_store %arg3[%swap3A_213, %swap3A_214], %get3A_212 {strides = array<i32>} : memref<2048x128xf32, #tpu.memory_space<vmem>>, vector<1x64xf32>,
    %get3A_216 = arith.constant 17 : index
    %get3A_217 = arith.constant 0 : index
    %get3A_218 = vector.load %arg0[%get3A_216, %get3A_217] : memref<33x64xf32, #tpu.memory_space<vmem>>, vector<1x64xf32>
    %swap3A_219 = arith.constant 1024 : index
    %swap3A_220 = arith.constant 0 : index
    %swap3A_221 = vector.load %arg2[%swap3A_219, %swap3A_220] : memref<2048x128xf32, #tpu.memory_space<vmem>>, vector<1x64xf32>
    tpu.vector_store %arg2[%swap3A_219, %swap3A_220], %get3A_218 {strides = array<i32>} : memref<2048x128xf32, #tpu.memory_space<vmem>>, vector<1x64xf32>,
    %get3A_222 = arith.constant 18 : index
    %get3A_223 = arith.constant 0 : index
    %get3A_224 = vector.load %arg0[%get3A_222, %get3A_223] : memref<33x64xf32, #tpu.memory_space<vmem>>, vector<1x64xf32>
    %swap3A_225 = arith.constant 1024 : index
    %swap3A_226 = arith.constant 64 : index
    %swap3A_227 = vector.load %arg2[%swap3A_225, %swap3A_226] : memref<2048x128xf32, #tpu.memory_space<vmem>>, vector<1x64xf32>
    tpu.vector_store %arg2[%swap3A_225, %swap3A_226], %get3A_224 {strides = array<i32>} : memref<2048x128xf32, #tpu.memory_space<vmem>>, vector<1x64xf32>,
    %get3A_228 = arith.constant 16 : index
    %get3A_229 = arith.constant 0 : index
    %get3A_230 = vector.load %arg0[%get3A_228, %get3A_229] : memref<33x64xf32, #tpu.memory_space<vmem>>, vector<1x64xf32>
    %swap3A_231 = arith.constant 1023 : index
    %swap3A_232 = arith.constant 0 : index
    %swap3A_233 = vector.load %arg3[%swap3A_231, %swap3A_232] : memref<2048x128xf32, #tpu.memory_space<vmem>>, vector<1x64xf32>
    tpu.vector_store %arg3[%swap3A_231, %swap3A_232], %get3A_230 {strides = array<i32>} : memref<2048x128xf32, #tpu.memory_space<vmem>>, vector<1x64xf32>,
    %get3A_234 = arith.constant 17 : index
    %get3A_235 = arith.constant 0 : index
    %get3A_236 = vector.load %arg0[%get3A_234, %get3A_235] : memref<33x64xf32, #tpu.memory_space<vmem>>, vector<1x64xf32>
    %swap3A_237 = arith.constant 1023 : index
    %swap3A_238 = arith.constant 64 : index
    %swap3A_239 = vector.load %arg3[%swap3A_237, %swap3A_238] : memref<2048x128xf32, #tpu.memory_space<vmem>>, vector<1x64xf32>
    tpu.vector_store %arg3[%swap3A_237, %swap3A_238], %get3A_236 {strides = array<i32>} : memref<2048x128xf32, #tpu.memory_space<vmem>>, vector<1x64xf32>,
    %get3A_240 = arith.constant 19 : index
    %get3A_241 = arith.constant 0 : index
    %get3A_242 = vector.load %arg0[%get3A_240, %get3A_241] : memref<33x64xf32, #tpu.memory_space<vmem>>, vector<1x64xf32>
    %swap3A_243 = arith.constant 1025 : index
    %swap3A_244 = arith.constant 0 : index
    %swap3A_245 = vector.load %arg2[%swap3A_243, %swap3A_244] : memref<2048x128xf32, #tpu.memory_space<vmem>>, vector<1x64xf32>
    tpu.vector_store %arg2[%swap3A_243, %swap3A_244], %get3A_242 {strides = array<i32>} : memref<2048x128xf32, #tpu.memory_space<vmem>>, vector<1x64xf32>,
    %get3A_246 = arith.constant 20 : index
    %get3A_247 = arith.constant 0 : index
    %get3A_248 = vector.load %arg0[%get3A_246, %get3A_247] : memref<33x64xf32, #tpu.memory_space<vmem>>, vector<1x64xf32>
    %swap3A_249 = arith.constant 1025 : index
    %swap3A_250 = arith.constant 64 : index
    %swap3A_251 = vector.load %arg2[%swap3A_249, %swap3A_250] : memref<2048x128xf32, #tpu.memory_space<vmem>>, vector<1x64xf32>
    tpu.vector_store %arg2[%swap3A_249, %swap3A_250], %get3A_248 {strides = array<i32>} : memref<2048x128xf32, #tpu.memory_space<vmem>>, vector<1x64xf32>,
    %get3A_252 = arith.constant 18 : index
    %get3A_253 = arith.constant 0 : index
    %get3A_254 = vector.load %arg0[%get3A_252, %get3A_253] : memref<33x64xf32, #tpu.memory_space<vmem>>, vector<1x64xf32>
    %swap3A_255 = arith.constant 1024 : index
    %swap3A_256 = arith.constant 0 : index
    %swap3A_257 = vector.load %arg3[%swap3A_255, %swap3A_256] : memref<2048x128xf32, #tpu.memory_space<vmem>>, vector<1x64xf32>
    tpu.vector_store %arg3[%swap3A_255, %swap3A_256], %get3A_254 {strides = array<i32>} : memref<2048x128xf32, #tpu.memory_space<vmem>>, vector<1x64xf32>,
    %get3A_258 = arith.constant 19 : index
    %get3A_259 = arith.constant 0 : index
    %get3A_260 = vector.load %arg0[%get3A_258, %get3A_259] : memref<33x64xf32, #tpu.memory_space<vmem>>, vector<1x64xf32>
    %swap3A_261 = arith.constant 1024 : index
    %swap3A_262 = arith.constant 64 : index
    %swap3A_263 = vector.load %arg3[%swap3A_261, %swap3A_262] : memref<2048x128xf32, #tpu.memory_space<vmem>>, vector<1x64xf32>
    tpu.vector_store %arg3[%swap3A_261, %swap3A_262], %get3A_260 {strides = array<i32>} : memref<2048x128xf32, #tpu.memory_space<vmem>>, vector<1x64xf32>,
    %get3A_264 = arith.constant 21 : index
    %get3A_265 = arith.constant 0 : index
    %get3A_266 = vector.load %arg0[%get3A_264, %get3A_265] : memref<33x64xf32, #tpu.memory_space<vmem>>, vector<1x64xf32>
    %swap3A_267 = arith.constant 1026 : index
    %swap3A_268 = arith.constant 0 : index
    %swap3A_269 = vector.load %arg2[%swap3A_267, %swap3A_268] : memref<2048x128xf32, #tpu.memory_space<vmem>>, vector<1x64xf32>
    tpu.vector_store %arg2[%swap3A_267, %swap3A_268], %get3A_266 {strides = array<i32>} : memref<2048x128xf32, #tpu.memory_space<vmem>>, vector<1x64xf32>,
    %get3A_270 = arith.constant 22 : index
    %get3A_271 = arith.constant 0 : index
    %get3A_272 = vector.load %arg0[%get3A_270, %get3A_271] : memref<33x64xf32, #tpu.memory_space<vmem>>, vector<1x64xf32>
    %swap3A_273 = arith.constant 1026 : index
    %swap3A_274 = arith.constant 64 : index
    %swap3A_275 = vector.load %arg2[%swap3A_273, %swap3A_274] : memref<2048x128xf32, #tpu.memory_space<vmem>>, vector<1x64xf32>
    tpu.vector_store %arg2[%swap3A_273, %swap3A_274], %get3A_272 {strides = array<i32>} : memref<2048x128xf32, #tpu.memory_space<vmem>>, vector<1x64xf32>,
    %get3A_276 = arith.constant 20 : index
    %get3A_277 = arith.constant 0 : index
    %get3A_278 = vector.load %arg0[%get3A_276, %get3A_277] : memref<33x64xf32, #tpu.memory_space<vmem>>, vector<1x64xf32>
    %swap3A_279 = arith.constant 1025 : index
    %swap3A_280 = arith.constant 0 : index
    %swap3A_281 = vector.load %arg3[%swap3A_279, %swap3A_280] : memref<2048x128xf32, #tpu.memory_space<vmem>>, vector<1x64xf32>
    tpu.vector_store %arg3[%swap3A_279, %swap3A_280], %get3A_278 {strides = array<i32>} : memref<2048x128xf32, #tpu.memory_space<vmem>>, vector<1x64xf32>,
    %get3A_282 = arith.constant 21 : index
    %get3A_283 = arith.constant 0 : index
    %get3A_284 = vector.load %arg0[%get3A_282, %get3A_283] : memref<33x64xf32, #tpu.memory_space<vmem>>, vector<1x64xf32>
    %swap3A_285 = arith.constant 1025 : index
    %swap3A_286 = arith.constant 64 : index
    %swap3A_287 = vector.load %arg3[%swap3A_285, %swap3A_286] : memref<2048x128xf32, #tpu.memory_space<vmem>>, vector<1x64xf32>
    tpu.vector_store %arg3[%swap3A_285, %swap3A_286], %get3A_284 {strides = array<i32>} : memref<2048x128xf32, #tpu.memory_space<vmem>>, vector<1x64xf32>,
    %get3A_288 = arith.constant 23 : index
    %get3A_289 = arith.constant 0 : index
    %get3A_290 = vector.load %arg0[%get3A_288, %get3A_289] : memref<33x64xf32, #tpu.memory_space<vmem>>, vector<1x64xf32>
    %swap3A_291 = arith.constant 1027 : index
    %swap3A_292 = arith.constant 0 : index
    %swap3A_293 = vector.load %arg2[%swap3A_291, %swap3A_292] : memref<2048x128xf32, #tpu.memory_space<vmem>>, vector<1x64xf32>
    tpu.vector_store %arg2[%swap3A_291, %swap3A_292], %get3A_290 {strides = array<i32>} : memref<2048x128xf32, #tpu.memory_space<vmem>>, vector<1x64xf32>,
    %get3A_294 = arith.constant 24 : index
    %get3A_295 = arith.constant 0 : index
    %get3A_296 = vector.load %arg0[%get3A_294, %get3A_295] : memref<33x64xf32, #tpu.memory_space<vmem>>, vector<1x64xf32>
    %swap3A_297 = arith.constant 1027 : index
    %swap3A_298 = arith.constant 64 : index
    %swap3A_299 = vector.load %arg2[%swap3A_297, %swap3A_298] : memref<2048x128xf32, #tpu.memory_space<vmem>>, vector<1x64xf32>
    tpu.vector_store %arg2[%swap3A_297, %swap3A_298], %get3A_296 {strides = array<i32>} : memref<2048x128xf32, #tpu.memory_space<vmem>>, vector<1x64xf32>,
    %get3A_300 = arith.constant 22 : index
    %get3A_301 = arith.constant 0 : index
    %get3A_302 = vector.load %arg0[%get3A_300, %get3A_301] : memref<33x64xf32, #tpu.memory_space<vmem>>, vector<1x64xf32>
    %swap3A_303 = arith.constant 1026 : index
    %swap3A_304 = arith.constant 0 : index
    %swap3A_305 = vector.load %arg3[%swap3A_303, %swap3A_304] : memref<2048x128xf32, #tpu.memory_space<vmem>>, vector<1x64xf32>
    tpu.vector_store %arg3[%swap3A_303, %swap3A_304], %get3A_302 {strides = array<i32>} : memref<2048x128xf32, #tpu.memory_space<vmem>>, vector<1x64xf32>,
    %get3A_306 = arith.constant 23 : index
    %get3A_307 = arith.constant 0 : index
    %get3A_308 = vector.load %arg0[%get3A_306, %get3A_307] : memref<33x64xf32, #tpu.memory_space<vmem>>, vector<1x64xf32>
    %swap3A_309 = arith.constant 1026 : index
    %swap3A_310 = arith.constant 64 : index
    %swap3A_311 = vector.load %arg3[%swap3A_309, %swap3A_310] : memref<2048x128xf32, #tpu.memory_space<vmem>>, vector<1x64xf32>
    tpu.vector_store %arg3[%swap3A_309, %swap3A_310], %get3A_308 {strides = array<i32>} : memref<2048x128xf32, #tpu.memory_space<vmem>>, vector<1x64xf32>,
    %get3A_312 = arith.constant 25 : index
    %get3A_313 = arith.constant 0 : index
    %get3A_314 = vector.load %arg0[%get3A_312, %get3A_313] : memref<33x64xf32, #tpu.memory_space<vmem>>, vector<1x64xf32>
    %swap3A_315 = arith.constant 1028 : index
    %swap3A_316 = arith.constant 0 : index
    %swap3A_317 = vector.load %arg2[%swap3A_315, %swap3A_316] : memref<2048x128xf32, #tpu.memory_space<vmem>>, vector<1x64xf32>
    tpu.vector_store %arg2[%swap3A_315, %swap3A_316], %get3A_314 {strides = array<i32>} : memref<2048x128xf32, #tpu.memory_space<vmem>>, vector<1x64xf32>,
    %get3A_318 = arith.constant 26 : index
    %get3A_319 = arith.constant 0 : index
    %get3A_320 = vector.load %arg0[%get3A_318, %get3A_319] : memref<33x64xf32, #tpu.memory_space<vmem>>, vector<1x64xf32>
    %swap3A_321 = arith.constant 1028 : index
    %swap3A_322 = arith.constant 64 : index
    %swap3A_323 = vector.load %arg2[%swap3A_321, %swap3A_322] : memref<2048x128xf32, #tpu.memory_space<vmem>>, vector<1x64xf32>
    tpu.vector_store %arg2[%swap3A_321, %swap3A_322], %get3A_320 {strides = array<i32>} : memref<2048x128xf32, #tpu.memory_space<vmem>>, vector<1x64xf32>,
    %get3A_324 = arith.constant 24 : index
    %get3A_325 = arith.constant 0 : index
    %get3A_326 = vector.load %arg0[%get3A_324, %get3A_325] : memref<33x64xf32, #tpu.memory_space<vmem>>, vector<1x64xf32>
    %swap3A_327 = arith.constant 1027 : index
    %swap3A_328 = arith.constant 0 : index
    %swap3A_329 = vector.load %arg3[%swap3A_327, %swap3A_328] : memref<2048x128xf32, #tpu.memory_space<vmem>>, vector<1x64xf32>
    tpu.vector_store %arg3[%swap3A_327, %swap3A_328], %get3A_326 {strides = array<i32>} : memref<2048x128xf32, #tpu.memory_space<vmem>>, vector<1x64xf32>,
    %get3A_330 = arith.constant 25 : index
    %get3A_331 = arith.constant 0 : index
    %get3A_332 = vector.load %arg0[%get3A_330, %get3A_331] : memref<33x64xf32, #tpu.memory_space<vmem>>, vector<1x64xf32>
    %swap3A_333 = arith.constant 1027 : index
    %swap3A_334 = arith.constant 64 : index
    %swap3A_335 = vector.load %arg3[%swap3A_333, %swap3A_334] : memref<2048x128xf32, #tpu.memory_space<vmem>>, vector<1x64xf32>
    tpu.vector_store %arg3[%swap3A_333, %swap3A_334], %get3A_332 {strides = array<i32>} : memref<2048x128xf32, #tpu.memory_space<vmem>>, vector<1x64xf32>,
    %get3A_336 = arith.constant 27 : index
    %get3A_337 = arith.constant 0 : index
    %get3A_338 = vector.load %arg0[%get3A_336, %get3A_337] : memref<33x64xf32, #tpu.memory_space<vmem>>, vector<1x64xf32>
    %swap3A_339 = arith.constant 1029 : index
    %swap3A_340 = arith.constant 0 : index
    %swap3A_341 = vector.load %arg2[%swap3A_339, %swap3A_340] : memref<2048x128xf32, #tpu.memory_space<vmem>>, vector<1x64xf32>
    tpu.vector_store %arg2[%swap3A_339, %swap3A_340], %get3A_338 {strides = array<i32>} : memref<2048x128xf32, #tpu.memory_space<vmem>>, vector<1x64xf32>,
    %get3A_342 = arith.constant 28 : index
    %get3A_343 = arith.constant 0 : index
    %get3A_344 = vector.load %arg0[%get3A_342, %get3A_343] : memref<33x64xf32, #tpu.memory_space<vmem>>, vector<1x64xf32>
    %swap3A_345 = arith.constant 1029 : index
    %swap3A_346 = arith.constant 64 : index
    %swap3A_347 = vector.load %arg2[%swap3A_345, %swap3A_346] : memref<2048x128xf32, #tpu.memory_space<vmem>>, vector<1x64xf32>
    tpu.vector_store %arg2[%swap3A_345, %swap3A_346], %get3A_344 {strides = array<i32>} : memref<2048x128xf32, #tpu.memory_space<vmem>>, vector<1x64xf32>,
    %get3A_348 = arith.constant 26 : index
    %get3A_349 = arith.constant 0 : index
    %get3A_350 = vector.load %arg0[%get3A_348, %get3A_349] : memref<33x64xf32, #tpu.memory_space<vmem>>, vector<1x64xf32>
    %swap3A_351 = arith.constant 1028 : index
    %swap3A_352 = arith.constant 0 : index
    %swap3A_353 = vector.load %arg3[%swap3A_351, %swap3A_352] : memref<2048x128xf32, #tpu.memory_space<vmem>>, vector<1x64xf32>
    tpu.vector_store %arg3[%swap3A_351, %swap3A_352], %get3A_350 {strides = array<i32>} : memref<2048x128xf32, #tpu.memory_space<vmem>>, vector<1x64xf32>,
    %get3A_354 = arith.constant 27 : index
    %get3A_355 = arith.constant 0 : index
    %get3A_356 = vector.load %arg0[%get3A_354, %get3A_355] : memref<33x64xf32, #tpu.memory_space<vmem>>, vector<1x64xf32>
    %swap3A_357 = arith.constant 1028 : index
    %swap3A_358 = arith.constant 64 : index
    %swap3A_359 = vector.load %arg3[%swap3A_357, %swap3A_358] : memref<2048x128xf32, #tpu.memory_space<vmem>>, vector<1x64xf32>
    tpu.vector_store %arg3[%swap3A_357, %swap3A_358], %get3A_356 {strides = array<i32>} : memref<2048x128xf32, #tpu.memory_space<vmem>>, vector<1x64xf32>,
    %get3A_360 = arith.constant 29 : index
    %get3A_361 = arith.constant 0 : index
    %get3A_362 = vector.load %arg0[%get3A_360, %get3A_361] : memref<33x64xf32, #tpu.memory_space<vmem>>, vector<1x64xf32>
    %swap3A_363 = arith.constant 1030 : index
    %swap3A_364 = arith.constant 0 : index
    %swap3A_365 = vector.load %arg2[%swap3A_363, %swap3A_364] : memref<2048x128xf32, #tpu.memory_space<vmem>>, vector<1x64xf32>
    tpu.vector_store %arg2[%swap3A_363, %swap3A_364], %get3A_362 {strides = array<i32>} : memref<2048x128xf32, #tpu.memory_space<vmem>>, vector<1x64xf32>,
    %get3A_366 = arith.constant 30 : index
    %get3A_367 = arith.constant 0 : index
    %get3A_368 = vector.load %arg0[%get3A_366, %get3A_367] : memref<33x64xf32, #tpu.memory_space<vmem>>, vector<1x64xf32>
    %swap3A_369 = arith.constant 1030 : index
    %swap3A_370 = arith.constant 64 : index
    %swap3A_371 = vector.load %arg2[%swap3A_369, %swap3A_370] : memref<2048x128xf32, #tpu.memory_space<vmem>>, vector<1x64xf32>
    tpu.vector_store %arg2[%swap3A_369, %swap3A_370], %get3A_368 {strides = array<i32>} : memref<2048x128xf32, #tpu.memory_space<vmem>>, vector<1x64xf32>,
    %get3A_372 = arith.constant 28 : index
    %get3A_373 = arith.constant 0 : index
    %get3A_374 = vector.load %arg0[%get3A_372, %get3A_373] : memref<33x64xf32, #tpu.memory_space<vmem>>, vector<1x64xf32>
    %swap3A_375 = arith.constant 1029 : index
    %swap3A_376 = arith.constant 0 : index
    %swap3A_377 = vector.load %arg3[%swap3A_375, %swap3A_376] : memref<2048x128xf32, #tpu.memory_space<vmem>>, vector<1x64xf32>
    tpu.vector_store %arg3[%swap3A_375, %swap3A_376], %get3A_374 {strides = array<i32>} : memref<2048x128xf32, #tpu.memory_space<vmem>>, vector<1x64xf32>,
    %get3A_378 = arith.constant 29 : index
    %get3A_379 = arith.constant 0 : index
    %get3A_380 = vector.load %arg0[%get3A_378, %get3A_379] : memref<33x64xf32, #tpu.memory_space<vmem>>, vector<1x64xf32>
    %swap3A_381 = arith.constant 1029 : index
    %swap3A_382 = arith.constant 64 : index
    %swap3A_383 = vector.load %arg3[%swap3A_381, %swap3A_382] : memref<2048x128xf32, #tpu.memory_space<vmem>>, vector<1x64xf32>
    tpu.vector_store %arg3[%swap3A_381, %swap3A_382], %get3A_380 {strides = array<i32>} : memref<2048x128xf32, #tpu.memory_space<vmem>>, vector<1x64xf32>,
    %get3A_384 = arith.constant 31 : index
    %get3A_385 = arith.constant 0 : index
    %get3A_386 = vector.load %arg0[%get3A_384, %get3A_385] : memref<33x64xf32, #tpu.memory_space<vmem>>, vector<1x64xf32>
    %swap3A_387 = arith.constant 1031 : index
    %swap3A_388 = arith.constant 0 : index
    %swap3A_389 = vector.load %arg2[%swap3A_387, %swap3A_388] : memref<2048x128xf32, #tpu.memory_space<vmem>>, vector<1x64xf32>
    tpu.vector_store %arg2[%swap3A_387, %swap3A_388], %get3A_386 {strides = array<i32>} : memref<2048x128xf32, #tpu.memory_space<vmem>>, vector<1x64xf32>,
    %get3A_390 = arith.constant 32 : index
    %get3A_391 = arith.constant 0 : index
    %get3A_392 = vector.load %arg0[%get3A_390, %get3A_391] : memref<33x64xf32, #tpu.memory_space<vmem>>, vector<1x64xf32>
    %swap3A_393 = arith.constant 1031 : index
    %swap3A_394 = arith.constant 64 : index
    %swap3A_395 = vector.load %arg2[%swap3A_393, %swap3A_394] : memref<2048x128xf32, #tpu.memory_space<vmem>>, vector<1x64xf32>
    tpu.vector_store %arg2[%swap3A_393, %swap3A_394], %get3A_392 {strides = array<i32>} : memref<2048x128xf32, #tpu.memory_space<vmem>>, vector<1x64xf32>,
    %get3A_396 = arith.constant 30 : index
    %get3A_397 = arith.constant 0 : index
    %get3A_398 = vector.load %arg0[%get3A_396, %get3A_397] : memref<33x64xf32, #tpu.memory_space<vmem>>, vector<1x64xf32>
    %swap3A_399 = arith.constant 1030 : index
    %swap3A_400 = arith.constant 0 : index
    %swap3A_401 = vector.load %arg3[%swap3A_399, %swap3A_400] : memref<2048x128xf32, #tpu.memory_space<vmem>>, vector<1x64xf32>
    tpu.vector_store %arg3[%swap3A_399, %swap3A_400], %get3A_398 {strides = array<i32>} : memref<2048x128xf32, #tpu.memory_space<vmem>>, vector<1x64xf32>,
    %get3A_402 = arith.constant 31 : index
    %get3A_403 = arith.constant 0 : index
    %get3A_404 = vector.load %arg0[%get3A_402, %get3A_403] : memref<33x64xf32, #tpu.memory_space<vmem>>, vector<1x64xf32>
    %swap3A_405 = arith.constant 1030 : index
    %swap3A_406 = arith.constant 64 : index
    %swap3A_407 = vector.load %arg3[%swap3A_405, %swap3A_406] : memref<2048x128xf32, #tpu.memory_space<vmem>>, vector<1x64xf32>
    tpu.vector_store %arg3[%swap3A_405, %swap3A_406], %get3A_404 {strides = array<i32>} : memref<2048x128xf32, #tpu.memory_space<vmem>>, vector<1x64xf32>,
    %scan3A = arith.constant 0 : i32
    %scan3A_408 = arith.constant 64 : i32
    %scan3A_409 = arith.addi %scan3A, %scan3A_408 : i32
    %scan3A_410 = arith.constant 1 : i32
    scf.for %scan3A_499 = %scan3A to %scan3A_409 step %scan3A_410  : i32 {
      %mul3A = arith.constant 4 : i32
      %mul3A_500 = arith.muli %scan3A_499, %mul3A : i32
      %add3A = arith.constant 0 : i32
      %add3A_501 = arith.addi %add3A, %mul3A_500 : i32
      %add3A_502 = arith.constant 0 : i32
      %add3A_503 = arith.addi %add3A_501, %add3A_502 : i32
      %gt3A = arith.constant 0 : i32
      %gt3A_504 = arith.cmpi sgt, %scan3A_499, %gt3A : i32
      %convert_element_type3A = arith.extui %gt3A_504 : i1 to i32
      %cond3A = arith.constant 0 : i32
      %cond3A_505 = arith.cmpi ne, %convert_element_type3A, %cond3A : i32
      scf.if %cond3A_505 {
        %sub3A_665 = arith.constant 4 : i32
        %sub3A_666 = arith.subi %add3A_503, %sub3A_665 : i32
        %sub3A_667 = arith.constant 1023 : i32
        %sub3A_668 = arith.subi %sub3A_667, %sub3A_666 : i32
        %sub3A_669 = arith.constant 0 : i32
        %sub3A_670 = arith.subi %sub3A_666, %sub3A_669 : i32
        %mul3A_671 = arith.constant 2 : i32
        %mul3A_672 = arith.muli %mul3A_671, %sub3A_670 : i32
        %dma_wait3A_673 = arith.constant 1 : i32
        %dma_wait3A_674 = tpu.memref_slice %arg4[%dma_wait3A_673] : memref<8x!tpu.dma_semaphore, #tpu.memory_space<semaphore_mem>> -> memref<1x!tpu.dma_semaphore, #tpu.memory_space<semaphore_mem>>
        %dma_wait3A_675 = tpu.memref_squeeze %dma_wait3A_674 : memref<1x!tpu.dma_semaphore, #tpu.memory_space<semaphore_mem>> -> memref<!tpu.dma_semaphore, #tpu.memory_space<semaphore_mem>>
        %dma_wait3A_676 = arith.constant 0 : i32
        %dma_wait3A_677 = arith.constant 0 : i32
        %dma_wait3A_678 = tpu.memref_slice %arg1[%mul3A_672, %dma_wait3A_676, %dma_wait3A_677] : memref<512x1024x128xf32, #tpu.memory_space<hbm>> -> memref<1x1024x128xf32, #tpu.memory_space<hbm>>
        %dma_wait3A_679 = tpu.memref_squeeze %dma_wait3A_678 : memref<1x1024x128xf32, #tpu.memory_space<hbm>> -> memref<1024x128xf32, #tpu.memory_space<hbm>>
        %dma_wait3A_680 = arith.constant 0 : i32
        %dma_wait3A_681 = tpu.memref_slice %arg3[%sub3A_668, %dma_wait3A_680] : memref<2048x128xf32, #tpu.memory_space<vmem>> -> memref<1024x128xf32, #tpu.memory_space<vmem>>
        tpu.wait_dma2 semaphore(%dma_wait3A_675 : memref<!tpu.dma_semaphore, #tpu.memory_space<semaphore_mem>>) src(%dma_wait3A_681 : memref<1024x128xf32, #tpu.memory_space<vmem>>) dst(%dma_wait3A_679 : memref<1024x128xf32, #tpu.memory_space<hbm>>)
        %sub3A_682 = arith.constant 4 : i32
        %sub3A_683 = arith.subi %add3A_503, %sub3A_682 : i32
        %sub3A_684 = arith.constant 1023 : i32
        %sub3A_685 = arith.subi %sub3A_684, %sub3A_683 : i32
        %sub3A_686 = arith.constant 0 : i32
        %sub3A_687 = arith.subi %sub3A_683, %sub3A_686 : i32
        %mul3A_688 = arith.constant 2 : i32
        %mul3A_689 = arith.muli %mul3A_688, %sub3A_687 : i32
        %add3A_690 = arith.constant 1 : i32
        %add3A_691 = arith.addi %mul3A_689, %add3A_690 : i32
        %dma_wait3A_692 = arith.constant 0 : i32
        %dma_wait3A_693 = tpu.memref_slice %arg4[%dma_wait3A_692] : memref<8x!tpu.dma_semaphore, #tpu.memory_space<semaphore_mem>> -> memref<1x!tpu.dma_semaphore, #tpu.memory_space<semaphore_mem>>
        %dma_wait3A_694 = tpu.memref_squeeze %dma_wait3A_693 : memref<1x!tpu.dma_semaphore, #tpu.memory_space<semaphore_mem>> -> memref<!tpu.dma_semaphore, #tpu.memory_space<semaphore_mem>>
        %dma_wait3A_695 = arith.constant 0 : i32
        %dma_wait3A_696 = arith.constant 0 : i32
        %dma_wait3A_697 = tpu.memref_slice %arg1[%add3A_691, %dma_wait3A_695, %dma_wait3A_696] : memref<512x1024x128xf32, #tpu.memory_space<hbm>> -> memref<1x1024x128xf32, #tpu.memory_space<hbm>>
        %dma_wait3A_698 = tpu.memref_squeeze %dma_wait3A_697 : memref<1x1024x128xf32, #tpu.memory_space<hbm>> -> memref<1024x128xf32, #tpu.memory_space<hbm>>
        %dma_wait3A_699 = arith.constant 0 : i32
        %dma_wait3A_700 = tpu.memref_slice %arg2[%sub3A_685, %dma_wait3A_699] : memref<2048x128xf32, #tpu.memory_space<vmem>> -> memref<1024x128xf32, #tpu.memory_space<vmem>>
        tpu.wait_dma2 semaphore(%dma_wait3A_694 : memref<!tpu.dma_semaphore, #tpu.memory_space<semaphore_mem>>) src(%dma_wait3A_700 : memref<1024x128xf32, #tpu.memory_space<vmem>>) dst(%dma_wait3A_698 : memref<1024x128xf32, #tpu.memory_space<hbm>>)
      } else {
      }
      %sub3A = arith.constant 1023 : i32
      %sub3A_506 = arith.subi %sub3A, %add3A_503 : i32
      %sub3A_507 = arith.constant 0 : i32
      %sub3A_508 = arith.subi %add3A_503, %sub3A_507 : i32
      %mul3A_509 = arith.constant 2 : i32
      %mul3A_510 = arith.muli %mul3A_509, %sub3A_508 : i32
      %dma_start3A = arith.constant 1 : i32
      %dma_start3A_511 = tpu.memref_slice %arg4[%dma_start3A] : memref<8x!tpu.dma_semaphore, #tpu.memory_space<semaphore_mem>> -> memref<1x!tpu.dma_semaphore, #tpu.memory_space<semaphore_mem>>
      %dma_start3A_512 = tpu.memref_squeeze %dma_start3A_511 : memref<1x!tpu.dma_semaphore, #tpu.memory_space<semaphore_mem>> -> memref<!tpu.dma_semaphore, #tpu.memory_space<semaphore_mem>>
      %dma_start3A_513 = arith.constant 0 : i32
      %dma_start3A_514 = arith.constant 0 : i32
      %dma_start3A_515 = tpu.memref_slice %arg1[%mul3A_510, %dma_start3A_513, %dma_start3A_514] : memref<512x1024x128xf32, #tpu.memory_space<hbm>> -> memref<1x1024x128xf32, #tpu.memory_space<hbm>>
      %dma_start3A_516 = tpu.memref_squeeze %dma_start3A_515 : memref<1x1024x128xf32, #tpu.memory_space<hbm>> -> memref<1024x128xf32, #tpu.memory_space<hbm>>
      %dma_start3A_517 = arith.constant 0 : i32
      %dma_start3A_518 = tpu.memref_slice %arg3[%sub3A_506, %dma_start3A_517] : memref<2048x128xf32, #tpu.memory_space<vmem>> -> memref<1024x128xf32, #tpu.memory_space<vmem>>
      tpu.enqueue_dma source(%dma_start3A_518 : memref<1024x128xf32, #tpu.memory_space<vmem>>) target(%dma_start3A_516 : memref<1024x128xf32, #tpu.memory_space<hbm>>) target_semaphore(%dma_start3A_512 : memref<!tpu.dma_semaphore, #tpu.memory_space<semaphore_mem>>)
      %sub3A_519 = arith.constant 1023 : i32
      %sub3A_520 = arith.subi %sub3A_519, %add3A_503 : i32
      %sub3A_521 = arith.constant 0 : i32
      %sub3A_522 = arith.subi %add3A_503, %sub3A_521 : i32
      %mul3A_523 = arith.constant 2 : i32
      %mul3A_524 = arith.muli %mul3A_523, %sub3A_522 : i32
      %add3A_525 = arith.constant 1 : i32
      %add3A_526 = arith.addi %mul3A_524, %add3A_525 : i32
      %dma_start3A_527 = arith.constant 0 : i32
      %dma_start3A_528 = tpu.memref_slice %arg4[%dma_start3A_527] : memref<8x!tpu.dma_semaphore, #tpu.memory_space<semaphore_mem>> -> memref<1x!tpu.dma_semaphore, #tpu.memory_space<semaphore_mem>>
      %dma_start3A_529 = tpu.memref_squeeze %dma_start3A_528 : memref<1x!tpu.dma_semaphore, #tpu.memory_space<semaphore_mem>> -> memref<!tpu.dma_semaphore, #tpu.memory_space<semaphore_mem>>
      %dma_start3A_530 = arith.constant 0 : i32
      %dma_start3A_531 = arith.constant 0 : i32
      %dma_start3A_532 = tpu.memref_slice %arg1[%add3A_526, %dma_start3A_530, %dma_start3A_531] : memref<512x1024x128xf32, #tpu.memory_space<hbm>> -> memref<1x1024x128xf32, #tpu.memory_space<hbm>>
      %dma_start3A_533 = tpu.memref_squeeze %dma_start3A_532 : memref<1x1024x128xf32, #tpu.memory_space<hbm>> -> memref<1024x128xf32, #tpu.memory_space<hbm>>
      %dma_start3A_534 = arith.constant 0 : i32
      %dma_start3A_535 = tpu.memref_slice %arg2[%sub3A_520, %dma_start3A_534] : memref<2048x128xf32, #tpu.memory_space<vmem>> -> memref<1024x128xf32, #tpu.memory_space<vmem>>
      tpu.enqueue_dma source(%dma_start3A_535 : memref<1024x128xf32, #tpu.memory_space<vmem>>) target(%dma_start3A_533 : memref<1024x128xf32, #tpu.memory_space<hbm>>) target_semaphore(%dma_start3A_529 : memref<!tpu.dma_semaphore, #tpu.memory_space<semaphore_mem>>)
      %mul3A_536 = arith.constant 4 : i32
      %mul3A_537 = arith.muli %scan3A_499, %mul3A_536 : i32
      %add3A_538 = arith.constant 0 : i32
      %add3A_539 = arith.addi %add3A_538, %mul3A_537 : i32
      %add3A_540 = arith.constant 1 : i32
      %add3A_541 = arith.addi %add3A_539, %add3A_540 : i32
      %gt3A_542 = arith.constant 0 : i32
      %gt3A_543 = arith.cmpi sgt, %scan3A_499, %gt3A_542 : i32
      %convert_element_type3A_544 = arith.extui %gt3A_543 : i1 to i32
      %cond3A_545 = arith.constant 0 : i32
      %cond3A_546 = arith.cmpi ne, %convert_element_type3A_544, %cond3A_545 : i32
      scf.if %cond3A_546 {
        %sub3A_665 = arith.constant 4 : i32
        %sub3A_666 = arith.subi %add3A_541, %sub3A_665 : i32
        %sub3A_667 = arith.constant 1023 : i32
        %sub3A_668 = arith.subi %sub3A_667, %sub3A_666 : i32
        %sub3A_669 = arith.constant 0 : i32
        %sub3A_670 = arith.subi %sub3A_666, %sub3A_669 : i32
        %mul3A_671 = arith.constant 2 : i32
        %mul3A_672 = arith.muli %mul3A_671, %sub3A_670 : i32
        %dma_wait3A_673 = arith.constant 3 : i32
        %dma_wait3A_674 = tpu.memref_slice %arg4[%dma_wait3A_673] : memref<8x!tpu.dma_semaphore, #tpu.memory_space<semaphore_mem>> -> memref<1x!tpu.dma_semaphore, #tpu.memory_space<semaphore_mem>>
        %dma_wait3A_675 = tpu.memref_squeeze %dma_wait3A_674 : memref<1x!tpu.dma_semaphore, #tpu.memory_space<semaphore_mem>> -> memref<!tpu.dma_semaphore, #tpu.memory_space<semaphore_mem>>
        %dma_wait3A_676 = arith.constant 0 : i32
        %dma_wait3A_677 = arith.constant 0 : i32
        %dma_wait3A_678 = tpu.memref_slice %arg1[%mul3A_672, %dma_wait3A_676, %dma_wait3A_677] : memref<512x1024x128xf32, #tpu.memory_space<hbm>> -> memref<1x1024x128xf32, #tpu.memory_space<hbm>>
        %dma_wait3A_679 = tpu.memref_squeeze %dma_wait3A_678 : memref<1x1024x128xf32, #tpu.memory_space<hbm>> -> memref<1024x128xf32, #tpu.memory_space<hbm>>
        %dma_wait3A_680 = arith.constant 0 : i32
        %dma_wait3A_681 = tpu.memref_slice %arg3[%sub3A_668, %dma_wait3A_680] : memref<2048x128xf32, #tpu.memory_space<vmem>> -> memref<1024x128xf32, #tpu.memory_space<vmem>>
        tpu.wait_dma2 semaphore(%dma_wait3A_675 : memref<!tpu.dma_semaphore, #tpu.memory_space<semaphore_mem>>) src(%dma_wait3A_681 : memref<1024x128xf32, #tpu.memory_space<vmem>>) dst(%dma_wait3A_679 : memref<1024x128xf32, #tpu.memory_space<hbm>>)
        %sub3A_682 = arith.constant 4 : i32
        %sub3A_683 = arith.subi %add3A_541, %sub3A_682 : i32
        %sub3A_684 = arith.constant 1023 : i32
        %sub3A_685 = arith.subi %sub3A_684, %sub3A_683 : i32
        %sub3A_686 = arith.constant 0 : i32
        %sub3A_687 = arith.subi %sub3A_683, %sub3A_686 : i32
        %mul3A_688 = arith.constant 2 : i32
        %mul3A_689 = arith.muli %mul3A_688, %sub3A_687 : i32
        %add3A_690 = arith.constant 1 : i32
        %add3A_691 = arith.addi %mul3A_689, %add3A_690 : i32
        %dma_wait3A_692 = arith.constant 2 : i32
        %dma_wait3A_693 = tpu.memref_slice %arg4[%dma_wait3A_692] : memref<8x!tpu.dma_semaphore, #tpu.memory_space<semaphore_mem>> -> memref<1x!tpu.dma_semaphore, #tpu.memory_space<semaphore_mem>>
        %dma_wait3A_694 = tpu.memref_squeeze %dma_wait3A_693 : memref<1x!tpu.dma_semaphore, #tpu.memory_space<semaphore_mem>> -> memref<!tpu.dma_semaphore, #tpu.memory_space<semaphore_mem>>
        %dma_wait3A_695 = arith.constant 0 : i32
        %dma_wait3A_696 = arith.constant 0 : i32
        %dma_wait3A_697 = tpu.memref_slice %arg1[%add3A_691, %dma_wait3A_695, %dma_wait3A_696] : memref<512x1024x128xf32, #tpu.memory_space<hbm>> -> memref<1x1024x128xf32, #tpu.memory_space<hbm>>
        %dma_wait3A_698 = tpu.memref_squeeze %dma_wait3A_697 : memref<1x1024x128xf32, #tpu.memory_space<hbm>> -> memref<1024x128xf32, #tpu.memory_space<hbm>>
        %dma_wait3A_699 = arith.constant 0 : i32
        %dma_wait3A_700 = tpu.memref_slice %arg2[%sub3A_685, %dma_wait3A_699] : memref<2048x128xf32, #tpu.memory_space<vmem>> -> memref<1024x128xf32, #tpu.memory_space<vmem>>
        tpu.wait_dma2 semaphore(%dma_wait3A_694 : memref<!tpu.dma_semaphore, #tpu.memory_space<semaphore_mem>>) src(%dma_wait3A_700 : memref<1024x128xf32, #tpu.memory_space<vmem>>) dst(%dma_wait3A_698 : memref<1024x128xf32, #tpu.memory_space<hbm>>)
      } else {
      }
      %sub3A_547 = arith.constant 1023 : i32
      %sub3A_548 = arith.subi %sub3A_547, %add3A_541 : i32
      %sub3A_549 = arith.constant 0 : i32
      %sub3A_550 = arith.subi %add3A_541, %sub3A_549 : i32
      %mul3A_551 = arith.constant 2 : i32
      %mul3A_552 = arith.muli %mul3A_551, %sub3A_550 : i32
      %dma_start3A_553 = arith.constant 3 : i32
      %dma_start3A_554 = tpu.memref_slice %arg4[%dma_start3A_553] : memref<8x!tpu.dma_semaphore, #tpu.memory_space<semaphore_mem>> -> memref<1x!tpu.dma_semaphore, #tpu.memory_space<semaphore_mem>>
      %dma_start3A_555 = tpu.memref_squeeze %dma_start3A_554 : memref<1x!tpu.dma_semaphore, #tpu.memory_space<semaphore_mem>> -> memref<!tpu.dma_semaphore, #tpu.memory_space<semaphore_mem>>
      %dma_start3A_556 = arith.constant 0 : i32
      %dma_start3A_557 = arith.constant 0 : i32
      %dma_start3A_558 = tpu.memref_slice %arg1[%mul3A_552, %dma_start3A_556, %dma_start3A_557] : memref<512x1024x128xf32, #tpu.memory_space<hbm>> -> memref<1x1024x128xf32, #tpu.memory_space<hbm>>
      %dma_start3A_559 = tpu.memref_squeeze %dma_start3A_558 : memref<1x1024x128xf32, #tpu.memory_space<hbm>> -> memref<1024x128xf32, #tpu.memory_space<hbm>>
      %dma_start3A_560 = arith.constant 0 : i32
      %dma_start3A_561 = tpu.memref_slice %arg3[%sub3A_548, %dma_start3A_560] : memref<2048x128xf32, #tpu.memory_space<vmem>> -> memref<1024x128xf32, #tpu.memory_space<vmem>>
      tpu.enqueue_dma source(%dma_start3A_561 : memref<1024x128xf32, #tpu.memory_space<vmem>>) target(%dma_start3A_559 : memref<1024x128xf32, #tpu.memory_space<hbm>>) target_semaphore(%dma_start3A_555 : memref<!tpu.dma_semaphore, #tpu.memory_space<semaphore_mem>>)
      %sub3A_562 = arith.constant 1023 : i32
      %sub3A_563 = arith.subi %sub3A_562, %add3A_541 : i32
      %sub3A_564 = arith.constant 0 : i32
      %sub3A_565 = arith.subi %add3A_541, %sub3A_564 : i32
      %mul3A_566 = arith.constant 2 : i32
      %mul3A_567 = arith.muli %mul3A_566, %sub3A_565 : i32
      %add3A_568 = arith.constant 1 : i32
      %add3A_569 = arith.addi %mul3A_567, %add3A_568 : i32
      %dma_start3A_570 = arith.constant 2 : i32
      %dma_start3A_571 = tpu.memref_slice %arg4[%dma_start3A_570] : memref<8x!tpu.dma_semaphore, #tpu.memory_space<semaphore_mem>> -> memref<1x!tpu.dma_semaphore, #tpu.memory_space<semaphore_mem>>
      %dma_start3A_572 = tpu.memref_squeeze %dma_start3A_571 : memref<1x!tpu.dma_semaphore, #tpu.memory_space<semaphore_mem>> -> memref<!tpu.dma_semaphore, #tpu.memory_space<semaphore_mem>>
      %dma_start3A_573 = arith.constant 0 : i32
      %dma_start3A_574 = arith.constant 0 : i32
      %dma_start3A_575 = tpu.memref_slice %arg1[%add3A_569, %dma_start3A_573, %dma_start3A_574] : memref<512x1024x128xf32, #tpu.memory_space<hbm>> -> memref<1x1024x128xf32, #tpu.memory_space<hbm>>
      %dma_start3A_576 = tpu.memref_squeeze %dma_start3A_575 : memref<1x1024x128xf32, #tpu.memory_space<hbm>> -> memref<1024x128xf32, #tpu.memory_space<hbm>>
      %dma_start3A_577 = arith.constant 0 : i32
      %dma_start3A_578 = tpu.memref_slice %arg2[%sub3A_563, %dma_start3A_577] : memref<2048x128xf32, #tpu.memory_space<vmem>> -> memref<1024x128xf32, #tpu.memory_space<vmem>>
      tpu.enqueue_dma source(%dma_start3A_578 : memref<1024x128xf32, #tpu.memory_space<vmem>>) target(%dma_start3A_576 : memref<1024x128xf32, #tpu.memory_space<hbm>>) target_semaphore(%dma_start3A_572 : memref<!tpu.dma_semaphore, #tpu.memory_space<semaphore_mem>>)
      %mul3A_579 = arith.constant 4 : i32
      %mul3A_580 = arith.muli %scan3A_499, %mul3A_579 : i32
      %add3A_581 = arith.constant 0 : i32
      %add3A_582 = arith.addi %add3A_581, %mul3A_580 : i32
      %add3A_583 = arith.constant 2 : i32
      %add3A_584 = arith.addi %add3A_582, %add3A_583 : i32
      %gt3A_585 = arith.constant 0 : i32
      %gt3A_586 = arith.cmpi sgt, %scan3A_499, %gt3A_585 : i32
      %convert_element_type3A_587 = arith.extui %gt3A_586 : i1 to i32
      %cond3A_588 = arith.constant 0 : i32
      %cond3A_589 = arith.cmpi ne, %convert_element_type3A_587, %cond3A_588 : i32
      scf.if %cond3A_589 {
        %sub3A_665 = arith.constant 4 : i32
        %sub3A_666 = arith.subi %add3A_584, %sub3A_665 : i32
        %sub3A_667 = arith.constant 1023 : i32
        %sub3A_668 = arith.subi %sub3A_667, %sub3A_666 : i32
        %sub3A_669 = arith.constant 0 : i32
        %sub3A_670 = arith.subi %sub3A_666, %sub3A_669 : i32
        %mul3A_671 = arith.constant 2 : i32
        %mul3A_672 = arith.muli %mul3A_671, %sub3A_670 : i32
        %dma_wait3A_673 = arith.constant 5 : i32
        %dma_wait3A_674 = tpu.memref_slice %arg4[%dma_wait3A_673] : memref<8x!tpu.dma_semaphore, #tpu.memory_space<semaphore_mem>> -> memref<1x!tpu.dma_semaphore, #tpu.memory_space<semaphore_mem>>
        %dma_wait3A_675 = tpu.memref_squeeze %dma_wait3A_674 : memref<1x!tpu.dma_semaphore, #tpu.memory_space<semaphore_mem>> -> memref<!tpu.dma_semaphore, #tpu.memory_space<semaphore_mem>>
        %dma_wait3A_676 = arith.constant 0 : i32
        %dma_wait3A_677 = arith.constant 0 : i32
        %dma_wait3A_678 = tpu.memref_slice %arg1[%mul3A_672, %dma_wait3A_676, %dma_wait3A_677] : memref<512x1024x128xf32, #tpu.memory_space<hbm>> -> memref<1x1024x128xf32, #tpu.memory_space<hbm>>
        %dma_wait3A_679 = tpu.memref_squeeze %dma_wait3A_678 : memref<1x1024x128xf32, #tpu.memory_space<hbm>> -> memref<1024x128xf32, #tpu.memory_space<hbm>>
        %dma_wait3A_680 = arith.constant 0 : i32
        %dma_wait3A_681 = tpu.memref_slice %arg3[%sub3A_668, %dma_wait3A_680] : memref<2048x128xf32, #tpu.memory_space<vmem>> -> memref<1024x128xf32, #tpu.memory_space<vmem>>
        tpu.wait_dma2 semaphore(%dma_wait3A_675 : memref<!tpu.dma_semaphore, #tpu.memory_space<semaphore_mem>>) src(%dma_wait3A_681 : memref<1024x128xf32, #tpu.memory_space<vmem>>) dst(%dma_wait3A_679 : memref<1024x128xf32, #tpu.memory_space<hbm>>)
        %sub3A_682 = arith.constant 4 : i32
        %sub3A_683 = arith.subi %add3A_584, %sub3A_682 : i32
        %sub3A_684 = arith.constant 1023 : i32
        %sub3A_685 = arith.subi %sub3A_684, %sub3A_683 : i32
        %sub3A_686 = arith.constant 0 : i32
        %sub3A_687 = arith.subi %sub3A_683, %sub3A_686 : i32
        %mul3A_688 = arith.constant 2 : i32
        %mul3A_689 = arith.muli %mul3A_688, %sub3A_687 : i32
        %add3A_690 = arith.constant 1 : i32
        %add3A_691 = arith.addi %mul3A_689, %add3A_690 : i32
        %dma_wait3A_692 = arith.constant 4 : i32
        %dma_wait3A_693 = tpu.memref_slice %arg4[%dma_wait3A_692] : memref<8x!tpu.dma_semaphore, #tpu.memory_space<semaphore_mem>> -> memref<1x!tpu.dma_semaphore, #tpu.memory_space<semaphore_mem>>
        %dma_wait3A_694 = tpu.memref_squeeze %dma_wait3A_693 : memref<1x!tpu.dma_semaphore, #tpu.memory_space<semaphore_mem>> -> memref<!tpu.dma_semaphore, #tpu.memory_space<semaphore_mem>>
        %dma_wait3A_695 = arith.constant 0 : i32
        %dma_wait3A_696 = arith.constant 0 : i32
        %dma_wait3A_697 = tpu.memref_slice %arg1[%add3A_691, %dma_wait3A_695, %dma_wait3A_696] : memref<512x1024x128xf32, #tpu.memory_space<hbm>> -> memref<1x1024x128xf32, #tpu.memory_space<hbm>>
        %dma_wait3A_698 = tpu.memref_squeeze %dma_wait3A_697 : memref<1x1024x128xf32, #tpu.memory_space<hbm>> -> memref<1024x128xf32, #tpu.memory_space<hbm>>
        %dma_wait3A_699 = arith.constant 0 : i32
        %dma_wait3A_700 = tpu.memref_slice %arg2[%sub3A_685, %dma_wait3A_699] : memref<2048x128xf32, #tpu.memory_space<vmem>> -> memref<1024x128xf32, #tpu.memory_space<vmem>>
        tpu.wait_dma2 semaphore(%dma_wait3A_694 : memref<!tpu.dma_semaphore, #tpu.memory_space<semaphore_mem>>) src(%dma_wait3A_700 : memref<1024x128xf32, #tpu.memory_space<vmem>>) dst(%dma_wait3A_698 : memref<1024x128xf32, #tpu.memory_space<hbm>>)
      } else {
      }
      %sub3A_590 = arith.constant 1023 : i32
      %sub3A_591 = arith.subi %sub3A_590, %add3A_584 : i32
      %sub3A_592 = arith.constant 0 : i32
      %sub3A_593 = arith.subi %add3A_584, %sub3A_592 : i32
      %mul3A_594 = arith.constant 2 : i32
      %mul3A_595 = arith.muli %mul3A_594, %sub3A_593 : i32
      %dma_start3A_596 = arith.constant 5 : i32
      %dma_start3A_597 = tpu.memref_slice %arg4[%dma_start3A_596] : memref<8x!tpu.dma_semaphore, #tpu.memory_space<semaphore_mem>> -> memref<1x!tpu.dma_semaphore, #tpu.memory_space<semaphore_mem>>
      %dma_start3A_598 = tpu.memref_squeeze %dma_start3A_597 : memref<1x!tpu.dma_semaphore, #tpu.memory_space<semaphore_mem>> -> memref<!tpu.dma_semaphore, #tpu.memory_space<semaphore_mem>>
      %dma_start3A_599 = arith.constant 0 : i32
      %dma_start3A_600 = arith.constant 0 : i32
      %dma_start3A_601 = tpu.memref_slice %arg1[%mul3A_595, %dma_start3A_599, %dma_start3A_600] : memref<512x1024x128xf32, #tpu.memory_space<hbm>> -> memref<1x1024x128xf32, #tpu.memory_space<hbm>>
      %dma_start3A_602 = tpu.memref_squeeze %dma_start3A_601 : memref<1x1024x128xf32, #tpu.memory_space<hbm>> -> memref<1024x128xf32, #tpu.memory_space<hbm>>
      %dma_start3A_603 = arith.constant 0 : i32
      %dma_start3A_604 = tpu.memref_slice %arg3[%sub3A_591, %dma_start3A_603] : memref<2048x128xf32, #tpu.memory_space<vmem>> -> memref<1024x128xf32, #tpu.memory_space<vmem>>
      tpu.enqueue_dma source(%dma_start3A_604 : memref<1024x128xf32, #tpu.memory_space<vmem>>) target(%dma_start3A_602 : memref<1024x128xf32, #tpu.memory_space<hbm>>) target_semaphore(%dma_start3A_598 : memref<!tpu.dma_semaphore, #tpu.memory_space<semaphore_mem>>)
      %sub3A_605 = arith.constant 1023 : i32
      %sub3A_606 = arith.subi %sub3A_605, %add3A_584 : i32
      %sub3A_607 = arith.constant 0 : i32
      %sub3A_608 = arith.subi %add3A_584, %sub3A_607 : i32
      %mul3A_609 = arith.constant 2 : i32
      %mul3A_610 = arith.muli %mul3A_609, %sub3A_608 : i32
      %add3A_611 = arith.constant 1 : i32
      %add3A_612 = arith.addi %mul3A_610, %add3A_611 : i32
      %dma_start3A_613 = arith.constant 4 : i32
      %dma_start3A_614 = tpu.memref_slice %arg4[%dma_start3A_613] : memref<8x!tpu.dma_semaphore, #tpu.memory_space<semaphore_mem>> -> memref<1x!tpu.dma_semaphore, #tpu.memory_space<semaphore_mem>>
      %dma_start3A_615 = tpu.memref_squeeze %dma_start3A_614 : memref<1x!tpu.dma_semaphore, #tpu.memory_space<semaphore_mem>> -> memref<!tpu.dma_semaphore, #tpu.memory_space<semaphore_mem>>
      %dma_start3A_616 = arith.constant 0 : i32
      %dma_start3A_617 = arith.constant 0 : i32
      %dma_start3A_618 = tpu.memref_slice %arg1[%add3A_612, %dma_start3A_616, %dma_start3A_617] : memref<512x1024x128xf32, #tpu.memory_space<hbm>> -> memref<1x1024x128xf32, #tpu.memory_space<hbm>>
      %dma_start3A_619 = tpu.memref_squeeze %dma_start3A_618 : memref<1x1024x128xf32, #tpu.memory_space<hbm>> -> memref<1024x128xf32, #tpu.memory_space<hbm>>
      %dma_start3A_620 = arith.constant 0 : i32
      %dma_start3A_621 = tpu.memref_slice %arg2[%sub3A_606, %dma_start3A_620] : memref<2048x128xf32, #tpu.memory_space<vmem>> -> memref<1024x128xf32, #tpu.memory_space<vmem>>
      tpu.enqueue_dma source(%dma_start3A_621 : memref<1024x128xf32, #tpu.memory_space<vmem>>) target(%dma_start3A_619 : memref<1024x128xf32, #tpu.memory_space<hbm>>) target_semaphore(%dma_start3A_615 : memref<!tpu.dma_semaphore, #tpu.memory_space<semaphore_mem>>)
      %mul3A_622 = arith.constant 4 : i32
      %mul3A_623 = arith.muli %scan3A_499, %mul3A_622 : i32
      %add3A_624 = arith.constant 0 : i32
      %add3A_625 = arith.addi %add3A_624, %mul3A_623 : i32
      %add3A_626 = arith.constant 3 : i32
      %add3A_627 = arith.addi %add3A_625, %add3A_626 : i32
      %gt3A_628 = arith.constant 0 : i32
      %gt3A_629 = arith.cmpi sgt, %scan3A_499, %gt3A_628 : i32
      %convert_element_type3A_630 = arith.extui %gt3A_629 : i1 to i32
      %cond3A_631 = arith.constant 0 : i32
      %cond3A_632 = arith.cmpi ne, %convert_element_type3A_630, %cond3A_631 : i32
      scf.if %cond3A_632 {
        %sub3A_665 = arith.constant 4 : i32
        %sub3A_666 = arith.subi %add3A_627, %sub3A_665 : i32
        %sub3A_667 = arith.constant 1023 : i32
        %sub3A_668 = arith.subi %sub3A_667, %sub3A_666 : i32
        %sub3A_669 = arith.constant 0 : i32
        %sub3A_670 = arith.subi %sub3A_666, %sub3A_669 : i32
        %mul3A_671 = arith.constant 2 : i32
        %mul3A_672 = arith.muli %mul3A_671, %sub3A_670 : i32
        %dma_wait3A_673 = arith.constant 7 : i32
        %dma_wait3A_674 = tpu.memref_slice %arg4[%dma_wait3A_673] : memref<8x!tpu.dma_semaphore, #tpu.memory_space<semaphore_mem>> -> memref<1x!tpu.dma_semaphore, #tpu.memory_space<semaphore_mem>>
        %dma_wait3A_675 = tpu.memref_squeeze %dma_wait3A_674 : memref<1x!tpu.dma_semaphore, #tpu.memory_space<semaphore_mem>> -> memref<!tpu.dma_semaphore, #tpu.memory_space<semaphore_mem>>
        %dma_wait3A_676 = arith.constant 0 : i32
        %dma_wait3A_677 = arith.constant 0 : i32
        %dma_wait3A_678 = tpu.memref_slice %arg1[%mul3A_672, %dma_wait3A_676, %dma_wait3A_677] : memref<512x1024x128xf32, #tpu.memory_space<hbm>> -> memref<1x1024x128xf32, #tpu.memory_space<hbm>>
        %dma_wait3A_679 = tpu.memref_squeeze %dma_wait3A_678 : memref<1x1024x128xf32, #tpu.memory_space<hbm>> -> memref<1024x128xf32, #tpu.memory_space<hbm>>
        %dma_wait3A_680 = arith.constant 0 : i32
        %dma_wait3A_681 = tpu.memref_slice %arg3[%sub3A_668, %dma_wait3A_680] : memref<2048x128xf32, #tpu.memory_space<vmem>> -> memref<1024x128xf32, #tpu.memory_space<vmem>>
        tpu.wait_dma2 semaphore(%dma_wait3A_675 : memref<!tpu.dma_semaphore, #tpu.memory_space<semaphore_mem>>) src(%dma_wait3A_681 : memref<1024x128xf32, #tpu.memory_space<vmem>>) dst(%dma_wait3A_679 : memref<1024x128xf32, #tpu.memory_space<hbm>>)
        %sub3A_682 = arith.constant 4 : i32
        %sub3A_683 = arith.subi %add3A_627, %sub3A_682 : i32
        %sub3A_684 = arith.constant 1023 : i32
        %sub3A_685 = arith.subi %sub3A_684, %sub3A_683 : i32
        %sub3A_686 = arith.constant 0 : i32
        %sub3A_687 = arith.subi %sub3A_683, %sub3A_686 : i32
        %mul3A_688 = arith.constant 2 : i32
        %mul3A_689 = arith.muli %mul3A_688, %sub3A_687 : i32
        %add3A_690 = arith.constant 1 : i32
        %add3A_691 = arith.addi %mul3A_689, %add3A_690 : i32
        %dma_wait3A_692 = arith.constant 6 : i32
        %dma_wait3A_693 = tpu.memref_slice %arg4[%dma_wait3A_692] : memref<8x!tpu.dma_semaphore, #tpu.memory_space<semaphore_mem>> -> memref<1x!tpu.dma_semaphore, #tpu.memory_space<semaphore_mem>>
        %dma_wait3A_694 = tpu.memref_squeeze %dma_wait3A_693 : memref<1x!tpu.dma_semaphore, #tpu.memory_space<semaphore_mem>> -> memref<!tpu.dma_semaphore, #tpu.memory_space<semaphore_mem>>
        %dma_wait3A_695 = arith.constant 0 : i32
        %dma_wait3A_696 = arith.constant 0 : i32
        %dma_wait3A_697 = tpu.memref_slice %arg1[%add3A_691, %dma_wait3A_695, %dma_wait3A_696] : memref<512x1024x128xf32, #tpu.memory_space<hbm>> -> memref<1x1024x128xf32, #tpu.memory_space<hbm>>
        %dma_wait3A_698 = tpu.memref_squeeze %dma_wait3A_697 : memref<1x1024x128xf32, #tpu.memory_space<hbm>> -> memref<1024x128xf32, #tpu.memory_space<hbm>>
        %dma_wait3A_699 = arith.constant 0 : i32
        %dma_wait3A_700 = tpu.memref_slice %arg2[%sub3A_685, %dma_wait3A_699] : memref<2048x128xf32, #tpu.memory_space<vmem>> -> memref<1024x128xf32, #tpu.memory_space<vmem>>
        tpu.wait_dma2 semaphore(%dma_wait3A_694 : memref<!tpu.dma_semaphore, #tpu.memory_space<semaphore_mem>>) src(%dma_wait3A_700 : memref<1024x128xf32, #tpu.memory_space<vmem>>) dst(%dma_wait3A_698 : memref<1024x128xf32, #tpu.memory_space<hbm>>)
      } else {
      }
      %sub3A_633 = arith.constant 1023 : i32
      %sub3A_634 = arith.subi %sub3A_633, %add3A_627 : i32
      %sub3A_635 = arith.constant 0 : i32
      %sub3A_636 = arith.subi %add3A_627, %sub3A_635 : i32
      %mul3A_637 = arith.constant 2 : i32
      %mul3A_638 = arith.muli %mul3A_637, %sub3A_636 : i32
      %dma_start3A_639 = arith.constant 7 : i32
      %dma_start3A_640 = tpu.memref_slice %arg4[%dma_start3A_639] : memref<8x!tpu.dma_semaphore, #tpu.memory_space<semaphore_mem>> -> memref<1x!tpu.dma_semaphore, #tpu.memory_space<semaphore_mem>>
      %dma_start3A_641 = tpu.memref_squeeze %dma_start3A_640 : memref<1x!tpu.dma_semaphore, #tpu.memory_space<semaphore_mem>> -> memref<!tpu.dma_semaphore, #tpu.memory_space<semaphore_mem>>
      %dma_start3A_642 = arith.constant 0 : i32
      %dma_start3A_643 = arith.constant 0 : i32
      %dma_start3A_644 = tpu.memref_slice %arg1[%mul3A_638, %dma_start3A_642, %dma_start3A_643] : memref<512x1024x128xf32, #tpu.memory_space<hbm>> -> memref<1x1024x128xf32, #tpu.memory_space<hbm>>
      %dma_start3A_645 = tpu.memref_squeeze %dma_start3A_644 : memref<1x1024x128xf32, #tpu.memory_space<hbm>> -> memref<1024x128xf32, #tpu.memory_space<hbm>>
      %dma_start3A_646 = arith.constant 0 : i32
      %dma_start3A_647 = tpu.memref_slice %arg3[%sub3A_634, %dma_start3A_646] : memref<2048x128xf32, #tpu.memory_space<vmem>> -> memref<1024x128xf32, #tpu.memory_space<vmem>>
      tpu.enqueue_dma source(%dma_start3A_647 : memref<1024x128xf32, #tpu.memory_space<vmem>>) target(%dma_start3A_645 : memref<1024x128xf32, #tpu.memory_space<hbm>>) target_semaphore(%dma_start3A_641 : memref<!tpu.dma_semaphore, #tpu.memory_space<semaphore_mem>>)
      %sub3A_648 = arith.constant 1023 : i32
      %sub3A_649 = arith.subi %sub3A_648, %add3A_627 : i32
      %sub3A_650 = arith.constant 0 : i32
      %sub3A_651 = arith.subi %add3A_627, %sub3A_650 : i32
      %mul3A_652 = arith.constant 2 : i32
      %mul3A_653 = arith.muli %mul3A_652, %sub3A_651 : i32
      %add3A_654 = arith.constant 1 : i32
      %add3A_655 = arith.addi %mul3A_653, %add3A_654 : i32
      %dma_start3A_656 = arith.constant 6 : i32
      %dma_start3A_657 = tpu.memref_slice %arg4[%dma_start3A_656] : memref<8x!tpu.dma_semaphore, #tpu.memory_space<semaphore_mem>> -> memref<1x!tpu.dma_semaphore, #tpu.memory_space<semaphore_mem>>
      %dma_start3A_658 = tpu.memref_squeeze %dma_start3A_657 : memref<1x!tpu.dma_semaphore, #tpu.memory_space<semaphore_mem>> -> memref<!tpu.dma_semaphore, #tpu.memory_space<semaphore_mem>>
      %dma_start3A_659 = arith.constant 0 : i32
      %dma_start3A_660 = arith.constant 0 : i32
      %dma_start3A_661 = tpu.memref_slice %arg1[%add3A_655, %dma_start3A_659, %dma_start3A_660] : memref<512x1024x128xf32, #tpu.memory_space<hbm>> -> memref<1x1024x128xf32, #tpu.memory_space<hbm>>
      %dma_start3A_662 = tpu.memref_squeeze %dma_start3A_661 : memref<1x1024x128xf32, #tpu.memory_space<hbm>> -> memref<1024x128xf32, #tpu.memory_space<hbm>>
      %dma_start3A_663 = arith.constant 0 : i32
      %dma_start3A_664 = tpu.memref_slice %arg2[%sub3A_649, %dma_start3A_663] : memref<2048x128xf32, #tpu.memory_space<vmem>> -> memref<1024x128xf32, #tpu.memory_space<vmem>>
      tpu.enqueue_dma source(%dma_start3A_664 : memref<1024x128xf32, #tpu.memory_space<vmem>>) target(%dma_start3A_662 : memref<1024x128xf32, #tpu.memory_space<hbm>>) target_semaphore(%dma_start3A_658 : memref<!tpu.dma_semaphore, #tpu.memory_space<semaphore_mem>>)
    }
    %scan3A_411 = arith.constant 64 : i32
    %dma_wait3A = arith.constant 504 : i32
    %dma_wait3A_412 = arith.constant 1 : i32
    %dma_wait3A_413 = tpu.memref_slice %arg4[%dma_wait3A_412] : memref<8x!tpu.dma_semaphore, #tpu.memory_space<semaphore_mem>> -> memref<1x!tpu.dma_semaphore, #tpu.memory_space<semaphore_mem>>
    %dma_wait3A_414 = tpu.memref_squeeze %dma_wait3A_413 : memref<1x!tpu.dma_semaphore, #tpu.memory_space<semaphore_mem>> -> memref<!tpu.dma_semaphore, #tpu.memory_space<semaphore_mem>>
    %dma_wait3A_415 = arith.constant 0 : i32
    %dma_wait3A_416 = arith.constant 0 : i32
    %dma_wait3A_417 = tpu.memref_slice %arg1[%dma_wait3A, %dma_wait3A_415, %dma_wait3A_416] : memref<512x1024x128xf32, #tpu.memory_space<hbm>> -> memref<1x1024x128xf32, #tpu.memory_space<hbm>>
    %dma_wait3A_418 = tpu.memref_squeeze %dma_wait3A_417 : memref<1x1024x128xf32, #tpu.memory_space<hbm>> -> memref<1024x128xf32, #tpu.memory_space<hbm>>
    %dma_wait3A_419 = arith.constant 771 : i32
    %dma_wait3A_420 = arith.constant 0 : i32
    %dma_wait3A_421 = tpu.memref_slice %arg3[%dma_wait3A_419, %dma_wait3A_420] : memref<2048x128xf32, #tpu.memory_space<vmem>> -> memref<1024x128xf32, #tpu.memory_space<vmem>>
    tpu.wait_dma2 semaphore(%dma_wait3A_414 : memref<!tpu.dma_semaphore, #tpu.memory_space<semaphore_mem>>) src(%dma_wait3A_421 : memref<1024x128xf32, #tpu.memory_space<vmem>>) dst(%dma_wait3A_418 : memref<1024x128xf32, #tpu.memory_space<hbm>>)
    %dma_wait3A_422 = arith.constant 505 : i32
    %dma_wait3A_423 = arith.constant 0 : i32
    %dma_wait3A_424 = tpu.memref_slice %arg4[%dma_wait3A_423] : memref<8x!tpu.dma_semaphore, #tpu.memory_space<semaphore_mem>> -> memref<1x!tpu.dma_semaphore, #tpu.memory_space<semaphore_mem>>
    %dma_wait3A_425 = tpu.memref_squeeze %dma_wait3A_424 : memref<1x!tpu.dma_semaphore, #tpu.memory_space<semaphore_mem>> -> memref<!tpu.dma_semaphore, #tpu.memory_space<semaphore_mem>>
    %dma_wait3A_426 = arith.constant 0 : i32
    %dma_wait3A_427 = arith.constant 0 : i32
    %dma_wait3A_428 = tpu.memref_slice %arg1[%dma_wait3A_422, %dma_wait3A_426, %dma_wait3A_427] : memref<512x1024x128xf32, #tpu.memory_space<hbm>> -> memref<1x1024x128xf32, #tpu.memory_space<hbm>>
    %dma_wait3A_429 = tpu.memref_squeeze %dma_wait3A_428 : memref<1x1024x128xf32, #tpu.memory_space<hbm>> -> memref<1024x128xf32, #tpu.memory_space<hbm>>
    %dma_wait3A_430 = arith.constant 771 : i32
    %dma_wait3A_431 = arith.constant 0 : i32
    %dma_wait3A_432 = tpu.memref_slice %arg2[%dma_wait3A_430, %dma_wait3A_431] : memref<2048x128xf32, #tpu.memory_space<vmem>> -> memref<1024x128xf32, #tpu.memory_space<vmem>>
    tpu.wait_dma2 semaphore(%dma_wait3A_425 : memref<!tpu.dma_semaphore, #tpu.memory_space<semaphore_mem>>) src(%dma_wait3A_432 : memref<1024x128xf32, #tpu.memory_space<vmem>>) dst(%dma_wait3A_429 : memref<1024x128xf32, #tpu.memory_space<hbm>>)
    %dma_wait3A_433 = arith.constant 506 : i32
    %dma_wait3A_434 = arith.constant 3 : i32
    %dma_wait3A_435 = tpu.memref_slice %arg4[%dma_wait3A_434] : memref<8x!tpu.dma_semaphore, #tpu.memory_space<semaphore_mem>> -> memref<1x!tpu.dma_semaphore, #tpu.memory_space<semaphore_mem>>
    %dma_wait3A_436 = tpu.memref_squeeze %dma_wait3A_435 : memref<1x!tpu.dma_semaphore, #tpu.memory_space<semaphore_mem>> -> memref<!tpu.dma_semaphore, #tpu.memory_space<semaphore_mem>>
    %dma_wait3A_437 = arith.constant 0 : i32
    %dma_wait3A_438 = arith.constant 0 : i32
    %dma_wait3A_439 = tpu.memref_slice %arg1[%dma_wait3A_433, %dma_wait3A_437, %dma_wait3A_438] : memref<512x1024x128xf32, #tpu.memory_space<hbm>> -> memref<1x1024x128xf32, #tpu.memory_space<hbm>>
    %dma_wait3A_440 = tpu.memref_squeeze %dma_wait3A_439 : memref<1x1024x128xf32, #tpu.memory_space<hbm>> -> memref<1024x128xf32, #tpu.memory_space<hbm>>
    %dma_wait3A_441 = arith.constant 770 : i32
    %dma_wait3A_442 = arith.constant 0 : i32
    %dma_wait3A_443 = tpu.memref_slice %arg3[%dma_wait3A_441, %dma_wait3A_442] : memref<2048x128xf32, #tpu.memory_space<vmem>> -> memref<1024x128xf32, #tpu.memory_space<vmem>>
    tpu.wait_dma2 semaphore(%dma_wait3A_436 : memref<!tpu.dma_semaphore, #tpu.memory_space<semaphore_mem>>) src(%dma_wait3A_443 : memref<1024x128xf32, #tpu.memory_space<vmem>>) dst(%dma_wait3A_440 : memref<1024x128xf32, #tpu.memory_space<hbm>>)
    %dma_wait3A_444 = arith.constant 507 : i32
    %dma_wait3A_445 = arith.constant 2 : i32
    %dma_wait3A_446 = tpu.memref_slice %arg4[%dma_wait3A_445] : memref<8x!tpu.dma_semaphore, #tpu.memory_space<semaphore_mem>> -> memref<1x!tpu.dma_semaphore, #tpu.memory_space<semaphore_mem>>
    %dma_wait3A_447 = tpu.memref_squeeze %dma_wait3A_446 : memref<1x!tpu.dma_semaphore, #tpu.memory_space<semaphore_mem>> -> memref<!tpu.dma_semaphore, #tpu.memory_space<semaphore_mem>>
    %dma_wait3A_448 = arith.constant 0 : i32
    %dma_wait3A_449 = arith.constant 0 : i32
    %dma_wait3A_450 = tpu.memref_slice %arg1[%dma_wait3A_444, %dma_wait3A_448, %dma_wait3A_449] : memref<512x1024x128xf32, #tpu.memory_space<hbm>> -> memref<1x1024x128xf32, #tpu.memory_space<hbm>>
    %dma_wait3A_451 = tpu.memref_squeeze %dma_wait3A_450 : memref<1x1024x128xf32, #tpu.memory_space<hbm>> -> memref<1024x128xf32, #tpu.memory_space<hbm>>
    %dma_wait3A_452 = arith.constant 770 : i32
    %dma_wait3A_453 = arith.constant 0 : i32
    %dma_wait3A_454 = tpu.memref_slice %arg2[%dma_wait3A_452, %dma_wait3A_453] : memref<2048x128xf32, #tpu.memory_space<vmem>> -> memref<1024x128xf32, #tpu.memory_space<vmem>>
    tpu.wait_dma2 semaphore(%dma_wait3A_447 : memref<!tpu.dma_semaphore, #tpu.memory_space<semaphore_mem>>) src(%dma_wait3A_454 : memref<1024x128xf32, #tpu.memory_space<vmem>>) dst(%dma_wait3A_451 : memref<1024x128xf32, #tpu.memory_space<hbm>>)
    %dma_wait3A_455 = arith.constant 508 : i32
    %dma_wait3A_456 = arith.constant 5 : i32
    %dma_wait3A_457 = tpu.memref_slice %arg4[%dma_wait3A_456] : memref<8x!tpu.dma_semaphore, #tpu.memory_space<semaphore_mem>> -> memref<1x!tpu.dma_semaphore, #tpu.memory_space<semaphore_mem>>
    %dma_wait3A_458 = tpu.memref_squeeze %dma_wait3A_457 : memref<1x!tpu.dma_semaphore, #tpu.memory_space<semaphore_mem>> -> memref<!tpu.dma_semaphore, #tpu.memory_space<semaphore_mem>>
    %dma_wait3A_459 = arith.constant 0 : i32
    %dma_wait3A_460 = arith.constant 0 : i32
    %dma_wait3A_461 = tpu.memref_slice %arg1[%dma_wait3A_455, %dma_wait3A_459, %dma_wait3A_460] : memref<512x1024x128xf32, #tpu.memory_space<hbm>> -> memref<1x1024x128xf32, #tpu.memory_space<hbm>>
    %dma_wait3A_462 = tpu.memref_squeeze %dma_wait3A_461 : memref<1x1024x128xf32, #tpu.memory_space<hbm>> -> memref<1024x128xf32, #tpu.memory_space<hbm>>
    %dma_wait3A_463 = arith.constant 769 : i32
    %dma_wait3A_464 = arith.constant 0 : i32
    %dma_wait3A_465 = tpu.memref_slice %arg3[%dma_wait3A_463, %dma_wait3A_464] : memref<2048x128xf32, #tpu.memory_space<vmem>> -> memref<1024x128xf32, #tpu.memory_space<vmem>>
    tpu.wait_dma2 semaphore(%dma_wait3A_458 : memref<!tpu.dma_semaphore, #tpu.memory_space<semaphore_mem>>) src(%dma_wait3A_465 : memref<1024x128xf32, #tpu.memory_space<vmem>>) dst(%dma_wait3A_462 : memref<1024x128xf32, #tpu.memory_space<hbm>>)
    %dma_wait3A_466 = arith.constant 509 : i32
    %dma_wait3A_467 = arith.constant 4 : i32
    %dma_wait3A_468 = tpu.memref_slice %arg4[%dma_wait3A_467] : memref<8x!tpu.dma_semaphore, #tpu.memory_space<semaphore_mem>> -> memref<1x!tpu.dma_semaphore, #tpu.memory_space<semaphore_mem>>
    %dma_wait3A_469 = tpu.memref_squeeze %dma_wait3A_468 : memref<1x!tpu.dma_semaphore, #tpu.memory_space<semaphore_mem>> -> memref<!tpu.dma_semaphore, #tpu.memory_space<semaphore_mem>>
    %dma_wait3A_470 = arith.constant 0 : i32
    %dma_wait3A_471 = arith.constant 0 : i32
    %dma_wait3A_472 = tpu.memref_slice %arg1[%dma_wait3A_466, %dma_wait3A_470, %dma_wait3A_471] : memref<512x1024x128xf32, #tpu.memory_space<hbm>> -> memref<1x1024x128xf32, #tpu.memory_space<hbm>>
    %dma_wait3A_473 = tpu.memref_squeeze %dma_wait3A_472 : memref<1x1024x128xf32, #tpu.memory_space<hbm>> -> memref<1024x128xf32, #tpu.memory_space<hbm>>
    %dma_wait3A_474 = arith.constant 769 : i32
    %dma_wait3A_475 = arith.constant 0 : i32
    %dma_wait3A_476 = tpu.memref_slice %arg2[%dma_wait3A_474, %dma_wait3A_475] : memref<2048x128xf32, #tpu.memory_space<vmem>> -> memref<1024x128xf32, #tpu.memory_space<vmem>>
    tpu.wait_dma2 semaphore(%dma_wait3A_469 : memref<!tpu.dma_semaphore, #tpu.memory_space<semaphore_mem>>) src(%dma_wait3A_476 : memref<1024x128xf32, #tpu.memory_space<vmem>>) dst(%dma_wait3A_473 : memref<1024x128xf32, #tpu.memory_space<hbm>>)
    %dma_wait3A_477 = arith.constant 510 : i32
    %dma_wait3A_478 = arith.constant 7 : i32
    %dma_wait3A_479 = tpu.memref_slice %arg4[%dma_wait3A_478] : memref<8x!tpu.dma_semaphore, #tpu.memory_space<semaphore_mem>> -> memref<1x!tpu.dma_semaphore, #tpu.memory_space<semaphore_mem>>
    %dma_wait3A_480 = tpu.memref_squeeze %dma_wait3A_479 : memref<1x!tpu.dma_semaphore, #tpu.memory_space<semaphore_mem>> -> memref<!tpu.dma_semaphore, #tpu.memory_space<semaphore_mem>>
    %dma_wait3A_481 = arith.constant 0 : i32
    %dma_wait3A_482 = arith.constant 0 : i32
    %dma_wait3A_483 = tpu.memref_slice %arg1[%dma_wait3A_477, %dma_wait3A_481, %dma_wait3A_482] : memref<512x1024x128xf32, #tpu.memory_space<hbm>> -> memref<1x1024x128xf32, #tpu.memory_space<hbm>>
    %dma_wait3A_484 = tpu.memref_squeeze %dma_wait3A_483 : memref<1x1024x128xf32, #tpu.memory_space<hbm>> -> memref<1024x128xf32, #tpu.memory_space<hbm>>
    %dma_wait3A_485 = arith.constant 768 : i32
    %dma_wait3A_486 = arith.constant 0 : i32
    %dma_wait3A_487 = tpu.memref_slice %arg3[%dma_wait3A_485, %dma_wait3A_486] : memref<2048x128xf32, #tpu.memory_space<vmem>> -> memref<1024x128xf32, #tpu.memory_space<vmem>>
    tpu.wait_dma2 semaphore(%dma_wait3A_480 : memref<!tpu.dma_semaphore, #tpu.memory_space<semaphore_mem>>) src(%dma_wait3A_487 : memref<1024x128xf32, #tpu.memory_space<vmem>>) dst(%dma_wait3A_484 : memref<1024x128xf32, #tpu.memory_space<hbm>>)
    %dma_wait3A_488 = arith.constant 511 : i32
    %dma_wait3A_489 = arith.constant 6 : i32
    %dma_wait3A_490 = tpu.memref_slice %arg4[%dma_wait3A_489] : memref<8x!tpu.dma_semaphore, #tpu.memory_space<semaphore_mem>> -> memref<1x!tpu.dma_semaphore, #tpu.memory_space<semaphore_mem>>
    %dma_wait3A_491 = tpu.memref_squeeze %dma_wait3A_490 : memref<1x!tpu.dma_semaphore, #tpu.memory_space<semaphore_mem>> -> memref<!tpu.dma_semaphore, #tpu.memory_space<semaphore_mem>>
    %dma_wait3A_492 = arith.constant 0 : i32
    %dma_wait3A_493 = arith.constant 0 : i32
    %dma_wait3A_494 = tpu.memref_slice %arg1[%dma_wait3A_488, %dma_wait3A_492, %dma_wait3A_493] : memref<512x1024x128xf32, #tpu.memory_space<hbm>> -> memref<1x1024x128xf32, #tpu.memory_space<hbm>>
    %dma_wait3A_495 = tpu.memref_squeeze %dma_wait3A_494 : memref<1x1024x128xf32, #tpu.memory_space<hbm>> -> memref<1024x128xf32, #tpu.memory_space<hbm>>
    %dma_wait3A_496 = arith.constant 768 : i32
    %dma_wait3A_497 = arith.constant 0 : i32
    %dma_wait3A_498 = tpu.memref_slice %arg2[%dma_wait3A_496, %dma_wait3A_497] : memref<2048x128xf32, #tpu.memory_space<vmem>> -> memref<1024x128xf32, #tpu.memory_space<vmem>>
    tpu.wait_dma2 semaphore(%dma_wait3A_491 : memref<!tpu.dma_semaphore, #tpu.memory_space<semaphore_mem>>) src(%dma_wait3A_498 : memref<1024x128xf32, #tpu.memory_space<vmem>>) dst(%dma_wait3A_495 : memref<1024x128xf32, #tpu.memory_space<hbm>>)
    return
  }
}

module attributes {stable_mosaic.version = 14 : i64} {
  func.func @_rpe_kernel(%arg0: memref<33x64xf32, #tpu.memory_space<vmem>>, %arg1: memref<512x1024x128xf32, #tpu.memory_space<hbm>>, %arg2: memref<2048x128xf32, #tpu.memory_space<vmem>>, %arg3: memref<2048x128xf32, #tpu.memory_space<vmem>>, %arg4: memref<8x!tpu.dma_semaphore, #tpu.memory_space<semaphore_mem>>) attributes {dimension_semantics = [], scalar_prefetch = 0 : i64, scratch_operands = 3 : i64, tpu.core_type = #tpu.core_type<tc>} {
    %get3A = arith.constant 0 : index
    %get3A_0 = arith.constant 0 : index
    %get3A_1 = vector.load %arg0[%get3A, %get3A_0] : memref<33x64xf32, #tpu.memory_space<vmem>>, vector<1x64xf32>
    %get3A_2 = arith.constant 32 : index
    %get3A_3 = arith.constant 0 : index
    %get3A_4 = vector.load %arg0[%get3A_2, %get3A_3] : memref<33x64xf32, #tpu.memory_space<vmem>>, vector<1x64xf32>
    %concatenate3A = tpu.concatenate %get3A_1, %get3A_1 in 1 : vector<1x64xf32>, vector<1x64xf32> -> vector<1x128xf32>
    %concatenate3A_5 = tpu.concatenate %get3A_4, %get3A_4 in 1 : vector<1x64xf32>, vector<1x64xf32> -> vector<1x128xf32>
    %broadcast_in_dim3A = vector.shape_cast %concatenate3A : vector<1x128xf32> to vector<1x128xf32>
    %broadcast_in_dim3A_6 = vector.broadcast %broadcast_in_dim3A : vector<1x128xf32> to vector<1016x128xf32>
    %swap3A = arith.constant 0 : index
    %swap3A_7 = arith.constant 0 : index
    %swap3A_8 = vector.load %arg2[%swap3A, %swap3A_7] : memref<2048x128xf32, #tpu.memory_space<vmem>>, vector<1016x128xf32>
    tpu.vector_store %arg2[%swap3A, %swap3A_7], %broadcast_in_dim3A_6 {strides = array<i32>} : memref<2048x128xf32, #tpu.memory_space<vmem>>, vector<1016x128xf32>,
    %broadcast_in_dim3A_9 = vector.shape_cast %concatenate3A_5 : vector<1x128xf32> to vector<1x128xf32>
    %broadcast_in_dim3A_10 = vector.broadcast %broadcast_in_dim3A_9 : vector<1x128xf32> to vector<1016x128xf32>
    %swap3A_11 = arith.constant 1032 : index
    %swap3A_12 = arith.constant 0 : index
    %swap3A_13 = vector.load %arg2[%swap3A_11, %swap3A_12] : memref<2048x128xf32, #tpu.memory_space<vmem>>, vector<1016x128xf32>
    tpu.vector_store %arg2[%swap3A_11, %swap3A_12], %broadcast_in_dim3A_10 {strides = array<i32>} : memref<2048x128xf32, #tpu.memory_space<vmem>>, vector<1016x128xf32>,
    %broadcast_in_dim3A_14 = vector.shape_cast %concatenate3A : vector<1x128xf32> to vector<1x128xf32>
    %broadcast_in_dim3A_15 = vector.broadcast %broadcast_in_dim3A_14 : vector<1x128xf32> to vector<1015x128xf32>
    %swap3A_16 = arith.constant 0 : index
    %swap3A_17 = arith.constant 0 : index
    %swap3A_18 = vector.load %arg3[%swap3A_16, %swap3A_17] : memref<2048x128xf32, #tpu.memory_space<vmem>>, vector<1015x128xf32>
    tpu.vector_store %arg3[%swap3A_16, %swap3A_17], %broadcast_in_dim3A_15 {strides = array<i32>} : memref<2048x128xf32, #tpu.memory_space<vmem>>, vector<1015x128xf32>,
    %broadcast_in_dim3A_19 = vector.shape_cast %concatenate3A_5 : vector<1x128xf32> to vector<1x128xf32>
    %broadcast_in_dim3A_20 = vector.broadcast %broadcast_in_dim3A_19 : vector<1x128xf32> to vector<1017x128xf32>
    %swap3A_21 = arith.constant 1031 : index
    %swap3A_22 = arith.constant 0 : index
    %swap3A_23 = vector.load %arg3[%swap3A_21, %swap3A_22] : memref<2048x128xf32, #tpu.memory_space<vmem>>, vector<1017x128xf32>
    tpu.vector_store %arg3[%swap3A_21, %swap3A_22], %broadcast_in_dim3A_20 {strides = array<i32>} : memref<2048x128xf32, #tpu.memory_space<vmem>>, vector<1017x128xf32>,
    %get3A_24 = arith.constant 1 : index
    %get3A_25 = arith.constant 0 : index
    %get3A_26 = vector.load %arg0[%get3A_24, %get3A_25] : memref<33x64xf32, #tpu.memory_space<vmem>>, vector<1x64xf32>
    %swap3A_27 = arith.constant 1016 : index
    %swap3A_28 = arith.constant 0 : index
    %swap3A_29 = vector.load %arg2[%swap3A_27, %swap3A_28] : memref<2048x128xf32, #tpu.memory_space<vmem>>, vector<1x64xf32>
    tpu.vector_store %arg2[%swap3A_27, %swap3A_28], %get3A_26 {strides = array<i32>} : memref<2048x128xf32, #tpu.memory_space<vmem>>, vector<1x64xf32>,
    %get3A_30 = arith.constant 2 : index
    %get3A_31 = arith.constant 0 : index
    %get3A_32 = vector.load %arg0[%get3A_30, %get3A_31] : memref<33x64xf32, #tpu.memory_space<vmem>>, vector<1x64xf32>
    %swap3A_33 = arith.constant 1016 : index
    %swap3A_34 = arith.constant 64 : index
    %swap3A_35 = vector.load %arg2[%swap3A_33, %swap3A_34] : memref<2048x128xf32, #tpu.memory_space<vmem>>, vector<1x64xf32>
    tpu.vector_store %arg2[%swap3A_33, %swap3A_34], %get3A_32 {strides = array<i32>} : memref<2048x128xf32, #tpu.memory_space<vmem>>, vector<1x64xf32>,
    %get3A_36 = arith.constant 0 : index
    %get3A_37 = arith.constant 0 : index
    %get3A_38 = vector.load %arg0[%get3A_36, %get3A_37] : memref<33x64xf32, #tpu.memory_space<vmem>>, vector<1x64xf32>
    %swap3A_39 = arith.constant 1015 : index
    %swap3A_40 = arith.constant 0 : index
    %swap3A_41 = vector.load %arg3[%swap3A_39, %swap3A_40] : memref<2048x128xf32, #tpu.memory_space<vmem>>, vector<1x64xf32>
    tpu.vector_store %arg3[%swap3A_39, %swap3A_40], %get3A_38 {strides = array<i32>} : memref<2048x128xf32, #tpu.memory_space<vmem>>, vector<1x64xf32>,
    %get3A_42 = arith.constant 1 : index
    %get3A_43 = arith.constant 0 : index
    %get3A_44 = vector.load %arg0[%get3A_42, %get3A_43] : memref<33x64xf32, #tpu.memory_space<vmem>>, vector<1x64xf32>
    %swap3A_45 = arith.constant 1015 : index
    %swap3A_46 = arith.constant 64 : index
    %swap3A_47 = vector.load %arg3[%swap3A_45, %swap3A_46] : memref<2048x128xf32, #tpu.memory_space<vmem>>, vector<1x64xf32>
    tpu.vector_store %arg3[%swap3A_45, %swap3A_46], %get3A_44 {strides = array<i32>} : memref<2048x128xf32, #tpu.memory_space<vmem>>, vector<1x64xf32>,
    %get3A_48 = arith.constant 3 : index
    %get3A_49 = arith.constant 0 : index
    %get3A_50 = vector.load %arg0[%get3A_48, %get3A_49] : memref<33x64xf32, #tpu.memory_space<vmem>>, vector<1x64xf32>
    %swap3A_51 = arith.constant 1017 : index
    %swap3A_52 = arith.constant 0 : index
    %swap3A_53 = vector.load %arg2[%swap3A_51, %swap3A_52] : memref<2048x128xf32, #tpu.memory_space<vmem>>, vector<1x64xf32>
    tpu.vector_store %arg2[%swap3A_51, %swap3A_52], %get3A_50 {strides = array<i32>} : memref<2048x128xf32, #tpu.memory_space<vmem>>, vector<1x64xf32>,
    %get3A_54 = arith.constant 4 : index
    %get3A_55 = arith.constant 0 : index
    %get3A_56 = vector.load %arg0[%get3A_54, %get3A_55] : memref<33x64xf32, #tpu.memory_space<vmem>>, vector<1x64xf32>
    %swap3A_57 = arith.constant 1017 : index
    %swap3A_58 = arith.constant 64 : index
    %swap3A_59 = vector.load %arg2[%swap3A_57, %swap3A_58] : memref<2048x128xf32, #tpu.memory_space<vmem>>, vector<1x64xf32>
    tpu.vector_store %arg2[%swap3A_57, %swap3A_58], %get3A_56 {strides = array<i32>} : memref<2048x128xf32, #tpu.memory_space<vmem>>, vector<1x64xf32>,
    %get3A_60 = arith.constant 2 : index
    %get3A_61 = arith.constant 0 : index
    %get3A_62 = vector.load %arg0[%get3A_60, %get3A_61] : memref<33x64xf32, #tpu.memory_space<vmem>>, vector<1x64xf32>
    %swap3A_63 = arith.constant 1016 : index
    %swap3A_64 = arith.constant 0 : index
    %swap3A_65 = vector.load %arg3[%swap3A_63, %swap3A_64] : memref<2048x128xf32, #tpu.memory_space<vmem>>, vector<1x64xf32>
    tpu.vector_store %arg3[%swap3A_63, %swap3A_64], %get3A_62 {strides = array<i32>} : memref<2048x128xf32, #tpu.memory_space<vmem>>, vector<1x64xf32>,
    %get3A_66 = arith.constant 3 : index
    %get3A_67 = arith.constant 0 : index
    %get3A_68 = vector.load %arg0[%get3A_66, %get3A_67] : memref<33x64xf32, #tpu.memory_space<vmem>>, vector<1x64xf32>
    %swap3A_69 = arith.constant 1016 : index
    %swap3A_70 = arith.constant 64 : index
    %swap3A_71 = vector.load %arg3[%swap3A_69, %swap3A_70] : memref<2048x128xf32, #tpu.memory_space<vmem>>, vector<1x64xf32>
    tpu.vector_store %arg3[%swap3A_69, %swap3A_70], %get3A_68 {strides = array<i32>} : memref<2048x128xf32, #tpu.memory_space<vmem>>, vector<1x64xf32>,
    %get3A_72 = arith.constant 5 : index
    %get3A_73 = arith.constant 0 : index
    %get3A_74 = vector.load %arg0[%get3A_72, %get3A_73] : memref<33x64xf32, #tpu.memory_space<vmem>>, vector<1x64xf32>
    %swap3A_75 = arith.constant 1018 : index
    %swap3A_76 = arith.constant 0 : index
    %swap3A_77 = vector.load %arg2[%swap3A_75, %swap3A_76] : memref<2048x128xf32, #tpu.memory_space<vmem>>, vector<1x64xf32>
    tpu.vector_store %arg2[%swap3A_75, %swap3A_76], %get3A_74 {strides = array<i32>} : memref<2048x128xf32, #tpu.memory_space<vmem>>, vector<1x64xf32>,
    %get3A_78 = arith.constant 6 : index
    %get3A_79 = arith.constant 0 : index
    %get3A_80 = vector.load %arg0[%get3A_78, %get3A_79] : memref<33x64xf32, #tpu.memory_space<vmem>>, vector<1x64xf32>
    %swap3A_81 = arith.constant 1018 : index
    %swap3A_82 = arith.constant 64 : index
    %swap3A_83 = vector.load %arg2[%swap3A_81, %swap3A_82] : memref<2048x128xf32, #tpu.memory_space<vmem>>, vector<1x64xf32>
    tpu.vector_store %arg2[%swap3A_81, %swap3A_82], %get3A_80 {strides = array<i32>} : memref<2048x128xf32, #tpu.memory_space<vmem>>, vector<1x64xf32>,
    %get3A_84 = arith.constant 4 : index
    %get3A_85 = arith.constant 0 : index
    %get3A_86 = vector.load %arg0[%get3A_84, %get3A_85] : memref<33x64xf32, #tpu.memory_space<vmem>>, vector<1x64xf32>
    %swap3A_87 = arith.constant 1017 : index
    %swap3A_88 = arith.constant 0 : index
    %swap3A_89 = vector.load %arg3[%swap3A_87, %swap3A_88] : memref<2048x128xf32, #tpu.memory_space<vmem>>, vector<1x64xf32>
    tpu.vector_store %arg3[%swap3A_87, %swap3A_88], %get3A_86 {strides = array<i32>} : memref<2048x128xf32, #tpu.memory_space<vmem>>, vector<1x64xf32>,
    %get3A_90 = arith.constant 5 : index
    %get3A_91 = arith.constant 0 : index
    %get3A_92 = vector.load %arg0[%get3A_90, %get3A_91] : memref<33x64xf32, #tpu.memory_space<vmem>>, vector<1x64xf32>
    %swap3A_93 = arith.constant 1017 : index
    %swap3A_94 = arith.constant 64 : index
    %swap3A_95 = vector.load %arg3[%swap3A_93, %swap3A_94] : memref<2048x128xf32, #tpu.memory_space<vmem>>, vector<1x64xf32>
    tpu.vector_store %arg3[%swap3A_93, %swap3A_94], %get3A_92 {strides = array<i32>} : memref<2048x128xf32, #tpu.memory_space<vmem>>, vector<1x64xf32>,
    %get3A_96 = arith.constant 7 : index
    %get3A_97 = arith.constant 0 : index
    %get3A_98 = vector.load %arg0[%get3A_96, %get3A_97] : memref<33x64xf32, #tpu.memory_space<vmem>>, vector<1x64xf32>
    %swap3A_99 = arith.constant 1019 : index
    %swap3A_100 = arith.constant 0 : index
    %swap3A_101 = vector.load %arg2[%swap3A_99, %swap3A_100] : memref<2048x128xf32, #tpu.memory_space<vmem>>, vector<1x64xf32>
    tpu.vector_store %arg2[%swap3A_99, %swap3A_100], %get3A_98 {strides = array<i32>} : memref<2048x128xf32, #tpu.memory_space<vmem>>, vector<1x64xf32>,
    %get3A_102 = arith.constant 8 : index
    %get3A_103 = arith.constant 0 : index
    %get3A_104 = vector.load %arg0[%get3A_102, %get3A_103] : memref<33x64xf32, #tpu.memory_space<vmem>>, vector<1x64xf32>
    %swap3A_105 = arith.constant 1019 : index
    %swap3A_106 = arith.constant 64 : index
    %swap3A_107 = vector.load %arg2[%swap3A_105, %swap3A_106] : memref<2048x128xf32, #tpu.memory_space<vmem>>, vector<1x64xf32>
    tpu.vector_store %arg2[%swap3A_105, %swap3A_106], %get3A_104 {strides = array<i32>} : memref<2048x128xf32, #tpu.memory_space<vmem>>, vector<1x64xf32>,
    %get3A_108 = arith.constant 6 : index
    %get3A_109 = arith.constant 0 : index
    %get3A_110 = vector.load %arg0[%get3A_108, %get3A_109] : memref<33x64xf32, #tpu.memory_space<vmem>>, vector<1x64xf32>
    %swap3A_111 = arith.constant 1018 : index
    %swap3A_112 = arith.constant 0 : index
    %swap3A_113 = vector.load %arg3[%swap3A_111, %swap3A_112] : memref<2048x128xf32, #tpu.memory_space<vmem>>, vector<1x64xf32>
    tpu.vector_store %arg3[%swap3A_111, %swap3A_112], %get3A_110 {strides = array<i32>} : memref<2048x128xf32, #tpu.memory_space<vmem>>, vector<1x64xf32>,
    %get3A_114 = arith.constant 7 : index
    %get3A_115 = arith.constant 0 : index
    %get3A_116 = vector.load %arg0[%get3A_114, %get3A_115] : memref<33x64xf32, #tpu.memory_space<vmem>>, vector<1x64xf32>
    %swap3A_117 = arith.constant 1018 : index
    %swap3A_118 = arith.constant 64 : index
    %swap3A_119 = vector.load %arg3[%swap3A_117, %swap3A_118] : memref<2048x128xf32, #tpu.memory_space<vmem>>, vector<1x64xf32>
    tpu.vector_store %arg3[%swap3A_117, %swap3A_118], %get3A_116 {strides = array<i32>} : memref<2048x128xf32, #tpu.memory_space<vmem>>, vector<1x64xf32>,
    %get3A_120 = arith.constant 9 : index
    %get3A_121 = arith.constant 0 : index
    %get3A_122 = vector.load %arg0[%get3A_120, %get3A_121] : memref<33x64xf32, #tpu.memory_space<vmem>>, vector<1x64xf32>
    %swap3A_123 = arith.constant 1020 : index
    %swap3A_124 = arith.constant 0 : index
    %swap3A_125 = vector.load %arg2[%swap3A_123, %swap3A_124] : memref<2048x128xf32, #tpu.memory_space<vmem>>, vector<1x64xf32>
    tpu.vector_store %arg2[%swap3A_123, %swap3A_124], %get3A_122 {strides = array<i32>} : memref<2048x128xf32, #tpu.memory_space<vmem>>, vector<1x64xf32>,
    %get3A_126 = arith.constant 10 : index
    %get3A_127 = arith.constant 0 : index
    %get3A_128 = vector.load %arg0[%get3A_126, %get3A_127] : memref<33x64xf32, #tpu.memory_space<vmem>>, vector<1x64xf32>
    %swap3A_129 = arith.constant 1020 : index
    %swap3A_130 = arith.constant 64 : index
    %swap3A_131 = vector.load %arg2[%swap3A_129, %swap3A_130] : memref<2048x128xf32, #tpu.memory_space<vmem>>, vector<1x64xf32>
    tpu.vector_store %arg2[%swap3A_129, %swap3A_130], %get3A_128 {strides = array<i32>} : memref<2048x128xf32, #tpu.memory_space<vmem>>, vector<1x64xf32>,
    %get3A_132 = arith.constant 8 : index
    %get3A_133 = arith.constant 0 : index
    %get3A_134 = vector.load %arg0[%get3A_132, %get3A_133] : memref<33x64xf32, #tpu.memory_space<vmem>>, vector<1x64xf32>
    %swap3A_135 = arith.constant 1019 : index
    %swap3A_136 = arith.constant 0 : index
    %swap3A_137 = vector.load %arg3[%swap3A_135, %swap3A_136] : memref<2048x128xf32, #tpu.memory_space<vmem>>, vector<1x64xf32>
    tpu.vector_store %arg3[%swap3A_135, %swap3A_136], %get3A_134 {strides = array<i32>} : memref<2048x128xf32, #tpu.memory_space<vmem>>, vector<1x64xf32>,
    %get3A_138 = arith.constant 9 : index
    %get3A_139 = arith.constant 0 : index
    %get3A_140 = vector.load %arg0[%get3A_138, %get3A_139] : memref<33x64xf32, #tpu.memory_space<vmem>>, vector<1x64xf32>
    %swap3A_141 = arith.constant 1019 : index
    %swap3A_142 = arith.constant 64 : index
    %swap3A_143 = vector.load %arg3[%swap3A_141, %swap3A_142] : memref<2048x128xf32, #tpu.memory_space<vmem>>, vector<1x64xf32>
    tpu.vector_store %arg3[%swap3A_141, %swap3A_142], %get3A_140 {strides = array<i32>} : memref<2048x128xf32, #tpu.memory_space<vmem>>, vector<1x64xf32>,
    %get3A_144 = arith.constant 11 : index
    %get3A_145 = arith.constant 0 : index
    %get3A_146 = vector.load %arg0[%get3A_144, %get3A_145] : memref<33x64xf32, #tpu.memory_space<vmem>>, vector<1x64xf32>
    %swap3A_147 = arith.constant 1021 : index
    %swap3A_148 = arith.constant 0 : index
    %swap3A_149 = vector.load %arg2[%swap3A_147, %swap3A_148] : memref<2048x128xf32, #tpu.memory_space<vmem>>, vector<1x64xf32>
    tpu.vector_store %arg2[%swap3A_147, %swap3A_148], %get3A_146 {strides = array<i32>} : memref<2048x128xf32, #tpu.memory_space<vmem>>, vector<1x64xf32>,
    %get3A_150 = arith.constant 12 : index
    %get3A_151 = arith.constant 0 : index
    %get3A_152 = vector.load %arg0[%get3A_150, %get3A_151] : memref<33x64xf32, #tpu.memory_space<vmem>>, vector<1x64xf32>
    %swap3A_153 = arith.constant 1021 : index
    %swap3A_154 = arith.constant 64 : index
    %swap3A_155 = vector.load %arg2[%swap3A_153, %swap3A_154] : memref<2048x128xf32, #tpu.memory_space<vmem>>, vector<1x64xf32>
    tpu.vector_store %arg2[%swap3A_153, %swap3A_154], %get3A_152 {strides = array<i32>} : memref<2048x128xf32, #tpu.memory_space<vmem>>, vector<1x64xf32>,
    %get3A_156 = arith.constant 10 : index
    %get3A_157 = arith.constant 0 : index
    %get3A_158 = vector.load %arg0[%get3A_156, %get3A_157] : memref<33x64xf32, #tpu.memory_space<vmem>>, vector<1x64xf32>
    %swap3A_159 = arith.constant 1020 : index
    %swap3A_160 = arith.constant 0 : index
    %swap3A_161 = vector.load %arg3[%swap3A_159, %swap3A_160] : memref<2048x128xf32, #tpu.memory_space<vmem>>, vector<1x64xf32>
    tpu.vector_store %arg3[%swap3A_159, %swap3A_160], %get3A_158 {strides = array<i32>} : memref<2048x128xf32, #tpu.memory_space<vmem>>, vector<1x64xf32>,
    %get3A_162 = arith.constant 11 : index
    %get3A_163 = arith.constant 0 : index
    %get3A_164 = vector.load %arg0[%get3A_162, %get3A_163] : memref<33x64xf32, #tpu.memory_space<vmem>>, vector<1x64xf32>
    %swap3A_165 = arith.constant 1020 : index
    %swap3A_166 = arith.constant 64 : index
    %swap3A_167 = vector.load %arg3[%swap3A_165, %swap3A_166] : memref<2048x128xf32, #tpu.memory_space<vmem>>, vector<1x64xf32>
    tpu.vector_store %arg3[%swap3A_165, %swap3A_166], %get3A_164 {strides = array<i32>} : memref<2048x128xf32, #tpu.memory_space<vmem>>, vector<1x64xf32>,
    %get3A_168 = arith.constant 13 : index
    %get3A_169 = arith.constant 0 : index
    %get3A_170 = vector.load %arg0[%get3A_168, %get3A_169] : memref<33x64xf32, #tpu.memory_space<vmem>>, vector<1x64xf32>
    %swap3A_171 = arith.constant 1022 : index
    %swap3A_172 = arith.constant 0 : index
    %swap3A_173 = vector.load %arg2[%swap3A_171, %swap3A_172] : memref<2048x128xf32, #tpu.memory_space<vmem>>, vector<1x64xf32>
    tpu.vector_store %arg2[%swap3A_171, %swap3A_172], %get3A_170 {strides = array<i32>} : memref<2048x128xf32, #tpu.memory_space<vmem>>, vector<1x64xf32>,
    %get3A_174 = arith.constant 14 : index
    %get3A_175 = arith.constant 0 : index
    %get3A_176 = vector.load %arg0[%get3A_174, %get3A_175] : memref<33x64xf32, #tpu.memory_space<vmem>>, vector<1x64xf32>
    %swap3A_177 = arith.constant 1022 : index
    %swap3A_178 = arith.constant 64 : index
    %swap3A_179 = vector.load %arg2[%swap3A_177, %swap3A_178] : memref<2048x128xf32, #tpu.memory_space<vmem>>, vector<1x64xf32>
    tpu.vector_store %arg2[%swap3A_177, %swap3A_178], %get3A_176 {strides = array<i32>} : memref<2048x128xf32, #tpu.memory_space<vmem>>, vector<1x64xf32>,
    %get3A_180 = arith.constant 12 : index
    %get3A_181 = arith.constant 0 : index
    %get3A_182 = vector.load %arg0[%get3A_180, %get3A_181] : memref<33x64xf32, #tpu.memory_space<vmem>>, vector<1x64xf32>
    %swap3A_183 = arith.constant 1021 : index
    %swap3A_184 = arith.constant 0 : index
    %swap3A_185 = vector.load %arg3[%swap3A_183, %swap3A_184] : memref<2048x128xf32, #tpu.memory_space<vmem>>, vector<1x64xf32>
    tpu.vector_store %arg3[%swap3A_183, %swap3A_184], %get3A_182 {strides = array<i32>} : memref<2048x128xf32, #tpu.memory_space<vmem>>, vector<1x64xf32>,
    %get3A_186 = arith.constant 13 : index
    %get3A_187 = arith.constant 0 : index
    %get3A_188 = vector.load %arg0[%get3A_186, %get3A_187] : memref<33x64xf32, #tpu.memory_space<vmem>>, vector<1x64xf32>
    %swap3A_189 = arith.constant 1021 : index
    %swap3A_190 = arith.constant 64 : index
    %swap3A_191 = vector.load %arg3[%swap3A_189, %swap3A_190] : memref<2048x128xf32, #tpu.memory_space<vmem>>, vector<1x64xf32>
    tpu.vector_store %arg3[%swap3A_189, %swap3A_190], %get3A_188 {strides = array<i32>} : memref<2048x128xf32, #tpu.memory_space<vmem>>, vector<1x64xf32>,
    %get3A_192 = arith.constant 15 : index
    %get3A_193 = arith.constant 0 : index
    %get3A_194 = vector.load %arg0[%get3A_192, %get3A_193] : memref<33x64xf32, #tpu.memory_space<vmem>>, vector<1x64xf32>
    %swap3A_195 = arith.constant 1023 : index
    %swap3A_196 = arith.constant 0 : index
    %swap3A_197 = vector.load %arg2[%swap3A_195, %swap3A_196] : memref<2048x128xf32, #tpu.memory_space<vmem>>, vector<1x64xf32>
    tpu.vector_store %arg2[%swap3A_195, %swap3A_196], %get3A_194 {strides = array<i32>} : memref<2048x128xf32, #tpu.memory_space<vmem>>, vector<1x64xf32>,
    %get3A_198 = arith.constant 16 : index
    %get3A_199 = arith.constant 0 : index
    %get3A_200 = vector.load %arg0[%get3A_198, %get3A_199] : memref<33x64xf32, #tpu.memory_space<vmem>>, vector<1x64xf32>
    %swap3A_201 = arith.constant 1023 : index
    %swap3A_202 = arith.constant 64 : index
    %swap3A_203 = vector.load %arg2[%swap3A_201, %swap3A_202] : memref<2048x128xf32, #tpu.memory_space<vmem>>, vector<1x64xf32>
    tpu.vector_store %arg2[%swap3A_201, %swap3A_202], %get3A_200 {strides = array<i32>} : memref<2048x128xf32, #tpu.memory_space<vmem>>, vector<1x64xf32>,
    %get3A_204 = arith.constant 14 : index
    %get3A_205 = arith.constant 0 : index
    %get3A_206 = vector.load %arg0[%get3A_204, %get3A_205] : memref<33x64xf32, #tpu.memory_space<vmem>>, vector<1x64xf32>
    %swap3A_207 = arith.constant 1022 : index
    %swap3A_208 = arith.constant 0 : index
    %swap3A_209 = vector.load %arg3[%swap3A_207, %swap3A_208] : memref<2048x128xf32, #tpu.memory_space<vmem>>, vector<1x64xf32>
    tpu.vector_store %arg3[%swap3A_207, %swap3A_208], %get3A_206 {strides = array<i32>} : memref<2048x128xf32, #tpu.memory_space<vmem>>, vector<1x64xf32>,
    %get3A_210 = arith.constant 15 : index
    %get3A_211 = arith.constant 0 : index
    %get3A_212 = vector.load %arg0[%get3A_210, %get3A_211] : memref<33x64xf32, #tpu.memory_space<vmem>>, vector<1x64xf32>
    %swap3A_213 = arith.constant 1022 : index
    %swap3A_214 = arith.constant 64 : index
    %swap3A_215 = vector.load %arg3[%swap3A_213, %swap3A_214] : memref<2048x128xf32, #tpu.memory_space<vmem>>, vector<1x64xf32>
    tpu.vector_store %arg3[%swap3A_213, %swap3A_214], %get3A_212 {strides = array<i32>} : memref<2048x128xf32, #tpu.memory_space<vmem>>, vector<1x64xf32>,
    %get3A_216 = arith.constant 17 : index
    %get3A_217 = arith.constant 0 : index
    %get3A_218 = vector.load %arg0[%get3A_216, %get3A_217] : memref<33x64xf32, #tpu.memory_space<vmem>>, vector<1x64xf32>
    %swap3A_219 = arith.constant 1024 : index
    %swap3A_220 = arith.constant 0 : index
    %swap3A_221 = vector.load %arg2[%swap3A_219, %swap3A_220] : memref<2048x128xf32, #tpu.memory_space<vmem>>, vector<1x64xf32>
    tpu.vector_store %arg2[%swap3A_219, %swap3A_220], %get3A_218 {strides = array<i32>} : memref<2048x128xf32, #tpu.memory_space<vmem>>, vector<1x64xf32>,
    %get3A_222 = arith.constant 18 : index
    %get3A_223 = arith.constant 0 : index
    %get3A_224 = vector.load %arg0[%get3A_222, %get3A_223] : memref<33x64xf32, #tpu.memory_space<vmem>>, vector<1x64xf32>
    %swap3A_225 = arith.constant 1024 : index
    %swap3A_226 = arith.constant 64 : index
    %swap3A_227 = vector.load %arg2[%swap3A_225, %swap3A_226] : memref<2048x128xf32, #tpu.memory_space<vmem>>, vector<1x64xf32>
    tpu.vector_store %arg2[%swap3A_225, %swap3A_226], %get3A_224 {strides = array<i32>} : memref<2048x128xf32, #tpu.memory_space<vmem>>, vector<1x64xf32>,
    %get3A_228 = arith.constant 16 : index
    %get3A_229 = arith.constant 0 : index
    %get3A_230 = vector.load %arg0[%get3A_228, %get3A_229] : memref<33x64xf32, #tpu.memory_space<vmem>>, vector<1x64xf32>
    %swap3A_231 = arith.constant 1023 : index
    %swap3A_232 = arith.constant 0 : index
    %swap3A_233 = vector.load %arg3[%swap3A_231, %swap3A_232] : memref<2048x128xf32, #tpu.memory_space<vmem>>, vector<1x64xf32>
    tpu.vector_store %arg3[%swap3A_231, %swap3A_232], %get3A_230 {strides = array<i32>} : memref<2048x128xf32, #tpu.memory_space<vmem>>, vector<1x64xf32>,
    %get3A_234 = arith.constant 17 : index
    %get3A_235 = arith.constant 0 : index
    %get3A_236 = vector.load %arg0[%get3A_234, %get3A_235] : memref<33x64xf32, #tpu.memory_space<vmem>>, vector<1x64xf32>
    %swap3A_237 = arith.constant 1023 : index
    %swap3A_238 = arith.constant 64 : index
    %swap3A_239 = vector.load %arg3[%swap3A_237, %swap3A_238] : memref<2048x128xf32, #tpu.memory_space<vmem>>, vector<1x64xf32>
    tpu.vector_store %arg3[%swap3A_237, %swap3A_238], %get3A_236 {strides = array<i32>} : memref<2048x128xf32, #tpu.memory_space<vmem>>, vector<1x64xf32>,
    %get3A_240 = arith.constant 19 : index
    %get3A_241 = arith.constant 0 : index
    %get3A_242 = vector.load %arg0[%get3A_240, %get3A_241] : memref<33x64xf32, #tpu.memory_space<vmem>>, vector<1x64xf32>
    %swap3A_243 = arith.constant 1025 : index
    %swap3A_244 = arith.constant 0 : index
    %swap3A_245 = vector.load %arg2[%swap3A_243, %swap3A_244] : memref<2048x128xf32, #tpu.memory_space<vmem>>, vector<1x64xf32>
    tpu.vector_store %arg2[%swap3A_243, %swap3A_244], %get3A_242 {strides = array<i32>} : memref<2048x128xf32, #tpu.memory_space<vmem>>, vector<1x64xf32>,
    %get3A_246 = arith.constant 20 : index
    %get3A_247 = arith.constant 0 : index
    %get3A_248 = vector.load %arg0[%get3A_246, %get3A_247] : memref<33x64xf32, #tpu.memory_space<vmem>>, vector<1x64xf32>
    %swap3A_249 = arith.constant 1025 : index
    %swap3A_250 = arith.constant 64 : index
    %swap3A_251 = vector.load %arg2[%swap3A_249, %swap3A_250] : memref<2048x128xf32, #tpu.memory_space<vmem>>, vector<1x64xf32>
    tpu.vector_store %arg2[%swap3A_249, %swap3A_250], %get3A_248 {strides = array<i32>} : memref<2048x128xf32, #tpu.memory_space<vmem>>, vector<1x64xf32>,
    %get3A_252 = arith.constant 18 : index
    %get3A_253 = arith.constant 0 : index
    %get3A_254 = vector.load %arg0[%get3A_252, %get3A_253] : memref<33x64xf32, #tpu.memory_space<vmem>>, vector<1x64xf32>
    %swap3A_255 = arith.constant 1024 : index
    %swap3A_256 = arith.constant 0 : index
    %swap3A_257 = vector.load %arg3[%swap3A_255, %swap3A_256] : memref<2048x128xf32, #tpu.memory_space<vmem>>, vector<1x64xf32>
    tpu.vector_store %arg3[%swap3A_255, %swap3A_256], %get3A_254 {strides = array<i32>} : memref<2048x128xf32, #tpu.memory_space<vmem>>, vector<1x64xf32>,
    %get3A_258 = arith.constant 19 : index
    %get3A_259 = arith.constant 0 : index
    %get3A_260 = vector.load %arg0[%get3A_258, %get3A_259] : memref<33x64xf32, #tpu.memory_space<vmem>>, vector<1x64xf32>
    %swap3A_261 = arith.constant 1024 : index
    %swap3A_262 = arith.constant 64 : index
    %swap3A_263 = vector.load %arg3[%swap3A_261, %swap3A_262] : memref<2048x128xf32, #tpu.memory_space<vmem>>, vector<1x64xf32>
    tpu.vector_store %arg3[%swap3A_261, %swap3A_262], %get3A_260 {strides = array<i32>} : memref<2048x128xf32, #tpu.memory_space<vmem>>, vector<1x64xf32>,
    %get3A_264 = arith.constant 21 : index
    %get3A_265 = arith.constant 0 : index
    %get3A_266 = vector.load %arg0[%get3A_264, %get3A_265] : memref<33x64xf32, #tpu.memory_space<vmem>>, vector<1x64xf32>
    %swap3A_267 = arith.constant 1026 : index
    %swap3A_268 = arith.constant 0 : index
    %swap3A_269 = vector.load %arg2[%swap3A_267, %swap3A_268] : memref<2048x128xf32, #tpu.memory_space<vmem>>, vector<1x64xf32>
    tpu.vector_store %arg2[%swap3A_267, %swap3A_268], %get3A_266 {strides = array<i32>} : memref<2048x128xf32, #tpu.memory_space<vmem>>, vector<1x64xf32>,
    %get3A_270 = arith.constant 22 : index
    %get3A_271 = arith.constant 0 : index
    %get3A_272 = vector.load %arg0[%get3A_270, %get3A_271] : memref<33x64xf32, #tpu.memory_space<vmem>>, vector<1x64xf32>
    %swap3A_273 = arith.constant 1026 : index
    %swap3A_274 = arith.constant 64 : index
    %swap3A_275 = vector.load %arg2[%swap3A_273, %swap3A_274] : memref<2048x128xf32, #tpu.memory_space<vmem>>, vector<1x64xf32>
    tpu.vector_store %arg2[%swap3A_273, %swap3A_274], %get3A_272 {strides = array<i32>} : memref<2048x128xf32, #tpu.memory_space<vmem>>, vector<1x64xf32>,
    %get3A_276 = arith.constant 20 : index
    %get3A_277 = arith.constant 0 : index
    %get3A_278 = vector.load %arg0[%get3A_276, %get3A_277] : memref<33x64xf32, #tpu.memory_space<vmem>>, vector<1x64xf32>
    %swap3A_279 = arith.constant 1025 : index
    %swap3A_280 = arith.constant 0 : index
    %swap3A_281 = vector.load %arg3[%swap3A_279, %swap3A_280] : memref<2048x128xf32, #tpu.memory_space<vmem>>, vector<1x64xf32>
    tpu.vector_store %arg3[%swap3A_279, %swap3A_280], %get3A_278 {strides = array<i32>} : memref<2048x128xf32, #tpu.memory_space<vmem>>, vector<1x64xf32>,
    %get3A_282 = arith.constant 21 : index
    %get3A_283 = arith.constant 0 : index
    %get3A_284 = vector.load %arg0[%get3A_282, %get3A_283] : memref<33x64xf32, #tpu.memory_space<vmem>>, vector<1x64xf32>
    %swap3A_285 = arith.constant 1025 : index
    %swap3A_286 = arith.constant 64 : index
    %swap3A_287 = vector.load %arg3[%swap3A_285, %swap3A_286] : memref<2048x128xf32, #tpu.memory_space<vmem>>, vector<1x64xf32>
    tpu.vector_store %arg3[%swap3A_285, %swap3A_286], %get3A_284 {strides = array<i32>} : memref<2048x128xf32, #tpu.memory_space<vmem>>, vector<1x64xf32>,
    %get3A_288 = arith.constant 23 : index
    %get3A_289 = arith.constant 0 : index
    %get3A_290 = vector.load %arg0[%get3A_288, %get3A_289] : memref<33x64xf32, #tpu.memory_space<vmem>>, vector<1x64xf32>
    %swap3A_291 = arith.constant 1027 : index
    %swap3A_292 = arith.constant 0 : index
    %swap3A_293 = vector.load %arg2[%swap3A_291, %swap3A_292] : memref<2048x128xf32, #tpu.memory_space<vmem>>, vector<1x64xf32>
    tpu.vector_store %arg2[%swap3A_291, %swap3A_292], %get3A_290 {strides = array<i32>} : memref<2048x128xf32, #tpu.memory_space<vmem>>, vector<1x64xf32>,
    %get3A_294 = arith.constant 24 : index
    %get3A_295 = arith.constant 0 : index
    %get3A_296 = vector.load %arg0[%get3A_294, %get3A_295] : memref<33x64xf32, #tpu.memory_space<vmem>>, vector<1x64xf32>
    %swap3A_297 = arith.constant 1027 : index
    %swap3A_298 = arith.constant 64 : index
    %swap3A_299 = vector.load %arg2[%swap3A_297, %swap3A_298] : memref<2048x128xf32, #tpu.memory_space<vmem>>, vector<1x64xf32>
    tpu.vector_store %arg2[%swap3A_297, %swap3A_298], %get3A_296 {strides = array<i32>} : memref<2048x128xf32, #tpu.memory_space<vmem>>, vector<1x64xf32>,
    %get3A_300 = arith.constant 22 : index
    %get3A_301 = arith.constant 0 : index
    %get3A_302 = vector.load %arg0[%get3A_300, %get3A_301] : memref<33x64xf32, #tpu.memory_space<vmem>>, vector<1x64xf32>
    %swap3A_303 = arith.constant 1026 : index
    %swap3A_304 = arith.constant 0 : index
    %swap3A_305 = vector.load %arg3[%swap3A_303, %swap3A_304] : memref<2048x128xf32, #tpu.memory_space<vmem>>, vector<1x64xf32>
    tpu.vector_store %arg3[%swap3A_303, %swap3A_304], %get3A_302 {strides = array<i32>} : memref<2048x128xf32, #tpu.memory_space<vmem>>, vector<1x64xf32>,
    %get3A_306 = arith.constant 23 : index
    %get3A_307 = arith.constant 0 : index
    %get3A_308 = vector.load %arg0[%get3A_306, %get3A_307] : memref<33x64xf32, #tpu.memory_space<vmem>>, vector<1x64xf32>
    %swap3A_309 = arith.constant 1026 : index
    %swap3A_310 = arith.constant 64 : index
    %swap3A_311 = vector.load %arg3[%swap3A_309, %swap3A_310] : memref<2048x128xf32, #tpu.memory_space<vmem>>, vector<1x64xf32>
    tpu.vector_store %arg3[%swap3A_309, %swap3A_310], %get3A_308 {strides = array<i32>} : memref<2048x128xf32, #tpu.memory_space<vmem>>, vector<1x64xf32>,
    %get3A_312 = arith.constant 25 : index
    %get3A_313 = arith.constant 0 : index
    %get3A_314 = vector.load %arg0[%get3A_312, %get3A_313] : memref<33x64xf32, #tpu.memory_space<vmem>>, vector<1x64xf32>
    %swap3A_315 = arith.constant 1028 : index
    %swap3A_316 = arith.constant 0 : index
    %swap3A_317 = vector.load %arg2[%swap3A_315, %swap3A_316] : memref<2048x128xf32, #tpu.memory_space<vmem>>, vector<1x64xf32>
    tpu.vector_store %arg2[%swap3A_315, %swap3A_316], %get3A_314 {strides = array<i32>} : memref<2048x128xf32, #tpu.memory_space<vmem>>, vector<1x64xf32>,
    %get3A_318 = arith.constant 26 : index
    %get3A_319 = arith.constant 0 : index
    %get3A_320 = vector.load %arg0[%get3A_318, %get3A_319] : memref<33x64xf32, #tpu.memory_space<vmem>>, vector<1x64xf32>
    %swap3A_321 = arith.constant 1028 : index
    %swap3A_322 = arith.constant 64 : index
    %swap3A_323 = vector.load %arg2[%swap3A_321, %swap3A_322] : memref<2048x128xf32, #tpu.memory_space<vmem>>, vector<1x64xf32>
    tpu.vector_store %arg2[%swap3A_321, %swap3A_322], %get3A_320 {strides = array<i32>} : memref<2048x128xf32, #tpu.memory_space<vmem>>, vector<1x64xf32>,
    %get3A_324 = arith.constant 24 : index
    %get3A_325 = arith.constant 0 : index
    %get3A_326 = vector.load %arg0[%get3A_324, %get3A_325] : memref<33x64xf32, #tpu.memory_space<vmem>>, vector<1x64xf32>
    %swap3A_327 = arith.constant 1027 : index
    %swap3A_328 = arith.constant 0 : index
    %swap3A_329 = vector.load %arg3[%swap3A_327, %swap3A_328] : memref<2048x128xf32, #tpu.memory_space<vmem>>, vector<1x64xf32>
    tpu.vector_store %arg3[%swap3A_327, %swap3A_328], %get3A_326 {strides = array<i32>} : memref<2048x128xf32, #tpu.memory_space<vmem>>, vector<1x64xf32>,
    %get3A_330 = arith.constant 25 : index
    %get3A_331 = arith.constant 0 : index
    %get3A_332 = vector.load %arg0[%get3A_330, %get3A_331] : memref<33x64xf32, #tpu.memory_space<vmem>>, vector<1x64xf32>
    %swap3A_333 = arith.constant 1027 : index
    %swap3A_334 = arith.constant 64 : index
    %swap3A_335 = vector.load %arg3[%swap3A_333, %swap3A_334] : memref<2048x128xf32, #tpu.memory_space<vmem>>, vector<1x64xf32>
    tpu.vector_store %arg3[%swap3A_333, %swap3A_334], %get3A_332 {strides = array<i32>} : memref<2048x128xf32, #tpu.memory_space<vmem>>, vector<1x64xf32>,
    %get3A_336 = arith.constant 27 : index
    %get3A_337 = arith.constant 0 : index
    %get3A_338 = vector.load %arg0[%get3A_336, %get3A_337] : memref<33x64xf32, #tpu.memory_space<vmem>>, vector<1x64xf32>
    %swap3A_339 = arith.constant 1029 : index
    %swap3A_340 = arith.constant 0 : index
    %swap3A_341 = vector.load %arg2[%swap3A_339, %swap3A_340] : memref<2048x128xf32, #tpu.memory_space<vmem>>, vector<1x64xf32>
    tpu.vector_store %arg2[%swap3A_339, %swap3A_340], %get3A_338 {strides = array<i32>} : memref<2048x128xf32, #tpu.memory_space<vmem>>, vector<1x64xf32>,
    %get3A_342 = arith.constant 28 : index
    %get3A_343 = arith.constant 0 : index
    %get3A_344 = vector.load %arg0[%get3A_342, %get3A_343] : memref<33x64xf32, #tpu.memory_space<vmem>>, vector<1x64xf32>
    %swap3A_345 = arith.constant 1029 : index
    %swap3A_346 = arith.constant 64 : index
    %swap3A_347 = vector.load %arg2[%swap3A_345, %swap3A_346] : memref<2048x128xf32, #tpu.memory_space<vmem>>, vector<1x64xf32>
    tpu.vector_store %arg2[%swap3A_345, %swap3A_346], %get3A_344 {strides = array<i32>} : memref<2048x128xf32, #tpu.memory_space<vmem>>, vector<1x64xf32>,
    %get3A_348 = arith.constant 26 : index
    %get3A_349 = arith.constant 0 : index
    %get3A_350 = vector.load %arg0[%get3A_348, %get3A_349] : memref<33x64xf32, #tpu.memory_space<vmem>>, vector<1x64xf32>
    %swap3A_351 = arith.constant 1028 : index
    %swap3A_352 = arith.constant 0 : index
    %swap3A_353 = vector.load %arg3[%swap3A_351, %swap3A_352] : memref<2048x128xf32, #tpu.memory_space<vmem>>, vector<1x64xf32>
    tpu.vector_store %arg3[%swap3A_351, %swap3A_352], %get3A_350 {strides = array<i32>} : memref<2048x128xf32, #tpu.memory_space<vmem>>, vector<1x64xf32>,
    %get3A_354 = arith.constant 27 : index
    %get3A_355 = arith.constant 0 : index
    %get3A_356 = vector.load %arg0[%get3A_354, %get3A_355] : memref<33x64xf32, #tpu.memory_space<vmem>>, vector<1x64xf32>
    %swap3A_357 = arith.constant 1028 : index
    %swap3A_358 = arith.constant 64 : index
    %swap3A_359 = vector.load %arg3[%swap3A_357, %swap3A_358] : memref<2048x128xf32, #tpu.memory_space<vmem>>, vector<1x64xf32>
    tpu.vector_store %arg3[%swap3A_357, %swap3A_358], %get3A_356 {strides = array<i32>} : memref<2048x128xf32, #tpu.memory_space<vmem>>, vector<1x64xf32>,
    %get3A_360 = arith.constant 29 : index
    %get3A_361 = arith.constant 0 : index
    %get3A_362 = vector.load %arg0[%get3A_360, %get3A_361] : memref<33x64xf32, #tpu.memory_space<vmem>>, vector<1x64xf32>
    %swap3A_363 = arith.constant 1030 : index
    %swap3A_364 = arith.constant 0 : index
    %swap3A_365 = vector.load %arg2[%swap3A_363, %swap3A_364] : memref<2048x128xf32, #tpu.memory_space<vmem>>, vector<1x64xf32>
    tpu.vector_store %arg2[%swap3A_363, %swap3A_364], %get3A_362 {strides = array<i32>} : memref<2048x128xf32, #tpu.memory_space<vmem>>, vector<1x64xf32>,
    %get3A_366 = arith.constant 30 : index
    %get3A_367 = arith.constant 0 : index
    %get3A_368 = vector.load %arg0[%get3A_366, %get3A_367] : memref<33x64xf32, #tpu.memory_space<vmem>>, vector<1x64xf32>
    %swap3A_369 = arith.constant 1030 : index
    %swap3A_370 = arith.constant 64 : index
    %swap3A_371 = vector.load %arg2[%swap3A_369, %swap3A_370] : memref<2048x128xf32, #tpu.memory_space<vmem>>, vector<1x64xf32>
    tpu.vector_store %arg2[%swap3A_369, %swap3A_370], %get3A_368 {strides = array<i32>} : memref<2048x128xf32, #tpu.memory_space<vmem>>, vector<1x64xf32>,
    %get3A_372 = arith.constant 28 : index
    %get3A_373 = arith.constant 0 : index
    %get3A_374 = vector.load %arg0[%get3A_372, %get3A_373] : memref<33x64xf32, #tpu.memory_space<vmem>>, vector<1x64xf32>
    %swap3A_375 = arith.constant 1029 : index
    %swap3A_376 = arith.constant 0 : index
    %swap3A_377 = vector.load %arg3[%swap3A_375, %swap3A_376] : memref<2048x128xf32, #tpu.memory_space<vmem>>, vector<1x64xf32>
    tpu.vector_store %arg3[%swap3A_375, %swap3A_376], %get3A_374 {strides = array<i32>} : memref<2048x128xf32, #tpu.memory_space<vmem>>, vector<1x64xf32>,
    %get3A_378 = arith.constant 29 : index
    %get3A_379 = arith.constant 0 : index
    %get3A_380 = vector.load %arg0[%get3A_378, %get3A_379] : memref<33x64xf32, #tpu.memory_space<vmem>>, vector<1x64xf32>
    %swap3A_381 = arith.constant 1029 : index
    %swap3A_382 = arith.constant 64 : index
    %swap3A_383 = vector.load %arg3[%swap3A_381, %swap3A_382] : memref<2048x128xf32, #tpu.memory_space<vmem>>, vector<1x64xf32>
    tpu.vector_store %arg3[%swap3A_381, %swap3A_382], %get3A_380 {strides = array<i32>} : memref<2048x128xf32, #tpu.memory_space<vmem>>, vector<1x64xf32>,
    %get3A_384 = arith.constant 31 : index
    %get3A_385 = arith.constant 0 : index
    %get3A_386 = vector.load %arg0[%get3A_384, %get3A_385] : memref<33x64xf32, #tpu.memory_space<vmem>>, vector<1x64xf32>
    %swap3A_387 = arith.constant 1031 : index
    %swap3A_388 = arith.constant 0 : index
    %swap3A_389 = vector.load %arg2[%swap3A_387, %swap3A_388] : memref<2048x128xf32, #tpu.memory_space<vmem>>, vector<1x64xf32>
    tpu.vector_store %arg2[%swap3A_387, %swap3A_388], %get3A_386 {strides = array<i32>} : memref<2048x128xf32, #tpu.memory_space<vmem>>, vector<1x64xf32>,
    %get3A_390 = arith.constant 32 : index
    %get3A_391 = arith.constant 0 : index
    %get3A_392 = vector.load %arg0[%get3A_390, %get3A_391] : memref<33x64xf32, #tpu.memory_space<vmem>>, vector<1x64xf32>
    %swap3A_393 = arith.constant 1031 : index
    %swap3A_394 = arith.constant 64 : index
    %swap3A_395 = vector.load %arg2[%swap3A_393, %swap3A_394] : memref<2048x128xf32, #tpu.memory_space<vmem>>, vector<1x64xf32>
    tpu.vector_store %arg2[%swap3A_393, %swap3A_394], %get3A_392 {strides = array<i32>} : memref<2048x128xf32, #tpu.memory_space<vmem>>, vector<1x64xf32>,
    %get3A_396 = arith.constant 30 : index
    %get3A_397 = arith.constant 0 : index
    %get3A_398 = vector.load %arg0[%get3A_396, %get3A_397] : memref<33x64xf32, #tpu.memory_space<vmem>>, vector<1x64xf32>
    %swap3A_399 = arith.constant 1030 : index
    %swap3A_400 = arith.constant 0 : index
    %swap3A_401 = vector.load %arg3[%swap3A_399, %swap3A_400] : memref<2048x128xf32, #tpu.memory_space<vmem>>, vector<1x64xf32>
    tpu.vector_store %arg3[%swap3A_399, %swap3A_400], %get3A_398 {strides = array<i32>} : memref<2048x128xf32, #tpu.memory_space<vmem>>, vector<1x64xf32>,
    %get3A_402 = arith.constant 31 : index
    %get3A_403 = arith.constant 0 : index
    %get3A_404 = vector.load %arg0[%get3A_402, %get3A_403] : memref<33x64xf32, #tpu.memory_space<vmem>>, vector<1x64xf32>
    %swap3A_405 = arith.constant 1030 : index
    %swap3A_406 = arith.constant 64 : index
    %swap3A_407 = vector.load %arg3[%swap3A_405, %swap3A_406] : memref<2048x128xf32, #tpu.memory_space<vmem>>, vector<1x64xf32>
    tpu.vector_store %arg3[%swap3A_405, %swap3A_406], %get3A_404 {strides = array<i32>} : memref<2048x128xf32, #tpu.memory_space<vmem>>, vector<1x64xf32>,
    %scan3A = arith.constant 0 : i32
    %scan3A_408 = arith.constant 64 : i32
    %scan3A_409 = arith.addi %scan3A, %scan3A_408 : i32
    %scan3A_410 = arith.constant 1 : i32
    scf.for %scan3A_499 = %scan3A to %scan3A_409 step %scan3A_410  : i32 {
      %mul3A = arith.constant 4 : i32
      %mul3A_500 = arith.muli %scan3A_499, %mul3A : i32
      %add3A = arith.constant 768 : i32
      %add3A_501 = arith.addi %add3A, %mul3A_500 : i32
      %add3A_502 = arith.constant 0 : i32
      %add3A_503 = arith.addi %add3A_501, %add3A_502 : i32
      %gt3A = arith.constant 0 : i32
      %gt3A_504 = arith.cmpi sgt, %scan3A_499, %gt3A : i32
      %convert_element_type3A = arith.extui %gt3A_504 : i1 to i32
      %cond3A = arith.constant 0 : i32
      %cond3A_505 = arith.cmpi ne, %convert_element_type3A, %cond3A : i32
      scf.if %cond3A_505 {
        %sub3A_665 = arith.constant 4 : i32
        %sub3A_666 = arith.subi %add3A_503, %sub3A_665 : i32
        %sub3A_667 = arith.constant 1023 : i32
        %sub3A_668 = arith.subi %sub3A_667, %sub3A_666 : i32
        %sub3A_669 = arith.constant 768 : i32
        %sub3A_670 = arith.subi %sub3A_666, %sub3A_669 : i32
        %mul3A_671 = arith.constant 2 : i32
        %mul3A_672 = arith.muli %mul3A_671, %sub3A_670 : i32
        %dma_wait3A_673 = arith.constant 1 : i32
        %dma_wait3A_674 = tpu.memref_slice %arg4[%dma_wait3A_673] : memref<8x!tpu.dma_semaphore, #tpu.memory_space<semaphore_mem>> -> memref<1x!tpu.dma_semaphore, #tpu.memory_space<semaphore_mem>>
        %dma_wait3A_675 = tpu.memref_squeeze %dma_wait3A_674 : memref<1x!tpu.dma_semaphore, #tpu.memory_space<semaphore_mem>> -> memref<!tpu.dma_semaphore, #tpu.memory_space<semaphore_mem>>
        %dma_wait3A_676 = arith.constant 0 : i32
        %dma_wait3A_677 = arith.constant 0 : i32
        %dma_wait3A_678 = tpu.memref_slice %arg1[%mul3A_672, %dma_wait3A_676, %dma_wait3A_677] : memref<512x1024x128xf32, #tpu.memory_space<hbm>> -> memref<1x1024x128xf32, #tpu.memory_space<hbm>>
        %dma_wait3A_679 = tpu.memref_squeeze %dma_wait3A_678 : memref<1x1024x128xf32, #tpu.memory_space<hbm>> -> memref<1024x128xf32, #tpu.memory_space<hbm>>
        %dma_wait3A_680 = arith.constant 0 : i32
        %dma_wait3A_681 = tpu.memref_slice %arg3[%sub3A_668, %dma_wait3A_680] : memref<2048x128xf32, #tpu.memory_space<vmem>> -> memref<1024x128xf32, #tpu.memory_space<vmem>>
        tpu.wait_dma2 semaphore(%dma_wait3A_675 : memref<!tpu.dma_semaphore, #tpu.memory_space<semaphore_mem>>) src(%dma_wait3A_681 : memref<1024x128xf32, #tpu.memory_space<vmem>>) dst(%dma_wait3A_679 : memref<1024x128xf32, #tpu.memory_space<hbm>>)
        %sub3A_682 = arith.constant 4 : i32
        %sub3A_683 = arith.subi %add3A_503, %sub3A_682 : i32
        %sub3A_684 = arith.constant 1023 : i32
        %sub3A_685 = arith.subi %sub3A_684, %sub3A_683 : i32
        %sub3A_686 = arith.constant 768 : i32
        %sub3A_687 = arith.subi %sub3A_683, %sub3A_686 : i32
        %mul3A_688 = arith.constant 2 : i32
        %mul3A_689 = arith.muli %mul3A_688, %sub3A_687 : i32
        %add3A_690 = arith.constant 1 : i32
        %add3A_691 = arith.addi %mul3A_689, %add3A_690 : i32
        %dma_wait3A_692 = arith.constant 0 : i32
        %dma_wait3A_693 = tpu.memref_slice %arg4[%dma_wait3A_692] : memref<8x!tpu.dma_semaphore, #tpu.memory_space<semaphore_mem>> -> memref<1x!tpu.dma_semaphore, #tpu.memory_space<semaphore_mem>>
        %dma_wait3A_694 = tpu.memref_squeeze %dma_wait3A_693 : memref<1x!tpu.dma_semaphore, #tpu.memory_space<semaphore_mem>> -> memref<!tpu.dma_semaphore, #tpu.memory_space<semaphore_mem>>
        %dma_wait3A_695 = arith.constant 0 : i32
        %dma_wait3A_696 = arith.constant 0 : i32
        %dma_wait3A_697 = tpu.memref_slice %arg1[%add3A_691, %dma_wait3A_695, %dma_wait3A_696] : memref<512x1024x128xf32, #tpu.memory_space<hbm>> -> memref<1x1024x128xf32, #tpu.memory_space<hbm>>
        %dma_wait3A_698 = tpu.memref_squeeze %dma_wait3A_697 : memref<1x1024x128xf32, #tpu.memory_space<hbm>> -> memref<1024x128xf32, #tpu.memory_space<hbm>>
        %dma_wait3A_699 = arith.constant 0 : i32
        %dma_wait3A_700 = tpu.memref_slice %arg2[%sub3A_685, %dma_wait3A_699] : memref<2048x128xf32, #tpu.memory_space<vmem>> -> memref<1024x128xf32, #tpu.memory_space<vmem>>
        tpu.wait_dma2 semaphore(%dma_wait3A_694 : memref<!tpu.dma_semaphore, #tpu.memory_space<semaphore_mem>>) src(%dma_wait3A_700 : memref<1024x128xf32, #tpu.memory_space<vmem>>) dst(%dma_wait3A_698 : memref<1024x128xf32, #tpu.memory_space<hbm>>)
      } else {
      }
      %sub3A = arith.constant 1023 : i32
      %sub3A_506 = arith.subi %sub3A, %add3A_503 : i32
      %sub3A_507 = arith.constant 768 : i32
      %sub3A_508 = arith.subi %add3A_503, %sub3A_507 : i32
      %mul3A_509 = arith.constant 2 : i32
      %mul3A_510 = arith.muli %mul3A_509, %sub3A_508 : i32
      %dma_start3A = arith.constant 1 : i32
      %dma_start3A_511 = tpu.memref_slice %arg4[%dma_start3A] : memref<8x!tpu.dma_semaphore, #tpu.memory_space<semaphore_mem>> -> memref<1x!tpu.dma_semaphore, #tpu.memory_space<semaphore_mem>>
      %dma_start3A_512 = tpu.memref_squeeze %dma_start3A_511 : memref<1x!tpu.dma_semaphore, #tpu.memory_space<semaphore_mem>> -> memref<!tpu.dma_semaphore, #tpu.memory_space<semaphore_mem>>
      %dma_start3A_513 = arith.constant 0 : i32
      %dma_start3A_514 = arith.constant 0 : i32
      %dma_start3A_515 = tpu.memref_slice %arg1[%mul3A_510, %dma_start3A_513, %dma_start3A_514] : memref<512x1024x128xf32, #tpu.memory_space<hbm>> -> memref<1x1024x128xf32, #tpu.memory_space<hbm>>
      %dma_start3A_516 = tpu.memref_squeeze %dma_start3A_515 : memref<1x1024x128xf32, #tpu.memory_space<hbm>> -> memref<1024x128xf32, #tpu.memory_space<hbm>>
      %dma_start3A_517 = arith.constant 0 : i32
      %dma_start3A_518 = tpu.memref_slice %arg3[%sub3A_506, %dma_start3A_517] : memref<2048x128xf32, #tpu.memory_space<vmem>> -> memref<1024x128xf32, #tpu.memory_space<vmem>>
      tpu.enqueue_dma source(%dma_start3A_518 : memref<1024x128xf32, #tpu.memory_space<vmem>>) target(%dma_start3A_516 : memref<1024x128xf32, #tpu.memory_space<hbm>>) target_semaphore(%dma_start3A_512 : memref<!tpu.dma_semaphore, #tpu.memory_space<semaphore_mem>>)
      %sub3A_519 = arith.constant 1023 : i32
      %sub3A_520 = arith.subi %sub3A_519, %add3A_503 : i32
      %sub3A_521 = arith.constant 768 : i32
      %sub3A_522 = arith.subi %add3A_503, %sub3A_521 : i32
      %mul3A_523 = arith.constant 2 : i32
      %mul3A_524 = arith.muli %mul3A_523, %sub3A_522 : i32
      %add3A_525 = arith.constant 1 : i32
      %add3A_526 = arith.addi %mul3A_524, %add3A_525 : i32
      %dma_start3A_527 = arith.constant 0 : i32
      %dma_start3A_528 = tpu.memref_slice %arg4[%dma_start3A_527] : memref<8x!tpu.dma_semaphore, #tpu.memory_space<semaphore_mem>> -> memref<1x!tpu.dma_semaphore, #tpu.memory_space<semaphore_mem>>
      %dma_start3A_529 = tpu.memref_squeeze %dma_start3A_528 : memref<1x!tpu.dma_semaphore, #tpu.memory_space<semaphore_mem>> -> memref<!tpu.dma_semaphore, #tpu.memory_space<semaphore_mem>>
      %dma_start3A_530 = arith.constant 0 : i32
      %dma_start3A_531 = arith.constant 0 : i32
      %dma_start3A_532 = tpu.memref_slice %arg1[%add3A_526, %dma_start3A_530, %dma_start3A_531] : memref<512x1024x128xf32, #tpu.memory_space<hbm>> -> memref<1x1024x128xf32, #tpu.memory_space<hbm>>
      %dma_start3A_533 = tpu.memref_squeeze %dma_start3A_532 : memref<1x1024x128xf32, #tpu.memory_space<hbm>> -> memref<1024x128xf32, #tpu.memory_space<hbm>>
      %dma_start3A_534 = arith.constant 0 : i32
      %dma_start3A_535 = tpu.memref_slice %arg2[%sub3A_520, %dma_start3A_534] : memref<2048x128xf32, #tpu.memory_space<vmem>> -> memref<1024x128xf32, #tpu.memory_space<vmem>>
      tpu.enqueue_dma source(%dma_start3A_535 : memref<1024x128xf32, #tpu.memory_space<vmem>>) target(%dma_start3A_533 : memref<1024x128xf32, #tpu.memory_space<hbm>>) target_semaphore(%dma_start3A_529 : memref<!tpu.dma_semaphore, #tpu.memory_space<semaphore_mem>>)
      %mul3A_536 = arith.constant 4 : i32
      %mul3A_537 = arith.muli %scan3A_499, %mul3A_536 : i32
      %add3A_538 = arith.constant 768 : i32
      %add3A_539 = arith.addi %add3A_538, %mul3A_537 : i32
      %add3A_540 = arith.constant 1 : i32
      %add3A_541 = arith.addi %add3A_539, %add3A_540 : i32
      %gt3A_542 = arith.constant 0 : i32
      %gt3A_543 = arith.cmpi sgt, %scan3A_499, %gt3A_542 : i32
      %convert_element_type3A_544 = arith.extui %gt3A_543 : i1 to i32
      %cond3A_545 = arith.constant 0 : i32
      %cond3A_546 = arith.cmpi ne, %convert_element_type3A_544, %cond3A_545 : i32
      scf.if %cond3A_546 {
        %sub3A_665 = arith.constant 4 : i32
        %sub3A_666 = arith.subi %add3A_541, %sub3A_665 : i32
        %sub3A_667 = arith.constant 1023 : i32
        %sub3A_668 = arith.subi %sub3A_667, %sub3A_666 : i32
        %sub3A_669 = arith.constant 768 : i32
        %sub3A_670 = arith.subi %sub3A_666, %sub3A_669 : i32
        %mul3A_671 = arith.constant 2 : i32
        %mul3A_672 = arith.muli %mul3A_671, %sub3A_670 : i32
        %dma_wait3A_673 = arith.constant 3 : i32
        %dma_wait3A_674 = tpu.memref_slice %arg4[%dma_wait3A_673] : memref<8x!tpu.dma_semaphore, #tpu.memory_space<semaphore_mem>> -> memref<1x!tpu.dma_semaphore, #tpu.memory_space<semaphore_mem>>
        %dma_wait3A_675 = tpu.memref_squeeze %dma_wait3A_674 : memref<1x!tpu.dma_semaphore, #tpu.memory_space<semaphore_mem>> -> memref<!tpu.dma_semaphore, #tpu.memory_space<semaphore_mem>>
        %dma_wait3A_676 = arith.constant 0 : i32
        %dma_wait3A_677 = arith.constant 0 : i32
        %dma_wait3A_678 = tpu.memref_slice %arg1[%mul3A_672, %dma_wait3A_676, %dma_wait3A_677] : memref<512x1024x128xf32, #tpu.memory_space<hbm>> -> memref<1x1024x128xf32, #tpu.memory_space<hbm>>
        %dma_wait3A_679 = tpu.memref_squeeze %dma_wait3A_678 : memref<1x1024x128xf32, #tpu.memory_space<hbm>> -> memref<1024x128xf32, #tpu.memory_space<hbm>>
        %dma_wait3A_680 = arith.constant 0 : i32
        %dma_wait3A_681 = tpu.memref_slice %arg3[%sub3A_668, %dma_wait3A_680] : memref<2048x128xf32, #tpu.memory_space<vmem>> -> memref<1024x128xf32, #tpu.memory_space<vmem>>
        tpu.wait_dma2 semaphore(%dma_wait3A_675 : memref<!tpu.dma_semaphore, #tpu.memory_space<semaphore_mem>>) src(%dma_wait3A_681 : memref<1024x128xf32, #tpu.memory_space<vmem>>) dst(%dma_wait3A_679 : memref<1024x128xf32, #tpu.memory_space<hbm>>)
        %sub3A_682 = arith.constant 4 : i32
        %sub3A_683 = arith.subi %add3A_541, %sub3A_682 : i32
        %sub3A_684 = arith.constant 1023 : i32
        %sub3A_685 = arith.subi %sub3A_684, %sub3A_683 : i32
        %sub3A_686 = arith.constant 768 : i32
        %sub3A_687 = arith.subi %sub3A_683, %sub3A_686 : i32
        %mul3A_688 = arith.constant 2 : i32
        %mul3A_689 = arith.muli %mul3A_688, %sub3A_687 : i32
        %add3A_690 = arith.constant 1 : i32
        %add3A_691 = arith.addi %mul3A_689, %add3A_690 : i32
        %dma_wait3A_692 = arith.constant 2 : i32
        %dma_wait3A_693 = tpu.memref_slice %arg4[%dma_wait3A_692] : memref<8x!tpu.dma_semaphore, #tpu.memory_space<semaphore_mem>> -> memref<1x!tpu.dma_semaphore, #tpu.memory_space<semaphore_mem>>
        %dma_wait3A_694 = tpu.memref_squeeze %dma_wait3A_693 : memref<1x!tpu.dma_semaphore, #tpu.memory_space<semaphore_mem>> -> memref<!tpu.dma_semaphore, #tpu.memory_space<semaphore_mem>>
        %dma_wait3A_695 = arith.constant 0 : i32
        %dma_wait3A_696 = arith.constant 0 : i32
        %dma_wait3A_697 = tpu.memref_slice %arg1[%add3A_691, %dma_wait3A_695, %dma_wait3A_696] : memref<512x1024x128xf32, #tpu.memory_space<hbm>> -> memref<1x1024x128xf32, #tpu.memory_space<hbm>>
        %dma_wait3A_698 = tpu.memref_squeeze %dma_wait3A_697 : memref<1x1024x128xf32, #tpu.memory_space<hbm>> -> memref<1024x128xf32, #tpu.memory_space<hbm>>
        %dma_wait3A_699 = arith.constant 0 : i32
        %dma_wait3A_700 = tpu.memref_slice %arg2[%sub3A_685, %dma_wait3A_699] : memref<2048x128xf32, #tpu.memory_space<vmem>> -> memref<1024x128xf32, #tpu.memory_space<vmem>>
        tpu.wait_dma2 semaphore(%dma_wait3A_694 : memref<!tpu.dma_semaphore, #tpu.memory_space<semaphore_mem>>) src(%dma_wait3A_700 : memref<1024x128xf32, #tpu.memory_space<vmem>>) dst(%dma_wait3A_698 : memref<1024x128xf32, #tpu.memory_space<hbm>>)
      } else {
      }
      %sub3A_547 = arith.constant 1023 : i32
      %sub3A_548 = arith.subi %sub3A_547, %add3A_541 : i32
      %sub3A_549 = arith.constant 768 : i32
      %sub3A_550 = arith.subi %add3A_541, %sub3A_549 : i32
      %mul3A_551 = arith.constant 2 : i32
      %mul3A_552 = arith.muli %mul3A_551, %sub3A_550 : i32
      %dma_start3A_553 = arith.constant 3 : i32
      %dma_start3A_554 = tpu.memref_slice %arg4[%dma_start3A_553] : memref<8x!tpu.dma_semaphore, #tpu.memory_space<semaphore_mem>> -> memref<1x!tpu.dma_semaphore, #tpu.memory_space<semaphore_mem>>
      %dma_start3A_555 = tpu.memref_squeeze %dma_start3A_554 : memref<1x!tpu.dma_semaphore, #tpu.memory_space<semaphore_mem>> -> memref<!tpu.dma_semaphore, #tpu.memory_space<semaphore_mem>>
      %dma_start3A_556 = arith.constant 0 : i32
      %dma_start3A_557 = arith.constant 0 : i32
      %dma_start3A_558 = tpu.memref_slice %arg1[%mul3A_552, %dma_start3A_556, %dma_start3A_557] : memref<512x1024x128xf32, #tpu.memory_space<hbm>> -> memref<1x1024x128xf32, #tpu.memory_space<hbm>>
      %dma_start3A_559 = tpu.memref_squeeze %dma_start3A_558 : memref<1x1024x128xf32, #tpu.memory_space<hbm>> -> memref<1024x128xf32, #tpu.memory_space<hbm>>
      %dma_start3A_560 = arith.constant 0 : i32
      %dma_start3A_561 = tpu.memref_slice %arg3[%sub3A_548, %dma_start3A_560] : memref<2048x128xf32, #tpu.memory_space<vmem>> -> memref<1024x128xf32, #tpu.memory_space<vmem>>
      tpu.enqueue_dma source(%dma_start3A_561 : memref<1024x128xf32, #tpu.memory_space<vmem>>) target(%dma_start3A_559 : memref<1024x128xf32, #tpu.memory_space<hbm>>) target_semaphore(%dma_start3A_555 : memref<!tpu.dma_semaphore, #tpu.memory_space<semaphore_mem>>)
      %sub3A_562 = arith.constant 1023 : i32
      %sub3A_563 = arith.subi %sub3A_562, %add3A_541 : i32
      %sub3A_564 = arith.constant 768 : i32
      %sub3A_565 = arith.subi %add3A_541, %sub3A_564 : i32
      %mul3A_566 = arith.constant 2 : i32
      %mul3A_567 = arith.muli %mul3A_566, %sub3A_565 : i32
      %add3A_568 = arith.constant 1 : i32
      %add3A_569 = arith.addi %mul3A_567, %add3A_568 : i32
      %dma_start3A_570 = arith.constant 2 : i32
      %dma_start3A_571 = tpu.memref_slice %arg4[%dma_start3A_570] : memref<8x!tpu.dma_semaphore, #tpu.memory_space<semaphore_mem>> -> memref<1x!tpu.dma_semaphore, #tpu.memory_space<semaphore_mem>>
      %dma_start3A_572 = tpu.memref_squeeze %dma_start3A_571 : memref<1x!tpu.dma_semaphore, #tpu.memory_space<semaphore_mem>> -> memref<!tpu.dma_semaphore, #tpu.memory_space<semaphore_mem>>
      %dma_start3A_573 = arith.constant 0 : i32
      %dma_start3A_574 = arith.constant 0 : i32
      %dma_start3A_575 = tpu.memref_slice %arg1[%add3A_569, %dma_start3A_573, %dma_start3A_574] : memref<512x1024x128xf32, #tpu.memory_space<hbm>> -> memref<1x1024x128xf32, #tpu.memory_space<hbm>>
      %dma_start3A_576 = tpu.memref_squeeze %dma_start3A_575 : memref<1x1024x128xf32, #tpu.memory_space<hbm>> -> memref<1024x128xf32, #tpu.memory_space<hbm>>
      %dma_start3A_577 = arith.constant 0 : i32
      %dma_start3A_578 = tpu.memref_slice %arg2[%sub3A_563, %dma_start3A_577] : memref<2048x128xf32, #tpu.memory_space<vmem>> -> memref<1024x128xf32, #tpu.memory_space<vmem>>
      tpu.enqueue_dma source(%dma_start3A_578 : memref<1024x128xf32, #tpu.memory_space<vmem>>) target(%dma_start3A_576 : memref<1024x128xf32, #tpu.memory_space<hbm>>) target_semaphore(%dma_start3A_572 : memref<!tpu.dma_semaphore, #tpu.memory_space<semaphore_mem>>)
      %mul3A_579 = arith.constant 4 : i32
      %mul3A_580 = arith.muli %scan3A_499, %mul3A_579 : i32
      %add3A_581 = arith.constant 768 : i32
      %add3A_582 = arith.addi %add3A_581, %mul3A_580 : i32
      %add3A_583 = arith.constant 2 : i32
      %add3A_584 = arith.addi %add3A_582, %add3A_583 : i32
      %gt3A_585 = arith.constant 0 : i32
      %gt3A_586 = arith.cmpi sgt, %scan3A_499, %gt3A_585 : i32
      %convert_element_type3A_587 = arith.extui %gt3A_586 : i1 to i32
      %cond3A_588 = arith.constant 0 : i32
      %cond3A_589 = arith.cmpi ne, %convert_element_type3A_587, %cond3A_588 : i32
      scf.if %cond3A_589 {
        %sub3A_665 = arith.constant 4 : i32
        %sub3A_666 = arith.subi %add3A_584, %sub3A_665 : i32
        %sub3A_667 = arith.constant 1023 : i32
        %sub3A_668 = arith.subi %sub3A_667, %sub3A_666 : i32
        %sub3A_669 = arith.constant 768 : i32
        %sub3A_670 = arith.subi %sub3A_666, %sub3A_669 : i32
        %mul3A_671 = arith.constant 2 : i32
        %mul3A_672 = arith.muli %mul3A_671, %sub3A_670 : i32
        %dma_wait3A_673 = arith.constant 5 : i32
        %dma_wait3A_674 = tpu.memref_slice %arg4[%dma_wait3A_673] : memref<8x!tpu.dma_semaphore, #tpu.memory_space<semaphore_mem>> -> memref<1x!tpu.dma_semaphore, #tpu.memory_space<semaphore_mem>>
        %dma_wait3A_675 = tpu.memref_squeeze %dma_wait3A_674 : memref<1x!tpu.dma_semaphore, #tpu.memory_space<semaphore_mem>> -> memref<!tpu.dma_semaphore, #tpu.memory_space<semaphore_mem>>
        %dma_wait3A_676 = arith.constant 0 : i32
        %dma_wait3A_677 = arith.constant 0 : i32
        %dma_wait3A_678 = tpu.memref_slice %arg1[%mul3A_672, %dma_wait3A_676, %dma_wait3A_677] : memref<512x1024x128xf32, #tpu.memory_space<hbm>> -> memref<1x1024x128xf32, #tpu.memory_space<hbm>>
        %dma_wait3A_679 = tpu.memref_squeeze %dma_wait3A_678 : memref<1x1024x128xf32, #tpu.memory_space<hbm>> -> memref<1024x128xf32, #tpu.memory_space<hbm>>
        %dma_wait3A_680 = arith.constant 0 : i32
        %dma_wait3A_681 = tpu.memref_slice %arg3[%sub3A_668, %dma_wait3A_680] : memref<2048x128xf32, #tpu.memory_space<vmem>> -> memref<1024x128xf32, #tpu.memory_space<vmem>>
        tpu.wait_dma2 semaphore(%dma_wait3A_675 : memref<!tpu.dma_semaphore, #tpu.memory_space<semaphore_mem>>) src(%dma_wait3A_681 : memref<1024x128xf32, #tpu.memory_space<vmem>>) dst(%dma_wait3A_679 : memref<1024x128xf32, #tpu.memory_space<hbm>>)
        %sub3A_682 = arith.constant 4 : i32
        %sub3A_683 = arith.subi %add3A_584, %sub3A_682 : i32
        %sub3A_684 = arith.constant 1023 : i32
        %sub3A_685 = arith.subi %sub3A_684, %sub3A_683 : i32
        %sub3A_686 = arith.constant 768 : i32
        %sub3A_687 = arith.subi %sub3A_683, %sub3A_686 : i32
        %mul3A_688 = arith.constant 2 : i32
        %mul3A_689 = arith.muli %mul3A_688, %sub3A_687 : i32
        %add3A_690 = arith.constant 1 : i32
        %add3A_691 = arith.addi %mul3A_689, %add3A_690 : i32
        %dma_wait3A_692 = arith.constant 4 : i32
        %dma_wait3A_693 = tpu.memref_slice %arg4[%dma_wait3A_692] : memref<8x!tpu.dma_semaphore, #tpu.memory_space<semaphore_mem>> -> memref<1x!tpu.dma_semaphore, #tpu.memory_space<semaphore_mem>>
        %dma_wait3A_694 = tpu.memref_squeeze %dma_wait3A_693 : memref<1x!tpu.dma_semaphore, #tpu.memory_space<semaphore_mem>> -> memref<!tpu.dma_semaphore, #tpu.memory_space<semaphore_mem>>
        %dma_wait3A_695 = arith.constant 0 : i32
        %dma_wait3A_696 = arith.constant 0 : i32
        %dma_wait3A_697 = tpu.memref_slice %arg1[%add3A_691, %dma_wait3A_695, %dma_wait3A_696] : memref<512x1024x128xf32, #tpu.memory_space<hbm>> -> memref<1x1024x128xf32, #tpu.memory_space<hbm>>
        %dma_wait3A_698 = tpu.memref_squeeze %dma_wait3A_697 : memref<1x1024x128xf32, #tpu.memory_space<hbm>> -> memref<1024x128xf32, #tpu.memory_space<hbm>>
        %dma_wait3A_699 = arith.constant 0 : i32
        %dma_wait3A_700 = tpu.memref_slice %arg2[%sub3A_685, %dma_wait3A_699] : memref<2048x128xf32, #tpu.memory_space<vmem>> -> memref<1024x128xf32, #tpu.memory_space<vmem>>
        tpu.wait_dma2 semaphore(%dma_wait3A_694 : memref<!tpu.dma_semaphore, #tpu.memory_space<semaphore_mem>>) src(%dma_wait3A_700 : memref<1024x128xf32, #tpu.memory_space<vmem>>) dst(%dma_wait3A_698 : memref<1024x128xf32, #tpu.memory_space<hbm>>)
      } else {
      }
      %sub3A_590 = arith.constant 1023 : i32
      %sub3A_591 = arith.subi %sub3A_590, %add3A_584 : i32
      %sub3A_592 = arith.constant 768 : i32
      %sub3A_593 = arith.subi %add3A_584, %sub3A_592 : i32
      %mul3A_594 = arith.constant 2 : i32
      %mul3A_595 = arith.muli %mul3A_594, %sub3A_593 : i32
      %dma_start3A_596 = arith.constant 5 : i32
      %dma_start3A_597 = tpu.memref_slice %arg4[%dma_start3A_596] : memref<8x!tpu.dma_semaphore, #tpu.memory_space<semaphore_mem>> -> memref<1x!tpu.dma_semaphore, #tpu.memory_space<semaphore_mem>>
      %dma_start3A_598 = tpu.memref_squeeze %dma_start3A_597 : memref<1x!tpu.dma_semaphore, #tpu.memory_space<semaphore_mem>> -> memref<!tpu.dma_semaphore, #tpu.memory_space<semaphore_mem>>
      %dma_start3A_599 = arith.constant 0 : i32
      %dma_start3A_600 = arith.constant 0 : i32
      %dma_start3A_601 = tpu.memref_slice %arg1[%mul3A_595, %dma_start3A_599, %dma_start3A_600] : memref<512x1024x128xf32, #tpu.memory_space<hbm>> -> memref<1x1024x128xf32, #tpu.memory_space<hbm>>
      %dma_start3A_602 = tpu.memref_squeeze %dma_start3A_601 : memref<1x1024x128xf32, #tpu.memory_space<hbm>> -> memref<1024x128xf32, #tpu.memory_space<hbm>>
      %dma_start3A_603 = arith.constant 0 : i32
      %dma_start3A_604 = tpu.memref_slice %arg3[%sub3A_591, %dma_start3A_603] : memref<2048x128xf32, #tpu.memory_space<vmem>> -> memref<1024x128xf32, #tpu.memory_space<vmem>>
      tpu.enqueue_dma source(%dma_start3A_604 : memref<1024x128xf32, #tpu.memory_space<vmem>>) target(%dma_start3A_602 : memref<1024x128xf32, #tpu.memory_space<hbm>>) target_semaphore(%dma_start3A_598 : memref<!tpu.dma_semaphore, #tpu.memory_space<semaphore_mem>>)
      %sub3A_605 = arith.constant 1023 : i32
      %sub3A_606 = arith.subi %sub3A_605, %add3A_584 : i32
      %sub3A_607 = arith.constant 768 : i32
      %sub3A_608 = arith.subi %add3A_584, %sub3A_607 : i32
      %mul3A_609 = arith.constant 2 : i32
      %mul3A_610 = arith.muli %mul3A_609, %sub3A_608 : i32
      %add3A_611 = arith.constant 1 : i32
      %add3A_612 = arith.addi %mul3A_610, %add3A_611 : i32
      %dma_start3A_613 = arith.constant 4 : i32
      %dma_start3A_614 = tpu.memref_slice %arg4[%dma_start3A_613] : memref<8x!tpu.dma_semaphore, #tpu.memory_space<semaphore_mem>> -> memref<1x!tpu.dma_semaphore, #tpu.memory_space<semaphore_mem>>
      %dma_start3A_615 = tpu.memref_squeeze %dma_start3A_614 : memref<1x!tpu.dma_semaphore, #tpu.memory_space<semaphore_mem>> -> memref<!tpu.dma_semaphore, #tpu.memory_space<semaphore_mem>>
      %dma_start3A_616 = arith.constant 0 : i32
      %dma_start3A_617 = arith.constant 0 : i32
      %dma_start3A_618 = tpu.memref_slice %arg1[%add3A_612, %dma_start3A_616, %dma_start3A_617] : memref<512x1024x128xf32, #tpu.memory_space<hbm>> -> memref<1x1024x128xf32, #tpu.memory_space<hbm>>
      %dma_start3A_619 = tpu.memref_squeeze %dma_start3A_618 : memref<1x1024x128xf32, #tpu.memory_space<hbm>> -> memref<1024x128xf32, #tpu.memory_space<hbm>>
      %dma_start3A_620 = arith.constant 0 : i32
      %dma_start3A_621 = tpu.memref_slice %arg2[%sub3A_606, %dma_start3A_620] : memref<2048x128xf32, #tpu.memory_space<vmem>> -> memref<1024x128xf32, #tpu.memory_space<vmem>>
      tpu.enqueue_dma source(%dma_start3A_621 : memref<1024x128xf32, #tpu.memory_space<vmem>>) target(%dma_start3A_619 : memref<1024x128xf32, #tpu.memory_space<hbm>>) target_semaphore(%dma_start3A_615 : memref<!tpu.dma_semaphore, #tpu.memory_space<semaphore_mem>>)
      %mul3A_622 = arith.constant 4 : i32
      %mul3A_623 = arith.muli %scan3A_499, %mul3A_622 : i32
      %add3A_624 = arith.constant 768 : i32
      %add3A_625 = arith.addi %add3A_624, %mul3A_623 : i32
      %add3A_626 = arith.constant 3 : i32
      %add3A_627 = arith.addi %add3A_625, %add3A_626 : i32
      %gt3A_628 = arith.constant 0 : i32
      %gt3A_629 = arith.cmpi sgt, %scan3A_499, %gt3A_628 : i32
      %convert_element_type3A_630 = arith.extui %gt3A_629 : i1 to i32
      %cond3A_631 = arith.constant 0 : i32
      %cond3A_632 = arith.cmpi ne, %convert_element_type3A_630, %cond3A_631 : i32
      scf.if %cond3A_632 {
        %sub3A_665 = arith.constant 4 : i32
        %sub3A_666 = arith.subi %add3A_627, %sub3A_665 : i32
        %sub3A_667 = arith.constant 1023 : i32
        %sub3A_668 = arith.subi %sub3A_667, %sub3A_666 : i32
        %sub3A_669 = arith.constant 768 : i32
        %sub3A_670 = arith.subi %sub3A_666, %sub3A_669 : i32
        %mul3A_671 = arith.constant 2 : i32
        %mul3A_672 = arith.muli %mul3A_671, %sub3A_670 : i32
        %dma_wait3A_673 = arith.constant 7 : i32
        %dma_wait3A_674 = tpu.memref_slice %arg4[%dma_wait3A_673] : memref<8x!tpu.dma_semaphore, #tpu.memory_space<semaphore_mem>> -> memref<1x!tpu.dma_semaphore, #tpu.memory_space<semaphore_mem>>
        %dma_wait3A_675 = tpu.memref_squeeze %dma_wait3A_674 : memref<1x!tpu.dma_semaphore, #tpu.memory_space<semaphore_mem>> -> memref<!tpu.dma_semaphore, #tpu.memory_space<semaphore_mem>>
        %dma_wait3A_676 = arith.constant 0 : i32
        %dma_wait3A_677 = arith.constant 0 : i32
        %dma_wait3A_678 = tpu.memref_slice %arg1[%mul3A_672, %dma_wait3A_676, %dma_wait3A_677] : memref<512x1024x128xf32, #tpu.memory_space<hbm>> -> memref<1x1024x128xf32, #tpu.memory_space<hbm>>
        %dma_wait3A_679 = tpu.memref_squeeze %dma_wait3A_678 : memref<1x1024x128xf32, #tpu.memory_space<hbm>> -> memref<1024x128xf32, #tpu.memory_space<hbm>>
        %dma_wait3A_680 = arith.constant 0 : i32
        %dma_wait3A_681 = tpu.memref_slice %arg3[%sub3A_668, %dma_wait3A_680] : memref<2048x128xf32, #tpu.memory_space<vmem>> -> memref<1024x128xf32, #tpu.memory_space<vmem>>
        tpu.wait_dma2 semaphore(%dma_wait3A_675 : memref<!tpu.dma_semaphore, #tpu.memory_space<semaphore_mem>>) src(%dma_wait3A_681 : memref<1024x128xf32, #tpu.memory_space<vmem>>) dst(%dma_wait3A_679 : memref<1024x128xf32, #tpu.memory_space<hbm>>)
        %sub3A_682 = arith.constant 4 : i32
        %sub3A_683 = arith.subi %add3A_627, %sub3A_682 : i32
        %sub3A_684 = arith.constant 1023 : i32
        %sub3A_685 = arith.subi %sub3A_684, %sub3A_683 : i32
        %sub3A_686 = arith.constant 768 : i32
        %sub3A_687 = arith.subi %sub3A_683, %sub3A_686 : i32
        %mul3A_688 = arith.constant 2 : i32
        %mul3A_689 = arith.muli %mul3A_688, %sub3A_687 : i32
        %add3A_690 = arith.constant 1 : i32
        %add3A_691 = arith.addi %mul3A_689, %add3A_690 : i32
        %dma_wait3A_692 = arith.constant 6 : i32
        %dma_wait3A_693 = tpu.memref_slice %arg4[%dma_wait3A_692] : memref<8x!tpu.dma_semaphore, #tpu.memory_space<semaphore_mem>> -> memref<1x!tpu.dma_semaphore, #tpu.memory_space<semaphore_mem>>
        %dma_wait3A_694 = tpu.memref_squeeze %dma_wait3A_693 : memref<1x!tpu.dma_semaphore, #tpu.memory_space<semaphore_mem>> -> memref<!tpu.dma_semaphore, #tpu.memory_space<semaphore_mem>>
        %dma_wait3A_695 = arith.constant 0 : i32
        %dma_wait3A_696 = arith.constant 0 : i32
        %dma_wait3A_697 = tpu.memref_slice %arg1[%add3A_691, %dma_wait3A_695, %dma_wait3A_696] : memref<512x1024x128xf32, #tpu.memory_space<hbm>> -> memref<1x1024x128xf32, #tpu.memory_space<hbm>>
        %dma_wait3A_698 = tpu.memref_squeeze %dma_wait3A_697 : memref<1x1024x128xf32, #tpu.memory_space<hbm>> -> memref<1024x128xf32, #tpu.memory_space<hbm>>
        %dma_wait3A_699 = arith.constant 0 : i32
        %dma_wait3A_700 = tpu.memref_slice %arg2[%sub3A_685, %dma_wait3A_699] : memref<2048x128xf32, #tpu.memory_space<vmem>> -> memref<1024x128xf32, #tpu.memory_space<vmem>>
        tpu.wait_dma2 semaphore(%dma_wait3A_694 : memref<!tpu.dma_semaphore, #tpu.memory_space<semaphore_mem>>) src(%dma_wait3A_700 : memref<1024x128xf32, #tpu.memory_space<vmem>>) dst(%dma_wait3A_698 : memref<1024x128xf32, #tpu.memory_space<hbm>>)
      } else {
      }
      %sub3A_633 = arith.constant 1023 : i32
      %sub3A_634 = arith.subi %sub3A_633, %add3A_627 : i32
      %sub3A_635 = arith.constant 768 : i32
      %sub3A_636 = arith.subi %add3A_627, %sub3A_635 : i32
      %mul3A_637 = arith.constant 2 : i32
      %mul3A_638 = arith.muli %mul3A_637, %sub3A_636 : i32
      %dma_start3A_639 = arith.constant 7 : i32
      %dma_start3A_640 = tpu.memref_slice %arg4[%dma_start3A_639] : memref<8x!tpu.dma_semaphore, #tpu.memory_space<semaphore_mem>> -> memref<1x!tpu.dma_semaphore, #tpu.memory_space<semaphore_mem>>
      %dma_start3A_641 = tpu.memref_squeeze %dma_start3A_640 : memref<1x!tpu.dma_semaphore, #tpu.memory_space<semaphore_mem>> -> memref<!tpu.dma_semaphore, #tpu.memory_space<semaphore_mem>>
      %dma_start3A_642 = arith.constant 0 : i32
      %dma_start3A_643 = arith.constant 0 : i32
      %dma_start3A_644 = tpu.memref_slice %arg1[%mul3A_638, %dma_start3A_642, %dma_start3A_643] : memref<512x1024x128xf32, #tpu.memory_space<hbm>> -> memref<1x1024x128xf32, #tpu.memory_space<hbm>>
      %dma_start3A_645 = tpu.memref_squeeze %dma_start3A_644 : memref<1x1024x128xf32, #tpu.memory_space<hbm>> -> memref<1024x128xf32, #tpu.memory_space<hbm>>
      %dma_start3A_646 = arith.constant 0 : i32
      %dma_start3A_647 = tpu.memref_slice %arg3[%sub3A_634, %dma_start3A_646] : memref<2048x128xf32, #tpu.memory_space<vmem>> -> memref<1024x128xf32, #tpu.memory_space<vmem>>
      tpu.enqueue_dma source(%dma_start3A_647 : memref<1024x128xf32, #tpu.memory_space<vmem>>) target(%dma_start3A_645 : memref<1024x128xf32, #tpu.memory_space<hbm>>) target_semaphore(%dma_start3A_641 : memref<!tpu.dma_semaphore, #tpu.memory_space<semaphore_mem>>)
      %sub3A_648 = arith.constant 1023 : i32
      %sub3A_649 = arith.subi %sub3A_648, %add3A_627 : i32
      %sub3A_650 = arith.constant 768 : i32
      %sub3A_651 = arith.subi %add3A_627, %sub3A_650 : i32
      %mul3A_652 = arith.constant 2 : i32
      %mul3A_653 = arith.muli %mul3A_652, %sub3A_651 : i32
      %add3A_654 = arith.constant 1 : i32
      %add3A_655 = arith.addi %mul3A_653, %add3A_654 : i32
      %dma_start3A_656 = arith.constant 6 : i32
      %dma_start3A_657 = tpu.memref_slice %arg4[%dma_start3A_656] : memref<8x!tpu.dma_semaphore, #tpu.memory_space<semaphore_mem>> -> memref<1x!tpu.dma_semaphore, #tpu.memory_space<semaphore_mem>>
      %dma_start3A_658 = tpu.memref_squeeze %dma_start3A_657 : memref<1x!tpu.dma_semaphore, #tpu.memory_space<semaphore_mem>> -> memref<!tpu.dma_semaphore, #tpu.memory_space<semaphore_mem>>
      %dma_start3A_659 = arith.constant 0 : i32
      %dma_start3A_660 = arith.constant 0 : i32
      %dma_start3A_661 = tpu.memref_slice %arg1[%add3A_655, %dma_start3A_659, %dma_start3A_660] : memref<512x1024x128xf32, #tpu.memory_space<hbm>> -> memref<1x1024x128xf32, #tpu.memory_space<hbm>>
      %dma_start3A_662 = tpu.memref_squeeze %dma_start3A_661 : memref<1x1024x128xf32, #tpu.memory_space<hbm>> -> memref<1024x128xf32, #tpu.memory_space<hbm>>
      %dma_start3A_663 = arith.constant 0 : i32
      %dma_start3A_664 = tpu.memref_slice %arg2[%sub3A_649, %dma_start3A_663] : memref<2048x128xf32, #tpu.memory_space<vmem>> -> memref<1024x128xf32, #tpu.memory_space<vmem>>
      tpu.enqueue_dma source(%dma_start3A_664 : memref<1024x128xf32, #tpu.memory_space<vmem>>) target(%dma_start3A_662 : memref<1024x128xf32, #tpu.memory_space<hbm>>) target_semaphore(%dma_start3A_658 : memref<!tpu.dma_semaphore, #tpu.memory_space<semaphore_mem>>)
    }
    %scan3A_411 = arith.constant 64 : i32
    %dma_wait3A = arith.constant 504 : i32
    %dma_wait3A_412 = arith.constant 1 : i32
    %dma_wait3A_413 = tpu.memref_slice %arg4[%dma_wait3A_412] : memref<8x!tpu.dma_semaphore, #tpu.memory_space<semaphore_mem>> -> memref<1x!tpu.dma_semaphore, #tpu.memory_space<semaphore_mem>>
    %dma_wait3A_414 = tpu.memref_squeeze %dma_wait3A_413 : memref<1x!tpu.dma_semaphore, #tpu.memory_space<semaphore_mem>> -> memref<!tpu.dma_semaphore, #tpu.memory_space<semaphore_mem>>
    %dma_wait3A_415 = arith.constant 0 : i32
    %dma_wait3A_416 = arith.constant 0 : i32
    %dma_wait3A_417 = tpu.memref_slice %arg1[%dma_wait3A, %dma_wait3A_415, %dma_wait3A_416] : memref<512x1024x128xf32, #tpu.memory_space<hbm>> -> memref<1x1024x128xf32, #tpu.memory_space<hbm>>
    %dma_wait3A_418 = tpu.memref_squeeze %dma_wait3A_417 : memref<1x1024x128xf32, #tpu.memory_space<hbm>> -> memref<1024x128xf32, #tpu.memory_space<hbm>>
    %dma_wait3A_419 = arith.constant 3 : i32
    %dma_wait3A_420 = arith.constant 0 : i32
    %dma_wait3A_421 = tpu.memref_slice %arg3[%dma_wait3A_419, %dma_wait3A_420] : memref<2048x128xf32, #tpu.memory_space<vmem>> -> memref<1024x128xf32, #tpu.memory_space<vmem>>
    tpu.wait_dma2 semaphore(%dma_wait3A_414 : memref<!tpu.dma_semaphore, #tpu.memory_space<semaphore_mem>>) src(%dma_wait3A_421 : memref<1024x128xf32, #tpu.memory_space<vmem>>) dst(%dma_wait3A_418 : memref<1024x128xf32, #tpu.memory_space<hbm>>)
    %dma_wait3A_422 = arith.constant 505 : i32
    %dma_wait3A_423 = arith.constant 0 : i32
    %dma_wait3A_424 = tpu.memref_slice %arg4[%dma_wait3A_423] : memref<8x!tpu.dma_semaphore, #tpu.memory_space<semaphore_mem>> -> memref<1x!tpu.dma_semaphore, #tpu.memory_space<semaphore_mem>>
    %dma_wait3A_425 = tpu.memref_squeeze %dma_wait3A_424 : memref<1x!tpu.dma_semaphore, #tpu.memory_space<semaphore_mem>> -> memref<!tpu.dma_semaphore, #tpu.memory_space<semaphore_mem>>
    %dma_wait3A_426 = arith.constant 0 : i32
    %dma_wait3A_427 = arith.constant 0 : i32
    %dma_wait3A_428 = tpu.memref_slice %arg1[%dma_wait3A_422, %dma_wait3A_426, %dma_wait3A_427] : memref<512x1024x128xf32, #tpu.memory_space<hbm>> -> memref<1x1024x128xf32, #tpu.memory_space<hbm>>
    %dma_wait3A_429 = tpu.memref_squeeze %dma_wait3A_428 : memref<1x1024x128xf32, #tpu.memory_space<hbm>> -> memref<1024x128xf32, #tpu.memory_space<hbm>>
    %dma_wait3A_430 = arith.constant 3 : i32
    %dma_wait3A_431 = arith.constant 0 : i32
    %dma_wait3A_432 = tpu.memref_slice %arg2[%dma_wait3A_430, %dma_wait3A_431] : memref<2048x128xf32, #tpu.memory_space<vmem>> -> memref<1024x128xf32, #tpu.memory_space<vmem>>
    tpu.wait_dma2 semaphore(%dma_wait3A_425 : memref<!tpu.dma_semaphore, #tpu.memory_space<semaphore_mem>>) src(%dma_wait3A_432 : memref<1024x128xf32, #tpu.memory_space<vmem>>) dst(%dma_wait3A_429 : memref<1024x128xf32, #tpu.memory_space<hbm>>)
    %dma_wait3A_433 = arith.constant 506 : i32
    %dma_wait3A_434 = arith.constant 3 : i32
    %dma_wait3A_435 = tpu.memref_slice %arg4[%dma_wait3A_434] : memref<8x!tpu.dma_semaphore, #tpu.memory_space<semaphore_mem>> -> memref<1x!tpu.dma_semaphore, #tpu.memory_space<semaphore_mem>>
    %dma_wait3A_436 = tpu.memref_squeeze %dma_wait3A_435 : memref<1x!tpu.dma_semaphore, #tpu.memory_space<semaphore_mem>> -> memref<!tpu.dma_semaphore, #tpu.memory_space<semaphore_mem>>
    %dma_wait3A_437 = arith.constant 0 : i32
    %dma_wait3A_438 = arith.constant 0 : i32
    %dma_wait3A_439 = tpu.memref_slice %arg1[%dma_wait3A_433, %dma_wait3A_437, %dma_wait3A_438] : memref<512x1024x128xf32, #tpu.memory_space<hbm>> -> memref<1x1024x128xf32, #tpu.memory_space<hbm>>
    %dma_wait3A_440 = tpu.memref_squeeze %dma_wait3A_439 : memref<1x1024x128xf32, #tpu.memory_space<hbm>> -> memref<1024x128xf32, #tpu.memory_space<hbm>>
    %dma_wait3A_441 = arith.constant 2 : i32
    %dma_wait3A_442 = arith.constant 0 : i32
    %dma_wait3A_443 = tpu.memref_slice %arg3[%dma_wait3A_441, %dma_wait3A_442] : memref<2048x128xf32, #tpu.memory_space<vmem>> -> memref<1024x128xf32, #tpu.memory_space<vmem>>
    tpu.wait_dma2 semaphore(%dma_wait3A_436 : memref<!tpu.dma_semaphore, #tpu.memory_space<semaphore_mem>>) src(%dma_wait3A_443 : memref<1024x128xf32, #tpu.memory_space<vmem>>) dst(%dma_wait3A_440 : memref<1024x128xf32, #tpu.memory_space<hbm>>)
    %dma_wait3A_444 = arith.constant 507 : i32
    %dma_wait3A_445 = arith.constant 2 : i32
    %dma_wait3A_446 = tpu.memref_slice %arg4[%dma_wait3A_445] : memref<8x!tpu.dma_semaphore, #tpu.memory_space<semaphore_mem>> -> memref<1x!tpu.dma_semaphore, #tpu.memory_space<semaphore_mem>>
    %dma_wait3A_447 = tpu.memref_squeeze %dma_wait3A_446 : memref<1x!tpu.dma_semaphore, #tpu.memory_space<semaphore_mem>> -> memref<!tpu.dma_semaphore, #tpu.memory_space<semaphore_mem>>
    %dma_wait3A_448 = arith.constant 0 : i32
    %dma_wait3A_449 = arith.constant 0 : i32
    %dma_wait3A_450 = tpu.memref_slice %arg1[%dma_wait3A_444, %dma_wait3A_448, %dma_wait3A_449] : memref<512x1024x128xf32, #tpu.memory_space<hbm>> -> memref<1x1024x128xf32, #tpu.memory_space<hbm>>
    %dma_wait3A_451 = tpu.memref_squeeze %dma_wait3A_450 : memref<1x1024x128xf32, #tpu.memory_space<hbm>> -> memref<1024x128xf32, #tpu.memory_space<hbm>>
    %dma_wait3A_452 = arith.constant 2 : i32
    %dma_wait3A_453 = arith.constant 0 : i32
    %dma_wait3A_454 = tpu.memref_slice %arg2[%dma_wait3A_452, %dma_wait3A_453] : memref<2048x128xf32, #tpu.memory_space<vmem>> -> memref<1024x128xf32, #tpu.memory_space<vmem>>
    tpu.wait_dma2 semaphore(%dma_wait3A_447 : memref<!tpu.dma_semaphore, #tpu.memory_space<semaphore_mem>>) src(%dma_wait3A_454 : memref<1024x128xf32, #tpu.memory_space<vmem>>) dst(%dma_wait3A_451 : memref<1024x128xf32, #tpu.memory_space<hbm>>)
    %dma_wait3A_455 = arith.constant 508 : i32
    %dma_wait3A_456 = arith.constant 5 : i32
    %dma_wait3A_457 = tpu.memref_slice %arg4[%dma_wait3A_456] : memref<8x!tpu.dma_semaphore, #tpu.memory_space<semaphore_mem>> -> memref<1x!tpu.dma_semaphore, #tpu.memory_space<semaphore_mem>>
    %dma_wait3A_458 = tpu.memref_squeeze %dma_wait3A_457 : memref<1x!tpu.dma_semaphore, #tpu.memory_space<semaphore_mem>> -> memref<!tpu.dma_semaphore, #tpu.memory_space<semaphore_mem>>
    %dma_wait3A_459 = arith.constant 0 : i32
    %dma_wait3A_460 = arith.constant 0 : i32
    %dma_wait3A_461 = tpu.memref_slice %arg1[%dma_wait3A_455, %dma_wait3A_459, %dma_wait3A_460] : memref<512x1024x128xf32, #tpu.memory_space<hbm>> -> memref<1x1024x128xf32, #tpu.memory_space<hbm>>
    %dma_wait3A_462 = tpu.memref_squeeze %dma_wait3A_461 : memref<1x1024x128xf32, #tpu.memory_space<hbm>> -> memref<1024x128xf32, #tpu.memory_space<hbm>>
    %dma_wait3A_463 = arith.constant 1 : i32
    %dma_wait3A_464 = arith.constant 0 : i32
    %dma_wait3A_465 = tpu.memref_slice %arg3[%dma_wait3A_463, %dma_wait3A_464] : memref<2048x128xf32, #tpu.memory_space<vmem>> -> memref<1024x128xf32, #tpu.memory_space<vmem>>
    tpu.wait_dma2 semaphore(%dma_wait3A_458 : memref<!tpu.dma_semaphore, #tpu.memory_space<semaphore_mem>>) src(%dma_wait3A_465 : memref<1024x128xf32, #tpu.memory_space<vmem>>) dst(%dma_wait3A_462 : memref<1024x128xf32, #tpu.memory_space<hbm>>)
    %dma_wait3A_466 = arith.constant 509 : i32
    %dma_wait3A_467 = arith.constant 4 : i32
    %dma_wait3A_468 = tpu.memref_slice %arg4[%dma_wait3A_467] : memref<8x!tpu.dma_semaphore, #tpu.memory_space<semaphore_mem>> -> memref<1x!tpu.dma_semaphore, #tpu.memory_space<semaphore_mem>>
    %dma_wait3A_469 = tpu.memref_squeeze %dma_wait3A_468 : memref<1x!tpu.dma_semaphore, #tpu.memory_space<semaphore_mem>> -> memref<!tpu.dma_semaphore, #tpu.memory_space<semaphore_mem>>
    %dma_wait3A_470 = arith.constant 0 : i32
    %dma_wait3A_471 = arith.constant 0 : i32
    %dma_wait3A_472 = tpu.memref_slice %arg1[%dma_wait3A_466, %dma_wait3A_470, %dma_wait3A_471] : memref<512x1024x128xf32, #tpu.memory_space<hbm>> -> memref<1x1024x128xf32, #tpu.memory_space<hbm>>
    %dma_wait3A_473 = tpu.memref_squeeze %dma_wait3A_472 : memref<1x1024x128xf32, #tpu.memory_space<hbm>> -> memref<1024x128xf32, #tpu.memory_space<hbm>>
    %dma_wait3A_474 = arith.constant 1 : i32
    %dma_wait3A_475 = arith.constant 0 : i32
    %dma_wait3A_476 = tpu.memref_slice %arg2[%dma_wait3A_474, %dma_wait3A_475] : memref<2048x128xf32, #tpu.memory_space<vmem>> -> memref<1024x128xf32, #tpu.memory_space<vmem>>
    tpu.wait_dma2 semaphore(%dma_wait3A_469 : memref<!tpu.dma_semaphore, #tpu.memory_space<semaphore_mem>>) src(%dma_wait3A_476 : memref<1024x128xf32, #tpu.memory_space<vmem>>) dst(%dma_wait3A_473 : memref<1024x128xf32, #tpu.memory_space<hbm>>)
    %dma_wait3A_477 = arith.constant 510 : i32
    %dma_wait3A_478 = arith.constant 7 : i32
    %dma_wait3A_479 = tpu.memref_slice %arg4[%dma_wait3A_478] : memref<8x!tpu.dma_semaphore, #tpu.memory_space<semaphore_mem>> -> memref<1x!tpu.dma_semaphore, #tpu.memory_space<semaphore_mem>>
    %dma_wait3A_480 = tpu.memref_squeeze %dma_wait3A_479 : memref<1x!tpu.dma_semaphore, #tpu.memory_space<semaphore_mem>> -> memref<!tpu.dma_semaphore, #tpu.memory_space<semaphore_mem>>
    %dma_wait3A_481 = arith.constant 0 : i32
    %dma_wait3A_482 = arith.constant 0 : i32
    %dma_wait3A_483 = tpu.memref_slice %arg1[%dma_wait3A_477, %dma_wait3A_481, %dma_wait3A_482] : memref<512x1024x128xf32, #tpu.memory_space<hbm>> -> memref<1x1024x128xf32, #tpu.memory_space<hbm>>
    %dma_wait3A_484 = tpu.memref_squeeze %dma_wait3A_483 : memref<1x1024x128xf32, #tpu.memory_space<hbm>> -> memref<1024x128xf32, #tpu.memory_space<hbm>>
    %dma_wait3A_485 = arith.constant 0 : i32
    %dma_wait3A_486 = arith.constant 0 : i32
    %dma_wait3A_487 = tpu.memref_slice %arg3[%dma_wait3A_485, %dma_wait3A_486] : memref<2048x128xf32, #tpu.memory_space<vmem>> -> memref<1024x128xf32, #tpu.memory_space<vmem>>
    tpu.wait_dma2 semaphore(%dma_wait3A_480 : memref<!tpu.dma_semaphore, #tpu.memory_space<semaphore_mem>>) src(%dma_wait3A_487 : memref<1024x128xf32, #tpu.memory_space<vmem>>) dst(%dma_wait3A_484 : memref<1024x128xf32, #tpu.memory_space<hbm>>)
    %dma_wait3A_488 = arith.constant 511 : i32
    %dma_wait3A_489 = arith.constant 6 : i32
    %dma_wait3A_490 = tpu.memref_slice %arg4[%dma_wait3A_489] : memref<8x!tpu.dma_semaphore, #tpu.memory_space<semaphore_mem>> -> memref<1x!tpu.dma_semaphore, #tpu.memory_space<semaphore_mem>>
    %dma_wait3A_491 = tpu.memref_squeeze %dma_wait3A_490 : memref<1x!tpu.dma_semaphore, #tpu.memory_space<semaphore_mem>> -> memref<!tpu.dma_semaphore, #tpu.memory_space<semaphore_mem>>
    %dma_wait3A_492 = arith.constant 0 : i32
    %dma_wait3A_493 = arith.constant 0 : i32
    %dma_wait3A_494 = tpu.memref_slice %arg1[%dma_wait3A_488, %dma_wait3A_492, %dma_wait3A_493] : memref<512x1024x128xf32, #tpu.memory_space<hbm>> -> memref<1x1024x128xf32, #tpu.memory_space<hbm>>
    %dma_wait3A_495 = tpu.memref_squeeze %dma_wait3A_494 : memref<1x1024x128xf32, #tpu.memory_space<hbm>> -> memref<1024x128xf32, #tpu.memory_space<hbm>>
    %dma_wait3A_496 = arith.constant 0 : i32
    %dma_wait3A_497 = arith.constant 0 : i32
    %dma_wait3A_498 = tpu.memref_slice %arg2[%dma_wait3A_496, %dma_wait3A_497] : memref<2048x128xf32, #tpu.memory_space<vmem>> -> memref<1024x128xf32, #tpu.memory_space<vmem>>
    tpu.wait_dma2 semaphore(%dma_wait3A_491 : memref<!tpu.dma_semaphore, #tpu.memory_space<semaphore_mem>>) src(%dma_wait3A_498 : memref<1024x128xf32, #tpu.memory_space<vmem>>) dst(%dma_wait3A_495 : memref<1024x128xf32, #tpu.memory_space<hbm>>)
    return
  }
}

module attributes {stable_mosaic.version = 14 : i64} {
  func.func @_rpe_kernel(%arg0: memref<33x64xf32, #tpu.memory_space<vmem>>, %arg1: memref<512x1024x128xf32, #tpu.memory_space<hbm>>, %arg2: memref<2048x128xf32, #tpu.memory_space<vmem>>, %arg3: memref<2048x128xf32, #tpu.memory_space<vmem>>, %arg4: memref<8x!tpu.dma_semaphore, #tpu.memory_space<semaphore_mem>>) attributes {dimension_semantics = [], scalar_prefetch = 0 : i64, scratch_operands = 3 : i64, tpu.core_type = #tpu.core_type<tc>} {
    %get3A = arith.constant 0 : index
    %get3A_0 = arith.constant 0 : index
    %get3A_1 = vector.load %arg0[%get3A, %get3A_0] : memref<33x64xf32, #tpu.memory_space<vmem>>, vector<1x64xf32>
    %get3A_2 = arith.constant 32 : index
    %get3A_3 = arith.constant 0 : index
    %get3A_4 = vector.load %arg0[%get3A_2, %get3A_3] : memref<33x64xf32, #tpu.memory_space<vmem>>, vector<1x64xf32>
    %concatenate3A = tpu.concatenate %get3A_1, %get3A_1 in 1 : vector<1x64xf32>, vector<1x64xf32> -> vector<1x128xf32>
    %concatenate3A_5 = tpu.concatenate %get3A_4, %get3A_4 in 1 : vector<1x64xf32>, vector<1x64xf32> -> vector<1x128xf32>
    %broadcast_in_dim3A = vector.shape_cast %concatenate3A : vector<1x128xf32> to vector<1x128xf32>
    %broadcast_in_dim3A_6 = vector.broadcast %broadcast_in_dim3A : vector<1x128xf32> to vector<1016x128xf32>
    %swap3A = arith.constant 0 : index
    %swap3A_7 = arith.constant 0 : index
    %swap3A_8 = vector.load %arg2[%swap3A, %swap3A_7] : memref<2048x128xf32, #tpu.memory_space<vmem>>, vector<1016x128xf32>
    tpu.vector_store %arg2[%swap3A, %swap3A_7], %broadcast_in_dim3A_6 {strides = array<i32>} : memref<2048x128xf32, #tpu.memory_space<vmem>>, vector<1016x128xf32>,
    %broadcast_in_dim3A_9 = vector.shape_cast %concatenate3A_5 : vector<1x128xf32> to vector<1x128xf32>
    %broadcast_in_dim3A_10 = vector.broadcast %broadcast_in_dim3A_9 : vector<1x128xf32> to vector<1016x128xf32>
    %swap3A_11 = arith.constant 1032 : index
    %swap3A_12 = arith.constant 0 : index
    %swap3A_13 = vector.load %arg2[%swap3A_11, %swap3A_12] : memref<2048x128xf32, #tpu.memory_space<vmem>>, vector<1016x128xf32>
    tpu.vector_store %arg2[%swap3A_11, %swap3A_12], %broadcast_in_dim3A_10 {strides = array<i32>} : memref<2048x128xf32, #tpu.memory_space<vmem>>, vector<1016x128xf32>,
    %broadcast_in_dim3A_14 = vector.shape_cast %concatenate3A : vector<1x128xf32> to vector<1x128xf32>
    %broadcast_in_dim3A_15 = vector.broadcast %broadcast_in_dim3A_14 : vector<1x128xf32> to vector<1015x128xf32>
    %swap3A_16 = arith.constant 0 : index
    %swap3A_17 = arith.constant 0 : index
    %swap3A_18 = vector.load %arg3[%swap3A_16, %swap3A_17] : memref<2048x128xf32, #tpu.memory_space<vmem>>, vector<1015x128xf32>
    tpu.vector_store %arg3[%swap3A_16, %swap3A_17], %broadcast_in_dim3A_15 {strides = array<i32>} : memref<2048x128xf32, #tpu.memory_space<vmem>>, vector<1015x128xf32>,
    %broadcast_in_dim3A_19 = vector.shape_cast %concatenate3A_5 : vector<1x128xf32> to vector<1x128xf32>
    %broadcast_in_dim3A_20 = vector.broadcast %broadcast_in_dim3A_19 : vector<1x128xf32> to vector<1017x128xf32>
    %swap3A_21 = arith.constant 1031 : index
    %swap3A_22 = arith.constant 0 : index
    %swap3A_23 = vector.load %arg3[%swap3A_21, %swap3A_22] : memref<2048x128xf32, #tpu.memory_space<vmem>>, vector<1017x128xf32>
    tpu.vector_store %arg3[%swap3A_21, %swap3A_22], %broadcast_in_dim3A_20 {strides = array<i32>} : memref<2048x128xf32, #tpu.memory_space<vmem>>, vector<1017x128xf32>,
    %get3A_24 = arith.constant 1 : index
    %get3A_25 = arith.constant 0 : index
    %get3A_26 = vector.load %arg0[%get3A_24, %get3A_25] : memref<33x64xf32, #tpu.memory_space<vmem>>, vector<1x64xf32>
    %swap3A_27 = arith.constant 1016 : index
    %swap3A_28 = arith.constant 0 : index
    %swap3A_29 = vector.load %arg2[%swap3A_27, %swap3A_28] : memref<2048x128xf32, #tpu.memory_space<vmem>>, vector<1x64xf32>
    tpu.vector_store %arg2[%swap3A_27, %swap3A_28], %get3A_26 {strides = array<i32>} : memref<2048x128xf32, #tpu.memory_space<vmem>>, vector<1x64xf32>,
    %get3A_30 = arith.constant 2 : index
    %get3A_31 = arith.constant 0 : index
    %get3A_32 = vector.load %arg0[%get3A_30, %get3A_31] : memref<33x64xf32, #tpu.memory_space<vmem>>, vector<1x64xf32>
    %swap3A_33 = arith.constant 1016 : index
    %swap3A_34 = arith.constant 64 : index
    %swap3A_35 = vector.load %arg2[%swap3A_33, %swap3A_34] : memref<2048x128xf32, #tpu.memory_space<vmem>>, vector<1x64xf32>
    tpu.vector_store %arg2[%swap3A_33, %swap3A_34], %get3A_32 {strides = array<i32>} : memref<2048x128xf32, #tpu.memory_space<vmem>>, vector<1x64xf32>,
    %get3A_36 = arith.constant 0 : index
    %get3A_37 = arith.constant 0 : index
    %get3A_38 = vector.load %arg0[%get3A_36, %get3A_37] : memref<33x64xf32, #tpu.memory_space<vmem>>, vector<1x64xf32>
    %swap3A_39 = arith.constant 1015 : index
    %swap3A_40 = arith.constant 0 : index
    %swap3A_41 = vector.load %arg3[%swap3A_39, %swap3A_40] : memref<2048x128xf32, #tpu.memory_space<vmem>>, vector<1x64xf32>
    tpu.vector_store %arg3[%swap3A_39, %swap3A_40], %get3A_38 {strides = array<i32>} : memref<2048x128xf32, #tpu.memory_space<vmem>>, vector<1x64xf32>,
    %get3A_42 = arith.constant 1 : index
    %get3A_43 = arith.constant 0 : index
    %get3A_44 = vector.load %arg0[%get3A_42, %get3A_43] : memref<33x64xf32, #tpu.memory_space<vmem>>, vector<1x64xf32>
    %swap3A_45 = arith.constant 1015 : index
    %swap3A_46 = arith.constant 64 : index
    %swap3A_47 = vector.load %arg3[%swap3A_45, %swap3A_46] : memref<2048x128xf32, #tpu.memory_space<vmem>>, vector<1x64xf32>
    tpu.vector_store %arg3[%swap3A_45, %swap3A_46], %get3A_44 {strides = array<i32>} : memref<2048x128xf32, #tpu.memory_space<vmem>>, vector<1x64xf32>,
    %get3A_48 = arith.constant 3 : index
    %get3A_49 = arith.constant 0 : index
    %get3A_50 = vector.load %arg0[%get3A_48, %get3A_49] : memref<33x64xf32, #tpu.memory_space<vmem>>, vector<1x64xf32>
    %swap3A_51 = arith.constant 1017 : index
    %swap3A_52 = arith.constant 0 : index
    %swap3A_53 = vector.load %arg2[%swap3A_51, %swap3A_52] : memref<2048x128xf32, #tpu.memory_space<vmem>>, vector<1x64xf32>
    tpu.vector_store %arg2[%swap3A_51, %swap3A_52], %get3A_50 {strides = array<i32>} : memref<2048x128xf32, #tpu.memory_space<vmem>>, vector<1x64xf32>,
    %get3A_54 = arith.constant 4 : index
    %get3A_55 = arith.constant 0 : index
    %get3A_56 = vector.load %arg0[%get3A_54, %get3A_55] : memref<33x64xf32, #tpu.memory_space<vmem>>, vector<1x64xf32>
    %swap3A_57 = arith.constant 1017 : index
    %swap3A_58 = arith.constant 64 : index
    %swap3A_59 = vector.load %arg2[%swap3A_57, %swap3A_58] : memref<2048x128xf32, #tpu.memory_space<vmem>>, vector<1x64xf32>
    tpu.vector_store %arg2[%swap3A_57, %swap3A_58], %get3A_56 {strides = array<i32>} : memref<2048x128xf32, #tpu.memory_space<vmem>>, vector<1x64xf32>,
    %get3A_60 = arith.constant 2 : index
    %get3A_61 = arith.constant 0 : index
    %get3A_62 = vector.load %arg0[%get3A_60, %get3A_61] : memref<33x64xf32, #tpu.memory_space<vmem>>, vector<1x64xf32>
    %swap3A_63 = arith.constant 1016 : index
    %swap3A_64 = arith.constant 0 : index
    %swap3A_65 = vector.load %arg3[%swap3A_63, %swap3A_64] : memref<2048x128xf32, #tpu.memory_space<vmem>>, vector<1x64xf32>
    tpu.vector_store %arg3[%swap3A_63, %swap3A_64], %get3A_62 {strides = array<i32>} : memref<2048x128xf32, #tpu.memory_space<vmem>>, vector<1x64xf32>,
    %get3A_66 = arith.constant 3 : index
    %get3A_67 = arith.constant 0 : index
    %get3A_68 = vector.load %arg0[%get3A_66, %get3A_67] : memref<33x64xf32, #tpu.memory_space<vmem>>, vector<1x64xf32>
    %swap3A_69 = arith.constant 1016 : index
    %swap3A_70 = arith.constant 64 : index
    %swap3A_71 = vector.load %arg3[%swap3A_69, %swap3A_70] : memref<2048x128xf32, #tpu.memory_space<vmem>>, vector<1x64xf32>
    tpu.vector_store %arg3[%swap3A_69, %swap3A_70], %get3A_68 {strides = array<i32>} : memref<2048x128xf32, #tpu.memory_space<vmem>>, vector<1x64xf32>,
    %get3A_72 = arith.constant 5 : index
    %get3A_73 = arith.constant 0 : index
    %get3A_74 = vector.load %arg0[%get3A_72, %get3A_73] : memref<33x64xf32, #tpu.memory_space<vmem>>, vector<1x64xf32>
    %swap3A_75 = arith.constant 1018 : index
    %swap3A_76 = arith.constant 0 : index
    %swap3A_77 = vector.load %arg2[%swap3A_75, %swap3A_76] : memref<2048x128xf32, #tpu.memory_space<vmem>>, vector<1x64xf32>
    tpu.vector_store %arg2[%swap3A_75, %swap3A_76], %get3A_74 {strides = array<i32>} : memref<2048x128xf32, #tpu.memory_space<vmem>>, vector<1x64xf32>,
    %get3A_78 = arith.constant 6 : index
    %get3A_79 = arith.constant 0 : index
    %get3A_80 = vector.load %arg0[%get3A_78, %get3A_79] : memref<33x64xf32, #tpu.memory_space<vmem>>, vector<1x64xf32>
    %swap3A_81 = arith.constant 1018 : index
    %swap3A_82 = arith.constant 64 : index
    %swap3A_83 = vector.load %arg2[%swap3A_81, %swap3A_82] : memref<2048x128xf32, #tpu.memory_space<vmem>>, vector<1x64xf32>
    tpu.vector_store %arg2[%swap3A_81, %swap3A_82], %get3A_80 {strides = array<i32>} : memref<2048x128xf32, #tpu.memory_space<vmem>>, vector<1x64xf32>,
    %get3A_84 = arith.constant 4 : index
    %get3A_85 = arith.constant 0 : index
    %get3A_86 = vector.load %arg0[%get3A_84, %get3A_85] : memref<33x64xf32, #tpu.memory_space<vmem>>, vector<1x64xf32>
    %swap3A_87 = arith.constant 1017 : index
    %swap3A_88 = arith.constant 0 : index
    %swap3A_89 = vector.load %arg3[%swap3A_87, %swap3A_88] : memref<2048x128xf32, #tpu.memory_space<vmem>>, vector<1x64xf32>
    tpu.vector_store %arg3[%swap3A_87, %swap3A_88], %get3A_86 {strides = array<i32>} : memref<2048x128xf32, #tpu.memory_space<vmem>>, vector<1x64xf32>,
    %get3A_90 = arith.constant 5 : index
    %get3A_91 = arith.constant 0 : index
    %get3A_92 = vector.load %arg0[%get3A_90, %get3A_91] : memref<33x64xf32, #tpu.memory_space<vmem>>, vector<1x64xf32>
    %swap3A_93 = arith.constant 1017 : index
    %swap3A_94 = arith.constant 64 : index
    %swap3A_95 = vector.load %arg3[%swap3A_93, %swap3A_94] : memref<2048x128xf32, #tpu.memory_space<vmem>>, vector<1x64xf32>
    tpu.vector_store %arg3[%swap3A_93, %swap3A_94], %get3A_92 {strides = array<i32>} : memref<2048x128xf32, #tpu.memory_space<vmem>>, vector<1x64xf32>,
    %get3A_96 = arith.constant 7 : index
    %get3A_97 = arith.constant 0 : index
    %get3A_98 = vector.load %arg0[%get3A_96, %get3A_97] : memref<33x64xf32, #tpu.memory_space<vmem>>, vector<1x64xf32>
    %swap3A_99 = arith.constant 1019 : index
    %swap3A_100 = arith.constant 0 : index
    %swap3A_101 = vector.load %arg2[%swap3A_99, %swap3A_100] : memref<2048x128xf32, #tpu.memory_space<vmem>>, vector<1x64xf32>
    tpu.vector_store %arg2[%swap3A_99, %swap3A_100], %get3A_98 {strides = array<i32>} : memref<2048x128xf32, #tpu.memory_space<vmem>>, vector<1x64xf32>,
    %get3A_102 = arith.constant 8 : index
    %get3A_103 = arith.constant 0 : index
    %get3A_104 = vector.load %arg0[%get3A_102, %get3A_103] : memref<33x64xf32, #tpu.memory_space<vmem>>, vector<1x64xf32>
    %swap3A_105 = arith.constant 1019 : index
    %swap3A_106 = arith.constant 64 : index
    %swap3A_107 = vector.load %arg2[%swap3A_105, %swap3A_106] : memref<2048x128xf32, #tpu.memory_space<vmem>>, vector<1x64xf32>
    tpu.vector_store %arg2[%swap3A_105, %swap3A_106], %get3A_104 {strides = array<i32>} : memref<2048x128xf32, #tpu.memory_space<vmem>>, vector<1x64xf32>,
    %get3A_108 = arith.constant 6 : index
    %get3A_109 = arith.constant 0 : index
    %get3A_110 = vector.load %arg0[%get3A_108, %get3A_109] : memref<33x64xf32, #tpu.memory_space<vmem>>, vector<1x64xf32>
    %swap3A_111 = arith.constant 1018 : index
    %swap3A_112 = arith.constant 0 : index
    %swap3A_113 = vector.load %arg3[%swap3A_111, %swap3A_112] : memref<2048x128xf32, #tpu.memory_space<vmem>>, vector<1x64xf32>
    tpu.vector_store %arg3[%swap3A_111, %swap3A_112], %get3A_110 {strides = array<i32>} : memref<2048x128xf32, #tpu.memory_space<vmem>>, vector<1x64xf32>,
    %get3A_114 = arith.constant 7 : index
    %get3A_115 = arith.constant 0 : index
    %get3A_116 = vector.load %arg0[%get3A_114, %get3A_115] : memref<33x64xf32, #tpu.memory_space<vmem>>, vector<1x64xf32>
    %swap3A_117 = arith.constant 1018 : index
    %swap3A_118 = arith.constant 64 : index
    %swap3A_119 = vector.load %arg3[%swap3A_117, %swap3A_118] : memref<2048x128xf32, #tpu.memory_space<vmem>>, vector<1x64xf32>
    tpu.vector_store %arg3[%swap3A_117, %swap3A_118], %get3A_116 {strides = array<i32>} : memref<2048x128xf32, #tpu.memory_space<vmem>>, vector<1x64xf32>,
    %get3A_120 = arith.constant 9 : index
    %get3A_121 = arith.constant 0 : index
    %get3A_122 = vector.load %arg0[%get3A_120, %get3A_121] : memref<33x64xf32, #tpu.memory_space<vmem>>, vector<1x64xf32>
    %swap3A_123 = arith.constant 1020 : index
    %swap3A_124 = arith.constant 0 : index
    %swap3A_125 = vector.load %arg2[%swap3A_123, %swap3A_124] : memref<2048x128xf32, #tpu.memory_space<vmem>>, vector<1x64xf32>
    tpu.vector_store %arg2[%swap3A_123, %swap3A_124], %get3A_122 {strides = array<i32>} : memref<2048x128xf32, #tpu.memory_space<vmem>>, vector<1x64xf32>,
    %get3A_126 = arith.constant 10 : index
    %get3A_127 = arith.constant 0 : index
    %get3A_128 = vector.load %arg0[%get3A_126, %get3A_127] : memref<33x64xf32, #tpu.memory_space<vmem>>, vector<1x64xf32>
    %swap3A_129 = arith.constant 1020 : index
    %swap3A_130 = arith.constant 64 : index
    %swap3A_131 = vector.load %arg2[%swap3A_129, %swap3A_130] : memref<2048x128xf32, #tpu.memory_space<vmem>>, vector<1x64xf32>
    tpu.vector_store %arg2[%swap3A_129, %swap3A_130], %get3A_128 {strides = array<i32>} : memref<2048x128xf32, #tpu.memory_space<vmem>>, vector<1x64xf32>,
    %get3A_132 = arith.constant 8 : index
    %get3A_133 = arith.constant 0 : index
    %get3A_134 = vector.load %arg0[%get3A_132, %get3A_133] : memref<33x64xf32, #tpu.memory_space<vmem>>, vector<1x64xf32>
    %swap3A_135 = arith.constant 1019 : index
    %swap3A_136 = arith.constant 0 : index
    %swap3A_137 = vector.load %arg3[%swap3A_135, %swap3A_136] : memref<2048x128xf32, #tpu.memory_space<vmem>>, vector<1x64xf32>
    tpu.vector_store %arg3[%swap3A_135, %swap3A_136], %get3A_134 {strides = array<i32>} : memref<2048x128xf32, #tpu.memory_space<vmem>>, vector<1x64xf32>,
    %get3A_138 = arith.constant 9 : index
    %get3A_139 = arith.constant 0 : index
    %get3A_140 = vector.load %arg0[%get3A_138, %get3A_139] : memref<33x64xf32, #tpu.memory_space<vmem>>, vector<1x64xf32>
    %swap3A_141 = arith.constant 1019 : index
    %swap3A_142 = arith.constant 64 : index
    %swap3A_143 = vector.load %arg3[%swap3A_141, %swap3A_142] : memref<2048x128xf32, #tpu.memory_space<vmem>>, vector<1x64xf32>
    tpu.vector_store %arg3[%swap3A_141, %swap3A_142], %get3A_140 {strides = array<i32>} : memref<2048x128xf32, #tpu.memory_space<vmem>>, vector<1x64xf32>,
    %get3A_144 = arith.constant 11 : index
    %get3A_145 = arith.constant 0 : index
    %get3A_146 = vector.load %arg0[%get3A_144, %get3A_145] : memref<33x64xf32, #tpu.memory_space<vmem>>, vector<1x64xf32>
    %swap3A_147 = arith.constant 1021 : index
    %swap3A_148 = arith.constant 0 : index
    %swap3A_149 = vector.load %arg2[%swap3A_147, %swap3A_148] : memref<2048x128xf32, #tpu.memory_space<vmem>>, vector<1x64xf32>
    tpu.vector_store %arg2[%swap3A_147, %swap3A_148], %get3A_146 {strides = array<i32>} : memref<2048x128xf32, #tpu.memory_space<vmem>>, vector<1x64xf32>,
    %get3A_150 = arith.constant 12 : index
    %get3A_151 = arith.constant 0 : index
    %get3A_152 = vector.load %arg0[%get3A_150, %get3A_151] : memref<33x64xf32, #tpu.memory_space<vmem>>, vector<1x64xf32>
    %swap3A_153 = arith.constant 1021 : index
    %swap3A_154 = arith.constant 64 : index
    %swap3A_155 = vector.load %arg2[%swap3A_153, %swap3A_154] : memref<2048x128xf32, #tpu.memory_space<vmem>>, vector<1x64xf32>
    tpu.vector_store %arg2[%swap3A_153, %swap3A_154], %get3A_152 {strides = array<i32>} : memref<2048x128xf32, #tpu.memory_space<vmem>>, vector<1x64xf32>,
    %get3A_156 = arith.constant 10 : index
    %get3A_157 = arith.constant 0 : index
    %get3A_158 = vector.load %arg0[%get3A_156, %get3A_157] : memref<33x64xf32, #tpu.memory_space<vmem>>, vector<1x64xf32>
    %swap3A_159 = arith.constant 1020 : index
    %swap3A_160 = arith.constant 0 : index
    %swap3A_161 = vector.load %arg3[%swap3A_159, %swap3A_160] : memref<2048x128xf32, #tpu.memory_space<vmem>>, vector<1x64xf32>
    tpu.vector_store %arg3[%swap3A_159, %swap3A_160], %get3A_158 {strides = array<i32>} : memref<2048x128xf32, #tpu.memory_space<vmem>>, vector<1x64xf32>,
    %get3A_162 = arith.constant 11 : index
    %get3A_163 = arith.constant 0 : index
    %get3A_164 = vector.load %arg0[%get3A_162, %get3A_163] : memref<33x64xf32, #tpu.memory_space<vmem>>, vector<1x64xf32>
    %swap3A_165 = arith.constant 1020 : index
    %swap3A_166 = arith.constant 64 : index
    %swap3A_167 = vector.load %arg3[%swap3A_165, %swap3A_166] : memref<2048x128xf32, #tpu.memory_space<vmem>>, vector<1x64xf32>
    tpu.vector_store %arg3[%swap3A_165, %swap3A_166], %get3A_164 {strides = array<i32>} : memref<2048x128xf32, #tpu.memory_space<vmem>>, vector<1x64xf32>,
    %get3A_168 = arith.constant 13 : index
    %get3A_169 = arith.constant 0 : index
    %get3A_170 = vector.load %arg0[%get3A_168, %get3A_169] : memref<33x64xf32, #tpu.memory_space<vmem>>, vector<1x64xf32>
    %swap3A_171 = arith.constant 1022 : index
    %swap3A_172 = arith.constant 0 : index
    %swap3A_173 = vector.load %arg2[%swap3A_171, %swap3A_172] : memref<2048x128xf32, #tpu.memory_space<vmem>>, vector<1x64xf32>
    tpu.vector_store %arg2[%swap3A_171, %swap3A_172], %get3A_170 {strides = array<i32>} : memref<2048x128xf32, #tpu.memory_space<vmem>>, vector<1x64xf32>,
    %get3A_174 = arith.constant 14 : index
    %get3A_175 = arith.constant 0 : index
    %get3A_176 = vector.load %arg0[%get3A_174, %get3A_175] : memref<33x64xf32, #tpu.memory_space<vmem>>, vector<1x64xf32>
    %swap3A_177 = arith.constant 1022 : index
    %swap3A_178 = arith.constant 64 : index
    %swap3A_179 = vector.load %arg2[%swap3A_177, %swap3A_178] : memref<2048x128xf32, #tpu.memory_space<vmem>>, vector<1x64xf32>
    tpu.vector_store %arg2[%swap3A_177, %swap3A_178], %get3A_176 {strides = array<i32>} : memref<2048x128xf32, #tpu.memory_space<vmem>>, vector<1x64xf32>,
    %get3A_180 = arith.constant 12 : index
    %get3A_181 = arith.constant 0 : index
    %get3A_182 = vector.load %arg0[%get3A_180, %get3A_181] : memref<33x64xf32, #tpu.memory_space<vmem>>, vector<1x64xf32>
    %swap3A_183 = arith.constant 1021 : index
    %swap3A_184 = arith.constant 0 : index
    %swap3A_185 = vector.load %arg3[%swap3A_183, %swap3A_184] : memref<2048x128xf32, #tpu.memory_space<vmem>>, vector<1x64xf32>
    tpu.vector_store %arg3[%swap3A_183, %swap3A_184], %get3A_182 {strides = array<i32>} : memref<2048x128xf32, #tpu.memory_space<vmem>>, vector<1x64xf32>,
    %get3A_186 = arith.constant 13 : index
    %get3A_187 = arith.constant 0 : index
    %get3A_188 = vector.load %arg0[%get3A_186, %get3A_187] : memref<33x64xf32, #tpu.memory_space<vmem>>, vector<1x64xf32>
    %swap3A_189 = arith.constant 1021 : index
    %swap3A_190 = arith.constant 64 : index
    %swap3A_191 = vector.load %arg3[%swap3A_189, %swap3A_190] : memref<2048x128xf32, #tpu.memory_space<vmem>>, vector<1x64xf32>
    tpu.vector_store %arg3[%swap3A_189, %swap3A_190], %get3A_188 {strides = array<i32>} : memref<2048x128xf32, #tpu.memory_space<vmem>>, vector<1x64xf32>,
    %get3A_192 = arith.constant 15 : index
    %get3A_193 = arith.constant 0 : index
    %get3A_194 = vector.load %arg0[%get3A_192, %get3A_193] : memref<33x64xf32, #tpu.memory_space<vmem>>, vector<1x64xf32>
    %swap3A_195 = arith.constant 1023 : index
    %swap3A_196 = arith.constant 0 : index
    %swap3A_197 = vector.load %arg2[%swap3A_195, %swap3A_196] : memref<2048x128xf32, #tpu.memory_space<vmem>>, vector<1x64xf32>
    tpu.vector_store %arg2[%swap3A_195, %swap3A_196], %get3A_194 {strides = array<i32>} : memref<2048x128xf32, #tpu.memory_space<vmem>>, vector<1x64xf32>,
    %get3A_198 = arith.constant 16 : index
    %get3A_199 = arith.constant 0 : index
    %get3A_200 = vector.load %arg0[%get3A_198, %get3A_199] : memref<33x64xf32, #tpu.memory_space<vmem>>, vector<1x64xf32>
    %swap3A_201 = arith.constant 1023 : index
    %swap3A_202 = arith.constant 64 : index
    %swap3A_203 = vector.load %arg2[%swap3A_201, %swap3A_202] : memref<2048x128xf32, #tpu.memory_space<vmem>>, vector<1x64xf32>
    tpu.vector_store %arg2[%swap3A_201, %swap3A_202], %get3A_200 {strides = array<i32>} : memref<2048x128xf32, #tpu.memory_space<vmem>>, vector<1x64xf32>,
    %get3A_204 = arith.constant 14 : index
    %get3A_205 = arith.constant 0 : index
    %get3A_206 = vector.load %arg0[%get3A_204, %get3A_205] : memref<33x64xf32, #tpu.memory_space<vmem>>, vector<1x64xf32>
    %swap3A_207 = arith.constant 1022 : index
    %swap3A_208 = arith.constant 0 : index
    %swap3A_209 = vector.load %arg3[%swap3A_207, %swap3A_208] : memref<2048x128xf32, #tpu.memory_space<vmem>>, vector<1x64xf32>
    tpu.vector_store %arg3[%swap3A_207, %swap3A_208], %get3A_206 {strides = array<i32>} : memref<2048x128xf32, #tpu.memory_space<vmem>>, vector<1x64xf32>,
    %get3A_210 = arith.constant 15 : index
    %get3A_211 = arith.constant 0 : index
    %get3A_212 = vector.load %arg0[%get3A_210, %get3A_211] : memref<33x64xf32, #tpu.memory_space<vmem>>, vector<1x64xf32>
    %swap3A_213 = arith.constant 1022 : index
    %swap3A_214 = arith.constant 64 : index
    %swap3A_215 = vector.load %arg3[%swap3A_213, %swap3A_214] : memref<2048x128xf32, #tpu.memory_space<vmem>>, vector<1x64xf32>
    tpu.vector_store %arg3[%swap3A_213, %swap3A_214], %get3A_212 {strides = array<i32>} : memref<2048x128xf32, #tpu.memory_space<vmem>>, vector<1x64xf32>,
    %get3A_216 = arith.constant 17 : index
    %get3A_217 = arith.constant 0 : index
    %get3A_218 = vector.load %arg0[%get3A_216, %get3A_217] : memref<33x64xf32, #tpu.memory_space<vmem>>, vector<1x64xf32>
    %swap3A_219 = arith.constant 1024 : index
    %swap3A_220 = arith.constant 0 : index
    %swap3A_221 = vector.load %arg2[%swap3A_219, %swap3A_220] : memref<2048x128xf32, #tpu.memory_space<vmem>>, vector<1x64xf32>
    tpu.vector_store %arg2[%swap3A_219, %swap3A_220], %get3A_218 {strides = array<i32>} : memref<2048x128xf32, #tpu.memory_space<vmem>>, vector<1x64xf32>,
    %get3A_222 = arith.constant 18 : index
    %get3A_223 = arith.constant 0 : index
    %get3A_224 = vector.load %arg0[%get3A_222, %get3A_223] : memref<33x64xf32, #tpu.memory_space<vmem>>, vector<1x64xf32>
    %swap3A_225 = arith.constant 1024 : index
    %swap3A_226 = arith.constant 64 : index
    %swap3A_227 = vector.load %arg2[%swap3A_225, %swap3A_226] : memref<2048x128xf32, #tpu.memory_space<vmem>>, vector<1x64xf32>
    tpu.vector_store %arg2[%swap3A_225, %swap3A_226], %get3A_224 {strides = array<i32>} : memref<2048x128xf32, #tpu.memory_space<vmem>>, vector<1x64xf32>,
    %get3A_228 = arith.constant 16 : index
    %get3A_229 = arith.constant 0 : index
    %get3A_230 = vector.load %arg0[%get3A_228, %get3A_229] : memref<33x64xf32, #tpu.memory_space<vmem>>, vector<1x64xf32>
    %swap3A_231 = arith.constant 1023 : index
    %swap3A_232 = arith.constant 0 : index
    %swap3A_233 = vector.load %arg3[%swap3A_231, %swap3A_232] : memref<2048x128xf32, #tpu.memory_space<vmem>>, vector<1x64xf32>
    tpu.vector_store %arg3[%swap3A_231, %swap3A_232], %get3A_230 {strides = array<i32>} : memref<2048x128xf32, #tpu.memory_space<vmem>>, vector<1x64xf32>,
    %get3A_234 = arith.constant 17 : index
    %get3A_235 = arith.constant 0 : index
    %get3A_236 = vector.load %arg0[%get3A_234, %get3A_235] : memref<33x64xf32, #tpu.memory_space<vmem>>, vector<1x64xf32>
    %swap3A_237 = arith.constant 1023 : index
    %swap3A_238 = arith.constant 64 : index
    %swap3A_239 = vector.load %arg3[%swap3A_237, %swap3A_238] : memref<2048x128xf32, #tpu.memory_space<vmem>>, vector<1x64xf32>
    tpu.vector_store %arg3[%swap3A_237, %swap3A_238], %get3A_236 {strides = array<i32>} : memref<2048x128xf32, #tpu.memory_space<vmem>>, vector<1x64xf32>,
    %get3A_240 = arith.constant 19 : index
    %get3A_241 = arith.constant 0 : index
    %get3A_242 = vector.load %arg0[%get3A_240, %get3A_241] : memref<33x64xf32, #tpu.memory_space<vmem>>, vector<1x64xf32>
    %swap3A_243 = arith.constant 1025 : index
    %swap3A_244 = arith.constant 0 : index
    %swap3A_245 = vector.load %arg2[%swap3A_243, %swap3A_244] : memref<2048x128xf32, #tpu.memory_space<vmem>>, vector<1x64xf32>
    tpu.vector_store %arg2[%swap3A_243, %swap3A_244], %get3A_242 {strides = array<i32>} : memref<2048x128xf32, #tpu.memory_space<vmem>>, vector<1x64xf32>,
    %get3A_246 = arith.constant 20 : index
    %get3A_247 = arith.constant 0 : index
    %get3A_248 = vector.load %arg0[%get3A_246, %get3A_247] : memref<33x64xf32, #tpu.memory_space<vmem>>, vector<1x64xf32>
    %swap3A_249 = arith.constant 1025 : index
    %swap3A_250 = arith.constant 64 : index
    %swap3A_251 = vector.load %arg2[%swap3A_249, %swap3A_250] : memref<2048x128xf32, #tpu.memory_space<vmem>>, vector<1x64xf32>
    tpu.vector_store %arg2[%swap3A_249, %swap3A_250], %get3A_248 {strides = array<i32>} : memref<2048x128xf32, #tpu.memory_space<vmem>>, vector<1x64xf32>,
    %get3A_252 = arith.constant 18 : index
    %get3A_253 = arith.constant 0 : index
    %get3A_254 = vector.load %arg0[%get3A_252, %get3A_253] : memref<33x64xf32, #tpu.memory_space<vmem>>, vector<1x64xf32>
    %swap3A_255 = arith.constant 1024 : index
    %swap3A_256 = arith.constant 0 : index
    %swap3A_257 = vector.load %arg3[%swap3A_255, %swap3A_256] : memref<2048x128xf32, #tpu.memory_space<vmem>>, vector<1x64xf32>
    tpu.vector_store %arg3[%swap3A_255, %swap3A_256], %get3A_254 {strides = array<i32>} : memref<2048x128xf32, #tpu.memory_space<vmem>>, vector<1x64xf32>,
    %get3A_258 = arith.constant 19 : index
    %get3A_259 = arith.constant 0 : index
    %get3A_260 = vector.load %arg0[%get3A_258, %get3A_259] : memref<33x64xf32, #tpu.memory_space<vmem>>, vector<1x64xf32>
    %swap3A_261 = arith.constant 1024 : index
    %swap3A_262 = arith.constant 64 : index
    %swap3A_263 = vector.load %arg3[%swap3A_261, %swap3A_262] : memref<2048x128xf32, #tpu.memory_space<vmem>>, vector<1x64xf32>
    tpu.vector_store %arg3[%swap3A_261, %swap3A_262], %get3A_260 {strides = array<i32>} : memref<2048x128xf32, #tpu.memory_space<vmem>>, vector<1x64xf32>,
    %get3A_264 = arith.constant 21 : index
    %get3A_265 = arith.constant 0 : index
    %get3A_266 = vector.load %arg0[%get3A_264, %get3A_265] : memref<33x64xf32, #tpu.memory_space<vmem>>, vector<1x64xf32>
    %swap3A_267 = arith.constant 1026 : index
    %swap3A_268 = arith.constant 0 : index
    %swap3A_269 = vector.load %arg2[%swap3A_267, %swap3A_268] : memref<2048x128xf32, #tpu.memory_space<vmem>>, vector<1x64xf32>
    tpu.vector_store %arg2[%swap3A_267, %swap3A_268], %get3A_266 {strides = array<i32>} : memref<2048x128xf32, #tpu.memory_space<vmem>>, vector<1x64xf32>,
    %get3A_270 = arith.constant 22 : index
    %get3A_271 = arith.constant 0 : index
    %get3A_272 = vector.load %arg0[%get3A_270, %get3A_271] : memref<33x64xf32, #tpu.memory_space<vmem>>, vector<1x64xf32>
    %swap3A_273 = arith.constant 1026 : index
    %swap3A_274 = arith.constant 64 : index
    %swap3A_275 = vector.load %arg2[%swap3A_273, %swap3A_274] : memref<2048x128xf32, #tpu.memory_space<vmem>>, vector<1x64xf32>
    tpu.vector_store %arg2[%swap3A_273, %swap3A_274], %get3A_272 {strides = array<i32>} : memref<2048x128xf32, #tpu.memory_space<vmem>>, vector<1x64xf32>,
    %get3A_276 = arith.constant 20 : index
    %get3A_277 = arith.constant 0 : index
    %get3A_278 = vector.load %arg0[%get3A_276, %get3A_277] : memref<33x64xf32, #tpu.memory_space<vmem>>, vector<1x64xf32>
    %swap3A_279 = arith.constant 1025 : index
    %swap3A_280 = arith.constant 0 : index
    %swap3A_281 = vector.load %arg3[%swap3A_279, %swap3A_280] : memref<2048x128xf32, #tpu.memory_space<vmem>>, vector<1x64xf32>
    tpu.vector_store %arg3[%swap3A_279, %swap3A_280], %get3A_278 {strides = array<i32>} : memref<2048x128xf32, #tpu.memory_space<vmem>>, vector<1x64xf32>,
    %get3A_282 = arith.constant 21 : index
    %get3A_283 = arith.constant 0 : index
    %get3A_284 = vector.load %arg0[%get3A_282, %get3A_283] : memref<33x64xf32, #tpu.memory_space<vmem>>, vector<1x64xf32>
    %swap3A_285 = arith.constant 1025 : index
    %swap3A_286 = arith.constant 64 : index
    %swap3A_287 = vector.load %arg3[%swap3A_285, %swap3A_286] : memref<2048x128xf32, #tpu.memory_space<vmem>>, vector<1x64xf32>
    tpu.vector_store %arg3[%swap3A_285, %swap3A_286], %get3A_284 {strides = array<i32>} : memref<2048x128xf32, #tpu.memory_space<vmem>>, vector<1x64xf32>,
    %get3A_288 = arith.constant 23 : index
    %get3A_289 = arith.constant 0 : index
    %get3A_290 = vector.load %arg0[%get3A_288, %get3A_289] : memref<33x64xf32, #tpu.memory_space<vmem>>, vector<1x64xf32>
    %swap3A_291 = arith.constant 1027 : index
    %swap3A_292 = arith.constant 0 : index
    %swap3A_293 = vector.load %arg2[%swap3A_291, %swap3A_292] : memref<2048x128xf32, #tpu.memory_space<vmem>>, vector<1x64xf32>
    tpu.vector_store %arg2[%swap3A_291, %swap3A_292], %get3A_290 {strides = array<i32>} : memref<2048x128xf32, #tpu.memory_space<vmem>>, vector<1x64xf32>,
    %get3A_294 = arith.constant 24 : index
    %get3A_295 = arith.constant 0 : index
    %get3A_296 = vector.load %arg0[%get3A_294, %get3A_295] : memref<33x64xf32, #tpu.memory_space<vmem>>, vector<1x64xf32>
    %swap3A_297 = arith.constant 1027 : index
    %swap3A_298 = arith.constant 64 : index
    %swap3A_299 = vector.load %arg2[%swap3A_297, %swap3A_298] : memref<2048x128xf32, #tpu.memory_space<vmem>>, vector<1x64xf32>
    tpu.vector_store %arg2[%swap3A_297, %swap3A_298], %get3A_296 {strides = array<i32>} : memref<2048x128xf32, #tpu.memory_space<vmem>>, vector<1x64xf32>,
    %get3A_300 = arith.constant 22 : index
    %get3A_301 = arith.constant 0 : index
    %get3A_302 = vector.load %arg0[%get3A_300, %get3A_301] : memref<33x64xf32, #tpu.memory_space<vmem>>, vector<1x64xf32>
    %swap3A_303 = arith.constant 1026 : index
    %swap3A_304 = arith.constant 0 : index
    %swap3A_305 = vector.load %arg3[%swap3A_303, %swap3A_304] : memref<2048x128xf32, #tpu.memory_space<vmem>>, vector<1x64xf32>
    tpu.vector_store %arg3[%swap3A_303, %swap3A_304], %get3A_302 {strides = array<i32>} : memref<2048x128xf32, #tpu.memory_space<vmem>>, vector<1x64xf32>,
    %get3A_306 = arith.constant 23 : index
    %get3A_307 = arith.constant 0 : index
    %get3A_308 = vector.load %arg0[%get3A_306, %get3A_307] : memref<33x64xf32, #tpu.memory_space<vmem>>, vector<1x64xf32>
    %swap3A_309 = arith.constant 1026 : index
    %swap3A_310 = arith.constant 64 : index
    %swap3A_311 = vector.load %arg3[%swap3A_309, %swap3A_310] : memref<2048x128xf32, #tpu.memory_space<vmem>>, vector<1x64xf32>
    tpu.vector_store %arg3[%swap3A_309, %swap3A_310], %get3A_308 {strides = array<i32>} : memref<2048x128xf32, #tpu.memory_space<vmem>>, vector<1x64xf32>,
    %get3A_312 = arith.constant 25 : index
    %get3A_313 = arith.constant 0 : index
    %get3A_314 = vector.load %arg0[%get3A_312, %get3A_313] : memref<33x64xf32, #tpu.memory_space<vmem>>, vector<1x64xf32>
    %swap3A_315 = arith.constant 1028 : index
    %swap3A_316 = arith.constant 0 : index
    %swap3A_317 = vector.load %arg2[%swap3A_315, %swap3A_316] : memref<2048x128xf32, #tpu.memory_space<vmem>>, vector<1x64xf32>
    tpu.vector_store %arg2[%swap3A_315, %swap3A_316], %get3A_314 {strides = array<i32>} : memref<2048x128xf32, #tpu.memory_space<vmem>>, vector<1x64xf32>,
    %get3A_318 = arith.constant 26 : index
    %get3A_319 = arith.constant 0 : index
    %get3A_320 = vector.load %arg0[%get3A_318, %get3A_319] : memref<33x64xf32, #tpu.memory_space<vmem>>, vector<1x64xf32>
    %swap3A_321 = arith.constant 1028 : index
    %swap3A_322 = arith.constant 64 : index
    %swap3A_323 = vector.load %arg2[%swap3A_321, %swap3A_322] : memref<2048x128xf32, #tpu.memory_space<vmem>>, vector<1x64xf32>
    tpu.vector_store %arg2[%swap3A_321, %swap3A_322], %get3A_320 {strides = array<i32>} : memref<2048x128xf32, #tpu.memory_space<vmem>>, vector<1x64xf32>,
    %get3A_324 = arith.constant 24 : index
    %get3A_325 = arith.constant 0 : index
    %get3A_326 = vector.load %arg0[%get3A_324, %get3A_325] : memref<33x64xf32, #tpu.memory_space<vmem>>, vector<1x64xf32>
    %swap3A_327 = arith.constant 1027 : index
    %swap3A_328 = arith.constant 0 : index
    %swap3A_329 = vector.load %arg3[%swap3A_327, %swap3A_328] : memref<2048x128xf32, #tpu.memory_space<vmem>>, vector<1x64xf32>
    tpu.vector_store %arg3[%swap3A_327, %swap3A_328], %get3A_326 {strides = array<i32>} : memref<2048x128xf32, #tpu.memory_space<vmem>>, vector<1x64xf32>,
    %get3A_330 = arith.constant 25 : index
    %get3A_331 = arith.constant 0 : index
    %get3A_332 = vector.load %arg0[%get3A_330, %get3A_331] : memref<33x64xf32, #tpu.memory_space<vmem>>, vector<1x64xf32>
    %swap3A_333 = arith.constant 1027 : index
    %swap3A_334 = arith.constant 64 : index
    %swap3A_335 = vector.load %arg3[%swap3A_333, %swap3A_334] : memref<2048x128xf32, #tpu.memory_space<vmem>>, vector<1x64xf32>
    tpu.vector_store %arg3[%swap3A_333, %swap3A_334], %get3A_332 {strides = array<i32>} : memref<2048x128xf32, #tpu.memory_space<vmem>>, vector<1x64xf32>,
    %get3A_336 = arith.constant 27 : index
    %get3A_337 = arith.constant 0 : index
    %get3A_338 = vector.load %arg0[%get3A_336, %get3A_337] : memref<33x64xf32, #tpu.memory_space<vmem>>, vector<1x64xf32>
    %swap3A_339 = arith.constant 1029 : index
    %swap3A_340 = arith.constant 0 : index
    %swap3A_341 = vector.load %arg2[%swap3A_339, %swap3A_340] : memref<2048x128xf32, #tpu.memory_space<vmem>>, vector<1x64xf32>
    tpu.vector_store %arg2[%swap3A_339, %swap3A_340], %get3A_338 {strides = array<i32>} : memref<2048x128xf32, #tpu.memory_space<vmem>>, vector<1x64xf32>,
    %get3A_342 = arith.constant 28 : index
    %get3A_343 = arith.constant 0 : index
    %get3A_344 = vector.load %arg0[%get3A_342, %get3A_343] : memref<33x64xf32, #tpu.memory_space<vmem>>, vector<1x64xf32>
    %swap3A_345 = arith.constant 1029 : index
    %swap3A_346 = arith.constant 64 : index
    %swap3A_347 = vector.load %arg2[%swap3A_345, %swap3A_346] : memref<2048x128xf32, #tpu.memory_space<vmem>>, vector<1x64xf32>
    tpu.vector_store %arg2[%swap3A_345, %swap3A_346], %get3A_344 {strides = array<i32>} : memref<2048x128xf32, #tpu.memory_space<vmem>>, vector<1x64xf32>,
    %get3A_348 = arith.constant 26 : index
    %get3A_349 = arith.constant 0 : index
    %get3A_350 = vector.load %arg0[%get3A_348, %get3A_349] : memref<33x64xf32, #tpu.memory_space<vmem>>, vector<1x64xf32>
    %swap3A_351 = arith.constant 1028 : index
    %swap3A_352 = arith.constant 0 : index
    %swap3A_353 = vector.load %arg3[%swap3A_351, %swap3A_352] : memref<2048x128xf32, #tpu.memory_space<vmem>>, vector<1x64xf32>
    tpu.vector_store %arg3[%swap3A_351, %swap3A_352], %get3A_350 {strides = array<i32>} : memref<2048x128xf32, #tpu.memory_space<vmem>>, vector<1x64xf32>,
    %get3A_354 = arith.constant 27 : index
    %get3A_355 = arith.constant 0 : index
    %get3A_356 = vector.load %arg0[%get3A_354, %get3A_355] : memref<33x64xf32, #tpu.memory_space<vmem>>, vector<1x64xf32>
    %swap3A_357 = arith.constant 1028 : index
    %swap3A_358 = arith.constant 64 : index
    %swap3A_359 = vector.load %arg3[%swap3A_357, %swap3A_358] : memref<2048x128xf32, #tpu.memory_space<vmem>>, vector<1x64xf32>
    tpu.vector_store %arg3[%swap3A_357, %swap3A_358], %get3A_356 {strides = array<i32>} : memref<2048x128xf32, #tpu.memory_space<vmem>>, vector<1x64xf32>,
    %get3A_360 = arith.constant 29 : index
    %get3A_361 = arith.constant 0 : index
    %get3A_362 = vector.load %arg0[%get3A_360, %get3A_361] : memref<33x64xf32, #tpu.memory_space<vmem>>, vector<1x64xf32>
    %swap3A_363 = arith.constant 1030 : index
    %swap3A_364 = arith.constant 0 : index
    %swap3A_365 = vector.load %arg2[%swap3A_363, %swap3A_364] : memref<2048x128xf32, #tpu.memory_space<vmem>>, vector<1x64xf32>
    tpu.vector_store %arg2[%swap3A_363, %swap3A_364], %get3A_362 {strides = array<i32>} : memref<2048x128xf32, #tpu.memory_space<vmem>>, vector<1x64xf32>,
    %get3A_366 = arith.constant 30 : index
    %get3A_367 = arith.constant 0 : index
    %get3A_368 = vector.load %arg0[%get3A_366, %get3A_367] : memref<33x64xf32, #tpu.memory_space<vmem>>, vector<1x64xf32>
    %swap3A_369 = arith.constant 1030 : index
    %swap3A_370 = arith.constant 64 : index
    %swap3A_371 = vector.load %arg2[%swap3A_369, %swap3A_370] : memref<2048x128xf32, #tpu.memory_space<vmem>>, vector<1x64xf32>
    tpu.vector_store %arg2[%swap3A_369, %swap3A_370], %get3A_368 {strides = array<i32>} : memref<2048x128xf32, #tpu.memory_space<vmem>>, vector<1x64xf32>,
    %get3A_372 = arith.constant 28 : index
    %get3A_373 = arith.constant 0 : index
    %get3A_374 = vector.load %arg0[%get3A_372, %get3A_373] : memref<33x64xf32, #tpu.memory_space<vmem>>, vector<1x64xf32>
    %swap3A_375 = arith.constant 1029 : index
    %swap3A_376 = arith.constant 0 : index
    %swap3A_377 = vector.load %arg3[%swap3A_375, %swap3A_376] : memref<2048x128xf32, #tpu.memory_space<vmem>>, vector<1x64xf32>
    tpu.vector_store %arg3[%swap3A_375, %swap3A_376], %get3A_374 {strides = array<i32>} : memref<2048x128xf32, #tpu.memory_space<vmem>>, vector<1x64xf32>,
    %get3A_378 = arith.constant 29 : index
    %get3A_379 = arith.constant 0 : index
    %get3A_380 = vector.load %arg0[%get3A_378, %get3A_379] : memref<33x64xf32, #tpu.memory_space<vmem>>, vector<1x64xf32>
    %swap3A_381 = arith.constant 1029 : index
    %swap3A_382 = arith.constant 64 : index
    %swap3A_383 = vector.load %arg3[%swap3A_381, %swap3A_382] : memref<2048x128xf32, #tpu.memory_space<vmem>>, vector<1x64xf32>
    tpu.vector_store %arg3[%swap3A_381, %swap3A_382], %get3A_380 {strides = array<i32>} : memref<2048x128xf32, #tpu.memory_space<vmem>>, vector<1x64xf32>,
    %get3A_384 = arith.constant 31 : index
    %get3A_385 = arith.constant 0 : index
    %get3A_386 = vector.load %arg0[%get3A_384, %get3A_385] : memref<33x64xf32, #tpu.memory_space<vmem>>, vector<1x64xf32>
    %swap3A_387 = arith.constant 1031 : index
    %swap3A_388 = arith.constant 0 : index
    %swap3A_389 = vector.load %arg2[%swap3A_387, %swap3A_388] : memref<2048x128xf32, #tpu.memory_space<vmem>>, vector<1x64xf32>
    tpu.vector_store %arg2[%swap3A_387, %swap3A_388], %get3A_386 {strides = array<i32>} : memref<2048x128xf32, #tpu.memory_space<vmem>>, vector<1x64xf32>,
    %get3A_390 = arith.constant 32 : index
    %get3A_391 = arith.constant 0 : index
    %get3A_392 = vector.load %arg0[%get3A_390, %get3A_391] : memref<33x64xf32, #tpu.memory_space<vmem>>, vector<1x64xf32>
    %swap3A_393 = arith.constant 1031 : index
    %swap3A_394 = arith.constant 64 : index
    %swap3A_395 = vector.load %arg2[%swap3A_393, %swap3A_394] : memref<2048x128xf32, #tpu.memory_space<vmem>>, vector<1x64xf32>
    tpu.vector_store %arg2[%swap3A_393, %swap3A_394], %get3A_392 {strides = array<i32>} : memref<2048x128xf32, #tpu.memory_space<vmem>>, vector<1x64xf32>,
    %get3A_396 = arith.constant 30 : index
    %get3A_397 = arith.constant 0 : index
    %get3A_398 = vector.load %arg0[%get3A_396, %get3A_397] : memref<33x64xf32, #tpu.memory_space<vmem>>, vector<1x64xf32>
    %swap3A_399 = arith.constant 1030 : index
    %swap3A_400 = arith.constant 0 : index
    %swap3A_401 = vector.load %arg3[%swap3A_399, %swap3A_400] : memref<2048x128xf32, #tpu.memory_space<vmem>>, vector<1x64xf32>
    tpu.vector_store %arg3[%swap3A_399, %swap3A_400], %get3A_398 {strides = array<i32>} : memref<2048x128xf32, #tpu.memory_space<vmem>>, vector<1x64xf32>,
    %get3A_402 = arith.constant 31 : index
    %get3A_403 = arith.constant 0 : index
    %get3A_404 = vector.load %arg0[%get3A_402, %get3A_403] : memref<33x64xf32, #tpu.memory_space<vmem>>, vector<1x64xf32>
    %swap3A_405 = arith.constant 1030 : index
    %swap3A_406 = arith.constant 64 : index
    %swap3A_407 = vector.load %arg3[%swap3A_405, %swap3A_406] : memref<2048x128xf32, #tpu.memory_space<vmem>>, vector<1x64xf32>
    tpu.vector_store %arg3[%swap3A_405, %swap3A_406], %get3A_404 {strides = array<i32>} : memref<2048x128xf32, #tpu.memory_space<vmem>>, vector<1x64xf32>,
    %scan3A = arith.constant 0 : i32
    %scan3A_408 = arith.constant 64 : i32
    %scan3A_409 = arith.addi %scan3A, %scan3A_408 : i32
    %scan3A_410 = arith.constant 1 : i32
    scf.for %scan3A_499 = %scan3A to %scan3A_409 step %scan3A_410  : i32 {
      %mul3A = arith.constant 4 : i32
      %mul3A_500 = arith.muli %scan3A_499, %mul3A : i32
      %add3A = arith.constant 256 : i32
      %add3A_501 = arith.addi %add3A, %mul3A_500 : i32
      %add3A_502 = arith.constant 0 : i32
      %add3A_503 = arith.addi %add3A_501, %add3A_502 : i32
      %gt3A = arith.constant 0 : i32
      %gt3A_504 = arith.cmpi sgt, %scan3A_499, %gt3A : i32
      %convert_element_type3A = arith.extui %gt3A_504 : i1 to i32
      %cond3A = arith.constant 0 : i32
      %cond3A_505 = arith.cmpi ne, %convert_element_type3A, %cond3A : i32
      scf.if %cond3A_505 {
        %sub3A_665 = arith.constant 4 : i32
        %sub3A_666 = arith.subi %add3A_503, %sub3A_665 : i32
        %sub3A_667 = arith.constant 1023 : i32
        %sub3A_668 = arith.subi %sub3A_667, %sub3A_666 : i32
        %sub3A_669 = arith.constant 256 : i32
        %sub3A_670 = arith.subi %sub3A_666, %sub3A_669 : i32
        %mul3A_671 = arith.constant 2 : i32
        %mul3A_672 = arith.muli %mul3A_671, %sub3A_670 : i32
        %dma_wait3A_673 = arith.constant 1 : i32
        %dma_wait3A_674 = tpu.memref_slice %arg4[%dma_wait3A_673] : memref<8x!tpu.dma_semaphore, #tpu.memory_space<semaphore_mem>> -> memref<1x!tpu.dma_semaphore, #tpu.memory_space<semaphore_mem>>
        %dma_wait3A_675 = tpu.memref_squeeze %dma_wait3A_674 : memref<1x!tpu.dma_semaphore, #tpu.memory_space<semaphore_mem>> -> memref<!tpu.dma_semaphore, #tpu.memory_space<semaphore_mem>>
        %dma_wait3A_676 = arith.constant 0 : i32
        %dma_wait3A_677 = arith.constant 0 : i32
        %dma_wait3A_678 = tpu.memref_slice %arg1[%mul3A_672, %dma_wait3A_676, %dma_wait3A_677] : memref<512x1024x128xf32, #tpu.memory_space<hbm>> -> memref<1x1024x128xf32, #tpu.memory_space<hbm>>
        %dma_wait3A_679 = tpu.memref_squeeze %dma_wait3A_678 : memref<1x1024x128xf32, #tpu.memory_space<hbm>> -> memref<1024x128xf32, #tpu.memory_space<hbm>>
        %dma_wait3A_680 = arith.constant 0 : i32
        %dma_wait3A_681 = tpu.memref_slice %arg3[%sub3A_668, %dma_wait3A_680] : memref<2048x128xf32, #tpu.memory_space<vmem>> -> memref<1024x128xf32, #tpu.memory_space<vmem>>
        tpu.wait_dma2 semaphore(%dma_wait3A_675 : memref<!tpu.dma_semaphore, #tpu.memory_space<semaphore_mem>>) src(%dma_wait3A_681 : memref<1024x128xf32, #tpu.memory_space<vmem>>) dst(%dma_wait3A_679 : memref<1024x128xf32, #tpu.memory_space<hbm>>)
        %sub3A_682 = arith.constant 4 : i32
        %sub3A_683 = arith.subi %add3A_503, %sub3A_682 : i32
        %sub3A_684 = arith.constant 1023 : i32
        %sub3A_685 = arith.subi %sub3A_684, %sub3A_683 : i32
        %sub3A_686 = arith.constant 256 : i32
        %sub3A_687 = arith.subi %sub3A_683, %sub3A_686 : i32
        %mul3A_688 = arith.constant 2 : i32
        %mul3A_689 = arith.muli %mul3A_688, %sub3A_687 : i32
        %add3A_690 = arith.constant 1 : i32
        %add3A_691 = arith.addi %mul3A_689, %add3A_690 : i32
        %dma_wait3A_692 = arith.constant 0 : i32
        %dma_wait3A_693 = tpu.memref_slice %arg4[%dma_wait3A_692] : memref<8x!tpu.dma_semaphore, #tpu.memory_space<semaphore_mem>> -> memref<1x!tpu.dma_semaphore, #tpu.memory_space<semaphore_mem>>
        %dma_wait3A_694 = tpu.memref_squeeze %dma_wait3A_693 : memref<1x!tpu.dma_semaphore, #tpu.memory_space<semaphore_mem>> -> memref<!tpu.dma_semaphore, #tpu.memory_space<semaphore_mem>>
        %dma_wait3A_695 = arith.constant 0 : i32
        %dma_wait3A_696 = arith.constant 0 : i32
        %dma_wait3A_697 = tpu.memref_slice %arg1[%add3A_691, %dma_wait3A_695, %dma_wait3A_696] : memref<512x1024x128xf32, #tpu.memory_space<hbm>> -> memref<1x1024x128xf32, #tpu.memory_space<hbm>>
        %dma_wait3A_698 = tpu.memref_squeeze %dma_wait3A_697 : memref<1x1024x128xf32, #tpu.memory_space<hbm>> -> memref<1024x128xf32, #tpu.memory_space<hbm>>
        %dma_wait3A_699 = arith.constant 0 : i32
        %dma_wait3A_700 = tpu.memref_slice %arg2[%sub3A_685, %dma_wait3A_699] : memref<2048x128xf32, #tpu.memory_space<vmem>> -> memref<1024x128xf32, #tpu.memory_space<vmem>>
        tpu.wait_dma2 semaphore(%dma_wait3A_694 : memref<!tpu.dma_semaphore, #tpu.memory_space<semaphore_mem>>) src(%dma_wait3A_700 : memref<1024x128xf32, #tpu.memory_space<vmem>>) dst(%dma_wait3A_698 : memref<1024x128xf32, #tpu.memory_space<hbm>>)
      } else {
      }
      %sub3A = arith.constant 1023 : i32
      %sub3A_506 = arith.subi %sub3A, %add3A_503 : i32
      %sub3A_507 = arith.constant 256 : i32
      %sub3A_508 = arith.subi %add3A_503, %sub3A_507 : i32
      %mul3A_509 = arith.constant 2 : i32
      %mul3A_510 = arith.muli %mul3A_509, %sub3A_508 : i32
      %dma_start3A = arith.constant 1 : i32
      %dma_start3A_511 = tpu.memref_slice %arg4[%dma_start3A] : memref<8x!tpu.dma_semaphore, #tpu.memory_space<semaphore_mem>> -> memref<1x!tpu.dma_semaphore, #tpu.memory_space<semaphore_mem>>
      %dma_start3A_512 = tpu.memref_squeeze %dma_start3A_511 : memref<1x!tpu.dma_semaphore, #tpu.memory_space<semaphore_mem>> -> memref<!tpu.dma_semaphore, #tpu.memory_space<semaphore_mem>>
      %dma_start3A_513 = arith.constant 0 : i32
      %dma_start3A_514 = arith.constant 0 : i32
      %dma_start3A_515 = tpu.memref_slice %arg1[%mul3A_510, %dma_start3A_513, %dma_start3A_514] : memref<512x1024x128xf32, #tpu.memory_space<hbm>> -> memref<1x1024x128xf32, #tpu.memory_space<hbm>>
      %dma_start3A_516 = tpu.memref_squeeze %dma_start3A_515 : memref<1x1024x128xf32, #tpu.memory_space<hbm>> -> memref<1024x128xf32, #tpu.memory_space<hbm>>
      %dma_start3A_517 = arith.constant 0 : i32
      %dma_start3A_518 = tpu.memref_slice %arg3[%sub3A_506, %dma_start3A_517] : memref<2048x128xf32, #tpu.memory_space<vmem>> -> memref<1024x128xf32, #tpu.memory_space<vmem>>
      tpu.enqueue_dma source(%dma_start3A_518 : memref<1024x128xf32, #tpu.memory_space<vmem>>) target(%dma_start3A_516 : memref<1024x128xf32, #tpu.memory_space<hbm>>) target_semaphore(%dma_start3A_512 : memref<!tpu.dma_semaphore, #tpu.memory_space<semaphore_mem>>)
      %sub3A_519 = arith.constant 1023 : i32
      %sub3A_520 = arith.subi %sub3A_519, %add3A_503 : i32
      %sub3A_521 = arith.constant 256 : i32
      %sub3A_522 = arith.subi %add3A_503, %sub3A_521 : i32
      %mul3A_523 = arith.constant 2 : i32
      %mul3A_524 = arith.muli %mul3A_523, %sub3A_522 : i32
      %add3A_525 = arith.constant 1 : i32
      %add3A_526 = arith.addi %mul3A_524, %add3A_525 : i32
      %dma_start3A_527 = arith.constant 0 : i32
      %dma_start3A_528 = tpu.memref_slice %arg4[%dma_start3A_527] : memref<8x!tpu.dma_semaphore, #tpu.memory_space<semaphore_mem>> -> memref<1x!tpu.dma_semaphore, #tpu.memory_space<semaphore_mem>>
      %dma_start3A_529 = tpu.memref_squeeze %dma_start3A_528 : memref<1x!tpu.dma_semaphore, #tpu.memory_space<semaphore_mem>> -> memref<!tpu.dma_semaphore, #tpu.memory_space<semaphore_mem>>
      %dma_start3A_530 = arith.constant 0 : i32
      %dma_start3A_531 = arith.constant 0 : i32
      %dma_start3A_532 = tpu.memref_slice %arg1[%add3A_526, %dma_start3A_530, %dma_start3A_531] : memref<512x1024x128xf32, #tpu.memory_space<hbm>> -> memref<1x1024x128xf32, #tpu.memory_space<hbm>>
      %dma_start3A_533 = tpu.memref_squeeze %dma_start3A_532 : memref<1x1024x128xf32, #tpu.memory_space<hbm>> -> memref<1024x128xf32, #tpu.memory_space<hbm>>
      %dma_start3A_534 = arith.constant 0 : i32
      %dma_start3A_535 = tpu.memref_slice %arg2[%sub3A_520, %dma_start3A_534] : memref<2048x128xf32, #tpu.memory_space<vmem>> -> memref<1024x128xf32, #tpu.memory_space<vmem>>
      tpu.enqueue_dma source(%dma_start3A_535 : memref<1024x128xf32, #tpu.memory_space<vmem>>) target(%dma_start3A_533 : memref<1024x128xf32, #tpu.memory_space<hbm>>) target_semaphore(%dma_start3A_529 : memref<!tpu.dma_semaphore, #tpu.memory_space<semaphore_mem>>)
      %mul3A_536 = arith.constant 4 : i32
      %mul3A_537 = arith.muli %scan3A_499, %mul3A_536 : i32
      %add3A_538 = arith.constant 256 : i32
      %add3A_539 = arith.addi %add3A_538, %mul3A_537 : i32
      %add3A_540 = arith.constant 1 : i32
      %add3A_541 = arith.addi %add3A_539, %add3A_540 : i32
      %gt3A_542 = arith.constant 0 : i32
      %gt3A_543 = arith.cmpi sgt, %scan3A_499, %gt3A_542 : i32
      %convert_element_type3A_544 = arith.extui %gt3A_543 : i1 to i32
      %cond3A_545 = arith.constant 0 : i32
      %cond3A_546 = arith.cmpi ne, %convert_element_type3A_544, %cond3A_545 : i32
      scf.if %cond3A_546 {
        %sub3A_665 = arith.constant 4 : i32
        %sub3A_666 = arith.subi %add3A_541, %sub3A_665 : i32
        %sub3A_667 = arith.constant 1023 : i32
        %sub3A_668 = arith.subi %sub3A_667, %sub3A_666 : i32
        %sub3A_669 = arith.constant 256 : i32
        %sub3A_670 = arith.subi %sub3A_666, %sub3A_669 : i32
        %mul3A_671 = arith.constant 2 : i32
        %mul3A_672 = arith.muli %mul3A_671, %sub3A_670 : i32
        %dma_wait3A_673 = arith.constant 3 : i32
        %dma_wait3A_674 = tpu.memref_slice %arg4[%dma_wait3A_673] : memref<8x!tpu.dma_semaphore, #tpu.memory_space<semaphore_mem>> -> memref<1x!tpu.dma_semaphore, #tpu.memory_space<semaphore_mem>>
        %dma_wait3A_675 = tpu.memref_squeeze %dma_wait3A_674 : memref<1x!tpu.dma_semaphore, #tpu.memory_space<semaphore_mem>> -> memref<!tpu.dma_semaphore, #tpu.memory_space<semaphore_mem>>
        %dma_wait3A_676 = arith.constant 0 : i32
        %dma_wait3A_677 = arith.constant 0 : i32
        %dma_wait3A_678 = tpu.memref_slice %arg1[%mul3A_672, %dma_wait3A_676, %dma_wait3A_677] : memref<512x1024x128xf32, #tpu.memory_space<hbm>> -> memref<1x1024x128xf32, #tpu.memory_space<hbm>>
        %dma_wait3A_679 = tpu.memref_squeeze %dma_wait3A_678 : memref<1x1024x128xf32, #tpu.memory_space<hbm>> -> memref<1024x128xf32, #tpu.memory_space<hbm>>
        %dma_wait3A_680 = arith.constant 0 : i32
        %dma_wait3A_681 = tpu.memref_slice %arg3[%sub3A_668, %dma_wait3A_680] : memref<2048x128xf32, #tpu.memory_space<vmem>> -> memref<1024x128xf32, #tpu.memory_space<vmem>>
        tpu.wait_dma2 semaphore(%dma_wait3A_675 : memref<!tpu.dma_semaphore, #tpu.memory_space<semaphore_mem>>) src(%dma_wait3A_681 : memref<1024x128xf32, #tpu.memory_space<vmem>>) dst(%dma_wait3A_679 : memref<1024x128xf32, #tpu.memory_space<hbm>>)
        %sub3A_682 = arith.constant 4 : i32
        %sub3A_683 = arith.subi %add3A_541, %sub3A_682 : i32
        %sub3A_684 = arith.constant 1023 : i32
        %sub3A_685 = arith.subi %sub3A_684, %sub3A_683 : i32
        %sub3A_686 = arith.constant 256 : i32
        %sub3A_687 = arith.subi %sub3A_683, %sub3A_686 : i32
        %mul3A_688 = arith.constant 2 : i32
        %mul3A_689 = arith.muli %mul3A_688, %sub3A_687 : i32
        %add3A_690 = arith.constant 1 : i32
        %add3A_691 = arith.addi %mul3A_689, %add3A_690 : i32
        %dma_wait3A_692 = arith.constant 2 : i32
        %dma_wait3A_693 = tpu.memref_slice %arg4[%dma_wait3A_692] : memref<8x!tpu.dma_semaphore, #tpu.memory_space<semaphore_mem>> -> memref<1x!tpu.dma_semaphore, #tpu.memory_space<semaphore_mem>>
        %dma_wait3A_694 = tpu.memref_squeeze %dma_wait3A_693 : memref<1x!tpu.dma_semaphore, #tpu.memory_space<semaphore_mem>> -> memref<!tpu.dma_semaphore, #tpu.memory_space<semaphore_mem>>
        %dma_wait3A_695 = arith.constant 0 : i32
        %dma_wait3A_696 = arith.constant 0 : i32
        %dma_wait3A_697 = tpu.memref_slice %arg1[%add3A_691, %dma_wait3A_695, %dma_wait3A_696] : memref<512x1024x128xf32, #tpu.memory_space<hbm>> -> memref<1x1024x128xf32, #tpu.memory_space<hbm>>
        %dma_wait3A_698 = tpu.memref_squeeze %dma_wait3A_697 : memref<1x1024x128xf32, #tpu.memory_space<hbm>> -> memref<1024x128xf32, #tpu.memory_space<hbm>>
        %dma_wait3A_699 = arith.constant 0 : i32
        %dma_wait3A_700 = tpu.memref_slice %arg2[%sub3A_685, %dma_wait3A_699] : memref<2048x128xf32, #tpu.memory_space<vmem>> -> memref<1024x128xf32, #tpu.memory_space<vmem>>
        tpu.wait_dma2 semaphore(%dma_wait3A_694 : memref<!tpu.dma_semaphore, #tpu.memory_space<semaphore_mem>>) src(%dma_wait3A_700 : memref<1024x128xf32, #tpu.memory_space<vmem>>) dst(%dma_wait3A_698 : memref<1024x128xf32, #tpu.memory_space<hbm>>)
      } else {
      }
      %sub3A_547 = arith.constant 1023 : i32
      %sub3A_548 = arith.subi %sub3A_547, %add3A_541 : i32
      %sub3A_549 = arith.constant 256 : i32
      %sub3A_550 = arith.subi %add3A_541, %sub3A_549 : i32
      %mul3A_551 = arith.constant 2 : i32
      %mul3A_552 = arith.muli %mul3A_551, %sub3A_550 : i32
      %dma_start3A_553 = arith.constant 3 : i32
      %dma_start3A_554 = tpu.memref_slice %arg4[%dma_start3A_553] : memref<8x!tpu.dma_semaphore, #tpu.memory_space<semaphore_mem>> -> memref<1x!tpu.dma_semaphore, #tpu.memory_space<semaphore_mem>>
      %dma_start3A_555 = tpu.memref_squeeze %dma_start3A_554 : memref<1x!tpu.dma_semaphore, #tpu.memory_space<semaphore_mem>> -> memref<!tpu.dma_semaphore, #tpu.memory_space<semaphore_mem>>
      %dma_start3A_556 = arith.constant 0 : i32
      %dma_start3A_557 = arith.constant 0 : i32
      %dma_start3A_558 = tpu.memref_slice %arg1[%mul3A_552, %dma_start3A_556, %dma_start3A_557] : memref<512x1024x128xf32, #tpu.memory_space<hbm>> -> memref<1x1024x128xf32, #tpu.memory_space<hbm>>
      %dma_start3A_559 = tpu.memref_squeeze %dma_start3A_558 : memref<1x1024x128xf32, #tpu.memory_space<hbm>> -> memref<1024x128xf32, #tpu.memory_space<hbm>>
      %dma_start3A_560 = arith.constant 0 : i32
      %dma_start3A_561 = tpu.memref_slice %arg3[%sub3A_548, %dma_start3A_560] : memref<2048x128xf32, #tpu.memory_space<vmem>> -> memref<1024x128xf32, #tpu.memory_space<vmem>>
      tpu.enqueue_dma source(%dma_start3A_561 : memref<1024x128xf32, #tpu.memory_space<vmem>>) target(%dma_start3A_559 : memref<1024x128xf32, #tpu.memory_space<hbm>>) target_semaphore(%dma_start3A_555 : memref<!tpu.dma_semaphore, #tpu.memory_space<semaphore_mem>>)
      %sub3A_562 = arith.constant 1023 : i32
      %sub3A_563 = arith.subi %sub3A_562, %add3A_541 : i32
      %sub3A_564 = arith.constant 256 : i32
      %sub3A_565 = arith.subi %add3A_541, %sub3A_564 : i32
      %mul3A_566 = arith.constant 2 : i32
      %mul3A_567 = arith.muli %mul3A_566, %sub3A_565 : i32
      %add3A_568 = arith.constant 1 : i32
      %add3A_569 = arith.addi %mul3A_567, %add3A_568 : i32
      %dma_start3A_570 = arith.constant 2 : i32
      %dma_start3A_571 = tpu.memref_slice %arg4[%dma_start3A_570] : memref<8x!tpu.dma_semaphore, #tpu.memory_space<semaphore_mem>> -> memref<1x!tpu.dma_semaphore, #tpu.memory_space<semaphore_mem>>
      %dma_start3A_572 = tpu.memref_squeeze %dma_start3A_571 : memref<1x!tpu.dma_semaphore, #tpu.memory_space<semaphore_mem>> -> memref<!tpu.dma_semaphore, #tpu.memory_space<semaphore_mem>>
      %dma_start3A_573 = arith.constant 0 : i32
      %dma_start3A_574 = arith.constant 0 : i32
      %dma_start3A_575 = tpu.memref_slice %arg1[%add3A_569, %dma_start3A_573, %dma_start3A_574] : memref<512x1024x128xf32, #tpu.memory_space<hbm>> -> memref<1x1024x128xf32, #tpu.memory_space<hbm>>
      %dma_start3A_576 = tpu.memref_squeeze %dma_start3A_575 : memref<1x1024x128xf32, #tpu.memory_space<hbm>> -> memref<1024x128xf32, #tpu.memory_space<hbm>>
      %dma_start3A_577 = arith.constant 0 : i32
      %dma_start3A_578 = tpu.memref_slice %arg2[%sub3A_563, %dma_start3A_577] : memref<2048x128xf32, #tpu.memory_space<vmem>> -> memref<1024x128xf32, #tpu.memory_space<vmem>>
      tpu.enqueue_dma source(%dma_start3A_578 : memref<1024x128xf32, #tpu.memory_space<vmem>>) target(%dma_start3A_576 : memref<1024x128xf32, #tpu.memory_space<hbm>>) target_semaphore(%dma_start3A_572 : memref<!tpu.dma_semaphore, #tpu.memory_space<semaphore_mem>>)
      %mul3A_579 = arith.constant 4 : i32
      %mul3A_580 = arith.muli %scan3A_499, %mul3A_579 : i32
      %add3A_581 = arith.constant 256 : i32
      %add3A_582 = arith.addi %add3A_581, %mul3A_580 : i32
      %add3A_583 = arith.constant 2 : i32
      %add3A_584 = arith.addi %add3A_582, %add3A_583 : i32
      %gt3A_585 = arith.constant 0 : i32
      %gt3A_586 = arith.cmpi sgt, %scan3A_499, %gt3A_585 : i32
      %convert_element_type3A_587 = arith.extui %gt3A_586 : i1 to i32
      %cond3A_588 = arith.constant 0 : i32
      %cond3A_589 = arith.cmpi ne, %convert_element_type3A_587, %cond3A_588 : i32
      scf.if %cond3A_589 {
        %sub3A_665 = arith.constant 4 : i32
        %sub3A_666 = arith.subi %add3A_584, %sub3A_665 : i32
        %sub3A_667 = arith.constant 1023 : i32
        %sub3A_668 = arith.subi %sub3A_667, %sub3A_666 : i32
        %sub3A_669 = arith.constant 256 : i32
        %sub3A_670 = arith.subi %sub3A_666, %sub3A_669 : i32
        %mul3A_671 = arith.constant 2 : i32
        %mul3A_672 = arith.muli %mul3A_671, %sub3A_670 : i32
        %dma_wait3A_673 = arith.constant 5 : i32
        %dma_wait3A_674 = tpu.memref_slice %arg4[%dma_wait3A_673] : memref<8x!tpu.dma_semaphore, #tpu.memory_space<semaphore_mem>> -> memref<1x!tpu.dma_semaphore, #tpu.memory_space<semaphore_mem>>
        %dma_wait3A_675 = tpu.memref_squeeze %dma_wait3A_674 : memref<1x!tpu.dma_semaphore, #tpu.memory_space<semaphore_mem>> -> memref<!tpu.dma_semaphore, #tpu.memory_space<semaphore_mem>>
        %dma_wait3A_676 = arith.constant 0 : i32
        %dma_wait3A_677 = arith.constant 0 : i32
        %dma_wait3A_678 = tpu.memref_slice %arg1[%mul3A_672, %dma_wait3A_676, %dma_wait3A_677] : memref<512x1024x128xf32, #tpu.memory_space<hbm>> -> memref<1x1024x128xf32, #tpu.memory_space<hbm>>
        %dma_wait3A_679 = tpu.memref_squeeze %dma_wait3A_678 : memref<1x1024x128xf32, #tpu.memory_space<hbm>> -> memref<1024x128xf32, #tpu.memory_space<hbm>>
        %dma_wait3A_680 = arith.constant 0 : i32
        %dma_wait3A_681 = tpu.memref_slice %arg3[%sub3A_668, %dma_wait3A_680] : memref<2048x128xf32, #tpu.memory_space<vmem>> -> memref<1024x128xf32, #tpu.memory_space<vmem>>
        tpu.wait_dma2 semaphore(%dma_wait3A_675 : memref<!tpu.dma_semaphore, #tpu.memory_space<semaphore_mem>>) src(%dma_wait3A_681 : memref<1024x128xf32, #tpu.memory_space<vmem>>) dst(%dma_wait3A_679 : memref<1024x128xf32, #tpu.memory_space<hbm>>)
        %sub3A_682 = arith.constant 4 : i32
        %sub3A_683 = arith.subi %add3A_584, %sub3A_682 : i32
        %sub3A_684 = arith.constant 1023 : i32
        %sub3A_685 = arith.subi %sub3A_684, %sub3A_683 : i32
        %sub3A_686 = arith.constant 256 : i32
        %sub3A_687 = arith.subi %sub3A_683, %sub3A_686 : i32
        %mul3A_688 = arith.constant 2 : i32
        %mul3A_689 = arith.muli %mul3A_688, %sub3A_687 : i32
        %add3A_690 = arith.constant 1 : i32
        %add3A_691 = arith.addi %mul3A_689, %add3A_690 : i32
        %dma_wait3A_692 = arith.constant 4 : i32
        %dma_wait3A_693 = tpu.memref_slice %arg4[%dma_wait3A_692] : memref<8x!tpu.dma_semaphore, #tpu.memory_space<semaphore_mem>> -> memref<1x!tpu.dma_semaphore, #tpu.memory_space<semaphore_mem>>
        %dma_wait3A_694 = tpu.memref_squeeze %dma_wait3A_693 : memref<1x!tpu.dma_semaphore, #tpu.memory_space<semaphore_mem>> -> memref<!tpu.dma_semaphore, #tpu.memory_space<semaphore_mem>>
        %dma_wait3A_695 = arith.constant 0 : i32
        %dma_wait3A_696 = arith.constant 0 : i32
        %dma_wait3A_697 = tpu.memref_slice %arg1[%add3A_691, %dma_wait3A_695, %dma_wait3A_696] : memref<512x1024x128xf32, #tpu.memory_space<hbm>> -> memref<1x1024x128xf32, #tpu.memory_space<hbm>>
        %dma_wait3A_698 = tpu.memref_squeeze %dma_wait3A_697 : memref<1x1024x128xf32, #tpu.memory_space<hbm>> -> memref<1024x128xf32, #tpu.memory_space<hbm>>
        %dma_wait3A_699 = arith.constant 0 : i32
        %dma_wait3A_700 = tpu.memref_slice %arg2[%sub3A_685, %dma_wait3A_699] : memref<2048x128xf32, #tpu.memory_space<vmem>> -> memref<1024x128xf32, #tpu.memory_space<vmem>>
        tpu.wait_dma2 semaphore(%dma_wait3A_694 : memref<!tpu.dma_semaphore, #tpu.memory_space<semaphore_mem>>) src(%dma_wait3A_700 : memref<1024x128xf32, #tpu.memory_space<vmem>>) dst(%dma_wait3A_698 : memref<1024x128xf32, #tpu.memory_space<hbm>>)
      } else {
      }
      %sub3A_590 = arith.constant 1023 : i32
      %sub3A_591 = arith.subi %sub3A_590, %add3A_584 : i32
      %sub3A_592 = arith.constant 256 : i32
      %sub3A_593 = arith.subi %add3A_584, %sub3A_592 : i32
      %mul3A_594 = arith.constant 2 : i32
      %mul3A_595 = arith.muli %mul3A_594, %sub3A_593 : i32
      %dma_start3A_596 = arith.constant 5 : i32
      %dma_start3A_597 = tpu.memref_slice %arg4[%dma_start3A_596] : memref<8x!tpu.dma_semaphore, #tpu.memory_space<semaphore_mem>> -> memref<1x!tpu.dma_semaphore, #tpu.memory_space<semaphore_mem>>
      %dma_start3A_598 = tpu.memref_squeeze %dma_start3A_597 : memref<1x!tpu.dma_semaphore, #tpu.memory_space<semaphore_mem>> -> memref<!tpu.dma_semaphore, #tpu.memory_space<semaphore_mem>>
      %dma_start3A_599 = arith.constant 0 : i32
      %dma_start3A_600 = arith.constant 0 : i32
      %dma_start3A_601 = tpu.memref_slice %arg1[%mul3A_595, %dma_start3A_599, %dma_start3A_600] : memref<512x1024x128xf32, #tpu.memory_space<hbm>> -> memref<1x1024x128xf32, #tpu.memory_space<hbm>>
      %dma_start3A_602 = tpu.memref_squeeze %dma_start3A_601 : memref<1x1024x128xf32, #tpu.memory_space<hbm>> -> memref<1024x128xf32, #tpu.memory_space<hbm>>
      %dma_start3A_603 = arith.constant 0 : i32
      %dma_start3A_604 = tpu.memref_slice %arg3[%sub3A_591, %dma_start3A_603] : memref<2048x128xf32, #tpu.memory_space<vmem>> -> memref<1024x128xf32, #tpu.memory_space<vmem>>
      tpu.enqueue_dma source(%dma_start3A_604 : memref<1024x128xf32, #tpu.memory_space<vmem>>) target(%dma_start3A_602 : memref<1024x128xf32, #tpu.memory_space<hbm>>) target_semaphore(%dma_start3A_598 : memref<!tpu.dma_semaphore, #tpu.memory_space<semaphore_mem>>)
      %sub3A_605 = arith.constant 1023 : i32
      %sub3A_606 = arith.subi %sub3A_605, %add3A_584 : i32
      %sub3A_607 = arith.constant 256 : i32
      %sub3A_608 = arith.subi %add3A_584, %sub3A_607 : i32
      %mul3A_609 = arith.constant 2 : i32
      %mul3A_610 = arith.muli %mul3A_609, %sub3A_608 : i32
      %add3A_611 = arith.constant 1 : i32
      %add3A_612 = arith.addi %mul3A_610, %add3A_611 : i32
      %dma_start3A_613 = arith.constant 4 : i32
      %dma_start3A_614 = tpu.memref_slice %arg4[%dma_start3A_613] : memref<8x!tpu.dma_semaphore, #tpu.memory_space<semaphore_mem>> -> memref<1x!tpu.dma_semaphore, #tpu.memory_space<semaphore_mem>>
      %dma_start3A_615 = tpu.memref_squeeze %dma_start3A_614 : memref<1x!tpu.dma_semaphore, #tpu.memory_space<semaphore_mem>> -> memref<!tpu.dma_semaphore, #tpu.memory_space<semaphore_mem>>
      %dma_start3A_616 = arith.constant 0 : i32
      %dma_start3A_617 = arith.constant 0 : i32
      %dma_start3A_618 = tpu.memref_slice %arg1[%add3A_612, %dma_start3A_616, %dma_start3A_617] : memref<512x1024x128xf32, #tpu.memory_space<hbm>> -> memref<1x1024x128xf32, #tpu.memory_space<hbm>>
      %dma_start3A_619 = tpu.memref_squeeze %dma_start3A_618 : memref<1x1024x128xf32, #tpu.memory_space<hbm>> -> memref<1024x128xf32, #tpu.memory_space<hbm>>
      %dma_start3A_620 = arith.constant 0 : i32
      %dma_start3A_621 = tpu.memref_slice %arg2[%sub3A_606, %dma_start3A_620] : memref<2048x128xf32, #tpu.memory_space<vmem>> -> memref<1024x128xf32, #tpu.memory_space<vmem>>
      tpu.enqueue_dma source(%dma_start3A_621 : memref<1024x128xf32, #tpu.memory_space<vmem>>) target(%dma_start3A_619 : memref<1024x128xf32, #tpu.memory_space<hbm>>) target_semaphore(%dma_start3A_615 : memref<!tpu.dma_semaphore, #tpu.memory_space<semaphore_mem>>)
      %mul3A_622 = arith.constant 4 : i32
      %mul3A_623 = arith.muli %scan3A_499, %mul3A_622 : i32
      %add3A_624 = arith.constant 256 : i32
      %add3A_625 = arith.addi %add3A_624, %mul3A_623 : i32
      %add3A_626 = arith.constant 3 : i32
      %add3A_627 = arith.addi %add3A_625, %add3A_626 : i32
      %gt3A_628 = arith.constant 0 : i32
      %gt3A_629 = arith.cmpi sgt, %scan3A_499, %gt3A_628 : i32
      %convert_element_type3A_630 = arith.extui %gt3A_629 : i1 to i32
      %cond3A_631 = arith.constant 0 : i32
      %cond3A_632 = arith.cmpi ne, %convert_element_type3A_630, %cond3A_631 : i32
      scf.if %cond3A_632 {
        %sub3A_665 = arith.constant 4 : i32
        %sub3A_666 = arith.subi %add3A_627, %sub3A_665 : i32
        %sub3A_667 = arith.constant 1023 : i32
        %sub3A_668 = arith.subi %sub3A_667, %sub3A_666 : i32
        %sub3A_669 = arith.constant 256 : i32
        %sub3A_670 = arith.subi %sub3A_666, %sub3A_669 : i32
        %mul3A_671 = arith.constant 2 : i32
        %mul3A_672 = arith.muli %mul3A_671, %sub3A_670 : i32
        %dma_wait3A_673 = arith.constant 7 : i32
        %dma_wait3A_674 = tpu.memref_slice %arg4[%dma_wait3A_673] : memref<8x!tpu.dma_semaphore, #tpu.memory_space<semaphore_mem>> -> memref<1x!tpu.dma_semaphore, #tpu.memory_space<semaphore_mem>>
        %dma_wait3A_675 = tpu.memref_squeeze %dma_wait3A_674 : memref<1x!tpu.dma_semaphore, #tpu.memory_space<semaphore_mem>> -> memref<!tpu.dma_semaphore, #tpu.memory_space<semaphore_mem>>
        %dma_wait3A_676 = arith.constant 0 : i32
        %dma_wait3A_677 = arith.constant 0 : i32
        %dma_wait3A_678 = tpu.memref_slice %arg1[%mul3A_672, %dma_wait3A_676, %dma_wait3A_677] : memref<512x1024x128xf32, #tpu.memory_space<hbm>> -> memref<1x1024x128xf32, #tpu.memory_space<hbm>>
        %dma_wait3A_679 = tpu.memref_squeeze %dma_wait3A_678 : memref<1x1024x128xf32, #tpu.memory_space<hbm>> -> memref<1024x128xf32, #tpu.memory_space<hbm>>
        %dma_wait3A_680 = arith.constant 0 : i32
        %dma_wait3A_681 = tpu.memref_slice %arg3[%sub3A_668, %dma_wait3A_680] : memref<2048x128xf32, #tpu.memory_space<vmem>> -> memref<1024x128xf32, #tpu.memory_space<vmem>>
        tpu.wait_dma2 semaphore(%dma_wait3A_675 : memref<!tpu.dma_semaphore, #tpu.memory_space<semaphore_mem>>) src(%dma_wait3A_681 : memref<1024x128xf32, #tpu.memory_space<vmem>>) dst(%dma_wait3A_679 : memref<1024x128xf32, #tpu.memory_space<hbm>>)
        %sub3A_682 = arith.constant 4 : i32
        %sub3A_683 = arith.subi %add3A_627, %sub3A_682 : i32
        %sub3A_684 = arith.constant 1023 : i32
        %sub3A_685 = arith.subi %sub3A_684, %sub3A_683 : i32
        %sub3A_686 = arith.constant 256 : i32
        %sub3A_687 = arith.subi %sub3A_683, %sub3A_686 : i32
        %mul3A_688 = arith.constant 2 : i32
        %mul3A_689 = arith.muli %mul3A_688, %sub3A_687 : i32
        %add3A_690 = arith.constant 1 : i32
        %add3A_691 = arith.addi %mul3A_689, %add3A_690 : i32
        %dma_wait3A_692 = arith.constant 6 : i32
        %dma_wait3A_693 = tpu.memref_slice %arg4[%dma_wait3A_692] : memref<8x!tpu.dma_semaphore, #tpu.memory_space<semaphore_mem>> -> memref<1x!tpu.dma_semaphore, #tpu.memory_space<semaphore_mem>>
        %dma_wait3A_694 = tpu.memref_squeeze %dma_wait3A_693 : memref<1x!tpu.dma_semaphore, #tpu.memory_space<semaphore_mem>> -> memref<!tpu.dma_semaphore, #tpu.memory_space<semaphore_mem>>
        %dma_wait3A_695 = arith.constant 0 : i32
        %dma_wait3A_696 = arith.constant 0 : i32
        %dma_wait3A_697 = tpu.memref_slice %arg1[%add3A_691, %dma_wait3A_695, %dma_wait3A_696] : memref<512x1024x128xf32, #tpu.memory_space<hbm>> -> memref<1x1024x128xf32, #tpu.memory_space<hbm>>
        %dma_wait3A_698 = tpu.memref_squeeze %dma_wait3A_697 : memref<1x1024x128xf32, #tpu.memory_space<hbm>> -> memref<1024x128xf32, #tpu.memory_space<hbm>>
        %dma_wait3A_699 = arith.constant 0 : i32
        %dma_wait3A_700 = tpu.memref_slice %arg2[%sub3A_685, %dma_wait3A_699] : memref<2048x128xf32, #tpu.memory_space<vmem>> -> memref<1024x128xf32, #tpu.memory_space<vmem>>
        tpu.wait_dma2 semaphore(%dma_wait3A_694 : memref<!tpu.dma_semaphore, #tpu.memory_space<semaphore_mem>>) src(%dma_wait3A_700 : memref<1024x128xf32, #tpu.memory_space<vmem>>) dst(%dma_wait3A_698 : memref<1024x128xf32, #tpu.memory_space<hbm>>)
      } else {
      }
      %sub3A_633 = arith.constant 1023 : i32
      %sub3A_634 = arith.subi %sub3A_633, %add3A_627 : i32
      %sub3A_635 = arith.constant 256 : i32
      %sub3A_636 = arith.subi %add3A_627, %sub3A_635 : i32
      %mul3A_637 = arith.constant 2 : i32
      %mul3A_638 = arith.muli %mul3A_637, %sub3A_636 : i32
      %dma_start3A_639 = arith.constant 7 : i32
      %dma_start3A_640 = tpu.memref_slice %arg4[%dma_start3A_639] : memref<8x!tpu.dma_semaphore, #tpu.memory_space<semaphore_mem>> -> memref<1x!tpu.dma_semaphore, #tpu.memory_space<semaphore_mem>>
      %dma_start3A_641 = tpu.memref_squeeze %dma_start3A_640 : memref<1x!tpu.dma_semaphore, #tpu.memory_space<semaphore_mem>> -> memref<!tpu.dma_semaphore, #tpu.memory_space<semaphore_mem>>
      %dma_start3A_642 = arith.constant 0 : i32
      %dma_start3A_643 = arith.constant 0 : i32
      %dma_start3A_644 = tpu.memref_slice %arg1[%mul3A_638, %dma_start3A_642, %dma_start3A_643] : memref<512x1024x128xf32, #tpu.memory_space<hbm>> -> memref<1x1024x128xf32, #tpu.memory_space<hbm>>
      %dma_start3A_645 = tpu.memref_squeeze %dma_start3A_644 : memref<1x1024x128xf32, #tpu.memory_space<hbm>> -> memref<1024x128xf32, #tpu.memory_space<hbm>>
      %dma_start3A_646 = arith.constant 0 : i32
      %dma_start3A_647 = tpu.memref_slice %arg3[%sub3A_634, %dma_start3A_646] : memref<2048x128xf32, #tpu.memory_space<vmem>> -> memref<1024x128xf32, #tpu.memory_space<vmem>>
      tpu.enqueue_dma source(%dma_start3A_647 : memref<1024x128xf32, #tpu.memory_space<vmem>>) target(%dma_start3A_645 : memref<1024x128xf32, #tpu.memory_space<hbm>>) target_semaphore(%dma_start3A_641 : memref<!tpu.dma_semaphore, #tpu.memory_space<semaphore_mem>>)
      %sub3A_648 = arith.constant 1023 : i32
      %sub3A_649 = arith.subi %sub3A_648, %add3A_627 : i32
      %sub3A_650 = arith.constant 256 : i32
      %sub3A_651 = arith.subi %add3A_627, %sub3A_650 : i32
      %mul3A_652 = arith.constant 2 : i32
      %mul3A_653 = arith.muli %mul3A_652, %sub3A_651 : i32
      %add3A_654 = arith.constant 1 : i32
      %add3A_655 = arith.addi %mul3A_653, %add3A_654 : i32
      %dma_start3A_656 = arith.constant 6 : i32
      %dma_start3A_657 = tpu.memref_slice %arg4[%dma_start3A_656] : memref<8x!tpu.dma_semaphore, #tpu.memory_space<semaphore_mem>> -> memref<1x!tpu.dma_semaphore, #tpu.memory_space<semaphore_mem>>
      %dma_start3A_658 = tpu.memref_squeeze %dma_start3A_657 : memref<1x!tpu.dma_semaphore, #tpu.memory_space<semaphore_mem>> -> memref<!tpu.dma_semaphore, #tpu.memory_space<semaphore_mem>>
      %dma_start3A_659 = arith.constant 0 : i32
      %dma_start3A_660 = arith.constant 0 : i32
      %dma_start3A_661 = tpu.memref_slice %arg1[%add3A_655, %dma_start3A_659, %dma_start3A_660] : memref<512x1024x128xf32, #tpu.memory_space<hbm>> -> memref<1x1024x128xf32, #tpu.memory_space<hbm>>
      %dma_start3A_662 = tpu.memref_squeeze %dma_start3A_661 : memref<1x1024x128xf32, #tpu.memory_space<hbm>> -> memref<1024x128xf32, #tpu.memory_space<hbm>>
      %dma_start3A_663 = arith.constant 0 : i32
      %dma_start3A_664 = tpu.memref_slice %arg2[%sub3A_649, %dma_start3A_663] : memref<2048x128xf32, #tpu.memory_space<vmem>> -> memref<1024x128xf32, #tpu.memory_space<vmem>>
      tpu.enqueue_dma source(%dma_start3A_664 : memref<1024x128xf32, #tpu.memory_space<vmem>>) target(%dma_start3A_662 : memref<1024x128xf32, #tpu.memory_space<hbm>>) target_semaphore(%dma_start3A_658 : memref<!tpu.dma_semaphore, #tpu.memory_space<semaphore_mem>>)
    }
    %scan3A_411 = arith.constant 64 : i32
    %dma_wait3A = arith.constant 504 : i32
    %dma_wait3A_412 = arith.constant 1 : i32
    %dma_wait3A_413 = tpu.memref_slice %arg4[%dma_wait3A_412] : memref<8x!tpu.dma_semaphore, #tpu.memory_space<semaphore_mem>> -> memref<1x!tpu.dma_semaphore, #tpu.memory_space<semaphore_mem>>
    %dma_wait3A_414 = tpu.memref_squeeze %dma_wait3A_413 : memref<1x!tpu.dma_semaphore, #tpu.memory_space<semaphore_mem>> -> memref<!tpu.dma_semaphore, #tpu.memory_space<semaphore_mem>>
    %dma_wait3A_415 = arith.constant 0 : i32
    %dma_wait3A_416 = arith.constant 0 : i32
    %dma_wait3A_417 = tpu.memref_slice %arg1[%dma_wait3A, %dma_wait3A_415, %dma_wait3A_416] : memref<512x1024x128xf32, #tpu.memory_space<hbm>> -> memref<1x1024x128xf32, #tpu.memory_space<hbm>>
    %dma_wait3A_418 = tpu.memref_squeeze %dma_wait3A_417 : memref<1x1024x128xf32, #tpu.memory_space<hbm>> -> memref<1024x128xf32, #tpu.memory_space<hbm>>
    %dma_wait3A_419 = arith.constant 515 : i32
    %dma_wait3A_420 = arith.constant 0 : i32
    %dma_wait3A_421 = tpu.memref_slice %arg3[%dma_wait3A_419, %dma_wait3A_420] : memref<2048x128xf32, #tpu.memory_space<vmem>> -> memref<1024x128xf32, #tpu.memory_space<vmem>>
    tpu.wait_dma2 semaphore(%dma_wait3A_414 : memref<!tpu.dma_semaphore, #tpu.memory_space<semaphore_mem>>) src(%dma_wait3A_421 : memref<1024x128xf32, #tpu.memory_space<vmem>>) dst(%dma_wait3A_418 : memref<1024x128xf32, #tpu.memory_space<hbm>>)
    %dma_wait3A_422 = arith.constant 505 : i32
    %dma_wait3A_423 = arith.constant 0 : i32
    %dma_wait3A_424 = tpu.memref_slice %arg4[%dma_wait3A_423] : memref<8x!tpu.dma_semaphore, #tpu.memory_space<semaphore_mem>> -> memref<1x!tpu.dma_semaphore, #tpu.memory_space<semaphore_mem>>
    %dma_wait3A_425 = tpu.memref_squeeze %dma_wait3A_424 : memref<1x!tpu.dma_semaphore, #tpu.memory_space<semaphore_mem>> -> memref<!tpu.dma_semaphore, #tpu.memory_space<semaphore_mem>>
    %dma_wait3A_426 = arith.constant 0 : i32
    %dma_wait3A_427 = arith.constant 0 : i32
    %dma_wait3A_428 = tpu.memref_slice %arg1[%dma_wait3A_422, %dma_wait3A_426, %dma_wait3A_427] : memref<512x1024x128xf32, #tpu.memory_space<hbm>> -> memref<1x1024x128xf32, #tpu.memory_space<hbm>>
    %dma_wait3A_429 = tpu.memref_squeeze %dma_wait3A_428 : memref<1x1024x128xf32, #tpu.memory_space<hbm>> -> memref<1024x128xf32, #tpu.memory_space<hbm>>
    %dma_wait3A_430 = arith.constant 515 : i32
    %dma_wait3A_431 = arith.constant 0 : i32
    %dma_wait3A_432 = tpu.memref_slice %arg2[%dma_wait3A_430, %dma_wait3A_431] : memref<2048x128xf32, #tpu.memory_space<vmem>> -> memref<1024x128xf32, #tpu.memory_space<vmem>>
    tpu.wait_dma2 semaphore(%dma_wait3A_425 : memref<!tpu.dma_semaphore, #tpu.memory_space<semaphore_mem>>) src(%dma_wait3A_432 : memref<1024x128xf32, #tpu.memory_space<vmem>>) dst(%dma_wait3A_429 : memref<1024x128xf32, #tpu.memory_space<hbm>>)
    %dma_wait3A_433 = arith.constant 506 : i32
    %dma_wait3A_434 = arith.constant 3 : i32
    %dma_wait3A_435 = tpu.memref_slice %arg4[%dma_wait3A_434] : memref<8x!tpu.dma_semaphore, #tpu.memory_space<semaphore_mem>> -> memref<1x!tpu.dma_semaphore, #tpu.memory_space<semaphore_mem>>
    %dma_wait3A_436 = tpu.memref_squeeze %dma_wait3A_435 : memref<1x!tpu.dma_semaphore, #tpu.memory_space<semaphore_mem>> -> memref<!tpu.dma_semaphore, #tpu.memory_space<semaphore_mem>>
    %dma_wait3A_437 = arith.constant 0 : i32
    %dma_wait3A_438 = arith.constant 0 : i32
    %dma_wait3A_439 = tpu.memref_slice %arg1[%dma_wait3A_433, %dma_wait3A_437, %dma_wait3A_438] : memref<512x1024x128xf32, #tpu.memory_space<hbm>> -> memref<1x1024x128xf32, #tpu.memory_space<hbm>>
    %dma_wait3A_440 = tpu.memref_squeeze %dma_wait3A_439 : memref<1x1024x128xf32, #tpu.memory_space<hbm>> -> memref<1024x128xf32, #tpu.memory_space<hbm>>
    %dma_wait3A_441 = arith.constant 514 : i32
    %dma_wait3A_442 = arith.constant 0 : i32
    %dma_wait3A_443 = tpu.memref_slice %arg3[%dma_wait3A_441, %dma_wait3A_442] : memref<2048x128xf32, #tpu.memory_space<vmem>> -> memref<1024x128xf32, #tpu.memory_space<vmem>>
    tpu.wait_dma2 semaphore(%dma_wait3A_436 : memref<!tpu.dma_semaphore, #tpu.memory_space<semaphore_mem>>) src(%dma_wait3A_443 : memref<1024x128xf32, #tpu.memory_space<vmem>>) dst(%dma_wait3A_440 : memref<1024x128xf32, #tpu.memory_space<hbm>>)
    %dma_wait3A_444 = arith.constant 507 : i32
    %dma_wait3A_445 = arith.constant 2 : i32
    %dma_wait3A_446 = tpu.memref_slice %arg4[%dma_wait3A_445] : memref<8x!tpu.dma_semaphore, #tpu.memory_space<semaphore_mem>> -> memref<1x!tpu.dma_semaphore, #tpu.memory_space<semaphore_mem>>
    %dma_wait3A_447 = tpu.memref_squeeze %dma_wait3A_446 : memref<1x!tpu.dma_semaphore, #tpu.memory_space<semaphore_mem>> -> memref<!tpu.dma_semaphore, #tpu.memory_space<semaphore_mem>>
    %dma_wait3A_448 = arith.constant 0 : i32
    %dma_wait3A_449 = arith.constant 0 : i32
    %dma_wait3A_450 = tpu.memref_slice %arg1[%dma_wait3A_444, %dma_wait3A_448, %dma_wait3A_449] : memref<512x1024x128xf32, #tpu.memory_space<hbm>> -> memref<1x1024x128xf32, #tpu.memory_space<hbm>>
    %dma_wait3A_451 = tpu.memref_squeeze %dma_wait3A_450 : memref<1x1024x128xf32, #tpu.memory_space<hbm>> -> memref<1024x128xf32, #tpu.memory_space<hbm>>
    %dma_wait3A_452 = arith.constant 514 : i32
    %dma_wait3A_453 = arith.constant 0 : i32
    %dma_wait3A_454 = tpu.memref_slice %arg2[%dma_wait3A_452, %dma_wait3A_453] : memref<2048x128xf32, #tpu.memory_space<vmem>> -> memref<1024x128xf32, #tpu.memory_space<vmem>>
    tpu.wait_dma2 semaphore(%dma_wait3A_447 : memref<!tpu.dma_semaphore, #tpu.memory_space<semaphore_mem>>) src(%dma_wait3A_454 : memref<1024x128xf32, #tpu.memory_space<vmem>>) dst(%dma_wait3A_451 : memref<1024x128xf32, #tpu.memory_space<hbm>>)
    %dma_wait3A_455 = arith.constant 508 : i32
    %dma_wait3A_456 = arith.constant 5 : i32
    %dma_wait3A_457 = tpu.memref_slice %arg4[%dma_wait3A_456] : memref<8x!tpu.dma_semaphore, #tpu.memory_space<semaphore_mem>> -> memref<1x!tpu.dma_semaphore, #tpu.memory_space<semaphore_mem>>
    %dma_wait3A_458 = tpu.memref_squeeze %dma_wait3A_457 : memref<1x!tpu.dma_semaphore, #tpu.memory_space<semaphore_mem>> -> memref<!tpu.dma_semaphore, #tpu.memory_space<semaphore_mem>>
    %dma_wait3A_459 = arith.constant 0 : i32
    %dma_wait3A_460 = arith.constant 0 : i32
    %dma_wait3A_461 = tpu.memref_slice %arg1[%dma_wait3A_455, %dma_wait3A_459, %dma_wait3A_460] : memref<512x1024x128xf32, #tpu.memory_space<hbm>> -> memref<1x1024x128xf32, #tpu.memory_space<hbm>>
    %dma_wait3A_462 = tpu.memref_squeeze %dma_wait3A_461 : memref<1x1024x128xf32, #tpu.memory_space<hbm>> -> memref<1024x128xf32, #tpu.memory_space<hbm>>
    %dma_wait3A_463 = arith.constant 513 : i32
    %dma_wait3A_464 = arith.constant 0 : i32
    %dma_wait3A_465 = tpu.memref_slice %arg3[%dma_wait3A_463, %dma_wait3A_464] : memref<2048x128xf32, #tpu.memory_space<vmem>> -> memref<1024x128xf32, #tpu.memory_space<vmem>>
    tpu.wait_dma2 semaphore(%dma_wait3A_458 : memref<!tpu.dma_semaphore, #tpu.memory_space<semaphore_mem>>) src(%dma_wait3A_465 : memref<1024x128xf32, #tpu.memory_space<vmem>>) dst(%dma_wait3A_462 : memref<1024x128xf32, #tpu.memory_space<hbm>>)
    %dma_wait3A_466 = arith.constant 509 : i32
    %dma_wait3A_467 = arith.constant 4 : i32
    %dma_wait3A_468 = tpu.memref_slice %arg4[%dma_wait3A_467] : memref<8x!tpu.dma_semaphore, #tpu.memory_space<semaphore_mem>> -> memref<1x!tpu.dma_semaphore, #tpu.memory_space<semaphore_mem>>
    %dma_wait3A_469 = tpu.memref_squeeze %dma_wait3A_468 : memref<1x!tpu.dma_semaphore, #tpu.memory_space<semaphore_mem>> -> memref<!tpu.dma_semaphore, #tpu.memory_space<semaphore_mem>>
    %dma_wait3A_470 = arith.constant 0 : i32
    %dma_wait3A_471 = arith.constant 0 : i32
    %dma_wait3A_472 = tpu.memref_slice %arg1[%dma_wait3A_466, %dma_wait3A_470, %dma_wait3A_471] : memref<512x1024x128xf32, #tpu.memory_space<hbm>> -> memref<1x1024x128xf32, #tpu.memory_space<hbm>>
    %dma_wait3A_473 = tpu.memref_squeeze %dma_wait3A_472 : memref<1x1024x128xf32, #tpu.memory_space<hbm>> -> memref<1024x128xf32, #tpu.memory_space<hbm>>
    %dma_wait3A_474 = arith.constant 513 : i32
    %dma_wait3A_475 = arith.constant 0 : i32
    %dma_wait3A_476 = tpu.memref_slice %arg2[%dma_wait3A_474, %dma_wait3A_475] : memref<2048x128xf32, #tpu.memory_space<vmem>> -> memref<1024x128xf32, #tpu.memory_space<vmem>>
    tpu.wait_dma2 semaphore(%dma_wait3A_469 : memref<!tpu.dma_semaphore, #tpu.memory_space<semaphore_mem>>) src(%dma_wait3A_476 : memref<1024x128xf32, #tpu.memory_space<vmem>>) dst(%dma_wait3A_473 : memref<1024x128xf32, #tpu.memory_space<hbm>>)
    %dma_wait3A_477 = arith.constant 510 : i32
    %dma_wait3A_478 = arith.constant 7 : i32
    %dma_wait3A_479 = tpu.memref_slice %arg4[%dma_wait3A_478] : memref<8x!tpu.dma_semaphore, #tpu.memory_space<semaphore_mem>> -> memref<1x!tpu.dma_semaphore, #tpu.memory_space<semaphore_mem>>
    %dma_wait3A_480 = tpu.memref_squeeze %dma_wait3A_479 : memref<1x!tpu.dma_semaphore, #tpu.memory_space<semaphore_mem>> -> memref<!tpu.dma_semaphore, #tpu.memory_space<semaphore_mem>>
    %dma_wait3A_481 = arith.constant 0 : i32
    %dma_wait3A_482 = arith.constant 0 : i32
    %dma_wait3A_483 = tpu.memref_slice %arg1[%dma_wait3A_477, %dma_wait3A_481, %dma_wait3A_482] : memref<512x1024x128xf32, #tpu.memory_space<hbm>> -> memref<1x1024x128xf32, #tpu.memory_space<hbm>>
    %dma_wait3A_484 = tpu.memref_squeeze %dma_wait3A_483 : memref<1x1024x128xf32, #tpu.memory_space<hbm>> -> memref<1024x128xf32, #tpu.memory_space<hbm>>
    %dma_wait3A_485 = arith.constant 512 : i32
    %dma_wait3A_486 = arith.constant 0 : i32
    %dma_wait3A_487 = tpu.memref_slice %arg3[%dma_wait3A_485, %dma_wait3A_486] : memref<2048x128xf32, #tpu.memory_space<vmem>> -> memref<1024x128xf32, #tpu.memory_space<vmem>>
    tpu.wait_dma2 semaphore(%dma_wait3A_480 : memref<!tpu.dma_semaphore, #tpu.memory_space<semaphore_mem>>) src(%dma_wait3A_487 : memref<1024x128xf32, #tpu.memory_space<vmem>>) dst(%dma_wait3A_484 : memref<1024x128xf32, #tpu.memory_space<hbm>>)
    %dma_wait3A_488 = arith.constant 511 : i32
    %dma_wait3A_489 = arith.constant 6 : i32
    %dma_wait3A_490 = tpu.memref_slice %arg4[%dma_wait3A_489] : memref<8x!tpu.dma_semaphore, #tpu.memory_space<semaphore_mem>> -> memref<1x!tpu.dma_semaphore, #tpu.memory_space<semaphore_mem>>
    %dma_wait3A_491 = tpu.memref_squeeze %dma_wait3A_490 : memref<1x!tpu.dma_semaphore, #tpu.memory_space<semaphore_mem>> -> memref<!tpu.dma_semaphore, #tpu.memory_space<semaphore_mem>>
    %dma_wait3A_492 = arith.constant 0 : i32
    %dma_wait3A_493 = arith.constant 0 : i32
    %dma_wait3A_494 = tpu.memref_slice %arg1[%dma_wait3A_488, %dma_wait3A_492, %dma_wait3A_493] : memref<512x1024x128xf32, #tpu.memory_space<hbm>> -> memref<1x1024x128xf32, #tpu.memory_space<hbm>>
    %dma_wait3A_495 = tpu.memref_squeeze %dma_wait3A_494 : memref<1x1024x128xf32, #tpu.memory_space<hbm>> -> memref<1024x128xf32, #tpu.memory_space<hbm>>
    %dma_wait3A_496 = arith.constant 512 : i32
    %dma_wait3A_497 = arith.constant 0 : i32
    %dma_wait3A_498 = tpu.memref_slice %arg2[%dma_wait3A_496, %dma_wait3A_497] : memref<2048x128xf32, #tpu.memory_space<vmem>> -> memref<1024x128xf32, #tpu.memory_space<vmem>>
    tpu.wait_dma2 semaphore(%dma_wait3A_491 : memref<!tpu.dma_semaphore, #tpu.memory_space<semaphore_mem>>) src(%dma_wait3A_498 : memref<1024x128xf32, #tpu.memory_space<vmem>>) dst(%dma_wait3A_495 : memref<1024x128xf32, #tpu.memory_space<hbm>>)
    return
  }
}

</mosaic_0001>

<sc_bundles>
// kernel: sparse-core-data-format-call.cloned.1.call-start
scs
called_computation_lowered:
.L_overlay_start_0:
0x0: {  	s2 =	sld [smem:$0x3FD9]  }
0x1: {  	s3 =	sld [smem:$0x3FFE];
	_ =	sdelay $0x1  }
0x2: {  	s1 =	srdreg.scid  }
0x3: {  	s0 =	sand.u32 $0x1, s1  }
0x4: {  	s18 =	sshll.u32 s0, $0xA;
	s2 =	sadd.s32 s3, s2  }
0x5: {  	s2 =	sadd.s32 s2, s18  }
0x6: {  	[smem:$0x3FC7] =	sst s2  }
0x7: {  	_ = 	snop  }
0x8: {  	s2 =	sld [smem:$0x3FD0];
	(tm) =	ssettm $0x1  }
0x9: {  	s19 =	sld [smem:$0x3FFB];
	_ =	sdelay $0x3  }
0xa: {  	_ =	strace s19  }
0xb: {  	s3 =	sld [smem:$0x3FFC];
	_ =	sdelay $0x3  }
0xc: {  	_ =	strace s3  }
0xd: {  	s3 =	sld [smem:$0x3FFD];
	_ =	sdelay $0x3  }
0xe: {  	_ =	strace s3  }
0xf: {  	_ =	strace $0x8FFFFFFF  }
0x10: {  	s20 =	sld [smem:$0x3FDB];
	_ =	sdelay $0x1  }
0x11: {  	s4 =	simm.s32 $_scs_section_size  }
0x12: {  	s5 =	simm.s32 $_size__tile_overlayer_lowered;
	s6 =	simm.s32 $_tile_overlayer_lowered  }
0x13: {  	s23 =	simm.s32 $0x1BFF;
	s22 =	sshll.u32 s6, $0x1;
	s3 =	sadd.s32 s4, s20  }
0x14: {  	s7 =	simm.s32 $0x0;
	s21 =	sshll.u32 s5, $0x1;
	s5 =	sadd.s32 s22, s3  }
0x15: {  	[timem:s7], [sflag:s23] =	dma.local [hbm:s5], s21  }
0x16: {  	_ =	swait.ge [sflag:s23], s21  }
0x17: {  	s4 =	ssub.s32 $0x0, s21;
	[sflag:s23] =	ssyncset.done $0x0  }
0x18: {  	[sflag:s23] =	ssyncadd.s32 s4;
	_ =	sdelay $0x1  }
0x19: {  	s24 =	simm.s32 $0x1B8B  }
0x1a: {  	_ =	swait.ge [sflag:s24], $0x1  }
0x1b: {  	[sflag:s24] =	ssyncset.done $0x0  }
0x1c: {  	s26 =	simm.s32 $0x1B8E;
	s25 =	sld [smem:$0x3FFE];
	[sflag:s24] =	ssyncadd.s32 $0xFFFFFFFF  }
0x1d: {  	s27 =	simm.s32 $execute0_lowered;
	[smem:$0x3FD2] =	sst s26  }
0x1e: {  	s5 =	sshll.u32 s27, $0x1;
	_ =	strace $0x80000046;
	[dreg:$0x1] =	wrdreg $0xFFFFFFFF  }
0x1f: {  	s28 =	simm.s32 $_size_execute0_lowered;
	s3 =	sadd.s32 s3, s5;
	[dreg:$0x0] =	wrdreg $0x0  }
0x20: {  	s5 =	sshll.u32 s28, $0x1;
	[dreg:$0x2] =	wrdreg s3  }
0x21: {  	[dreg:$0x3] =	wrdreg s5  }
0x22: {  	[dreg:$0x4] =	wrdreg $0xC0  }
0x23: {  	_ =	task [dreg:s7], $0x5FFFF  }
0x24: {  	[dreg:$0x1] =	wrdreg $0xFFFFFFFF  }
0x25: {  	[dreg:$0x0] =	wrdreg $0x60  }
0x26: {  	[dreg:$0x2] =	wrdreg s25  }
0x27: {  	[dreg:$0x3] =	wrdreg s2  }
0x28: {  	[dreg:$0x4] =	wrdreg $0x9  }
0x29: {  	_ =	task.clear_ibuf [dreg:s7], $0x5FFFF;
	_ =	strace $0x90000046  }
0x2a: {  	s29 =	simm.s32 $0x9;
	_ =	strace $0x80000048  }
0x2b: {  	_ =	swait.ge [sflag:s29], $0x1  }
0x2c: {  	[sflag:s29] =	ssyncadd.s32 $0xFFFFFFFF  }
0x2d: {  	_ =	strace $0x90000048  }
0x2e: {  	_ =	sfence  }
0x2f: {  	s30 =	sld [smem:$0x0];
	_ =	sdelay $0x2  }
0x30: {  	s31 =	sshll.u32 s1, $0xD;
	s1 =	sshrl.u32 s1, $0x2  }
0x31: {  	s3 =	sand.u32 $0x4000, s31;
	s1 =	sadd.s32 s1, s30  }
0x32: {  	s0 =	sor.u32 s3, s0;
	s1 =	sshll.u32 s1, $0x11  }
0x33: {  	s0 =	sor.u32 s1, s0  }
0x34: {  	s0 =	sadd.s32 $0x8F2B, s0  }
0x35: {  	[sflag:s0] =	ssyncadd.remote.s32 $0x1  }
0x36: {  	_ =	sfence.sel $0xFFFF  }
0x37: {  	[dreg:$0x0] =	wrdreg $0xFFFFFFFF;
	(pc) =	sbr.abs _section_cstart, $3  }
0x38: {  	[dreg:$0x1] =	wrdreg $0xFFFFFFFF  }
0x39: {  	_ =	task.clear_ibuf [dreg:s7], $0x2FFFF;
	_ =	strace $0x9FFFFFFF  }
0x3a: {  	(tm) =	ssettm $0x7FFFFFFF  }
0x3b: {  	_ =	shalt  }
tec
execute0_lowered:
.L_overlay_start_1:
0x0: {  	(tag) =	ssettag $0x1  }
0x1: {  	s0 =	stileid.u32  }
0x2: {  	s2 =	srdreg.scid;
	s5 =	rddreg [dreg:$0x0]  }
0x3: {  	s6 =	simm.s32 $0x1;
	s31 =	simm.s32 $0x2;
	s14 =	simm.s32 $0x0  }
0x4: {  	s9 =	simm.s32 $0x20000;
	s16 =	simm.s32 $0x0;
	s1 =	sshll.u32 s0, $0x7  }
0x5: {  	s15 =	simm.s32 $0x0;
	s10 =	simm.s32 $0x0;
	s3 =	ssub.s32 $0x800, s1  }
0x6: {  	s13 =	simm.s32 $0x0;
	s2 =	sand.u32 $0x1, s2;
	s4 =	sand.u32 $0x780, s3  }
0x7: {  	s5 =	sadd.s32 $0x2000600, s5;
	s7 =	ssub.s32 $0x40, s2;
	p0 =	sne.s32 s4, $0x0  }
0x8: {  	s3 =	sshrl.u32 s3, $0xB;
	s8 =	sshrl.u32 s7, $0x1;
	s6 =	simm.s32 @!p0 $0x0  }
.Ltmp0:
0x9: {  	s7 =	ssub.s32 s7, s8;
	s6 =	sadd.s32 s6, s3;
	(pc) =	sbr.rel .LBB1_1-.Ltmp0, $4  }
0xa: {  	s11 =	smov.u32 s2;
	s4 =	rddreg [dreg:$0x1];
	s7 =	smul.u32 s6, s7  }
0xb: {  	s3 =	rddreg [dreg:$0x2];
	_ =	strace $0x80000047;
	s6 =	simm.s32 $0x1  }
0xc: {  	s12 =	smov.u32 s1;
	[sflag:s6] =	ssyncpa.u1 $0x0;
	s7 =	sshll.u32 s7, $0x4  }
0xd: {  	p0 =	por $0x0, $0x0;
	[sflag:s31] =	ssyncpa.u1 $0x0;
	s8 =	sor.u32 $0x1, s7  }
.LBB1_4:
0xe: {  	v5 =	vld [tilespmem:s19+$0xFFFFFFD0];
	[tilespmem:s20+$0x2040 ss:$0x81] =	vst.msk $0xffff, v1  }
0xf: {  	v58 =	vld [tilespmem:s19+$0xFFFFFFE0];
	[tilespmem:s20+$0x2850 ss:$0x81] =	vst.msk $0xffff, v2  }
0x10: {  	s21 =	sshra.s32 s21, $0x2;
	v59 =	vld [tilespmem:s19+$0xFFFFFFF0];
	[tilespmem:s20+$0x3060 ss:$0x81] =	vst.msk $0xffff, v3  }
0x11: {  	v60 =	vld [tilespmem:s19+$0x0];
	[tilespmem:s20+$0x0 ss:$0x81] =	vst.msk $0xffff, v0;
	s18 =	sadd.s32 s21, s18  }
0x12: {  	v61 =	vld [tilespmem:s19+$0x10];
	s26 =	sshll.u32 s16, $0xB;
	[tilespmem:s18+$0x3870 ss:$0x81] =	vst.msk $0xffff, v4  }
0x13: {  	v62 =	vld [tilespmem:s19+$0x20];
	s27 =	sand.u32 $0x78, s15;
	s22 =	sshll.u32 s15, $0x3;
	s29 =	sshll.u32 s16, $0x7;
	[tilespmem:s18+$0x810 ss:$0x81] =	vst.msk $0xffff, v5  }
0x14: {  	v63 =	vld [tilespmem:s19+$0xFFFFFFC0];
	s14 =	sshll.u32 s14, $0xE;
	s20 =	sand.u32 $0x1C000, s26;
	s28 =	sand.u32 $0x1FC00, s22;
	[tilespmem:s18+$0x1020 ss:$0x81] =	vst.msk $0xffff, v58  }
0x15: {  	s31 =	sand.u32 $0x7, s15;
	s22 =	sand.u32 $0x400, s22;
	s19 =	sadd.s32 s28, s20;
	[tilespmem:s18+$0x1830 ss:$0x81] =	vst.msk $0xffff, v59  }
0x16: {  	s16 =	sand.u32 $0x380, s29;
	s30 =	sor.u32 s27, s22;
	s19 =	sshrl.u32 s19, $0x3;
	[tilespmem:s18+$0x2040 ss:$0x81] =	vst.msk $0xffff, v60  }
0x17: {  	s14 =	sadd.s32 s4, s14;
	s16 =	sor.u32 s16, s30;
	s19 =	sand.u32 $0x3F00, s19;
	[tilespmem:s18+$0x2850 ss:$0x81] =	vst.msk $0xffff, v61  }
0x18: {  	s15 =	sshll.u32 s31, $0x12;
	s16 =	sshrl.u32 s16, $0x3;
	[tilespmem:s18+$0x3060 ss:$0x81] =	vst.msk $0xffff, v62;
	s14 =	sadd.s32 s19, s14  }
0x19: {  	s15 =	sor.u32 $0x80, s15;
	[tilespmem:s18+$0x0 ss:$0x81] =	vst.msk $0xffff, v63;
	s14 =	sadd.s32 s16, s14  }
0x1a: {  	[hbm4b:s14+s15] =	stream.strided.scatter [tilespmem:s17], [sflag:$0x2], $0x4000, s9, s15, $0x20;
	[tilespmem:$0x10100] =	vst v63  }
.LBB1_5:
0x1b: {  	s17 =	sadd.s32 $0x80, s10  }
0x1c: {  	s14 =	sadd.s32 $0x2, s11;
	s18 =	smov.u32 s11;
	p2 =	sgt.s32 s17, $0x7FF  }
0x1d: {  	s18 =	smov.u32 @p2 s14  }
0x1e: {  	s20 =	smov.u32 s12;
	s14 =	sadd.s32 $0x800, s12;
	p3 =	sgt.s32 s18, $0x3F  }
0x1f: {  	s20 =	smov.u32 @p3 s14  }
0x20: {  	s17 =	simm.s32 @p2 $0x0;
	p2 =	sgt.s32 s20, $0x7FF  }
0x21: {  	p1 =	slt.u32 s13, $0x2;
	s20 =	smov.u32 @p2 s1;
	p2 =	sne.s32 s13, s8  }
.Ltmp1:
0x22: {  	s19 =	simm.s32 @!p1 $0x2;
	(pc) =	sbr.rel @!p2 .LBB1_6-.Ltmp1, $4  }
0x23: {  	s16 =	smov.u32 s11;
	s15 =	smov.u32 s12;
	_ =	swait.ge @!p1 [sflag:s19], $0x4000  }
0x24: {  	p0 =	por !p0, !p0;
	[sflag:s19] =	ssyncset.done @!p1 $0x0;
	s18 =	smov.u32 @p3 s2  }
0x25: {  	s14 =	smov.u32 s10;
	[sflag:s19] =	ssyncadd.s32 @!p1 $0xFFFFC000;
	s10 =	smov.u32 s17  }
0x26: {  	s11 =	smov.u32 s18;
	s13 =	sadd.s32 $0x1, s13;
	s12 =	smov.u32 s20  }
.LBB1_1:
0x27: {  	p1 =	sge.u32 s13, s7;
	s31 =	sadd.s32 $0xFFFFFFFF, s13  }
0x28: {  	s17 =	sxor.u32 @!p1 $0xFFFFFFFF, s13;
	s18 =	sand.u32 @!p1 $0x78, s10;
	s19 =	sshll.u32 @!p1 s11, $0xB  }
0x29: {  	s20 =	sshll.u32 @!p1 s11, $0x7;
	s21 =	sshll.u32 @!p1 s10, $0x3;
	s17 =	sshll.u32 @!p1 s17, $0xE  }
0x2a: {  	s19 =	sand.u32 @!p1 $0x1C000, s19;
	s20 =	sand.u32 @!p1 $0x380, s20;
	s17 =	sand.u32 @!p1 $0x4000, s17  }
0x2b: {  	s19 =	sadd.s32 @!p1 s19, s21;
	s21 =	sand.u32 @!p1 $0x400, s21;
	s18 =	sor.u32 @!p1 s20, s18  }
0x2c: {  	s20 =	sshll.u32 @!p1 s12, $0xE;
	s18 =	sor.u32 @!p1 s21, s18;
	s19 =	sshrl.u32 @!p1 s19, $0x3  }
0x2d: {  	s20 =	sadd.s32 @!p1 s5, s20;
	s21 =	sand.u32 @!p1 $0x7, s10;
	s19 =	sand.u32 @!p1 $0x3F00, s19  }
0x2e: {  	s18 =	sshrl.u32 @!p1 s18, $0x3;
	s19 =	sadd.s32 @!p1 s19, s20;
	s20 =	sshll.u32 @!p1 s21, $0x12  }
0x2f: {  	s18 =	sadd.s32 @!p1 s18, s19;
	s19 =	sor.u32 @!p1 $0x80, s20;
	s20 =	simm.s32 @!p1 $0x20000  }
0x30: {  	[tilespmem:s17], [sflag:$0x1] =	stream.strided.gather @!p1 [hbm4b:s18+s19], $0x4000, s20, s19, $0x38;
	[tilespmem:$0x10100] =	vst v63  }
0x31: {  	p1 =	sge.u32 s31, s7  }
.Ltmp2:
0x32: {  	_ = 	snop;
	(pc) =	sbr.rel @p1 .LBB1_5-.Ltmp2, $1  }
0x33: {  	_ =	sdelay $0x3  }
0x34: {  	s17 =	simm.s32 $0x1  }
0x35: {  	_ =	swait.ge [sflag:s6], $0x4000;
	s17 =	simm.s32 @!p0 $0x0  }
0x36: {  	[sflag:s6] =	ssyncset.done $0x0;
	s18 =	sshll.u32 s17, $0xE  }
0x37: {  	[sflag:s6] =	ssyncadd.s32 $0xFFFFC000;
	s19 =	sor.u32 $0x40, s18  }
0x38: {  	s17 =	smul.u32 $0x10200, s17;
	v0 =	vld [tilespmem:s19+$0x30]  }
0x39: {  	v3 =	vld [tilespmem:s19+$0xFFFFFFD0]  }
0x3a: {  	s17 =	sshrl.u32 s17, $0x2;
	v4 =	vld [tilespmem:s19+$0xFFFFFFE0]  }
0x3b: {  	v5 =	vld [tilespmem:s19+$0xFFFFFFF0];
	s18 =	sor.u32 $0x8000, s17  }
0x3c: {  	s31 =	sand.u32 $0x1, s13;
	v1 =	vld [tilespmem:s19+$0x0];
	s20 =	sadd.s32 $0x0, s18  }
0x3d: {  	v2 =	vld [tilespmem:s19+$0x10];
	s17 =	smul.u32 $0x10200, s31;
	[tilespmem:s20+$0x3870 ss:$0x81] =	vst.msk $0xffff, v0  }
0x3e: {  	[tilespmem:s20+$0x810 ss:$0x81] =	vst.msk $0xffff, v3;
	v3 =	vld [tilespmem:s19+$0x20]  }
0x3f: {  	s17 =	sshrl.u32 s17, $0x2;
	v0 =	vld [tilespmem:s19+$0xFFFFFFC0];
	[tilespmem:s20+$0x1020 ss:$0x81] =	vst.msk $0xffff, v4;
	s19 =	sadd.s32 $0x80, s19  }
0x40: {  	s21 =	simm.s32 $0x4;
	s22 =	simm.s32 $0x8;
	s17 =	sor.u32 $0x8000, s17;
	[tilespmem:s20+$0x1830 ss:$0x81] =	vst.msk $0xffff, v5;
	v4 =	vld [tilespmem:s19+$0x30]  }
.LBB1_3:
0x41: {  	p1 =	sne.s32 s22, $0x1FC;
	v5 =	vld [tilespmem:s19+$0xFFFFFFD0];
	[tilespmem:s20+$0x2040 ss:$0x81] =	vst.msk $0xffff, v1  }
0x42: {  	v6 =	vld [tilespmem:s19+$0xFFFFFFE0];
	[tilespmem:s20+$0x2850 ss:$0x81] =	vst.msk $0xffff, v2  }
0x43: {  	s23 =	sshra.s32 s21, $0x2;
	s21 =	smov.u32 s22;
	v7 =	vld [tilespmem:s19+$0xFFFFFFF0];
	[tilespmem:s20+$0x3060 ss:$0x81] =	vst.msk $0xffff, v3  }
.Ltmp3:
0x44: {  	v1 =	vld [tilespmem:s19+$0x0];
	[tilespmem:s20+$0x0 ss:$0x81] =	vst.msk $0xffff, v0;
	s20 =	sadd.s32 s23, s18;
	(pc) =	sbr.rel @p1 .LBB1_3-.Ltmp3, $4  }
0x45: {  	v2 =	vld [tilespmem:s19+$0x10];
	[tilespmem:s20+$0x3870 ss:$0x81] =	vst.msk $0xffff, v4  }
0x46: {  	[tilespmem:s20+$0x810 ss:$0x81] =	vst.msk $0xffff, v5;
	v3 =	vld [tilespmem:s19+$0x20]  }
0x47: {  	v0 =	vld [tilespmem:s19+$0xFFFFFFC0];
	[tilespmem:s20+$0x1020 ss:$0x81] =	vst.msk $0xffff, v6;
	s19 =	sadd.s32 $0x80, s19  }
0x48: {  	s22 =	sadd.s32 $0x4, s22;
	v4 =	vld [tilespmem:s19+$0x30];
	[tilespmem:s20+$0x1830 ss:$0x81] =	vst.msk $0xffff, v7  }
.Ltmp4:
0x49: {  	_ = 	snop;
	(pc) =	sbr.rel .LBB1_4-.Ltmp4, $1  }
0x4a: {  	_ =	sdelay $0x3  }
.LBB1_6:
0x4b: {  	_ =	sfence.sel $0x180000  }
0x4c: {  	s1 =	simm.s32 $0x1;
	[bflag:$0x0] =	sbarrier.arrive $0xFFFF  }
0x4d: {  	s31 =	simm.s32 $0x2;
	[sflag:s1] =	ssyncpa.u1 $0x1  }
0x4e: {  	[sflag:s31] =	ssyncpa.u1 $0x1  }
0x4f: {  	p0 =	sne.s32 s0, $0x0;
	_ =	strace $0x90000047  }
0x50: {  	s0 =	sadd.s32 @!p0 $0x100000, s3;
	[bflag:$0x2] =	sbarrier.arrive $0xFFFF  }
0x51: {  	[sflag:s0] =	ssyncadd.tile.s32 @!p0 $0x1;
	_ =	shalt  }
.Lfunc_end1:
_tile_overlayer_lowered:
.L_overlay_start_2:
0x52: {  	(tag) =	ssettag $0x2  }
0x53: {  	s0 =	rddreg [dreg:$0x0];
	s2 =	stileid.u32  }
0x54: {  	s1 =	rddreg [dreg:$0x1];
	p0 =	sne.s32 s2, $0x0  }
0x55: {  	s3 =	rddreg [dreg:$0x2];
	[bflag:$0x3] =	sbarrier.arrive $0xFFFF;
	s2 =	simm.s32 @!p0 $0x1C01  }
0x56: {  	[timem:s3], [sflag:s2] =	dma.local @!p0 [hbm:s0], s1  }
0x57: {  	s0 =	simm.s32 @!p0 $0x1  }
0x58: {  	_ =	swait.ge @!p0 [sflag:s0], s1  }
0x59: {  	s1 =	ssub.s32 @!p0 $0x0, s1;
	[sflag:s0] =	ssyncset.done @!p0 $0x0  }
0x5a: {  	[sflag:s0] =	ssyncadd.s32 @!p0 s1  }
0x5b: {  	[bflag:$0x3] =	sbarrier.arrive $0xFFFF  }
0x5c: {  	_ =	shalt  }

</sc_bundles>
